<compile_context>
chip_gen: v7x
topology: tpu7x:2x2x1
jax: 0.10.2.dev20260603
libtpu: 0.0.44.dev20260713+nightly
codegen_flags: <defaults>
</compile_context>

<pallas_src>
import functools

import jax
import jax.numpy as jnp
from jax import lax
from jax.experimental import pallas as pl
from jax.experimental.pallas import tpu as pltpu
from jax.experimental.pallas import tpu_sc as plsc

B = 4096
L = 20
NW = 32
BAGS_W = B // NW
IDS_W = BAGS_W * L
CH = 128
NCH = IDS_W // CH
D0 = 32
D1 = 16
LANES = 16


def _run_feature(wid, ids_r, table, out_hbm, idx_v, rows_v, sem, D):
    base = wid * BAGS_W
    pltpu.sync_copy(ids_r.at[wid], idx_v)
    cps = []
    for j in range(NCH):
        cps.append(
            pltpu.async_copy(table.at[idx_v.at[j]],
                             rows_v.at[pl.ds(j * CH, CH)], sem))
    for cp in cps:
        cp.wait()

    nh = D // LANES

    def bag(i, carry):
        r0 = i * L
        accs = [rows_v[r0, pl.ds(h * LANES, LANES)] for h in range(nh)]
        for k in range(1, L):
            for h in range(nh):
                accs[h] = accs[h] + rows_v[r0 + k, pl.ds(h * LANES, LANES)]
        for h in range(nh):
            rows_v[i, pl.ds(h * LANES, LANES)] = accs[h] * jnp.float32(1.0 / L)
        return carry

    lax.fori_loop(0, BAGS_W, bag, 0)
    pltpu.sync_copy(rows_v.at[pl.ds(0, BAGS_W)],
                    out_hbm.at[pl.ds(base, BAGS_W)])


def _make_table_kernel(D):
    @functools.partial(
        pl.kernel,
        mesh=plsc.VectorSubcoreMesh(core_axis_name="c", subcore_axis_name="s"),
        compiler_params=pltpu.CompilerParams(use_tc_tiling_on_sc=False),
        out_type=(
            jax.ShapeDtypeStruct((B, D), jnp.float32),
            jax.ShapeDtypeStruct((B, D), jnp.float32),
        ),
        scratch_types=[
            pltpu.VMEM((NCH, CH), jnp.int32),
            pltpu.VMEM((IDS_W, D), jnp.float32),
            pltpu.SemaphoreType.DMA,
        ],
    )
    def table_kernel(fa_r, fb_r, w, oa, ob, idx_v, rows_v, sem):
        wid = lax.axis_index("s") * 2 + lax.axis_index("c")
        _run_feature(wid, fa_r, w, oa, idx_v, rows_v, sem, D)
        _run_feature(wid, fb_r, w, ob, idx_v, rows_v, sem, D)

    return table_kernel


_t0_kernel = _make_table_kernel(D0)
_t1_kernel = _make_table_kernel(D1)


def kernel(f0_ids, f0_offsets, f1_ids, f1_offsets, f2_ids, f2_offsets,
           f3_ids, f3_offsets, W_t0, W_t1):
    f0r = f0_ids.reshape(NW, NCH, CH)
    f1r = f1_ids.reshape(NW, NCH, CH)
    f2r = f2_ids.reshape(NW, NCH, CH)
    f3r = f3_ids.reshape(NW, NCH, CH)
    o2, o3 = _t1_kernel(f2r, f3r, W_t1)
    o0, o1 = _t0_kernel(f0r, f1r, W_t0)
    return (o0, o1, o2, o3)

# --- scband reference (transcript-rebuilt; emitter-appended) ---
"""Pipeline reference for scband-embedding-bag-collection-16320875724852 (READ-ONLY COPY).

The authoritative reference and input builder live on the scoring server;
editing this copy changes nothing except your own understanding.
"""

import jax, jax.numpy as jnp
import numpy as np

B = 4096
L = 20
N_IDS = B * L
V0, D0 = 1000000, 32
V1, D1 = 100000, 16


def setup_inputs(seed: int = 0) -> dict:
    key = jax.random.key(seed)
    ks = jax.random.split(key, 6)
    offs = jnp.arange(B + 1, dtype=jnp.int32) * L
    inp = {}
    inp['f0_ids'] = jax.random.randint(ks[0], (N_IDS,), 0, V0, dtype=jnp.int32)
    inp['f0_offsets'] = offs
    inp['f1_ids'] = jax.random.randint(ks[1], (N_IDS,), 0, V0, dtype=jnp.int32)
    inp['f1_offsets'] = offs
    inp['f2_ids'] = jax.random.randint(ks[2], (N_IDS,), 0, V1, dtype=jnp.int32)
    inp['f2_offsets'] = offs
    inp['f3_ids'] = jax.random.randint(ks[3], (N_IDS,), 0, V1, dtype=jnp.int32)
    inp['f3_offsets'] = offs
    # truncated_normal(mean=0, std=0.02) init, matching the torch module
    inp['W_t0'] = jax.random.truncated_normal(ks[4], -2.0, 2.0, (V0, D0), dtype=jnp.float32) * 0.02
    inp['W_t1'] = jax.random.truncated_normal(ks[5], -2.0, 2.0, (V1, D1), dtype=jnp.float32) * 0.02
    return inp


def _bag_mean(table, ids, offsets):
    # nn.EmbeddingBag(mode='mean', include_last_offset=True)
    n_bags = offsets.shape[0] - 1
    lengths = offsets[1:] - offsets[:-1]
    seg = jnp.repeat(jnp.arange(n_bags, dtype=jnp.int32), lengths, total_repeat_length=ids.shape[0])
    emb = jnp.take(table, ids, axis=0)
    sums = jax.ops.segment_sum(emb, seg, num_segments=n_bags)
    cnt = jnp.clip(lengths, 1, None).astype(sums.dtype)[:, None]
    return sums / cnt


def reference(f0_ids, f0_offsets, f1_ids, f1_offsets, f2_ids, f2_offsets, f3_ids, f3_offsets, W_t0, W_t1):
    # feature -> table mapping: f0,f1 -> t0 ; f2,f3 -> t1
    out0 = _bag_mean(W_t0, f0_ids, f0_offsets)
    out1 = _bag_mean(W_t0, f1_ids, f1_offsets)
    out2 = _bag_mean(W_t1, f2_ids, f2_offsets)
    out3 = _bag_mean(W_t1, f3_ids, f3_offsets)
    return (out0, out1, out2, out3)

if __name__ == "__main__":
    import jax
    _d = setup_inputs()
    print(jax.jit(kernel)(*tuple(_d.values())))

</pallas_src>

<mosaic_0001>
#map = affine_map<(d0, d1) -> (0, 0, 0)>
#map1 = affine_map<(d0, d1) -> (0, 0)>
module attributes {stable_mosaic.version = 14 : i64} {
  func.func @table_kernel(%arg0: i32, %arg1: i32, %arg2: memref<32x20x128xi32, #tpu.memory_space<hbm>>, %arg3: memref<32x20x128xi32, #tpu.memory_space<hbm>>, %arg4: memref<100000x16xf32, #tpu.memory_space<hbm>>, %arg5: memref<4096x16xf32, #tpu.memory_space<hbm>>, %arg6: memref<4096x16xf32, #tpu.memory_space<hbm>>, %arg7: memref<20x128xi32, #tpu.memory_space<vmem>>, %arg8: memref<2560x16xf32, #tpu.memory_space<vmem>>, %arg9: memref<!tpu.dma_semaphore, #tpu.memory_space<semaphore_mem>>) attributes {dimension_semantics = [#tpu.dimension_semantics<core_parallel>, #tpu.dimension_semantics<subcore_parallel>], iteration_bounds = array<i64: 2, 16>, scalar_prefetch = 0 : i64, scratch_operands = 3 : i64, tpu.core_type = #tpu.core_type<sc_vector_subcore>, window_params = [{transform_indices = #map}, {transform_indices = #map}, {transform_indices = #map1}, {transform_indices = #map1}, {transform_indices = #map1}]} {
    %mul3A = arith.constant 2 : i32
    %mul3A_0 = arith.muli %arg1, %mul3A : i32
    %add3A = arith.addi %mul3A_0, %arg0 : i32
    %mul3A_1 = arith.constant 128 : i32
    %mul3A_2 = arith.muli %add3A, %mul3A_1 : i32
    "tpu.region"() ({
      %run_scoped3A = tpu.sem_alloc : memref<!tpu.dma_semaphore, #tpu.memory_space<semaphore_mem>>
      %dma_start3A_814 = arith.constant 0 : i32
      %dma_start3A_815 = arith.constant 0 : i32
      %dma_start3A_816 = tpu.memref_slice %arg2[%add3A, %dma_start3A_814, %dma_start3A_815] : memref<32x20x128xi32, #tpu.memory_space<hbm>> -> memref<1x20x128xi32, #tpu.memory_space<hbm>>
      %dma_start3A_817 = tpu.memref_squeeze %dma_start3A_816 : memref<1x20x128xi32, #tpu.memory_space<hbm>> -> memref<20x128xi32, #tpu.memory_space<hbm>>
      %dma_start3A_818 = arith.constant 0 : i32
      %dma_start3A_819 = arith.constant 0 : i32
      %dma_start3A_820 = tpu.memref_slice %arg2[%add3A, %dma_start3A_818, %dma_start3A_819] : memref<32x20x128xi32, #tpu.memory_space<hbm>> -> memref<1x20x128xi32, #tpu.memory_space<hbm>>
      %dma_start3A_821 = tpu.memref_squeeze %dma_start3A_820 : memref<1x20x128xi32, #tpu.memory_space<hbm>> -> memref<20x128xi32, #tpu.memory_space<hbm>>
      tpu.enqueue_dma source(%dma_start3A_821 : memref<20x128xi32, #tpu.memory_space<hbm>>) target(%arg7 : memref<20x128xi32, #tpu.memory_space<vmem>>) target_semaphore(%run_scoped3A : memref<!tpu.dma_semaphore, #tpu.memory_space<semaphore_mem>>)
      %dma_wait3A_822 = arith.constant 0 : i32
      %dma_wait3A_823 = arith.constant 0 : i32
      %dma_wait3A_824 = tpu.memref_slice %arg2[%add3A, %dma_wait3A_822, %dma_wait3A_823] : memref<32x20x128xi32, #tpu.memory_space<hbm>> -> memref<1x20x128xi32, #tpu.memory_space<hbm>>
      %dma_wait3A_825 = tpu.memref_squeeze %dma_wait3A_824 : memref<1x20x128xi32, #tpu.memory_space<hbm>> -> memref<20x128xi32, #tpu.memory_space<hbm>>
      %dma_wait3A_826 = arith.constant 0 : i32
      %dma_wait3A_827 = arith.constant 0 : i32
      %dma_wait3A_828 = tpu.memref_slice %arg2[%add3A, %dma_wait3A_826, %dma_wait3A_827] : memref<32x20x128xi32, #tpu.memory_space<hbm>> -> memref<1x20x128xi32, #tpu.memory_space<hbm>>
      %dma_wait3A_829 = tpu.memref_squeeze %dma_wait3A_828 : memref<1x20x128xi32, #tpu.memory_space<hbm>> -> memref<20x128xi32, #tpu.memory_space<hbm>>
      tpu.wait_dma2 semaphore(%run_scoped3A : memref<!tpu.dma_semaphore, #tpu.memory_space<semaphore_mem>>) src(%dma_wait3A_829 : memref<20x128xi32, #tpu.memory_space<hbm>>) dst(%arg7 : memref<20x128xi32, #tpu.memory_space<vmem>>)
      tpu.yield
    }) : () -> ()
    %dma_start3A = arith.constant 0 : i32
    %dma_start3A_3 = arith.constant 0 : i32
    %dma_start3A_4 = arith.constant 0 : i32
    %dma_start3A_5 = tpu.memref_slice %arg8[%dma_start3A_3, %dma_start3A_4] : memref<2560x16xf32, #tpu.memory_space<vmem>> -> memref<128x16xf32, #tpu.memory_space<vmem>>
    %dma_start3A_6 = arith.constant 0 : i32
    %dma_start3A_7 = tpu.memref_slice %arg7[%dma_start3A, %dma_start3A_6] : memref<20x128xi32, #tpu.memory_space<vmem>> -> memref<1x128xi32, #tpu.memory_space<vmem>>
    %dma_start3A_8 = tpu.memref_squeeze %dma_start3A_7 : memref<1x128xi32, #tpu.memory_space<vmem>> -> memref<128xi32, #tpu.memory_space<vmem>>
    %dma_start3A_9 = arith.constant 0 : i32
    %dma_start3A_10 = arith.constant 0 : i32
    %dma_start3A_11 = tpu.memref_slice %arg4[%dma_start3A_9, %dma_start3A_10] : memref<100000x16xf32, #tpu.memory_space<hbm>> -> memref<100000x16xf32, #tpu.memory_space<hbm>>
    tpu.enqueue_indirect_dma source(%dma_start3A_11 : memref<100000x16xf32, #tpu.memory_space<hbm>>) target(%dma_start3A_5 : memref<128x16xf32, #tpu.memory_space<vmem>>) offsets(%dma_start3A_8 : memref<128xi32, #tpu.memory_space<vmem>>) semaphore(%arg9 : memref<!tpu.dma_semaphore, #tpu.memory_space<semaphore_mem>>)
    %dma_start3A_12 = arith.constant 1 : i32
    %dma_start3A_13 = arith.constant 128 : i32
    %dma_start3A_14 = arith.constant 0 : i32
    %dma_start3A_15 = tpu.memref_slice %arg8[%dma_start3A_13, %dma_start3A_14] : memref<2560x16xf32, #tpu.memory_space<vmem>> -> memref<128x16xf32, #tpu.memory_space<vmem>>
    %dma_start3A_16 = arith.constant 0 : i32
    %dma_start3A_17 = tpu.memref_slice %arg7[%dma_start3A_12, %dma_start3A_16] : memref<20x128xi32, #tpu.memory_space<vmem>> -> memref<1x128xi32, #tpu.memory_space<vmem>>
    %dma_start3A_18 = tpu.memref_squeeze %dma_start3A_17 : memref<1x128xi32, #tpu.memory_space<vmem>> -> memref<128xi32, #tpu.memory_space<vmem>>
    %dma_start3A_19 = arith.constant 0 : i32
    %dma_start3A_20 = arith.constant 0 : i32
    %dma_start3A_21 = tpu.memref_slice %arg4[%dma_start3A_19, %dma_start3A_20] : memref<100000x16xf32, #tpu.memory_space<hbm>> -> memref<100000x16xf32, #tpu.memory_space<hbm>>
    tpu.enqueue_indirect_dma source(%dma_start3A_21 : memref<100000x16xf32, #tpu.memory_space<hbm>>) target(%dma_start3A_15 : memref<128x16xf32, #tpu.memory_space<vmem>>) offsets(%dma_start3A_18 : memref<128xi32, #tpu.memory_space<vmem>>) semaphore(%arg9 : memref<!tpu.dma_semaphore, #tpu.memory_space<semaphore_mem>>)
    %dma_start3A_22 = arith.constant 2 : i32
    %dma_start3A_23 = arith.constant 256 : i32
    %dma_start3A_24 = arith.constant 0 : i32
    %dma_start3A_25 = tpu.memref_slice %arg8[%dma_start3A_23, %dma_start3A_24] : memref<2560x16xf32, #tpu.memory_space<vmem>> -> memref<128x16xf32, #tpu.memory_space<vmem>>
    %dma_start3A_26 = arith.constant 0 : i32
    %dma_start3A_27 = tpu.memref_slice %arg7[%dma_start3A_22, %dma_start3A_26] : memref<20x128xi32, #tpu.memory_space<vmem>> -> memref<1x128xi32, #tpu.memory_space<vmem>>
    %dma_start3A_28 = tpu.memref_squeeze %dma_start3A_27 : memref<1x128xi32, #tpu.memory_space<vmem>> -> memref<128xi32, #tpu.memory_space<vmem>>
    %dma_start3A_29 = arith.constant 0 : i32
    %dma_start3A_30 = arith.constant 0 : i32
    %dma_start3A_31 = tpu.memref_slice %arg4[%dma_start3A_29, %dma_start3A_30] : memref<100000x16xf32, #tpu.memory_space<hbm>> -> memref<100000x16xf32, #tpu.memory_space<hbm>>
    tpu.enqueue_indirect_dma source(%dma_start3A_31 : memref<100000x16xf32, #tpu.memory_space<hbm>>) target(%dma_start3A_25 : memref<128x16xf32, #tpu.memory_space<vmem>>) offsets(%dma_start3A_28 : memref<128xi32, #tpu.memory_space<vmem>>) semaphore(%arg9 : memref<!tpu.dma_semaphore, #tpu.memory_space<semaphore_mem>>)
    %dma_start3A_32 = arith.constant 3 : i32
    %dma_start3A_33 = arith.constant 384 : i32
    %dma_start3A_34 = arith.constant 0 : i32
    %dma_start3A_35 = tpu.memref_slice %arg8[%dma_start3A_33, %dma_start3A_34] : memref<2560x16xf32, #tpu.memory_space<vmem>> -> memref<128x16xf32, #tpu.memory_space<vmem>>
    %dma_start3A_36 = arith.constant 0 : i32
    %dma_start3A_37 = tpu.memref_slice %arg7[%dma_start3A_32, %dma_start3A_36] : memref<20x128xi32, #tpu.memory_space<vmem>> -> memref<1x128xi32, #tpu.memory_space<vmem>>
    %dma_start3A_38 = tpu.memref_squeeze %dma_start3A_37 : memref<1x128xi32, #tpu.memory_space<vmem>> -> memref<128xi32, #tpu.memory_space<vmem>>
    %dma_start3A_39 = arith.constant 0 : i32
    %dma_start3A_40 = arith.constant 0 : i32
    %dma_start3A_41 = tpu.memref_slice %arg4[%dma_start3A_39, %dma_start3A_40] : memref<100000x16xf32, #tpu.memory_space<hbm>> -> memref<100000x16xf32, #tpu.memory_space<hbm>>
    tpu.enqueue_indirect_dma source(%dma_start3A_41 : memref<100000x16xf32, #tpu.memory_space<hbm>>) target(%dma_start3A_35 : memref<128x16xf32, #tpu.memory_space<vmem>>) offsets(%dma_start3A_38 : memref<128xi32, #tpu.memory_space<vmem>>) semaphore(%arg9 : memref<!tpu.dma_semaphore, #tpu.memory_space<semaphore_mem>>)
    %dma_start3A_42 = arith.constant 4 : i32
    %dma_start3A_43 = arith.constant 512 : i32
    %dma_start3A_44 = arith.constant 0 : i32
    %dma_start3A_45 = tpu.memref_slice %arg8[%dma_start3A_43, %dma_start3A_44] : memref<2560x16xf32, #tpu.memory_space<vmem>> -> memref<128x16xf32, #tpu.memory_space<vmem>>
    %dma_start3A_46 = arith.constant 0 : i32
    %dma_start3A_47 = tpu.memref_slice %arg7[%dma_start3A_42, %dma_start3A_46] : memref<20x128xi32, #tpu.memory_space<vmem>> -> memref<1x128xi32, #tpu.memory_space<vmem>>
    %dma_start3A_48 = tpu.memref_squeeze %dma_start3A_47 : memref<1x128xi32, #tpu.memory_space<vmem>> -> memref<128xi32, #tpu.memory_space<vmem>>
    %dma_start3A_49 = arith.constant 0 : i32
    %dma_start3A_50 = arith.constant 0 : i32
    %dma_start3A_51 = tpu.memref_slice %arg4[%dma_start3A_49, %dma_start3A_50] : memref<100000x16xf32, #tpu.memory_space<hbm>> -> memref<100000x16xf32, #tpu.memory_space<hbm>>
    tpu.enqueue_indirect_dma source(%dma_start3A_51 : memref<100000x16xf32, #tpu.memory_space<hbm>>) target(%dma_start3A_45 : memref<128x16xf32, #tpu.memory_space<vmem>>) offsets(%dma_start3A_48 : memref<128xi32, #tpu.memory_space<vmem>>) semaphore(%arg9 : memref<!tpu.dma_semaphore, #tpu.memory_space<semaphore_mem>>)
    %dma_start3A_52 = arith.constant 5 : i32
    %dma_start3A_53 = arith.constant 640 : i32
    %dma_start3A_54 = arith.constant 0 : i32
    %dma_start3A_55 = tpu.memref_slice %arg8[%dma_start3A_53, %dma_start3A_54] : memref<2560x16xf32, #tpu.memory_space<vmem>> -> memref<128x16xf32, #tpu.memory_space<vmem>>
    %dma_start3A_56 = arith.constant 0 : i32
    %dma_start3A_57 = tpu.memref_slice %arg7[%dma_start3A_52, %dma_start3A_56] : memref<20x128xi32, #tpu.memory_space<vmem>> -> memref<1x128xi32, #tpu.memory_space<vmem>>
    %dma_start3A_58 = tpu.memref_squeeze %dma_start3A_57 : memref<1x128xi32, #tpu.memory_space<vmem>> -> memref<128xi32, #tpu.memory_space<vmem>>
    %dma_start3A_59 = arith.constant 0 : i32
    %dma_start3A_60 = arith.constant 0 : i32
    %dma_start3A_61 = tpu.memref_slice %arg4[%dma_start3A_59, %dma_start3A_60] : memref<100000x16xf32, #tpu.memory_space<hbm>> -> memref<100000x16xf32, #tpu.memory_space<hbm>>
    tpu.enqueue_indirect_dma source(%dma_start3A_61 : memref<100000x16xf32, #tpu.memory_space<hbm>>) target(%dma_start3A_55 : memref<128x16xf32, #tpu.memory_space<vmem>>) offsets(%dma_start3A_58 : memref<128xi32, #tpu.memory_space<vmem>>) semaphore(%arg9 : memref<!tpu.dma_semaphore, #tpu.memory_space<semaphore_mem>>)
    %dma_start3A_62 = arith.constant 6 : i32
    %dma_start3A_63 = arith.constant 768 : i32
    %dma_start3A_64 = arith.constant 0 : i32
    %dma_start3A_65 = tpu.memref_slice %arg8[%dma_start3A_63, %dma_start3A_64] : memref<2560x16xf32, #tpu.memory_space<vmem>> -> memref<128x16xf32, #tpu.memory_space<vmem>>
    %dma_start3A_66 = arith.constant 0 : i32
    %dma_start3A_67 = tpu.memref_slice %arg7[%dma_start3A_62, %dma_start3A_66] : memref<20x128xi32, #tpu.memory_space<vmem>> -> memref<1x128xi32, #tpu.memory_space<vmem>>
    %dma_start3A_68 = tpu.memref_squeeze %dma_start3A_67 : memref<1x128xi32, #tpu.memory_space<vmem>> -> memref<128xi32, #tpu.memory_space<vmem>>
    %dma_start3A_69 = arith.constant 0 : i32
    %dma_start3A_70 = arith.constant 0 : i32
    %dma_start3A_71 = tpu.memref_slice %arg4[%dma_start3A_69, %dma_start3A_70] : memref<100000x16xf32, #tpu.memory_space<hbm>> -> memref<100000x16xf32, #tpu.memory_space<hbm>>
    tpu.enqueue_indirect_dma source(%dma_start3A_71 : memref<100000x16xf32, #tpu.memory_space<hbm>>) target(%dma_start3A_65 : memref<128x16xf32, #tpu.memory_space<vmem>>) offsets(%dma_start3A_68 : memref<128xi32, #tpu.memory_space<vmem>>) semaphore(%arg9 : memref<!tpu.dma_semaphore, #tpu.memory_space<semaphore_mem>>)
    %dma_start3A_72 = arith.constant 7 : i32
    %dma_start3A_73 = arith.constant 896 : i32
    %dma_start3A_74 = arith.constant 0 : i32
    %dma_start3A_75 = tpu.memref_slice %arg8[%dma_start3A_73, %dma_start3A_74] : memref<2560x16xf32, #tpu.memory_space<vmem>> -> memref<128x16xf32, #tpu.memory_space<vmem>>
    %dma_start3A_76 = arith.constant 0 : i32
    %dma_start3A_77 = tpu.memref_slice %arg7[%dma_start3A_72, %dma_start3A_76] : memref<20x128xi32, #tpu.memory_space<vmem>> -> memref<1x128xi32, #tpu.memory_space<vmem>>
    %dma_start3A_78 = tpu.memref_squeeze %dma_start3A_77 : memref<1x128xi32, #tpu.memory_space<vmem>> -> memref<128xi32, #tpu.memory_space<vmem>>
    %dma_start3A_79 = arith.constant 0 : i32
    %dma_start3A_80 = arith.constant 0 : i32
    %dma_start3A_81 = tpu.memref_slice %arg4[%dma_start3A_79, %dma_start3A_80] : memref<100000x16xf32, #tpu.memory_space<hbm>> -> memref<100000x16xf32, #tpu.memory_space<hbm>>
    tpu.enqueue_indirect_dma source(%dma_start3A_81 : memref<100000x16xf32, #tpu.memory_space<hbm>>) target(%dma_start3A_75 : memref<128x16xf32, #tpu.memory_space<vmem>>) offsets(%dma_start3A_78 : memref<128xi32, #tpu.memory_space<vmem>>) semaphore(%arg9 : memref<!tpu.dma_semaphore, #tpu.memory_space<semaphore_mem>>)
    %dma_start3A_82 = arith.constant 8 : i32
    %dma_start3A_83 = arith.constant 1024 : i32
    %dma_start3A_84 = arith.constant 0 : i32
    %dma_start3A_85 = tpu.memref_slice %arg8[%dma_start3A_83, %dma_start3A_84] : memref<2560x16xf32, #tpu.memory_space<vmem>> -> memref<128x16xf32, #tpu.memory_space<vmem>>
    %dma_start3A_86 = arith.constant 0 : i32
    %dma_start3A_87 = tpu.memref_slice %arg7[%dma_start3A_82, %dma_start3A_86] : memref<20x128xi32, #tpu.memory_space<vmem>> -> memref<1x128xi32, #tpu.memory_space<vmem>>
    %dma_start3A_88 = tpu.memref_squeeze %dma_start3A_87 : memref<1x128xi32, #tpu.memory_space<vmem>> -> memref<128xi32, #tpu.memory_space<vmem>>
    %dma_start3A_89 = arith.constant 0 : i32
    %dma_start3A_90 = arith.constant 0 : i32
    %dma_start3A_91 = tpu.memref_slice %arg4[%dma_start3A_89, %dma_start3A_90] : memref<100000x16xf32, #tpu.memory_space<hbm>> -> memref<100000x16xf32, #tpu.memory_space<hbm>>
    tpu.enqueue_indirect_dma source(%dma_start3A_91 : memref<100000x16xf32, #tpu.memory_space<hbm>>) target(%dma_start3A_85 : memref<128x16xf32, #tpu.memory_space<vmem>>) offsets(%dma_start3A_88 : memref<128xi32, #tpu.memory_space<vmem>>) semaphore(%arg9 : memref<!tpu.dma_semaphore, #tpu.memory_space<semaphore_mem>>)
    %dma_start3A_92 = arith.constant 9 : i32
    %dma_start3A_93 = arith.constant 1152 : i32
    %dma_start3A_94 = arith.constant 0 : i32
    %dma_start3A_95 = tpu.memref_slice %arg8[%dma_start3A_93, %dma_start3A_94] : memref<2560x16xf32, #tpu.memory_space<vmem>> -> memref<128x16xf32, #tpu.memory_space<vmem>>
    %dma_start3A_96 = arith.constant 0 : i32
    %dma_start3A_97 = tpu.memref_slice %arg7[%dma_start3A_92, %dma_start3A_96] : memref<20x128xi32, #tpu.memory_space<vmem>> -> memref<1x128xi32, #tpu.memory_space<vmem>>
    %dma_start3A_98 = tpu.memref_squeeze %dma_start3A_97 : memref<1x128xi32, #tpu.memory_space<vmem>> -> memref<128xi32, #tpu.memory_space<vmem>>
    %dma_start3A_99 = arith.constant 0 : i32
    %dma_start3A_100 = arith.constant 0 : i32
    %dma_start3A_101 = tpu.memref_slice %arg4[%dma_start3A_99, %dma_start3A_100] : memref<100000x16xf32, #tpu.memory_space<hbm>> -> memref<100000x16xf32, #tpu.memory_space<hbm>>
    tpu.enqueue_indirect_dma source(%dma_start3A_101 : memref<100000x16xf32, #tpu.memory_space<hbm>>) target(%dma_start3A_95 : memref<128x16xf32, #tpu.memory_space<vmem>>) offsets(%dma_start3A_98 : memref<128xi32, #tpu.memory_space<vmem>>) semaphore(%arg9 : memref<!tpu.dma_semaphore, #tpu.memory_space<semaphore_mem>>)
    %dma_start3A_102 = arith.constant 10 : i32
    %dma_start3A_103 = arith.constant 1280 : i32
    %dma_start3A_104 = arith.constant 0 : i32
    %dma_start3A_105 = tpu.memref_slice %arg8[%dma_start3A_103, %dma_start3A_104] : memref<2560x16xf32, #tpu.memory_space<vmem>> -> memref<128x16xf32, #tpu.memory_space<vmem>>
    %dma_start3A_106 = arith.constant 0 : i32
    %dma_start3A_107 = tpu.memref_slice %arg7[%dma_start3A_102, %dma_start3A_106] : memref<20x128xi32, #tpu.memory_space<vmem>> -> memref<1x128xi32, #tpu.memory_space<vmem>>
    %dma_start3A_108 = tpu.memref_squeeze %dma_start3A_107 : memref<1x128xi32, #tpu.memory_space<vmem>> -> memref<128xi32, #tpu.memory_space<vmem>>
    %dma_start3A_109 = arith.constant 0 : i32
    %dma_start3A_110 = arith.constant 0 : i32
    %dma_start3A_111 = tpu.memref_slice %arg4[%dma_start3A_109, %dma_start3A_110] : memref<100000x16xf32, #tpu.memory_space<hbm>> -> memref<100000x16xf32, #tpu.memory_space<hbm>>
    tpu.enqueue_indirect_dma source(%dma_start3A_111 : memref<100000x16xf32, #tpu.memory_space<hbm>>) target(%dma_start3A_105 : memref<128x16xf32, #tpu.memory_space<vmem>>) offsets(%dma_start3A_108 : memref<128xi32, #tpu.memory_space<vmem>>) semaphore(%arg9 : memref<!tpu.dma_semaphore, #tpu.memory_space<semaphore_mem>>)
    %dma_start3A_112 = arith.constant 11 : i32
    %dma_start3A_113 = arith.constant 1408 : i32
    %dma_start3A_114 = arith.constant 0 : i32
    %dma_start3A_115 = tpu.memref_slice %arg8[%dma_start3A_113, %dma_start3A_114] : memref<2560x16xf32, #tpu.memory_space<vmem>> -> memref<128x16xf32, #tpu.memory_space<vmem>>
    %dma_start3A_116 = arith.constant 0 : i32
    %dma_start3A_117 = tpu.memref_slice %arg7[%dma_start3A_112, %dma_start3A_116] : memref<20x128xi32, #tpu.memory_space<vmem>> -> memref<1x128xi32, #tpu.memory_space<vmem>>
    %dma_start3A_118 = tpu.memref_squeeze %dma_start3A_117 : memref<1x128xi32, #tpu.memory_space<vmem>> -> memref<128xi32, #tpu.memory_space<vmem>>
    %dma_start3A_119 = arith.constant 0 : i32
    %dma_start3A_120 = arith.constant 0 : i32
    %dma_start3A_121 = tpu.memref_slice %arg4[%dma_start3A_119, %dma_start3A_120] : memref<100000x16xf32, #tpu.memory_space<hbm>> -> memref<100000x16xf32, #tpu.memory_space<hbm>>
    tpu.enqueue_indirect_dma source(%dma_start3A_121 : memref<100000x16xf32, #tpu.memory_space<hbm>>) target(%dma_start3A_115 : memref<128x16xf32, #tpu.memory_space<vmem>>) offsets(%dma_start3A_118 : memref<128xi32, #tpu.memory_space<vmem>>) semaphore(%arg9 : memref<!tpu.dma_semaphore, #tpu.memory_space<semaphore_mem>>)
    %dma_start3A_122 = arith.constant 12 : i32
    %dma_start3A_123 = arith.constant 1536 : i32
    %dma_start3A_124 = arith.constant 0 : i32
    %dma_start3A_125 = tpu.memref_slice %arg8[%dma_start3A_123, %dma_start3A_124] : memref<2560x16xf32, #tpu.memory_space<vmem>> -> memref<128x16xf32, #tpu.memory_space<vmem>>
    %dma_start3A_126 = arith.constant 0 : i32
    %dma_start3A_127 = tpu.memref_slice %arg7[%dma_start3A_122, %dma_start3A_126] : memref<20x128xi32, #tpu.memory_space<vmem>> -> memref<1x128xi32, #tpu.memory_space<vmem>>
    %dma_start3A_128 = tpu.memref_squeeze %dma_start3A_127 : memref<1x128xi32, #tpu.memory_space<vmem>> -> memref<128xi32, #tpu.memory_space<vmem>>
    %dma_start3A_129 = arith.constant 0 : i32
    %dma_start3A_130 = arith.constant 0 : i32
    %dma_start3A_131 = tpu.memref_slice %arg4[%dma_start3A_129, %dma_start3A_130] : memref<100000x16xf32, #tpu.memory_space<hbm>> -> memref<100000x16xf32, #tpu.memory_space<hbm>>
    tpu.enqueue_indirect_dma source(%dma_start3A_131 : memref<100000x16xf32, #tpu.memory_space<hbm>>) target(%dma_start3A_125 : memref<128x16xf32, #tpu.memory_space<vmem>>) offsets(%dma_start3A_128 : memref<128xi32, #tpu.memory_space<vmem>>) semaphore(%arg9 : memref<!tpu.dma_semaphore, #tpu.memory_space<semaphore_mem>>)
    %dma_start3A_132 = arith.constant 13 : i32
    %dma_start3A_133 = arith.constant 1664 : i32
    %dma_start3A_134 = arith.constant 0 : i32
    %dma_start3A_135 = tpu.memref_slice %arg8[%dma_start3A_133, %dma_start3A_134] : memref<2560x16xf32, #tpu.memory_space<vmem>> -> memref<128x16xf32, #tpu.memory_space<vmem>>
    %dma_start3A_136 = arith.constant 0 : i32
    %dma_start3A_137 = tpu.memref_slice %arg7[%dma_start3A_132, %dma_start3A_136] : memref<20x128xi32, #tpu.memory_space<vmem>> -> memref<1x128xi32, #tpu.memory_space<vmem>>
    %dma_start3A_138 = tpu.memref_squeeze %dma_start3A_137 : memref<1x128xi32, #tpu.memory_space<vmem>> -> memref<128xi32, #tpu.memory_space<vmem>>
    %dma_start3A_139 = arith.constant 0 : i32
    %dma_start3A_140 = arith.constant 0 : i32
    %dma_start3A_141 = tpu.memref_slice %arg4[%dma_start3A_139, %dma_start3A_140] : memref<100000x16xf32, #tpu.memory_space<hbm>> -> memref<100000x16xf32, #tpu.memory_space<hbm>>
    tpu.enqueue_indirect_dma source(%dma_start3A_141 : memref<100000x16xf32, #tpu.memory_space<hbm>>) target(%dma_start3A_135 : memref<128x16xf32, #tpu.memory_space<vmem>>) offsets(%dma_start3A_138 : memref<128xi32, #tpu.memory_space<vmem>>) semaphore(%arg9 : memref<!tpu.dma_semaphore, #tpu.memory_space<semaphore_mem>>)
    %dma_start3A_142 = arith.constant 14 : i32
    %dma_start3A_143 = arith.constant 1792 : i32
    %dma_start3A_144 = arith.constant 0 : i32
    %dma_start3A_145 = tpu.memref_slice %arg8[%dma_start3A_143, %dma_start3A_144] : memref<2560x16xf32, #tpu.memory_space<vmem>> -> memref<128x16xf32, #tpu.memory_space<vmem>>
    %dma_start3A_146 = arith.constant 0 : i32
    %dma_start3A_147 = tpu.memref_slice %arg7[%dma_start3A_142, %dma_start3A_146] : memref<20x128xi32, #tpu.memory_space<vmem>> -> memref<1x128xi32, #tpu.memory_space<vmem>>
    %dma_start3A_148 = tpu.memref_squeeze %dma_start3A_147 : memref<1x128xi32, #tpu.memory_space<vmem>> -> memref<128xi32, #tpu.memory_space<vmem>>
    %dma_start3A_149 = arith.constant 0 : i32
    %dma_start3A_150 = arith.constant 0 : i32
    %dma_start3A_151 = tpu.memref_slice %arg4[%dma_start3A_149, %dma_start3A_150] : memref<100000x16xf32, #tpu.memory_space<hbm>> -> memref<100000x16xf32, #tpu.memory_space<hbm>>
    tpu.enqueue_indirect_dma source(%dma_start3A_151 : memref<100000x16xf32, #tpu.memory_space<hbm>>) target(%dma_start3A_145 : memref<128x16xf32, #tpu.memory_space<vmem>>) offsets(%dma_start3A_148 : memref<128xi32, #tpu.memory_space<vmem>>) semaphore(%arg9 : memref<!tpu.dma_semaphore, #tpu.memory_space<semaphore_mem>>)
    %dma_start3A_152 = arith.constant 15 : i32
    %dma_start3A_153 = arith.constant 1920 : i32
    %dma_start3A_154 = arith.constant 0 : i32
    %dma_start3A_155 = tpu.memref_slice %arg8[%dma_start3A_153, %dma_start3A_154] : memref<2560x16xf32, #tpu.memory_space<vmem>> -> memref<128x16xf32, #tpu.memory_space<vmem>>
    %dma_start3A_156 = arith.constant 0 : i32
    %dma_start3A_157 = tpu.memref_slice %arg7[%dma_start3A_152, %dma_start3A_156] : memref<20x128xi32, #tpu.memory_space<vmem>> -> memref<1x128xi32, #tpu.memory_space<vmem>>
    %dma_start3A_158 = tpu.memref_squeeze %dma_start3A_157 : memref<1x128xi32, #tpu.memory_space<vmem>> -> memref<128xi32, #tpu.memory_space<vmem>>
    %dma_start3A_159 = arith.constant 0 : i32
    %dma_start3A_160 = arith.constant 0 : i32
    %dma_start3A_161 = tpu.memref_slice %arg4[%dma_start3A_159, %dma_start3A_160] : memref<100000x16xf32, #tpu.memory_space<hbm>> -> memref<100000x16xf32, #tpu.memory_space<hbm>>
    tpu.enqueue_indirect_dma source(%dma_start3A_161 : memref<100000x16xf32, #tpu.memory_space<hbm>>) target(%dma_start3A_155 : memref<128x16xf32, #tpu.memory_space<vmem>>) offsets(%dma_start3A_158 : memref<128xi32, #tpu.memory_space<vmem>>) semaphore(%arg9 : memref<!tpu.dma_semaphore, #tpu.memory_space<semaphore_mem>>)
    %dma_start3A_162 = arith.constant 16 : i32
    %dma_start3A_163 = arith.constant 2048 : i32
    %dma_start3A_164 = arith.constant 0 : i32
    %dma_start3A_165 = tpu.memref_slice %arg8[%dma_start3A_163, %dma_start3A_164] : memref<2560x16xf32, #tpu.memory_space<vmem>> -> memref<128x16xf32, #tpu.memory_space<vmem>>
    %dma_start3A_166 = arith.constant 0 : i32
    %dma_start3A_167 = tpu.memref_slice %arg7[%dma_start3A_162, %dma_start3A_166] : memref<20x128xi32, #tpu.memory_space<vmem>> -> memref<1x128xi32, #tpu.memory_space<vmem>>
    %dma_start3A_168 = tpu.memref_squeeze %dma_start3A_167 : memref<1x128xi32, #tpu.memory_space<vmem>> -> memref<128xi32, #tpu.memory_space<vmem>>
    %dma_start3A_169 = arith.constant 0 : i32
    %dma_start3A_170 = arith.constant 0 : i32
    %dma_start3A_171 = tpu.memref_slice %arg4[%dma_start3A_169, %dma_start3A_170] : memref<100000x16xf32, #tpu.memory_space<hbm>> -> memref<100000x16xf32, #tpu.memory_space<hbm>>
    tpu.enqueue_indirect_dma source(%dma_start3A_171 : memref<100000x16xf32, #tpu.memory_space<hbm>>) target(%dma_start3A_165 : memref<128x16xf32, #tpu.memory_space<vmem>>) offsets(%dma_start3A_168 : memref<128xi32, #tpu.memory_space<vmem>>) semaphore(%arg9 : memref<!tpu.dma_semaphore, #tpu.memory_space<semaphore_mem>>)
    %dma_start3A_172 = arith.constant 17 : i32
    %dma_start3A_173 = arith.constant 2176 : i32
    %dma_start3A_174 = arith.constant 0 : i32
    %dma_start3A_175 = tpu.memref_slice %arg8[%dma_start3A_173, %dma_start3A_174] : memref<2560x16xf32, #tpu.memory_space<vmem>> -> memref<128x16xf32, #tpu.memory_space<vmem>>
    %dma_start3A_176 = arith.constant 0 : i32
    %dma_start3A_177 = tpu.memref_slice %arg7[%dma_start3A_172, %dma_start3A_176] : memref<20x128xi32, #tpu.memory_space<vmem>> -> memref<1x128xi32, #tpu.memory_space<vmem>>
    %dma_start3A_178 = tpu.memref_squeeze %dma_start3A_177 : memref<1x128xi32, #tpu.memory_space<vmem>> -> memref<128xi32, #tpu.memory_space<vmem>>
    %dma_start3A_179 = arith.constant 0 : i32
    %dma_start3A_180 = arith.constant 0 : i32
    %dma_start3A_181 = tpu.memref_slice %arg4[%dma_start3A_179, %dma_start3A_180] : memref<100000x16xf32, #tpu.memory_space<hbm>> -> memref<100000x16xf32, #tpu.memory_space<hbm>>
    tpu.enqueue_indirect_dma source(%dma_start3A_181 : memref<100000x16xf32, #tpu.memory_space<hbm>>) target(%dma_start3A_175 : memref<128x16xf32, #tpu.memory_space<vmem>>) offsets(%dma_start3A_178 : memref<128xi32, #tpu.memory_space<vmem>>) semaphore(%arg9 : memref<!tpu.dma_semaphore, #tpu.memory_space<semaphore_mem>>)
    %dma_start3A_182 = arith.constant 18 : i32
    %dma_start3A_183 = arith.constant 2304 : i32
    %dma_start3A_184 = arith.constant 0 : i32
    %dma_start3A_185 = tpu.memref_slice %arg8[%dma_start3A_183, %dma_start3A_184] : memref<2560x16xf32, #tpu.memory_space<vmem>> -> memref<128x16xf32, #tpu.memory_space<vmem>>
    %dma_start3A_186 = arith.constant 0 : i32
    %dma_start3A_187 = tpu.memref_slice %arg7[%dma_start3A_182, %dma_start3A_186] : memref<20x128xi32, #tpu.memory_space<vmem>> -> memref<1x128xi32, #tpu.memory_space<vmem>>
    %dma_start3A_188 = tpu.memref_squeeze %dma_start3A_187 : memref<1x128xi32, #tpu.memory_space<vmem>> -> memref<128xi32, #tpu.memory_space<vmem>>
    %dma_start3A_189 = arith.constant 0 : i32
    %dma_start3A_190 = arith.constant 0 : i32
    %dma_start3A_191 = tpu.memref_slice %arg4[%dma_start3A_189, %dma_start3A_190] : memref<100000x16xf32, #tpu.memory_space<hbm>> -> memref<100000x16xf32, #tpu.memory_space<hbm>>
    tpu.enqueue_indirect_dma source(%dma_start3A_191 : memref<100000x16xf32, #tpu.memory_space<hbm>>) target(%dma_start3A_185 : memref<128x16xf32, #tpu.memory_space<vmem>>) offsets(%dma_start3A_188 : memref<128xi32, #tpu.memory_space<vmem>>) semaphore(%arg9 : memref<!tpu.dma_semaphore, #tpu.memory_space<semaphore_mem>>)
    %dma_start3A_192 = arith.constant 19 : i32
    %dma_start3A_193 = arith.constant 2432 : i32
    %dma_start3A_194 = arith.constant 0 : i32
    %dma_start3A_195 = tpu.memref_slice %arg8[%dma_start3A_193, %dma_start3A_194] : memref<2560x16xf32, #tpu.memory_space<vmem>> -> memref<128x16xf32, #tpu.memory_space<vmem>>
    %dma_start3A_196 = arith.constant 0 : i32
    %dma_start3A_197 = tpu.memref_slice %arg7[%dma_start3A_192, %dma_start3A_196] : memref<20x128xi32, #tpu.memory_space<vmem>> -> memref<1x128xi32, #tpu.memory_space<vmem>>
    %dma_start3A_198 = tpu.memref_squeeze %dma_start3A_197 : memref<1x128xi32, #tpu.memory_space<vmem>> -> memref<128xi32, #tpu.memory_space<vmem>>
    %dma_start3A_199 = arith.constant 0 : i32
    %dma_start3A_200 = arith.constant 0 : i32
    %dma_start3A_201 = tpu.memref_slice %arg4[%dma_start3A_199, %dma_start3A_200] : memref<100000x16xf32, #tpu.memory_space<hbm>> -> memref<100000x16xf32, #tpu.memory_space<hbm>>
    tpu.enqueue_indirect_dma source(%dma_start3A_201 : memref<100000x16xf32, #tpu.memory_space<hbm>>) target(%dma_start3A_195 : memref<128x16xf32, #tpu.memory_space<vmem>>) offsets(%dma_start3A_198 : memref<128xi32, #tpu.memory_space<vmem>>) semaphore(%arg9 : memref<!tpu.dma_semaphore, #tpu.memory_space<semaphore_mem>>)
    %dma_wait3A = arith.constant 0 : i32
    %dma_wait3A_202 = arith.constant 0 : i32
    %dma_wait3A_203 = arith.constant 0 : i32
    %dma_wait3A_204 = tpu.memref_slice %arg8[%dma_wait3A_202, %dma_wait3A_203] : memref<2560x16xf32, #tpu.memory_space<vmem>> -> memref<128x16xf32, #tpu.memory_space<vmem>>
    %dma_wait3A_205 = arith.constant 0 : i32
    %dma_wait3A_206 = tpu.memref_slice %arg7[%dma_wait3A, %dma_wait3A_205] : memref<20x128xi32, #tpu.memory_space<vmem>> -> memref<1x128xi32, #tpu.memory_space<vmem>>
    %dma_wait3A_207 = tpu.memref_squeeze %dma_wait3A_206 : memref<1x128xi32, #tpu.memory_space<vmem>> -> memref<128xi32, #tpu.memory_space<vmem>>
    %dma_wait3A_208 = arith.constant 0 : i32
    %dma_wait3A_209 = arith.constant 0 : i32
    %dma_wait3A_210 = tpu.memref_slice %arg4[%dma_wait3A_208, %dma_wait3A_209] : memref<100000x16xf32, #tpu.memory_space<hbm>> -> memref<100000x16xf32, #tpu.memory_space<hbm>>
    tpu.wait_indirect_dma semaphore(%arg9 : memref<!tpu.dma_semaphore, #tpu.memory_space<semaphore_mem>>) src(%dma_wait3A_210 : memref<100000x16xf32, #tpu.memory_space<hbm>>) dst(%dma_wait3A_204 : memref<128x16xf32, #tpu.memory_space<vmem>>)
    %dma_wait3A_211 = arith.constant 1 : i32
    %dma_wait3A_212 = arith.constant 128 : i32
    %dma_wait3A_213 = arith.constant 0 : i32
    %dma_wait3A_214 = tpu.memref_slice %arg8[%dma_wait3A_212, %dma_wait3A_213] : memref<2560x16xf32, #tpu.memory_space<vmem>> -> memref<128x16xf32, #tpu.memory_space<vmem>>
    %dma_wait3A_215 = arith.constant 0 : i32
    %dma_wait3A_216 = tpu.memref_slice %arg7[%dma_wait3A_211, %dma_wait3A_215] : memref<20x128xi32, #tpu.memory_space<vmem>> -> memref<1x128xi32, #tpu.memory_space<vmem>>
    %dma_wait3A_217 = tpu.memref_squeeze %dma_wait3A_216 : memref<1x128xi32, #tpu.memory_space<vmem>> -> memref<128xi32, #tpu.memory_space<vmem>>
    %dma_wait3A_218 = arith.constant 0 : i32
    %dma_wait3A_219 = arith.constant 0 : i32
    %dma_wait3A_220 = tpu.memref_slice %arg4[%dma_wait3A_218, %dma_wait3A_219] : memref<100000x16xf32, #tpu.memory_space<hbm>> -> memref<100000x16xf32, #tpu.memory_space<hbm>>
    tpu.wait_indirect_dma semaphore(%arg9 : memref<!tpu.dma_semaphore, #tpu.memory_space<semaphore_mem>>) src(%dma_wait3A_220 : memref<100000x16xf32, #tpu.memory_space<hbm>>) dst(%dma_wait3A_214 : memref<128x16xf32, #tpu.memory_space<vmem>>)
    %dma_wait3A_221 = arith.constant 2 : i32
    %dma_wait3A_222 = arith.constant 256 : i32
    %dma_wait3A_223 = arith.constant 0 : i32
    %dma_wait3A_224 = tpu.memref_slice %arg8[%dma_wait3A_222, %dma_wait3A_223] : memref<2560x16xf32, #tpu.memory_space<vmem>> -> memref<128x16xf32, #tpu.memory_space<vmem>>
    %dma_wait3A_225 = arith.constant 0 : i32
    %dma_wait3A_226 = tpu.memref_slice %arg7[%dma_wait3A_221, %dma_wait3A_225] : memref<20x128xi32, #tpu.memory_space<vmem>> -> memref<1x128xi32, #tpu.memory_space<vmem>>
    %dma_wait3A_227 = tpu.memref_squeeze %dma_wait3A_226 : memref<1x128xi32, #tpu.memory_space<vmem>> -> memref<128xi32, #tpu.memory_space<vmem>>
    %dma_wait3A_228 = arith.constant 0 : i32
    %dma_wait3A_229 = arith.constant 0 : i32
    %dma_wait3A_230 = tpu.memref_slice %arg4[%dma_wait3A_228, %dma_wait3A_229] : memref<100000x16xf32, #tpu.memory_space<hbm>> -> memref<100000x16xf32, #tpu.memory_space<hbm>>
    tpu.wait_indirect_dma semaphore(%arg9 : memref<!tpu.dma_semaphore, #tpu.memory_space<semaphore_mem>>) src(%dma_wait3A_230 : memref<100000x16xf32, #tpu.memory_space<hbm>>) dst(%dma_wait3A_224 : memref<128x16xf32, #tpu.memory_space<vmem>>)
    %dma_wait3A_231 = arith.constant 3 : i32
    %dma_wait3A_232 = arith.constant 384 : i32
    %dma_wait3A_233 = arith.constant 0 : i32
    %dma_wait3A_234 = tpu.memref_slice %arg8[%dma_wait3A_232, %dma_wait3A_233] : memref<2560x16xf32, #tpu.memory_space<vmem>> -> memref<128x16xf32, #tpu.memory_space<vmem>>
    %dma_wait3A_235 = arith.constant 0 : i32
    %dma_wait3A_236 = tpu.memref_slice %arg7[%dma_wait3A_231, %dma_wait3A_235] : memref<20x128xi32, #tpu.memory_space<vmem>> -> memref<1x128xi32, #tpu.memory_space<vmem>>
    %dma_wait3A_237 = tpu.memref_squeeze %dma_wait3A_236 : memref<1x128xi32, #tpu.memory_space<vmem>> -> memref<128xi32, #tpu.memory_space<vmem>>
    %dma_wait3A_238 = arith.constant 0 : i32
    %dma_wait3A_239 = arith.constant 0 : i32
    %dma_wait3A_240 = tpu.memref_slice %arg4[%dma_wait3A_238, %dma_wait3A_239] : memref<100000x16xf32, #tpu.memory_space<hbm>> -> memref<100000x16xf32, #tpu.memory_space<hbm>>
    tpu.wait_indirect_dma semaphore(%arg9 : memref<!tpu.dma_semaphore, #tpu.memory_space<semaphore_mem>>) src(%dma_wait3A_240 : memref<100000x16xf32, #tpu.memory_space<hbm>>) dst(%dma_wait3A_234 : memref<128x16xf32, #tpu.memory_space<vmem>>)
    %dma_wait3A_241 = arith.constant 4 : i32
    %dma_wait3A_242 = arith.constant 512 : i32
    %dma_wait3A_243 = arith.constant 0 : i32
    %dma_wait3A_244 = tpu.memref_slice %arg8[%dma_wait3A_242, %dma_wait3A_243] : memref<2560x16xf32, #tpu.memory_space<vmem>> -> memref<128x16xf32, #tpu.memory_space<vmem>>
    %dma_wait3A_245 = arith.constant 0 : i32
    %dma_wait3A_246 = tpu.memref_slice %arg7[%dma_wait3A_241, %dma_wait3A_245] : memref<20x128xi32, #tpu.memory_space<vmem>> -> memref<1x128xi32, #tpu.memory_space<vmem>>
    %dma_wait3A_247 = tpu.memref_squeeze %dma_wait3A_246 : memref<1x128xi32, #tpu.memory_space<vmem>> -> memref<128xi32, #tpu.memory_space<vmem>>
    %dma_wait3A_248 = arith.constant 0 : i32
    %dma_wait3A_249 = arith.constant 0 : i32
    %dma_wait3A_250 = tpu.memref_slice %arg4[%dma_wait3A_248, %dma_wait3A_249] : memref<100000x16xf32, #tpu.memory_space<hbm>> -> memref<100000x16xf32, #tpu.memory_space<hbm>>
    tpu.wait_indirect_dma semaphore(%arg9 : memref<!tpu.dma_semaphore, #tpu.memory_space<semaphore_mem>>) src(%dma_wait3A_250 : memref<100000x16xf32, #tpu.memory_space<hbm>>) dst(%dma_wait3A_244 : memref<128x16xf32, #tpu.memory_space<vmem>>)
    %dma_wait3A_251 = arith.constant 5 : i32
    %dma_wait3A_252 = arith.constant 640 : i32
    %dma_wait3A_253 = arith.constant 0 : i32
    %dma_wait3A_254 = tpu.memref_slice %arg8[%dma_wait3A_252, %dma_wait3A_253] : memref<2560x16xf32, #tpu.memory_space<vmem>> -> memref<128x16xf32, #tpu.memory_space<vmem>>
    %dma_wait3A_255 = arith.constant 0 : i32
    %dma_wait3A_256 = tpu.memref_slice %arg7[%dma_wait3A_251, %dma_wait3A_255] : memref<20x128xi32, #tpu.memory_space<vmem>> -> memref<1x128xi32, #tpu.memory_space<vmem>>
    %dma_wait3A_257 = tpu.memref_squeeze %dma_wait3A_256 : memref<1x128xi32, #tpu.memory_space<vmem>> -> memref<128xi32, #tpu.memory_space<vmem>>
    %dma_wait3A_258 = arith.constant 0 : i32
    %dma_wait3A_259 = arith.constant 0 : i32
    %dma_wait3A_260 = tpu.memref_slice %arg4[%dma_wait3A_258, %dma_wait3A_259] : memref<100000x16xf32, #tpu.memory_space<hbm>> -> memref<100000x16xf32, #tpu.memory_space<hbm>>
    tpu.wait_indirect_dma semaphore(%arg9 : memref<!tpu.dma_semaphore, #tpu.memory_space<semaphore_mem>>) src(%dma_wait3A_260 : memref<100000x16xf32, #tpu.memory_space<hbm>>) dst(%dma_wait3A_254 : memref<128x16xf32, #tpu.memory_space<vmem>>)
    %dma_wait3A_261 = arith.constant 6 : i32
    %dma_wait3A_262 = arith.constant 768 : i32
    %dma_wait3A_263 = arith.constant 0 : i32
    %dma_wait3A_264 = tpu.memref_slice %arg8[%dma_wait3A_262, %dma_wait3A_263] : memref<2560x16xf32, #tpu.memory_space<vmem>> -> memref<128x16xf32, #tpu.memory_space<vmem>>
    %dma_wait3A_265 = arith.constant 0 : i32
    %dma_wait3A_266 = tpu.memref_slice %arg7[%dma_wait3A_261, %dma_wait3A_265] : memref<20x128xi32, #tpu.memory_space<vmem>> -> memref<1x128xi32, #tpu.memory_space<vmem>>
    %dma_wait3A_267 = tpu.memref_squeeze %dma_wait3A_266 : memref<1x128xi32, #tpu.memory_space<vmem>> -> memref<128xi32, #tpu.memory_space<vmem>>
    %dma_wait3A_268 = arith.constant 0 : i32
    %dma_wait3A_269 = arith.constant 0 : i32
    %dma_wait3A_270 = tpu.memref_slice %arg4[%dma_wait3A_268, %dma_wait3A_269] : memref<100000x16xf32, #tpu.memory_space<hbm>> -> memref<100000x16xf32, #tpu.memory_space<hbm>>
    tpu.wait_indirect_dma semaphore(%arg9 : memref<!tpu.dma_semaphore, #tpu.memory_space<semaphore_mem>>) src(%dma_wait3A_270 : memref<100000x16xf32, #tpu.memory_space<hbm>>) dst(%dma_wait3A_264 : memref<128x16xf32, #tpu.memory_space<vmem>>)
    %dma_wait3A_271 = arith.constant 7 : i32
    %dma_wait3A_272 = arith.constant 896 : i32
    %dma_wait3A_273 = arith.constant 0 : i32
    %dma_wait3A_274 = tpu.memref_slice %arg8[%dma_wait3A_272, %dma_wait3A_273] : memref<2560x16xf32, #tpu.memory_space<vmem>> -> memref<128x16xf32, #tpu.memory_space<vmem>>
    %dma_wait3A_275 = arith.constant 0 : i32
    %dma_wait3A_276 = tpu.memref_slice %arg7[%dma_wait3A_271, %dma_wait3A_275] : memref<20x128xi32, #tpu.memory_space<vmem>> -> memref<1x128xi32, #tpu.memory_space<vmem>>
    %dma_wait3A_277 = tpu.memref_squeeze %dma_wait3A_276 : memref<1x128xi32, #tpu.memory_space<vmem>> -> memref<128xi32, #tpu.memory_space<vmem>>
    %dma_wait3A_278 = arith.constant 0 : i32
    %dma_wait3A_279 = arith.constant 0 : i32
    %dma_wait3A_280 = tpu.memref_slice %arg4[%dma_wait3A_278, %dma_wait3A_279] : memref<100000x16xf32, #tpu.memory_space<hbm>> -> memref<100000x16xf32, #tpu.memory_space<hbm>>
    tpu.wait_indirect_dma semaphore(%arg9 : memref<!tpu.dma_semaphore, #tpu.memory_space<semaphore_mem>>) src(%dma_wait3A_280 : memref<100000x16xf32, #tpu.memory_space<hbm>>) dst(%dma_wait3A_274 : memref<128x16xf32, #tpu.memory_space<vmem>>)
    %dma_wait3A_281 = arith.constant 8 : i32
    %dma_wait3A_282 = arith.constant 1024 : i32
    %dma_wait3A_283 = arith.constant 0 : i32
    %dma_wait3A_284 = tpu.memref_slice %arg8[%dma_wait3A_282, %dma_wait3A_283] : memref<2560x16xf32, #tpu.memory_space<vmem>> -> memref<128x16xf32, #tpu.memory_space<vmem>>
    %dma_wait3A_285 = arith.constant 0 : i32
    %dma_wait3A_286 = tpu.memref_slice %arg7[%dma_wait3A_281, %dma_wait3A_285] : memref<20x128xi32, #tpu.memory_space<vmem>> -> memref<1x128xi32, #tpu.memory_space<vmem>>
    %dma_wait3A_287 = tpu.memref_squeeze %dma_wait3A_286 : memref<1x128xi32, #tpu.memory_space<vmem>> -> memref<128xi32, #tpu.memory_space<vmem>>
    %dma_wait3A_288 = arith.constant 0 : i32
    %dma_wait3A_289 = arith.constant 0 : i32
    %dma_wait3A_290 = tpu.memref_slice %arg4[%dma_wait3A_288, %dma_wait3A_289] : memref<100000x16xf32, #tpu.memory_space<hbm>> -> memref<100000x16xf32, #tpu.memory_space<hbm>>
    tpu.wait_indirect_dma semaphore(%arg9 : memref<!tpu.dma_semaphore, #tpu.memory_space<semaphore_mem>>) src(%dma_wait3A_290 : memref<100000x16xf32, #tpu.memory_space<hbm>>) dst(%dma_wait3A_284 : memref<128x16xf32, #tpu.memory_space<vmem>>)
    %dma_wait3A_291 = arith.constant 9 : i32
    %dma_wait3A_292 = arith.constant 1152 : i32
    %dma_wait3A_293 = arith.constant 0 : i32
    %dma_wait3A_294 = tpu.memref_slice %arg8[%dma_wait3A_292, %dma_wait3A_293] : memref<2560x16xf32, #tpu.memory_space<vmem>> -> memref<128x16xf32, #tpu.memory_space<vmem>>
    %dma_wait3A_295 = arith.constant 0 : i32
    %dma_wait3A_296 = tpu.memref_slice %arg7[%dma_wait3A_291, %dma_wait3A_295] : memref<20x128xi32, #tpu.memory_space<vmem>> -> memref<1x128xi32, #tpu.memory_space<vmem>>
    %dma_wait3A_297 = tpu.memref_squeeze %dma_wait3A_296 : memref<1x128xi32, #tpu.memory_space<vmem>> -> memref<128xi32, #tpu.memory_space<vmem>>
    %dma_wait3A_298 = arith.constant 0 : i32
    %dma_wait3A_299 = arith.constant 0 : i32
    %dma_wait3A_300 = tpu.memref_slice %arg4[%dma_wait3A_298, %dma_wait3A_299] : memref<100000x16xf32, #tpu.memory_space<hbm>> -> memref<100000x16xf32, #tpu.memory_space<hbm>>
    tpu.wait_indirect_dma semaphore(%arg9 : memref<!tpu.dma_semaphore, #tpu.memory_space<semaphore_mem>>) src(%dma_wait3A_300 : memref<100000x16xf32, #tpu.memory_space<hbm>>) dst(%dma_wait3A_294 : memref<128x16xf32, #tpu.memory_space<vmem>>)
    %dma_wait3A_301 = arith.constant 10 : i32
    %dma_wait3A_302 = arith.constant 1280 : i32
    %dma_wait3A_303 = arith.constant 0 : i32
    %dma_wait3A_304 = tpu.memref_slice %arg8[%dma_wait3A_302, %dma_wait3A_303] : memref<2560x16xf32, #tpu.memory_space<vmem>> -> memref<128x16xf32, #tpu.memory_space<vmem>>
    %dma_wait3A_305 = arith.constant 0 : i32
    %dma_wait3A_306 = tpu.memref_slice %arg7[%dma_wait3A_301, %dma_wait3A_305] : memref<20x128xi32, #tpu.memory_space<vmem>> -> memref<1x128xi32, #tpu.memory_space<vmem>>
    %dma_wait3A_307 = tpu.memref_squeeze %dma_wait3A_306 : memref<1x128xi32, #tpu.memory_space<vmem>> -> memref<128xi32, #tpu.memory_space<vmem>>
    %dma_wait3A_308 = arith.constant 0 : i32
    %dma_wait3A_309 = arith.constant 0 : i32
    %dma_wait3A_310 = tpu.memref_slice %arg4[%dma_wait3A_308, %dma_wait3A_309] : memref<100000x16xf32, #tpu.memory_space<hbm>> -> memref<100000x16xf32, #tpu.memory_space<hbm>>
    tpu.wait_indirect_dma semaphore(%arg9 : memref<!tpu.dma_semaphore, #tpu.memory_space<semaphore_mem>>) src(%dma_wait3A_310 : memref<100000x16xf32, #tpu.memory_space<hbm>>) dst(%dma_wait3A_304 : memref<128x16xf32, #tpu.memory_space<vmem>>)
    %dma_wait3A_311 = arith.constant 11 : i32
    %dma_wait3A_312 = arith.constant 1408 : i32
    %dma_wait3A_313 = arith.constant 0 : i32
    %dma_wait3A_314 = tpu.memref_slice %arg8[%dma_wait3A_312, %dma_wait3A_313] : memref<2560x16xf32, #tpu.memory_space<vmem>> -> memref<128x16xf32, #tpu.memory_space<vmem>>
    %dma_wait3A_315 = arith.constant 0 : i32
    %dma_wait3A_316 = tpu.memref_slice %arg7[%dma_wait3A_311, %dma_wait3A_315] : memref<20x128xi32, #tpu.memory_space<vmem>> -> memref<1x128xi32, #tpu.memory_space<vmem>>
    %dma_wait3A_317 = tpu.memref_squeeze %dma_wait3A_316 : memref<1x128xi32, #tpu.memory_space<vmem>> -> memref<128xi32, #tpu.memory_space<vmem>>
    %dma_wait3A_318 = arith.constant 0 : i32
    %dma_wait3A_319 = arith.constant 0 : i32
    %dma_wait3A_320 = tpu.memref_slice %arg4[%dma_wait3A_318, %dma_wait3A_319] : memref<100000x16xf32, #tpu.memory_space<hbm>> -> memref<100000x16xf32, #tpu.memory_space<hbm>>
    tpu.wait_indirect_dma semaphore(%arg9 : memref<!tpu.dma_semaphore, #tpu.memory_space<semaphore_mem>>) src(%dma_wait3A_320 : memref<100000x16xf32, #tpu.memory_space<hbm>>) dst(%dma_wait3A_314 : memref<128x16xf32, #tpu.memory_space<vmem>>)
    %dma_wait3A_321 = arith.constant 12 : i32
    %dma_wait3A_322 = arith.constant 1536 : i32
    %dma_wait3A_323 = arith.constant 0 : i32
    %dma_wait3A_324 = tpu.memref_slice %arg8[%dma_wait3A_322, %dma_wait3A_323] : memref<2560x16xf32, #tpu.memory_space<vmem>> -> memref<128x16xf32, #tpu.memory_space<vmem>>
    %dma_wait3A_325 = arith.constant 0 : i32
    %dma_wait3A_326 = tpu.memref_slice %arg7[%dma_wait3A_321, %dma_wait3A_325] : memref<20x128xi32, #tpu.memory_space<vmem>> -> memref<1x128xi32, #tpu.memory_space<vmem>>
    %dma_wait3A_327 = tpu.memref_squeeze %dma_wait3A_326 : memref<1x128xi32, #tpu.memory_space<vmem>> -> memref<128xi32, #tpu.memory_space<vmem>>
    %dma_wait3A_328 = arith.constant 0 : i32
    %dma_wait3A_329 = arith.constant 0 : i32
    %dma_wait3A_330 = tpu.memref_slice %arg4[%dma_wait3A_328, %dma_wait3A_329] : memref<100000x16xf32, #tpu.memory_space<hbm>> -> memref<100000x16xf32, #tpu.memory_space<hbm>>
    tpu.wait_indirect_dma semaphore(%arg9 : memref<!tpu.dma_semaphore, #tpu.memory_space<semaphore_mem>>) src(%dma_wait3A_330 : memref<100000x16xf32, #tpu.memory_space<hbm>>) dst(%dma_wait3A_324 : memref<128x16xf32, #tpu.memory_space<vmem>>)
    %dma_wait3A_331 = arith.constant 13 : i32
    %dma_wait3A_332 = arith.constant 1664 : i32
    %dma_wait3A_333 = arith.constant 0 : i32
    %dma_wait3A_334 = tpu.memref_slice %arg8[%dma_wait3A_332, %dma_wait3A_333] : memref<2560x16xf32, #tpu.memory_space<vmem>> -> memref<128x16xf32, #tpu.memory_space<vmem>>
    %dma_wait3A_335 = arith.constant 0 : i32
    %dma_wait3A_336 = tpu.memref_slice %arg7[%dma_wait3A_331, %dma_wait3A_335] : memref<20x128xi32, #tpu.memory_space<vmem>> -> memref<1x128xi32, #tpu.memory_space<vmem>>
    %dma_wait3A_337 = tpu.memref_squeeze %dma_wait3A_336 : memref<1x128xi32, #tpu.memory_space<vmem>> -> memref<128xi32, #tpu.memory_space<vmem>>
    %dma_wait3A_338 = arith.constant 0 : i32
    %dma_wait3A_339 = arith.constant 0 : i32
    %dma_wait3A_340 = tpu.memref_slice %arg4[%dma_wait3A_338, %dma_wait3A_339] : memref<100000x16xf32, #tpu.memory_space<hbm>> -> memref<100000x16xf32, #tpu.memory_space<hbm>>
    tpu.wait_indirect_dma semaphore(%arg9 : memref<!tpu.dma_semaphore, #tpu.memory_space<semaphore_mem>>) src(%dma_wait3A_340 : memref<100000x16xf32, #tpu.memory_space<hbm>>) dst(%dma_wait3A_334 : memref<128x16xf32, #tpu.memory_space<vmem>>)
    %dma_wait3A_341 = arith.constant 14 : i32
    %dma_wait3A_342 = arith.constant 1792 : i32
    %dma_wait3A_343 = arith.constant 0 : i32
    %dma_wait3A_344 = tpu.memref_slice %arg8[%dma_wait3A_342, %dma_wait3A_343] : memref<2560x16xf32, #tpu.memory_space<vmem>> -> memref<128x16xf32, #tpu.memory_space<vmem>>
    %dma_wait3A_345 = arith.constant 0 : i32
    %dma_wait3A_346 = tpu.memref_slice %arg7[%dma_wait3A_341, %dma_wait3A_345] : memref<20x128xi32, #tpu.memory_space<vmem>> -> memref<1x128xi32, #tpu.memory_space<vmem>>
    %dma_wait3A_347 = tpu.memref_squeeze %dma_wait3A_346 : memref<1x128xi32, #tpu.memory_space<vmem>> -> memref<128xi32, #tpu.memory_space<vmem>>
    %dma_wait3A_348 = arith.constant 0 : i32
    %dma_wait3A_349 = arith.constant 0 : i32
    %dma_wait3A_350 = tpu.memref_slice %arg4[%dma_wait3A_348, %dma_wait3A_349] : memref<100000x16xf32, #tpu.memory_space<hbm>> -> memref<100000x16xf32, #tpu.memory_space<hbm>>
    tpu.wait_indirect_dma semaphore(%arg9 : memref<!tpu.dma_semaphore, #tpu.memory_space<semaphore_mem>>) src(%dma_wait3A_350 : memref<100000x16xf32, #tpu.memory_space<hbm>>) dst(%dma_wait3A_344 : memref<128x16xf32, #tpu.memory_space<vmem>>)
    %dma_wait3A_351 = arith.constant 15 : i32
    %dma_wait3A_352 = arith.constant 1920 : i32
    %dma_wait3A_353 = arith.constant 0 : i32
    %dma_wait3A_354 = tpu.memref_slice %arg8[%dma_wait3A_352, %dma_wait3A_353] : memref<2560x16xf32, #tpu.memory_space<vmem>> -> memref<128x16xf32, #tpu.memory_space<vmem>>
    %dma_wait3A_355 = arith.constant 0 : i32
    %dma_wait3A_356 = tpu.memref_slice %arg7[%dma_wait3A_351, %dma_wait3A_355] : memref<20x128xi32, #tpu.memory_space<vmem>> -> memref<1x128xi32, #tpu.memory_space<vmem>>
    %dma_wait3A_357 = tpu.memref_squeeze %dma_wait3A_356 : memref<1x128xi32, #tpu.memory_space<vmem>> -> memref<128xi32, #tpu.memory_space<vmem>>
    %dma_wait3A_358 = arith.constant 0 : i32
    %dma_wait3A_359 = arith.constant 0 : i32
    %dma_wait3A_360 = tpu.memref_slice %arg4[%dma_wait3A_358, %dma_wait3A_359] : memref<100000x16xf32, #tpu.memory_space<hbm>> -> memref<100000x16xf32, #tpu.memory_space<hbm>>
    tpu.wait_indirect_dma semaphore(%arg9 : memref<!tpu.dma_semaphore, #tpu.memory_space<semaphore_mem>>) src(%dma_wait3A_360 : memref<100000x16xf32, #tpu.memory_space<hbm>>) dst(%dma_wait3A_354 : memref<128x16xf32, #tpu.memory_space<vmem>>)
    %dma_wait3A_361 = arith.constant 16 : i32
    %dma_wait3A_362 = arith.constant 2048 : i32
    %dma_wait3A_363 = arith.constant 0 : i32
    %dma_wait3A_364 = tpu.memref_slice %arg8[%dma_wait3A_362, %dma_wait3A_363] : memref<2560x16xf32, #tpu.memory_space<vmem>> -> memref<128x16xf32, #tpu.memory_space<vmem>>
    %dma_wait3A_365 = arith.constant 0 : i32
    %dma_wait3A_366 = tpu.memref_slice %arg7[%dma_wait3A_361, %dma_wait3A_365] : memref<20x128xi32, #tpu.memory_space<vmem>> -> memref<1x128xi32, #tpu.memory_space<vmem>>
    %dma_wait3A_367 = tpu.memref_squeeze %dma_wait3A_366 : memref<1x128xi32, #tpu.memory_space<vmem>> -> memref<128xi32, #tpu.memory_space<vmem>>
    %dma_wait3A_368 = arith.constant 0 : i32
    %dma_wait3A_369 = arith.constant 0 : i32
    %dma_wait3A_370 = tpu.memref_slice %arg4[%dma_wait3A_368, %dma_wait3A_369] : memref<100000x16xf32, #tpu.memory_space<hbm>> -> memref<100000x16xf32, #tpu.memory_space<hbm>>
    tpu.wait_indirect_dma semaphore(%arg9 : memref<!tpu.dma_semaphore, #tpu.memory_space<semaphore_mem>>) src(%dma_wait3A_370 : memref<100000x16xf32, #tpu.memory_space<hbm>>) dst(%dma_wait3A_364 : memref<128x16xf32, #tpu.memory_space<vmem>>)
    %dma_wait3A_371 = arith.constant 17 : i32
    %dma_wait3A_372 = arith.constant 2176 : i32
    %dma_wait3A_373 = arith.constant 0 : i32
    %dma_wait3A_374 = tpu.memref_slice %arg8[%dma_wait3A_372, %dma_wait3A_373] : memref<2560x16xf32, #tpu.memory_space<vmem>> -> memref<128x16xf32, #tpu.memory_space<vmem>>
    %dma_wait3A_375 = arith.constant 0 : i32
    %dma_wait3A_376 = tpu.memref_slice %arg7[%dma_wait3A_371, %dma_wait3A_375] : memref<20x128xi32, #tpu.memory_space<vmem>> -> memref<1x128xi32, #tpu.memory_space<vmem>>
    %dma_wait3A_377 = tpu.memref_squeeze %dma_wait3A_376 : memref<1x128xi32, #tpu.memory_space<vmem>> -> memref<128xi32, #tpu.memory_space<vmem>>
    %dma_wait3A_378 = arith.constant 0 : i32
    %dma_wait3A_379 = arith.constant 0 : i32
    %dma_wait3A_380 = tpu.memref_slice %arg4[%dma_wait3A_378, %dma_wait3A_379] : memref<100000x16xf32, #tpu.memory_space<hbm>> -> memref<100000x16xf32, #tpu.memory_space<hbm>>
    tpu.wait_indirect_dma semaphore(%arg9 : memref<!tpu.dma_semaphore, #tpu.memory_space<semaphore_mem>>) src(%dma_wait3A_380 : memref<100000x16xf32, #tpu.memory_space<hbm>>) dst(%dma_wait3A_374 : memref<128x16xf32, #tpu.memory_space<vmem>>)
    %dma_wait3A_381 = arith.constant 18 : i32
    %dma_wait3A_382 = arith.constant 2304 : i32
    %dma_wait3A_383 = arith.constant 0 : i32
    %dma_wait3A_384 = tpu.memref_slice %arg8[%dma_wait3A_382, %dma_wait3A_383] : memref<2560x16xf32, #tpu.memory_space<vmem>> -> memref<128x16xf32, #tpu.memory_space<vmem>>
    %dma_wait3A_385 = arith.constant 0 : i32
    %dma_wait3A_386 = tpu.memref_slice %arg7[%dma_wait3A_381, %dma_wait3A_385] : memref<20x128xi32, #tpu.memory_space<vmem>> -> memref<1x128xi32, #tpu.memory_space<vmem>>
    %dma_wait3A_387 = tpu.memref_squeeze %dma_wait3A_386 : memref<1x128xi32, #tpu.memory_space<vmem>> -> memref<128xi32, #tpu.memory_space<vmem>>
    %dma_wait3A_388 = arith.constant 0 : i32
    %dma_wait3A_389 = arith.constant 0 : i32
    %dma_wait3A_390 = tpu.memref_slice %arg4[%dma_wait3A_388, %dma_wait3A_389] : memref<100000x16xf32, #tpu.memory_space<hbm>> -> memref<100000x16xf32, #tpu.memory_space<hbm>>
    tpu.wait_indirect_dma semaphore(%arg9 : memref<!tpu.dma_semaphore, #tpu.memory_space<semaphore_mem>>) src(%dma_wait3A_390 : memref<100000x16xf32, #tpu.memory_space<hbm>>) dst(%dma_wait3A_384 : memref<128x16xf32, #tpu.memory_space<vmem>>)
    %dma_wait3A_391 = arith.constant 19 : i32
    %dma_wait3A_392 = arith.constant 2432 : i32
    %dma_wait3A_393 = arith.constant 0 : i32
    %dma_wait3A_394 = tpu.memref_slice %arg8[%dma_wait3A_392, %dma_wait3A_393] : memref<2560x16xf32, #tpu.memory_space<vmem>> -> memref<128x16xf32, #tpu.memory_space<vmem>>
    %dma_wait3A_395 = arith.constant 0 : i32
    %dma_wait3A_396 = tpu.memref_slice %arg7[%dma_wait3A_391, %dma_wait3A_395] : memref<20x128xi32, #tpu.memory_space<vmem>> -> memref<1x128xi32, #tpu.memory_space<vmem>>
    %dma_wait3A_397 = tpu.memref_squeeze %dma_wait3A_396 : memref<1x128xi32, #tpu.memory_space<vmem>> -> memref<128xi32, #tpu.memory_space<vmem>>
    %dma_wait3A_398 = arith.constant 0 : i32
    %dma_wait3A_399 = arith.constant 0 : i32
    %dma_wait3A_400 = tpu.memref_slice %arg4[%dma_wait3A_398, %dma_wait3A_399] : memref<100000x16xf32, #tpu.memory_space<hbm>> -> memref<100000x16xf32, #tpu.memory_space<hbm>>
    tpu.wait_indirect_dma semaphore(%arg9 : memref<!tpu.dma_semaphore, #tpu.memory_space<semaphore_mem>>) src(%dma_wait3A_400 : memref<100000x16xf32, #tpu.memory_space<hbm>>) dst(%dma_wait3A_394 : memref<128x16xf32, #tpu.memory_space<vmem>>)
    %scan3A = arith.constant 0 : i32
    %scan3A_401 = arith.constant 0 : i32
    %scan3A_402 = arith.constant 128 : i32
    %scan3A_403 = arith.addi %scan3A_401, %scan3A_402 : i32
    %scan3A_404 = arith.constant 1 : i32
    scf.for %scan3A_814 = %scan3A_401 to %scan3A_403 step %scan3A_404  : i32 {
      %mul3A_815 = arith.constant 20 : i32
      %mul3A_816 = arith.muli %scan3A_814, %mul3A_815 : i32
      %get3A = arith.index_cast %mul3A_816 : i32 to index
      %get3A_817 = arith.constant 0 : index
      %get3A_818 = tpu.vector_load %arg8[%get3A, %get3A_817] {strides = array<i32>} : memref<2560x16xf32, #tpu.memory_space<vmem>>, vector<1x16xf32>,
      %get3A_819 = vector.shape_cast %get3A_818 : vector<1x16xf32> to vector<16xf32>
      %add3A_820 = arith.constant 1 : i32
      %add3A_821 = arith.addi %mul3A_816, %add3A_820 : i32
      %get3A_822 = arith.index_cast %add3A_821 : i32 to index
      %get3A_823 = arith.constant 0 : index
      %get3A_824 = tpu.vector_load %arg8[%get3A_822, %get3A_823] {strides = array<i32>} : memref<2560x16xf32, #tpu.memory_space<vmem>>, vector<1x16xf32>,
      %get3A_825 = vector.shape_cast %get3A_824 : vector<1x16xf32> to vector<16xf32>
      %add3A_826 = arith.addf %get3A_819, %get3A_825 : vector<16xf32>
      %add3A_827 = arith.constant 2 : i32
      %add3A_828 = arith.addi %mul3A_816, %add3A_827 : i32
      %get3A_829 = arith.index_cast %add3A_828 : i32 to index
      %get3A_830 = arith.constant 0 : index
      %get3A_831 = tpu.vector_load %arg8[%get3A_829, %get3A_830] {strides = array<i32>} : memref<2560x16xf32, #tpu.memory_space<vmem>>, vector<1x16xf32>,
      %get3A_832 = vector.shape_cast %get3A_831 : vector<1x16xf32> to vector<16xf32>
      %add3A_833 = arith.addf %add3A_826, %get3A_832 : vector<16xf32>
      %add3A_834 = arith.constant 3 : i32
      %add3A_835 = arith.addi %mul3A_816, %add3A_834 : i32
      %get3A_836 = arith.index_cast %add3A_835 : i32 to index
      %get3A_837 = arith.constant 0 : index
      %get3A_838 = tpu.vector_load %arg8[%get3A_836, %get3A_837] {strides = array<i32>} : memref<2560x16xf32, #tpu.memory_space<vmem>>, vector<1x16xf32>,
      %get3A_839 = vector.shape_cast %get3A_838 : vector<1x16xf32> to vector<16xf32>
      %add3A_840 = arith.addf %add3A_833, %get3A_839 : vector<16xf32>
      %add3A_841 = arith.constant 4 : i32
      %add3A_842 = arith.addi %mul3A_816, %add3A_841 : i32
      %get3A_843 = arith.index_cast %add3A_842 : i32 to index
      %get3A_844 = arith.constant 0 : index
      %get3A_845 = tpu.vector_load %arg8[%get3A_843, %get3A_844] {strides = array<i32>} : memref<2560x16xf32, #tpu.memory_space<vmem>>, vector<1x16xf32>,
      %get3A_846 = vector.shape_cast %get3A_845 : vector<1x16xf32> to vector<16xf32>
      %add3A_847 = arith.addf %add3A_840, %get3A_846 : vector<16xf32>
      %add3A_848 = arith.constant 5 : i32
      %add3A_849 = arith.addi %mul3A_816, %add3A_848 : i32
      %get3A_850 = arith.index_cast %add3A_849 : i32 to index
      %get3A_851 = arith.constant 0 : index
      %get3A_852 = tpu.vector_load %arg8[%get3A_850, %get3A_851] {strides = array<i32>} : memref<2560x16xf32, #tpu.memory_space<vmem>>, vector<1x16xf32>,
      %get3A_853 = vector.shape_cast %get3A_852 : vector<1x16xf32> to vector<16xf32>
      %add3A_854 = arith.addf %add3A_847, %get3A_853 : vector<16xf32>
      %add3A_855 = arith.constant 6 : i32
      %add3A_856 = arith.addi %mul3A_816, %add3A_855 : i32
      %get3A_857 = arith.index_cast %add3A_856 : i32 to index
      %get3A_858 = arith.constant 0 : index
      %get3A_859 = tpu.vector_load %arg8[%get3A_857, %get3A_858] {strides = array<i32>} : memref<2560x16xf32, #tpu.memory_space<vmem>>, vector<1x16xf32>,
      %get3A_860 = vector.shape_cast %get3A_859 : vector<1x16xf32> to vector<16xf32>
      %add3A_861 = arith.addf %add3A_854, %get3A_860 : vector<16xf32>
      %add3A_862 = arith.constant 7 : i32
      %add3A_863 = arith.addi %mul3A_816, %add3A_862 : i32
      %get3A_864 = arith.index_cast %add3A_863 : i32 to index
      %get3A_865 = arith.constant 0 : index
      %get3A_866 = tpu.vector_load %arg8[%get3A_864, %get3A_865] {strides = array<i32>} : memref<2560x16xf32, #tpu.memory_space<vmem>>, vector<1x16xf32>,
      %get3A_867 = vector.shape_cast %get3A_866 : vector<1x16xf32> to vector<16xf32>
      %add3A_868 = arith.addf %add3A_861, %get3A_867 : vector<16xf32>
      %add3A_869 = arith.constant 8 : i32
      %add3A_870 = arith.addi %mul3A_816, %add3A_869 : i32
      %get3A_871 = arith.index_cast %add3A_870 : i32 to index
      %get3A_872 = arith.constant 0 : index
      %get3A_873 = tpu.vector_load %arg8[%get3A_871, %get3A_872] {strides = array<i32>} : memref<2560x16xf32, #tpu.memory_space<vmem>>, vector<1x16xf32>,
      %get3A_874 = vector.shape_cast %get3A_873 : vector<1x16xf32> to vector<16xf32>
      %add3A_875 = arith.addf %add3A_868, %get3A_874 : vector<16xf32>
      %add3A_876 = arith.constant 9 : i32
      %add3A_877 = arith.addi %mul3A_816, %add3A_876 : i32
      %get3A_878 = arith.index_cast %add3A_877 : i32 to index
      %get3A_879 = arith.constant 0 : index
      %get3A_880 = tpu.vector_load %arg8[%get3A_878, %get3A_879] {strides = array<i32>} : memref<2560x16xf32, #tpu.memory_space<vmem>>, vector<1x16xf32>,
      %get3A_881 = vector.shape_cast %get3A_880 : vector<1x16xf32> to vector<16xf32>
      %add3A_882 = arith.addf %add3A_875, %get3A_881 : vector<16xf32>
      %add3A_883 = arith.constant 10 : i32
      %add3A_884 = arith.addi %mul3A_816, %add3A_883 : i32
      %get3A_885 = arith.index_cast %add3A_884 : i32 to index
      %get3A_886 = arith.constant 0 : index
      %get3A_887 = tpu.vector_load %arg8[%get3A_885, %get3A_886] {strides = array<i32>} : memref<2560x16xf32, #tpu.memory_space<vmem>>, vector<1x16xf32>,
      %get3A_888 = vector.shape_cast %get3A_887 : vector<1x16xf32> to vector<16xf32>
      %add3A_889 = arith.addf %add3A_882, %get3A_888 : vector<16xf32>
      %add3A_890 = arith.constant 11 : i32
      %add3A_891 = arith.addi %mul3A_816, %add3A_890 : i32
      %get3A_892 = arith.index_cast %add3A_891 : i32 to index
      %get3A_893 = arith.constant 0 : index
      %get3A_894 = tpu.vector_load %arg8[%get3A_892, %get3A_893] {strides = array<i32>} : memref<2560x16xf32, #tpu.memory_space<vmem>>, vector<1x16xf32>,
      %get3A_895 = vector.shape_cast %get3A_894 : vector<1x16xf32> to vector<16xf32>
      %add3A_896 = arith.addf %add3A_889, %get3A_895 : vector<16xf32>
      %add3A_897 = arith.constant 12 : i32
      %add3A_898 = arith.addi %mul3A_816, %add3A_897 : i32
      %get3A_899 = arith.index_cast %add3A_898 : i32 to index
      %get3A_900 = arith.constant 0 : index
      %get3A_901 = tpu.vector_load %arg8[%get3A_899, %get3A_900] {strides = array<i32>} : memref<2560x16xf32, #tpu.memory_space<vmem>>, vector<1x16xf32>,
      %get3A_902 = vector.shape_cast %get3A_901 : vector<1x16xf32> to vector<16xf32>
      %add3A_903 = arith.addf %add3A_896, %get3A_902 : vector<16xf32>
      %add3A_904 = arith.constant 13 : i32
      %add3A_905 = arith.addi %mul3A_816, %add3A_904 : i32
      %get3A_906 = arith.index_cast %add3A_905 : i32 to index
      %get3A_907 = arith.constant 0 : index
      %get3A_908 = tpu.vector_load %arg8[%get3A_906, %get3A_907] {strides = array<i32>} : memref<2560x16xf32, #tpu.memory_space<vmem>>, vector<1x16xf32>,
      %get3A_909 = vector.shape_cast %get3A_908 : vector<1x16xf32> to vector<16xf32>
      %add3A_910 = arith.addf %add3A_903, %get3A_909 : vector<16xf32>
      %add3A_911 = arith.constant 14 : i32
      %add3A_912 = arith.addi %mul3A_816, %add3A_911 : i32
      %get3A_913 = arith.index_cast %add3A_912 : i32 to index
      %get3A_914 = arith.constant 0 : index
      %get3A_915 = tpu.vector_load %arg8[%get3A_913, %get3A_914] {strides = array<i32>} : memref<2560x16xf32, #tpu.memory_space<vmem>>, vector<1x16xf32>,
      %get3A_916 = vector.shape_cast %get3A_915 : vector<1x16xf32> to vector<16xf32>
      %add3A_917 = arith.addf %add3A_910, %get3A_916 : vector<16xf32>
      %add3A_918 = arith.constant 15 : i32
      %add3A_919 = arith.addi %mul3A_816, %add3A_918 : i32
      %get3A_920 = arith.index_cast %add3A_919 : i32 to index
      %get3A_921 = arith.constant 0 : index
      %get3A_922 = tpu.vector_load %arg8[%get3A_920, %get3A_921] {strides = array<i32>} : memref<2560x16xf32, #tpu.memory_space<vmem>>, vector<1x16xf32>,
      %get3A_923 = vector.shape_cast %get3A_922 : vector<1x16xf32> to vector<16xf32>
      %add3A_924 = arith.addf %add3A_917, %get3A_923 : vector<16xf32>
      %add3A_925 = arith.constant 16 : i32
      %add3A_926 = arith.addi %mul3A_816, %add3A_925 : i32
      %get3A_927 = arith.index_cast %add3A_926 : i32 to index
      %get3A_928 = arith.constant 0 : index
      %get3A_929 = tpu.vector_load %arg8[%get3A_927, %get3A_928] {strides = array<i32>} : memref<2560x16xf32, #tpu.memory_space<vmem>>, vector<1x16xf32>,
      %get3A_930 = vector.shape_cast %get3A_929 : vector<1x16xf32> to vector<16xf32>
      %add3A_931 = arith.addf %add3A_924, %get3A_930 : vector<16xf32>
      %add3A_932 = arith.constant 17 : i32
      %add3A_933 = arith.addi %mul3A_816, %add3A_932 : i32
      %get3A_934 = arith.index_cast %add3A_933 : i32 to index
      %get3A_935 = arith.constant 0 : index
      %get3A_936 = tpu.vector_load %arg8[%get3A_934, %get3A_935] {strides = array<i32>} : memref<2560x16xf32, #tpu.memory_space<vmem>>, vector<1x16xf32>,
      %get3A_937 = vector.shape_cast %get3A_936 : vector<1x16xf32> to vector<16xf32>
      %add3A_938 = arith.addf %add3A_931, %get3A_937 : vector<16xf32>
      %add3A_939 = arith.constant 18 : i32
      %add3A_940 = arith.addi %mul3A_816, %add3A_939 : i32
      %get3A_941 = arith.index_cast %add3A_940 : i32 to index
      %get3A_942 = arith.constant 0 : index
      %get3A_943 = tpu.vector_load %arg8[%get3A_941, %get3A_942] {strides = array<i32>} : memref<2560x16xf32, #tpu.memory_space<vmem>>, vector<1x16xf32>,
      %get3A_944 = vector.shape_cast %get3A_943 : vector<1x16xf32> to vector<16xf32>
      %add3A_945 = arith.addf %add3A_938, %get3A_944 : vector<16xf32>
      %add3A_946 = arith.constant 19 : i32
      %add3A_947 = arith.addi %mul3A_816, %add3A_946 : i32
      %get3A_948 = arith.index_cast %add3A_947 : i32 to index
      %get3A_949 = arith.constant 0 : index
      %get3A_950 = tpu.vector_load %arg8[%get3A_948, %get3A_949] {strides = array<i32>} : memref<2560x16xf32, #tpu.memory_space<vmem>>, vector<1x16xf32>,
      %get3A_951 = vector.shape_cast %get3A_950 : vector<1x16xf32> to vector<16xf32>
      %add3A_952 = arith.addf %add3A_945, %get3A_951 : vector<16xf32>
      %mul3A_953 = arith.constant 5.000000e-02 : f32
      %mul3A_954 = vector.broadcast %mul3A_953 : f32 to vector<16xf32>
      %mul3A_955 = arith.mulf %add3A_952, %mul3A_954 : vector<16xf32>
      %swap3A = arith.index_cast %scan3A_814 : i32 to index
      %swap3A_956 = arith.constant 0 : index
      %swap3A_957 = tpu.vector_load %arg8[%swap3A, %swap3A_956] {strides = array<i32>} : memref<2560x16xf32, #tpu.memory_space<vmem>>, vector<1x16xf32>,
      %swap3A_958 = vector.shape_cast %swap3A_957 : vector<1x16xf32> to vector<16xf32>
      %swap3A_959 = vector.shape_cast %mul3A_955 : vector<16xf32> to vector<1x16xf32>
      tpu.vector_store %arg8[%swap3A, %swap3A_956], %swap3A_959 {strides = array<i32>} : memref<2560x16xf32, #tpu.memory_space<vmem>>, vector<1x16xf32>,
    }
    %scan3A_405 = arith.constant 128 : i32
    "tpu.region"() ({
      %run_scoped3A = tpu.sem_alloc : memref<!tpu.dma_semaphore, #tpu.memory_space<semaphore_mem>>
      %dma_start3A_814 = arith.constant 0 : i32
      %dma_start3A_815 = arith.constant 0 : i32
      %dma_start3A_816 = tpu.memref_slice %arg8[%dma_start3A_814, %dma_start3A_815] : memref<2560x16xf32, #tpu.memory_space<vmem>> -> memref<128x16xf32, #tpu.memory_space<vmem>>
      %dma_start3A_817 = arith.constant 0 : i32
      %dma_start3A_818 = tpu.memref_slice %arg5[%mul3A_2, %dma_start3A_817] : memref<4096x16xf32, #tpu.memory_space<hbm>> -> memref<128x16xf32, #tpu.memory_space<hbm>>
      %dma_start3A_819 = arith.constant 0 : i32
      %dma_start3A_820 = tpu.memref_slice %arg5[%mul3A_2, %dma_start3A_819] : memref<4096x16xf32, #tpu.memory_space<hbm>> -> memref<128x16xf32, #tpu.memory_space<hbm>>
      %dma_start3A_821 = arith.constant 0 : i32
      %dma_start3A_822 = arith.constant 0 : i32
      %dma_start3A_823 = tpu.memref_slice %arg8[%dma_start3A_821, %dma_start3A_822] : memref<2560x16xf32, #tpu.memory_space<vmem>> -> memref<128x16xf32, #tpu.memory_space<vmem>>
      tpu.enqueue_dma source(%dma_start3A_823 : memref<128x16xf32, #tpu.memory_space<vmem>>) target(%dma_start3A_820 : memref<128x16xf32, #tpu.memory_space<hbm>>) target_semaphore(%run_scoped3A : memref<!tpu.dma_semaphore, #tpu.memory_space<semaphore_mem>>)
      %dma_wait3A_824 = arith.constant 0 : i32
      %dma_wait3A_825 = arith.constant 0 : i32
      %dma_wait3A_826 = tpu.memref_slice %arg8[%dma_wait3A_824, %dma_wait3A_825] : memref<2560x16xf32, #tpu.memory_space<vmem>> -> memref<128x16xf32, #tpu.memory_space<vmem>>
      %dma_wait3A_827 = arith.constant 0 : i32
      %dma_wait3A_828 = tpu.memref_slice %arg5[%mul3A_2, %dma_wait3A_827] : memref<4096x16xf32, #tpu.memory_space<hbm>> -> memref<128x16xf32, #tpu.memory_space<hbm>>
      %dma_wait3A_829 = arith.constant 0 : i32
      %dma_wait3A_830 = tpu.memref_slice %arg5[%mul3A_2, %dma_wait3A_829] : memref<4096x16xf32, #tpu.memory_space<hbm>> -> memref<128x16xf32, #tpu.memory_space<hbm>>
      %dma_wait3A_831 = arith.constant 0 : i32
      %dma_wait3A_832 = arith.constant 0 : i32
      %dma_wait3A_833 = tpu.memref_slice %arg8[%dma_wait3A_831, %dma_wait3A_832] : memref<2560x16xf32, #tpu.memory_space<vmem>> -> memref<128x16xf32, #tpu.memory_space<vmem>>
      tpu.wait_dma2 semaphore(%run_scoped3A : memref<!tpu.dma_semaphore, #tpu.memory_space<semaphore_mem>>) src(%dma_wait3A_833 : memref<128x16xf32, #tpu.memory_space<vmem>>) dst(%dma_wait3A_830 : memref<128x16xf32, #tpu.memory_space<hbm>>)
      tpu.yield
    }) : () -> ()
    %mul3A_406 = arith.constant 128 : i32
    %mul3A_407 = arith.muli %add3A, %mul3A_406 : i32
    "tpu.region"() ({
      %run_scoped3A = tpu.sem_alloc : memref<!tpu.dma_semaphore, #tpu.memory_space<semaphore_mem>>
      %dma_start3A_814 = arith.constant 0 : i32
      %dma_start3A_815 = arith.constant 0 : i32
      %dma_start3A_816 = tpu.memref_slice %arg3[%add3A, %dma_start3A_814, %dma_start3A_815] : memref<32x20x128xi32, #tpu.memory_space<hbm>> -> memref<1x20x128xi32, #tpu.memory_space<hbm>>
      %dma_start3A_817 = tpu.memref_squeeze %dma_start3A_816 : memref<1x20x128xi32, #tpu.memory_space<hbm>> -> memref<20x128xi32, #tpu.memory_space<hbm>>
      %dma_start3A_818 = arith.constant 0 : i32
      %dma_start3A_819 = arith.constant 0 : i32
      %dma_start3A_820 = tpu.memref_slice %arg3[%add3A, %dma_start3A_818, %dma_start3A_819] : memref<32x20x128xi32, #tpu.memory_space<hbm>> -> memref<1x20x128xi32, #tpu.memory_space<hbm>>
      %dma_start3A_821 = tpu.memref_squeeze %dma_start3A_820 : memref<1x20x128xi32, #tpu.memory_space<hbm>> -> memref<20x128xi32, #tpu.memory_space<hbm>>
      tpu.enqueue_dma source(%dma_start3A_821 : memref<20x128xi32, #tpu.memory_space<hbm>>) target(%arg7 : memref<20x128xi32, #tpu.memory_space<vmem>>) target_semaphore(%run_scoped3A : memref<!tpu.dma_semaphore, #tpu.memory_space<semaphore_mem>>)
      %dma_wait3A_822 = arith.constant 0 : i32
      %dma_wait3A_823 = arith.constant 0 : i32
      %dma_wait3A_824 = tpu.memref_slice %arg3[%add3A, %dma_wait3A_822, %dma_wait3A_823] : memref<32x20x128xi32, #tpu.memory_space<hbm>> -> memref<1x20x128xi32, #tpu.memory_space<hbm>>
      %dma_wait3A_825 = tpu.memref_squeeze %dma_wait3A_824 : memref<1x20x128xi32, #tpu.memory_space<hbm>> -> memref<20x128xi32, #tpu.memory_space<hbm>>
      %dma_wait3A_826 = arith.constant 0 : i32
      %dma_wait3A_827 = arith.constant 0 : i32
      %dma_wait3A_828 = tpu.memref_slice %arg3[%add3A, %dma_wait3A_826, %dma_wait3A_827] : memref<32x20x128xi32, #tpu.memory_space<hbm>> -> memref<1x20x128xi32, #tpu.memory_space<hbm>>
      %dma_wait3A_829 = tpu.memref_squeeze %dma_wait3A_828 : memref<1x20x128xi32, #tpu.memory_space<hbm>> -> memref<20x128xi32, #tpu.memory_space<hbm>>
      tpu.wait_dma2 semaphore(%run_scoped3A : memref<!tpu.dma_semaphore, #tpu.memory_space<semaphore_mem>>) src(%dma_wait3A_829 : memref<20x128xi32, #tpu.memory_space<hbm>>) dst(%arg7 : memref<20x128xi32, #tpu.memory_space<vmem>>)
      tpu.yield
    }) : () -> ()
    %dma_start3A_408 = arith.constant 0 : i32
    %dma_start3A_409 = arith.constant 0 : i32
    %dma_start3A_410 = arith.constant 0 : i32
    %dma_start3A_411 = tpu.memref_slice %arg8[%dma_start3A_409, %dma_start3A_410] : memref<2560x16xf32, #tpu.memory_space<vmem>> -> memref<128x16xf32, #tpu.memory_space<vmem>>
    %dma_start3A_412 = arith.constant 0 : i32
    %dma_start3A_413 = tpu.memref_slice %arg7[%dma_start3A_408, %dma_start3A_412] : memref<20x128xi32, #tpu.memory_space<vmem>> -> memref<1x128xi32, #tpu.memory_space<vmem>>
    %dma_start3A_414 = tpu.memref_squeeze %dma_start3A_413 : memref<1x128xi32, #tpu.memory_space<vmem>> -> memref<128xi32, #tpu.memory_space<vmem>>
    %dma_start3A_415 = arith.constant 0 : i32
    %dma_start3A_416 = arith.constant 0 : i32
    %dma_start3A_417 = tpu.memref_slice %arg4[%dma_start3A_415, %dma_start3A_416] : memref<100000x16xf32, #tpu.memory_space<hbm>> -> memref<100000x16xf32, #tpu.memory_space<hbm>>
    tpu.enqueue_indirect_dma source(%dma_start3A_417 : memref<100000x16xf32, #tpu.memory_space<hbm>>) target(%dma_start3A_411 : memref<128x16xf32, #tpu.memory_space<vmem>>) offsets(%dma_start3A_414 : memref<128xi32, #tpu.memory_space<vmem>>) semaphore(%arg9 : memref<!tpu.dma_semaphore, #tpu.memory_space<semaphore_mem>>)
    %dma_start3A_418 = arith.constant 1 : i32
    %dma_start3A_419 = arith.constant 128 : i32
    %dma_start3A_420 = arith.constant 0 : i32
    %dma_start3A_421 = tpu.memref_slice %arg8[%dma_start3A_419, %dma_start3A_420] : memref<2560x16xf32, #tpu.memory_space<vmem>> -> memref<128x16xf32, #tpu.memory_space<vmem>>
    %dma_start3A_422 = arith.constant 0 : i32
    %dma_start3A_423 = tpu.memref_slice %arg7[%dma_start3A_418, %dma_start3A_422] : memref<20x128xi32, #tpu.memory_space<vmem>> -> memref<1x128xi32, #tpu.memory_space<vmem>>
    %dma_start3A_424 = tpu.memref_squeeze %dma_start3A_423 : memref<1x128xi32, #tpu.memory_space<vmem>> -> memref<128xi32, #tpu.memory_space<vmem>>
    %dma_start3A_425 = arith.constant 0 : i32
    %dma_start3A_426 = arith.constant 0 : i32
    %dma_start3A_427 = tpu.memref_slice %arg4[%dma_start3A_425, %dma_start3A_426] : memref<100000x16xf32, #tpu.memory_space<hbm>> -> memref<100000x16xf32, #tpu.memory_space<hbm>>
    tpu.enqueue_indirect_dma source(%dma_start3A_427 : memref<100000x16xf32, #tpu.memory_space<hbm>>) target(%dma_start3A_421 : memref<128x16xf32, #tpu.memory_space<vmem>>) offsets(%dma_start3A_424 : memref<128xi32, #tpu.memory_space<vmem>>) semaphore(%arg9 : memref<!tpu.dma_semaphore, #tpu.memory_space<semaphore_mem>>)
    %dma_start3A_428 = arith.constant 2 : i32
    %dma_start3A_429 = arith.constant 256 : i32
    %dma_start3A_430 = arith.constant 0 : i32
    %dma_start3A_431 = tpu.memref_slice %arg8[%dma_start3A_429, %dma_start3A_430] : memref<2560x16xf32, #tpu.memory_space<vmem>> -> memref<128x16xf32, #tpu.memory_space<vmem>>
    %dma_start3A_432 = arith.constant 0 : i32
    %dma_start3A_433 = tpu.memref_slice %arg7[%dma_start3A_428, %dma_start3A_432] : memref<20x128xi32, #tpu.memory_space<vmem>> -> memref<1x128xi32, #tpu.memory_space<vmem>>
    %dma_start3A_434 = tpu.memref_squeeze %dma_start3A_433 : memref<1x128xi32, #tpu.memory_space<vmem>> -> memref<128xi32, #tpu.memory_space<vmem>>
    %dma_start3A_435 = arith.constant 0 : i32
    %dma_start3A_436 = arith.constant 0 : i32
    %dma_start3A_437 = tpu.memref_slice %arg4[%dma_start3A_435, %dma_start3A_436] : memref<100000x16xf32, #tpu.memory_space<hbm>> -> memref<100000x16xf32, #tpu.memory_space<hbm>>
    tpu.enqueue_indirect_dma source(%dma_start3A_437 : memref<100000x16xf32, #tpu.memory_space<hbm>>) target(%dma_start3A_431 : memref<128x16xf32, #tpu.memory_space<vmem>>) offsets(%dma_start3A_434 : memref<128xi32, #tpu.memory_space<vmem>>) semaphore(%arg9 : memref<!tpu.dma_semaphore, #tpu.memory_space<semaphore_mem>>)
    %dma_start3A_438 = arith.constant 3 : i32
    %dma_start3A_439 = arith.constant 384 : i32
    %dma_start3A_440 = arith.constant 0 : i32
    %dma_start3A_441 = tpu.memref_slice %arg8[%dma_start3A_439, %dma_start3A_440] : memref<2560x16xf32, #tpu.memory_space<vmem>> -> memref<128x16xf32, #tpu.memory_space<vmem>>
    %dma_start3A_442 = arith.constant 0 : i32
    %dma_start3A_443 = tpu.memref_slice %arg7[%dma_start3A_438, %dma_start3A_442] : memref<20x128xi32, #tpu.memory_space<vmem>> -> memref<1x128xi32, #tpu.memory_space<vmem>>
    %dma_start3A_444 = tpu.memref_squeeze %dma_start3A_443 : memref<1x128xi32, #tpu.memory_space<vmem>> -> memref<128xi32, #tpu.memory_space<vmem>>
    %dma_start3A_445 = arith.constant 0 : i32
    %dma_start3A_446 = arith.constant 0 : i32
    %dma_start3A_447 = tpu.memref_slice %arg4[%dma_start3A_445, %dma_start3A_446] : memref<100000x16xf32, #tpu.memory_space<hbm>> -> memref<100000x16xf32, #tpu.memory_space<hbm>>
    tpu.enqueue_indirect_dma source(%dma_start3A_447 : memref<100000x16xf32, #tpu.memory_space<hbm>>) target(%dma_start3A_441 : memref<128x16xf32, #tpu.memory_space<vmem>>) offsets(%dma_start3A_444 : memref<128xi32, #tpu.memory_space<vmem>>) semaphore(%arg9 : memref<!tpu.dma_semaphore, #tpu.memory_space<semaphore_mem>>)
    %dma_start3A_448 = arith.constant 4 : i32
    %dma_start3A_449 = arith.constant 512 : i32
    %dma_start3A_450 = arith.constant 0 : i32
    %dma_start3A_451 = tpu.memref_slice %arg8[%dma_start3A_449, %dma_start3A_450] : memref<2560x16xf32, #tpu.memory_space<vmem>> -> memref<128x16xf32, #tpu.memory_space<vmem>>
    %dma_start3A_452 = arith.constant 0 : i32
    %dma_start3A_453 = tpu.memref_slice %arg7[%dma_start3A_448, %dma_start3A_452] : memref<20x128xi32, #tpu.memory_space<vmem>> -> memref<1x128xi32, #tpu.memory_space<vmem>>
    %dma_start3A_454 = tpu.memref_squeeze %dma_start3A_453 : memref<1x128xi32, #tpu.memory_space<vmem>> -> memref<128xi32, #tpu.memory_space<vmem>>
    %dma_start3A_455 = arith.constant 0 : i32
    %dma_start3A_456 = arith.constant 0 : i32
    %dma_start3A_457 = tpu.memref_slice %arg4[%dma_start3A_455, %dma_start3A_456] : memref<100000x16xf32, #tpu.memory_space<hbm>> -> memref<100000x16xf32, #tpu.memory_space<hbm>>
    tpu.enqueue_indirect_dma source(%dma_start3A_457 : memref<100000x16xf32, #tpu.memory_space<hbm>>) target(%dma_start3A_451 : memref<128x16xf32, #tpu.memory_space<vmem>>) offsets(%dma_start3A_454 : memref<128xi32, #tpu.memory_space<vmem>>) semaphore(%arg9 : memref<!tpu.dma_semaphore, #tpu.memory_space<semaphore_mem>>)
    %dma_start3A_458 = arith.constant 5 : i32
    %dma_start3A_459 = arith.constant 640 : i32
    %dma_start3A_460 = arith.constant 0 : i32
    %dma_start3A_461 = tpu.memref_slice %arg8[%dma_start3A_459, %dma_start3A_460] : memref<2560x16xf32, #tpu.memory_space<vmem>> -> memref<128x16xf32, #tpu.memory_space<vmem>>
    %dma_start3A_462 = arith.constant 0 : i32
    %dma_start3A_463 = tpu.memref_slice %arg7[%dma_start3A_458, %dma_start3A_462] : memref<20x128xi32, #tpu.memory_space<vmem>> -> memref<1x128xi32, #tpu.memory_space<vmem>>
    %dma_start3A_464 = tpu.memref_squeeze %dma_start3A_463 : memref<1x128xi32, #tpu.memory_space<vmem>> -> memref<128xi32, #tpu.memory_space<vmem>>
    %dma_start3A_465 = arith.constant 0 : i32
    %dma_start3A_466 = arith.constant 0 : i32
    %dma_start3A_467 = tpu.memref_slice %arg4[%dma_start3A_465, %dma_start3A_466] : memref<100000x16xf32, #tpu.memory_space<hbm>> -> memref<100000x16xf32, #tpu.memory_space<hbm>>
    tpu.enqueue_indirect_dma source(%dma_start3A_467 : memref<100000x16xf32, #tpu.memory_space<hbm>>) target(%dma_start3A_461 : memref<128x16xf32, #tpu.memory_space<vmem>>) offsets(%dma_start3A_464 : memref<128xi32, #tpu.memory_space<vmem>>) semaphore(%arg9 : memref<!tpu.dma_semaphore, #tpu.memory_space<semaphore_mem>>)
    %dma_start3A_468 = arith.constant 6 : i32
    %dma_start3A_469 = arith.constant 768 : i32
    %dma_start3A_470 = arith.constant 0 : i32
    %dma_start3A_471 = tpu.memref_slice %arg8[%dma_start3A_469, %dma_start3A_470] : memref<2560x16xf32, #tpu.memory_space<vmem>> -> memref<128x16xf32, #tpu.memory_space<vmem>>
    %dma_start3A_472 = arith.constant 0 : i32
    %dma_start3A_473 = tpu.memref_slice %arg7[%dma_start3A_468, %dma_start3A_472] : memref<20x128xi32, #tpu.memory_space<vmem>> -> memref<1x128xi32, #tpu.memory_space<vmem>>
    %dma_start3A_474 = tpu.memref_squeeze %dma_start3A_473 : memref<1x128xi32, #tpu.memory_space<vmem>> -> memref<128xi32, #tpu.memory_space<vmem>>
    %dma_start3A_475 = arith.constant 0 : i32
    %dma_start3A_476 = arith.constant 0 : i32
    %dma_start3A_477 = tpu.memref_slice %arg4[%dma_start3A_475, %dma_start3A_476] : memref<100000x16xf32, #tpu.memory_space<hbm>> -> memref<100000x16xf32, #tpu.memory_space<hbm>>
    tpu.enqueue_indirect_dma source(%dma_start3A_477 : memref<100000x16xf32, #tpu.memory_space<hbm>>) target(%dma_start3A_471 : memref<128x16xf32, #tpu.memory_space<vmem>>) offsets(%dma_start3A_474 : memref<128xi32, #tpu.memory_space<vmem>>) semaphore(%arg9 : memref<!tpu.dma_semaphore, #tpu.memory_space<semaphore_mem>>)
    %dma_start3A_478 = arith.constant 7 : i32
    %dma_start3A_479 = arith.constant 896 : i32
    %dma_start3A_480 = arith.constant 0 : i32
    %dma_start3A_481 = tpu.memref_slice %arg8[%dma_start3A_479, %dma_start3A_480] : memref<2560x16xf32, #tpu.memory_space<vmem>> -> memref<128x16xf32, #tpu.memory_space<vmem>>
    %dma_start3A_482 = arith.constant 0 : i32
    %dma_start3A_483 = tpu.memref_slice %arg7[%dma_start3A_478, %dma_start3A_482] : memref<20x128xi32, #tpu.memory_space<vmem>> -> memref<1x128xi32, #tpu.memory_space<vmem>>
    %dma_start3A_484 = tpu.memref_squeeze %dma_start3A_483 : memref<1x128xi32, #tpu.memory_space<vmem>> -> memref<128xi32, #tpu.memory_space<vmem>>
    %dma_start3A_485 = arith.constant 0 : i32
    %dma_start3A_486 = arith.constant 0 : i32
    %dma_start3A_487 = tpu.memref_slice %arg4[%dma_start3A_485, %dma_start3A_486] : memref<100000x16xf32, #tpu.memory_space<hbm>> -> memref<100000x16xf32, #tpu.memory_space<hbm>>
    tpu.enqueue_indirect_dma source(%dma_start3A_487 : memref<100000x16xf32, #tpu.memory_space<hbm>>) target(%dma_start3A_481 : memref<128x16xf32, #tpu.memory_space<vmem>>) offsets(%dma_start3A_484 : memref<128xi32, #tpu.memory_space<vmem>>) semaphore(%arg9 : memref<!tpu.dma_semaphore, #tpu.memory_space<semaphore_mem>>)
    %dma_start3A_488 = arith.constant 8 : i32
    %dma_start3A_489 = arith.constant 1024 : i32
    %dma_start3A_490 = arith.constant 0 : i32
    %dma_start3A_491 = tpu.memref_slice %arg8[%dma_start3A_489, %dma_start3A_490] : memref<2560x16xf32, #tpu.memory_space<vmem>> -> memref<128x16xf32, #tpu.memory_space<vmem>>
    %dma_start3A_492 = arith.constant 0 : i32
    %dma_start3A_493 = tpu.memref_slice %arg7[%dma_start3A_488, %dma_start3A_492] : memref<20x128xi32, #tpu.memory_space<vmem>> -> memref<1x128xi32, #tpu.memory_space<vmem>>
    %dma_start3A_494 = tpu.memref_squeeze %dma_start3A_493 : memref<1x128xi32, #tpu.memory_space<vmem>> -> memref<128xi32, #tpu.memory_space<vmem>>
    %dma_start3A_495 = arith.constant 0 : i32
    %dma_start3A_496 = arith.constant 0 : i32
    %dma_start3A_497 = tpu.memref_slice %arg4[%dma_start3A_495, %dma_start3A_496] : memref<100000x16xf32, #tpu.memory_space<hbm>> -> memref<100000x16xf32, #tpu.memory_space<hbm>>
    tpu.enqueue_indirect_dma source(%dma_start3A_497 : memref<100000x16xf32, #tpu.memory_space<hbm>>) target(%dma_start3A_491 : memref<128x16xf32, #tpu.memory_space<vmem>>) offsets(%dma_start3A_494 : memref<128xi32, #tpu.memory_space<vmem>>) semaphore(%arg9 : memref<!tpu.dma_semaphore, #tpu.memory_space<semaphore_mem>>)
    %dma_start3A_498 = arith.constant 9 : i32
    %dma_start3A_499 = arith.constant 1152 : i32
    %dma_start3A_500 = arith.constant 0 : i32
    %dma_start3A_501 = tpu.memref_slice %arg8[%dma_start3A_499, %dma_start3A_500] : memref<2560x16xf32, #tpu.memory_space<vmem>> -> memref<128x16xf32, #tpu.memory_space<vmem>>
    %dma_start3A_502 = arith.constant 0 : i32
    %dma_start3A_503 = tpu.memref_slice %arg7[%dma_start3A_498, %dma_start3A_502] : memref<20x128xi32, #tpu.memory_space<vmem>> -> memref<1x128xi32, #tpu.memory_space<vmem>>
    %dma_start3A_504 = tpu.memref_squeeze %dma_start3A_503 : memref<1x128xi32, #tpu.memory_space<vmem>> -> memref<128xi32, #tpu.memory_space<vmem>>
    %dma_start3A_505 = arith.constant 0 : i32
    %dma_start3A_506 = arith.constant 0 : i32
    %dma_start3A_507 = tpu.memref_slice %arg4[%dma_start3A_505, %dma_start3A_506] : memref<100000x16xf32, #tpu.memory_space<hbm>> -> memref<100000x16xf32, #tpu.memory_space<hbm>>
    tpu.enqueue_indirect_dma source(%dma_start3A_507 : memref<100000x16xf32, #tpu.memory_space<hbm>>) target(%dma_start3A_501 : memref<128x16xf32, #tpu.memory_space<vmem>>) offsets(%dma_start3A_504 : memref<128xi32, #tpu.memory_space<vmem>>) semaphore(%arg9 : memref<!tpu.dma_semaphore, #tpu.memory_space<semaphore_mem>>)
    %dma_start3A_508 = arith.constant 10 : i32
    %dma_start3A_509 = arith.constant 1280 : i32
    %dma_start3A_510 = arith.constant 0 : i32
    %dma_start3A_511 = tpu.memref_slice %arg8[%dma_start3A_509, %dma_start3A_510] : memref<2560x16xf32, #tpu.memory_space<vmem>> -> memref<128x16xf32, #tpu.memory_space<vmem>>
    %dma_start3A_512 = arith.constant 0 : i32
    %dma_start3A_513 = tpu.memref_slice %arg7[%dma_start3A_508, %dma_start3A_512] : memref<20x128xi32, #tpu.memory_space<vmem>> -> memref<1x128xi32, #tpu.memory_space<vmem>>
    %dma_start3A_514 = tpu.memref_squeeze %dma_start3A_513 : memref<1x128xi32, #tpu.memory_space<vmem>> -> memref<128xi32, #tpu.memory_space<vmem>>
    %dma_start3A_515 = arith.constant 0 : i32
    %dma_start3A_516 = arith.constant 0 : i32
    %dma_start3A_517 = tpu.memref_slice %arg4[%dma_start3A_515, %dma_start3A_516] : memref<100000x16xf32, #tpu.memory_space<hbm>> -> memref<100000x16xf32, #tpu.memory_space<hbm>>
    tpu.enqueue_indirect_dma source(%dma_start3A_517 : memref<100000x16xf32, #tpu.memory_space<hbm>>) target(%dma_start3A_511 : memref<128x16xf32, #tpu.memory_space<vmem>>) offsets(%dma_start3A_514 : memref<128xi32, #tpu.memory_space<vmem>>) semaphore(%arg9 : memref<!tpu.dma_semaphore, #tpu.memory_space<semaphore_mem>>)
    %dma_start3A_518 = arith.constant 11 : i32
    %dma_start3A_519 = arith.constant 1408 : i32
    %dma_start3A_520 = arith.constant 0 : i32
    %dma_start3A_521 = tpu.memref_slice %arg8[%dma_start3A_519, %dma_start3A_520] : memref<2560x16xf32, #tpu.memory_space<vmem>> -> memref<128x16xf32, #tpu.memory_space<vmem>>
    %dma_start3A_522 = arith.constant 0 : i32
    %dma_start3A_523 = tpu.memref_slice %arg7[%dma_start3A_518, %dma_start3A_522] : memref<20x128xi32, #tpu.memory_space<vmem>> -> memref<1x128xi32, #tpu.memory_space<vmem>>
    %dma_start3A_524 = tpu.memref_squeeze %dma_start3A_523 : memref<1x128xi32, #tpu.memory_space<vmem>> -> memref<128xi32, #tpu.memory_space<vmem>>
    %dma_start3A_525 = arith.constant 0 : i32
    %dma_start3A_526 = arith.constant 0 : i32
    %dma_start3A_527 = tpu.memref_slice %arg4[%dma_start3A_525, %dma_start3A_526] : memref<100000x16xf32, #tpu.memory_space<hbm>> -> memref<100000x16xf32, #tpu.memory_space<hbm>>
    tpu.enqueue_indirect_dma source(%dma_start3A_527 : memref<100000x16xf32, #tpu.memory_space<hbm>>) target(%dma_start3A_521 : memref<128x16xf32, #tpu.memory_space<vmem>>) offsets(%dma_start3A_524 : memref<128xi32, #tpu.memory_space<vmem>>) semaphore(%arg9 : memref<!tpu.dma_semaphore, #tpu.memory_space<semaphore_mem>>)
    %dma_start3A_528 = arith.constant 12 : i32
    %dma_start3A_529 = arith.constant 1536 : i32
    %dma_start3A_530 = arith.constant 0 : i32
    %dma_start3A_531 = tpu.memref_slice %arg8[%dma_start3A_529, %dma_start3A_530] : memref<2560x16xf32, #tpu.memory_space<vmem>> -> memref<128x16xf32, #tpu.memory_space<vmem>>
    %dma_start3A_532 = arith.constant 0 : i32
    %dma_start3A_533 = tpu.memref_slice %arg7[%dma_start3A_528, %dma_start3A_532] : memref<20x128xi32, #tpu.memory_space<vmem>> -> memref<1x128xi32, #tpu.memory_space<vmem>>
    %dma_start3A_534 = tpu.memref_squeeze %dma_start3A_533 : memref<1x128xi32, #tpu.memory_space<vmem>> -> memref<128xi32, #tpu.memory_space<vmem>>
    %dma_start3A_535 = arith.constant 0 : i32
    %dma_start3A_536 = arith.constant 0 : i32
    %dma_start3A_537 = tpu.memref_slice %arg4[%dma_start3A_535, %dma_start3A_536] : memref<100000x16xf32, #tpu.memory_space<hbm>> -> memref<100000x16xf32, #tpu.memory_space<hbm>>
    tpu.enqueue_indirect_dma source(%dma_start3A_537 : memref<100000x16xf32, #tpu.memory_space<hbm>>) target(%dma_start3A_531 : memref<128x16xf32, #tpu.memory_space<vmem>>) offsets(%dma_start3A_534 : memref<128xi32, #tpu.memory_space<vmem>>) semaphore(%arg9 : memref<!tpu.dma_semaphore, #tpu.memory_space<semaphore_mem>>)
    %dma_start3A_538 = arith.constant 13 : i32
    %dma_start3A_539 = arith.constant 1664 : i32
    %dma_start3A_540 = arith.constant 0 : i32
    %dma_start3A_541 = tpu.memref_slice %arg8[%dma_start3A_539, %dma_start3A_540] : memref<2560x16xf32, #tpu.memory_space<vmem>> -> memref<128x16xf32, #tpu.memory_space<vmem>>
    %dma_start3A_542 = arith.constant 0 : i32
    %dma_start3A_543 = tpu.memref_slice %arg7[%dma_start3A_538, %dma_start3A_542] : memref<20x128xi32, #tpu.memory_space<vmem>> -> memref<1x128xi32, #tpu.memory_space<vmem>>
    %dma_start3A_544 = tpu.memref_squeeze %dma_start3A_543 : memref<1x128xi32, #tpu.memory_space<vmem>> -> memref<128xi32, #tpu.memory_space<vmem>>
    %dma_start3A_545 = arith.constant 0 : i32
    %dma_start3A_546 = arith.constant 0 : i32
    %dma_start3A_547 = tpu.memref_slice %arg4[%dma_start3A_545, %dma_start3A_546] : memref<100000x16xf32, #tpu.memory_space<hbm>> -> memref<100000x16xf32, #tpu.memory_space<hbm>>
    tpu.enqueue_indirect_dma source(%dma_start3A_547 : memref<100000x16xf32, #tpu.memory_space<hbm>>) target(%dma_start3A_541 : memref<128x16xf32, #tpu.memory_space<vmem>>) offsets(%dma_start3A_544 : memref<128xi32, #tpu.memory_space<vmem>>) semaphore(%arg9 : memref<!tpu.dma_semaphore, #tpu.memory_space<semaphore_mem>>)
    %dma_start3A_548 = arith.constant 14 : i32
    %dma_start3A_549 = arith.constant 1792 : i32
    %dma_start3A_550 = arith.constant 0 : i32
    %dma_start3A_551 = tpu.memref_slice %arg8[%dma_start3A_549, %dma_start3A_550] : memref<2560x16xf32, #tpu.memory_space<vmem>> -> memref<128x16xf32, #tpu.memory_space<vmem>>
    %dma_start3A_552 = arith.constant 0 : i32
    %dma_start3A_553 = tpu.memref_slice %arg7[%dma_start3A_548, %dma_start3A_552] : memref<20x128xi32, #tpu.memory_space<vmem>> -> memref<1x128xi32, #tpu.memory_space<vmem>>
    %dma_start3A_554 = tpu.memref_squeeze %dma_start3A_553 : memref<1x128xi32, #tpu.memory_space<vmem>> -> memref<128xi32, #tpu.memory_space<vmem>>
    %dma_start3A_555 = arith.constant 0 : i32
    %dma_start3A_556 = arith.constant 0 : i32
    %dma_start3A_557 = tpu.memref_slice %arg4[%dma_start3A_555, %dma_start3A_556] : memref<100000x16xf32, #tpu.memory_space<hbm>> -> memref<100000x16xf32, #tpu.memory_space<hbm>>
    tpu.enqueue_indirect_dma source(%dma_start3A_557 : memref<100000x16xf32, #tpu.memory_space<hbm>>) target(%dma_start3A_551 : memref<128x16xf32, #tpu.memory_space<vmem>>) offsets(%dma_start3A_554 : memref<128xi32, #tpu.memory_space<vmem>>) semaphore(%arg9 : memref<!tpu.dma_semaphore, #tpu.memory_space<semaphore_mem>>)
    %dma_start3A_558 = arith.constant 15 : i32
    %dma_start3A_559 = arith.constant 1920 : i32
    %dma_start3A_560 = arith.constant 0 : i32
    %dma_start3A_561 = tpu.memref_slice %arg8[%dma_start3A_559, %dma_start3A_560] : memref<2560x16xf32, #tpu.memory_space<vmem>> -> memref<128x16xf32, #tpu.memory_space<vmem>>
    %dma_start3A_562 = arith.constant 0 : i32
    %dma_start3A_563 = tpu.memref_slice %arg7[%dma_start3A_558, %dma_start3A_562] : memref<20x128xi32, #tpu.memory_space<vmem>> -> memref<1x128xi32, #tpu.memory_space<vmem>>
    %dma_start3A_564 = tpu.memref_squeeze %dma_start3A_563 : memref<1x128xi32, #tpu.memory_space<vmem>> -> memref<128xi32, #tpu.memory_space<vmem>>
    %dma_start3A_565 = arith.constant 0 : i32
    %dma_start3A_566 = arith.constant 0 : i32
    %dma_start3A_567 = tpu.memref_slice %arg4[%dma_start3A_565, %dma_start3A_566] : memref<100000x16xf32, #tpu.memory_space<hbm>> -> memref<100000x16xf32, #tpu.memory_space<hbm>>
    tpu.enqueue_indirect_dma source(%dma_start3A_567 : memref<100000x16xf32, #tpu.memory_space<hbm>>) target(%dma_start3A_561 : memref<128x16xf32, #tpu.memory_space<vmem>>) offsets(%dma_start3A_564 : memref<128xi32, #tpu.memory_space<vmem>>) semaphore(%arg9 : memref<!tpu.dma_semaphore, #tpu.memory_space<semaphore_mem>>)
    %dma_start3A_568 = arith.constant 16 : i32
    %dma_start3A_569 = arith.constant 2048 : i32
    %dma_start3A_570 = arith.constant 0 : i32
    %dma_start3A_571 = tpu.memref_slice %arg8[%dma_start3A_569, %dma_start3A_570] : memref<2560x16xf32, #tpu.memory_space<vmem>> -> memref<128x16xf32, #tpu.memory_space<vmem>>
    %dma_start3A_572 = arith.constant 0 : i32
    %dma_start3A_573 = tpu.memref_slice %arg7[%dma_start3A_568, %dma_start3A_572] : memref<20x128xi32, #tpu.memory_space<vmem>> -> memref<1x128xi32, #tpu.memory_space<vmem>>
    %dma_start3A_574 = tpu.memref_squeeze %dma_start3A_573 : memref<1x128xi32, #tpu.memory_space<vmem>> -> memref<128xi32, #tpu.memory_space<vmem>>
    %dma_start3A_575 = arith.constant 0 : i32
    %dma_start3A_576 = arith.constant 0 : i32
    %dma_start3A_577 = tpu.memref_slice %arg4[%dma_start3A_575, %dma_start3A_576] : memref<100000x16xf32, #tpu.memory_space<hbm>> -> memref<100000x16xf32, #tpu.memory_space<hbm>>
    tpu.enqueue_indirect_dma source(%dma_start3A_577 : memref<100000x16xf32, #tpu.memory_space<hbm>>) target(%dma_start3A_571 : memref<128x16xf32, #tpu.memory_space<vmem>>) offsets(%dma_start3A_574 : memref<128xi32, #tpu.memory_space<vmem>>) semaphore(%arg9 : memref<!tpu.dma_semaphore, #tpu.memory_space<semaphore_mem>>)
    %dma_start3A_578 = arith.constant 17 : i32
    %dma_start3A_579 = arith.constant 2176 : i32
    %dma_start3A_580 = arith.constant 0 : i32
    %dma_start3A_581 = tpu.memref_slice %arg8[%dma_start3A_579, %dma_start3A_580] : memref<2560x16xf32, #tpu.memory_space<vmem>> -> memref<128x16xf32, #tpu.memory_space<vmem>>
    %dma_start3A_582 = arith.constant 0 : i32
    %dma_start3A_583 = tpu.memref_slice %arg7[%dma_start3A_578, %dma_start3A_582] : memref<20x128xi32, #tpu.memory_space<vmem>> -> memref<1x128xi32, #tpu.memory_space<vmem>>
    %dma_start3A_584 = tpu.memref_squeeze %dma_start3A_583 : memref<1x128xi32, #tpu.memory_space<vmem>> -> memref<128xi32, #tpu.memory_space<vmem>>
    %dma_start3A_585 = arith.constant 0 : i32
    %dma_start3A_586 = arith.constant 0 : i32
    %dma_start3A_587 = tpu.memref_slice %arg4[%dma_start3A_585, %dma_start3A_586] : memref<100000x16xf32, #tpu.memory_space<hbm>> -> memref<100000x16xf32, #tpu.memory_space<hbm>>
    tpu.enqueue_indirect_dma source(%dma_start3A_587 : memref<100000x16xf32, #tpu.memory_space<hbm>>) target(%dma_start3A_581 : memref<128x16xf32, #tpu.memory_space<vmem>>) offsets(%dma_start3A_584 : memref<128xi32, #tpu.memory_space<vmem>>) semaphore(%arg9 : memref<!tpu.dma_semaphore, #tpu.memory_space<semaphore_mem>>)
    %dma_start3A_588 = arith.constant 18 : i32
    %dma_start3A_589 = arith.constant 2304 : i32
    %dma_start3A_590 = arith.constant 0 : i32
    %dma_start3A_591 = tpu.memref_slice %arg8[%dma_start3A_589, %dma_start3A_590] : memref<2560x16xf32, #tpu.memory_space<vmem>> -> memref<128x16xf32, #tpu.memory_space<vmem>>
    %dma_start3A_592 = arith.constant 0 : i32
    %dma_start3A_593 = tpu.memref_slice %arg7[%dma_start3A_588, %dma_start3A_592] : memref<20x128xi32, #tpu.memory_space<vmem>> -> memref<1x128xi32, #tpu.memory_space<vmem>>
    %dma_start3A_594 = tpu.memref_squeeze %dma_start3A_593 : memref<1x128xi32, #tpu.memory_space<vmem>> -> memref<128xi32, #tpu.memory_space<vmem>>
    %dma_start3A_595 = arith.constant 0 : i32
    %dma_start3A_596 = arith.constant 0 : i32
    %dma_start3A_597 = tpu.memref_slice %arg4[%dma_start3A_595, %dma_start3A_596] : memref<100000x16xf32, #tpu.memory_space<hbm>> -> memref<100000x16xf32, #tpu.memory_space<hbm>>
    tpu.enqueue_indirect_dma source(%dma_start3A_597 : memref<100000x16xf32, #tpu.memory_space<hbm>>) target(%dma_start3A_591 : memref<128x16xf32, #tpu.memory_space<vmem>>) offsets(%dma_start3A_594 : memref<128xi32, #tpu.memory_space<vmem>>) semaphore(%arg9 : memref<!tpu.dma_semaphore, #tpu.memory_space<semaphore_mem>>)
    %dma_start3A_598 = arith.constant 19 : i32
    %dma_start3A_599 = arith.constant 2432 : i32
    %dma_start3A_600 = arith.constant 0 : i32
    %dma_start3A_601 = tpu.memref_slice %arg8[%dma_start3A_599, %dma_start3A_600] : memref<2560x16xf32, #tpu.memory_space<vmem>> -> memref<128x16xf32, #tpu.memory_space<vmem>>
    %dma_start3A_602 = arith.constant 0 : i32
    %dma_start3A_603 = tpu.memref_slice %arg7[%dma_start3A_598, %dma_start3A_602] : memref<20x128xi32, #tpu.memory_space<vmem>> -> memref<1x128xi32, #tpu.memory_space<vmem>>
    %dma_start3A_604 = tpu.memref_squeeze %dma_start3A_603 : memref<1x128xi32, #tpu.memory_space<vmem>> -> memref<128xi32, #tpu.memory_space<vmem>>
    %dma_start3A_605 = arith.constant 0 : i32
    %dma_start3A_606 = arith.constant 0 : i32
    %dma_start3A_607 = tpu.memref_slice %arg4[%dma_start3A_605, %dma_start3A_606] : memref<100000x16xf32, #tpu.memory_space<hbm>> -> memref<100000x16xf32, #tpu.memory_space<hbm>>
    tpu.enqueue_indirect_dma source(%dma_start3A_607 : memref<100000x16xf32, #tpu.memory_space<hbm>>) target(%dma_start3A_601 : memref<128x16xf32, #tpu.memory_space<vmem>>) offsets(%dma_start3A_604 : memref<128xi32, #tpu.memory_space<vmem>>) semaphore(%arg9 : memref<!tpu.dma_semaphore, #tpu.memory_space<semaphore_mem>>)
    %dma_wait3A_608 = arith.constant 0 : i32
    %dma_wait3A_609 = arith.constant 0 : i32
    %dma_wait3A_610 = arith.constant 0 : i32
    %dma_wait3A_611 = tpu.memref_slice %arg8[%dma_wait3A_609, %dma_wait3A_610] : memref<2560x16xf32, #tpu.memory_space<vmem>> -> memref<128x16xf32, #tpu.memory_space<vmem>>
    %dma_wait3A_612 = arith.constant 0 : i32
    %dma_wait3A_613 = tpu.memref_slice %arg7[%dma_wait3A_608, %dma_wait3A_612] : memref<20x128xi32, #tpu.memory_space<vmem>> -> memref<1x128xi32, #tpu.memory_space<vmem>>
    %dma_wait3A_614 = tpu.memref_squeeze %dma_wait3A_613 : memref<1x128xi32, #tpu.memory_space<vmem>> -> memref<128xi32, #tpu.memory_space<vmem>>
    %dma_wait3A_615 = arith.constant 0 : i32
    %dma_wait3A_616 = arith.constant 0 : i32
    %dma_wait3A_617 = tpu.memref_slice %arg4[%dma_wait3A_615, %dma_wait3A_616] : memref<100000x16xf32, #tpu.memory_space<hbm>> -> memref<100000x16xf32, #tpu.memory_space<hbm>>
    tpu.wait_indirect_dma semaphore(%arg9 : memref<!tpu.dma_semaphore, #tpu.memory_space<semaphore_mem>>) src(%dma_wait3A_617 : memref<100000x16xf32, #tpu.memory_space<hbm>>) dst(%dma_wait3A_611 : memref<128x16xf32, #tpu.memory_space<vmem>>)
    %dma_wait3A_618 = arith.constant 1 : i32
    %dma_wait3A_619 = arith.constant 128 : i32
    %dma_wait3A_620 = arith.constant 0 : i32
    %dma_wait3A_621 = tpu.memref_slice %arg8[%dma_wait3A_619, %dma_wait3A_620] : memref<2560x16xf32, #tpu.memory_space<vmem>> -> memref<128x16xf32, #tpu.memory_space<vmem>>
    %dma_wait3A_622 = arith.constant 0 : i32
    %dma_wait3A_623 = tpu.memref_slice %arg7[%dma_wait3A_618, %dma_wait3A_622] : memref<20x128xi32, #tpu.memory_space<vmem>> -> memref<1x128xi32, #tpu.memory_space<vmem>>
    %dma_wait3A_624 = tpu.memref_squeeze %dma_wait3A_623 : memref<1x128xi32, #tpu.memory_space<vmem>> -> memref<128xi32, #tpu.memory_space<vmem>>
    %dma_wait3A_625 = arith.constant 0 : i32
    %dma_wait3A_626 = arith.constant 0 : i32
    %dma_wait3A_627 = tpu.memref_slice %arg4[%dma_wait3A_625, %dma_wait3A_626] : memref<100000x16xf32, #tpu.memory_space<hbm>> -> memref<100000x16xf32, #tpu.memory_space<hbm>>
    tpu.wait_indirect_dma semaphore(%arg9 : memref<!tpu.dma_semaphore, #tpu.memory_space<semaphore_mem>>) src(%dma_wait3A_627 : memref<100000x16xf32, #tpu.memory_space<hbm>>) dst(%dma_wait3A_621 : memref<128x16xf32, #tpu.memory_space<vmem>>)
    %dma_wait3A_628 = arith.constant 2 : i32
    %dma_wait3A_629 = arith.constant 256 : i32
    %dma_wait3A_630 = arith.constant 0 : i32
    %dma_wait3A_631 = tpu.memref_slice %arg8[%dma_wait3A_629, %dma_wait3A_630] : memref<2560x16xf32, #tpu.memory_space<vmem>> -> memref<128x16xf32, #tpu.memory_space<vmem>>
    %dma_wait3A_632 = arith.constant 0 : i32
    %dma_wait3A_633 = tpu.memref_slice %arg7[%dma_wait3A_628, %dma_wait3A_632] : memref<20x128xi32, #tpu.memory_space<vmem>> -> memref<1x128xi32, #tpu.memory_space<vmem>>
    %dma_wait3A_634 = tpu.memref_squeeze %dma_wait3A_633 : memref<1x128xi32, #tpu.memory_space<vmem>> -> memref<128xi32, #tpu.memory_space<vmem>>
    %dma_wait3A_635 = arith.constant 0 : i32
    %dma_wait3A_636 = arith.constant 0 : i32
    %dma_wait3A_637 = tpu.memref_slice %arg4[%dma_wait3A_635, %dma_wait3A_636] : memref<100000x16xf32, #tpu.memory_space<hbm>> -> memref<100000x16xf32, #tpu.memory_space<hbm>>
    tpu.wait_indirect_dma semaphore(%arg9 : memref<!tpu.dma_semaphore, #tpu.memory_space<semaphore_mem>>) src(%dma_wait3A_637 : memref<100000x16xf32, #tpu.memory_space<hbm>>) dst(%dma_wait3A_631 : memref<128x16xf32, #tpu.memory_space<vmem>>)
    %dma_wait3A_638 = arith.constant 3 : i32
    %dma_wait3A_639 = arith.constant 384 : i32
    %dma_wait3A_640 = arith.constant 0 : i32
    %dma_wait3A_641 = tpu.memref_slice %arg8[%dma_wait3A_639, %dma_wait3A_640] : memref<2560x16xf32, #tpu.memory_space<vmem>> -> memref<128x16xf32, #tpu.memory_space<vmem>>
    %dma_wait3A_642 = arith.constant 0 : i32
    %dma_wait3A_643 = tpu.memref_slice %arg7[%dma_wait3A_638, %dma_wait3A_642] : memref<20x128xi32, #tpu.memory_space<vmem>> -> memref<1x128xi32, #tpu.memory_space<vmem>>
    %dma_wait3A_644 = tpu.memref_squeeze %dma_wait3A_643 : memref<1x128xi32, #tpu.memory_space<vmem>> -> memref<128xi32, #tpu.memory_space<vmem>>
    %dma_wait3A_645 = arith.constant 0 : i32
    %dma_wait3A_646 = arith.constant 0 : i32
    %dma_wait3A_647 = tpu.memref_slice %arg4[%dma_wait3A_645, %dma_wait3A_646] : memref<100000x16xf32, #tpu.memory_space<hbm>> -> memref<100000x16xf32, #tpu.memory_space<hbm>>
    tpu.wait_indirect_dma semaphore(%arg9 : memref<!tpu.dma_semaphore, #tpu.memory_space<semaphore_mem>>) src(%dma_wait3A_647 : memref<100000x16xf32, #tpu.memory_space<hbm>>) dst(%dma_wait3A_641 : memref<128x16xf32, #tpu.memory_space<vmem>>)
    %dma_wait3A_648 = arith.constant 4 : i32
    %dma_wait3A_649 = arith.constant 512 : i32
    %dma_wait3A_650 = arith.constant 0 : i32
    %dma_wait3A_651 = tpu.memref_slice %arg8[%dma_wait3A_649, %dma_wait3A_650] : memref<2560x16xf32, #tpu.memory_space<vmem>> -> memref<128x16xf32, #tpu.memory_space<vmem>>
    %dma_wait3A_652 = arith.constant 0 : i32
    %dma_wait3A_653 = tpu.memref_slice %arg7[%dma_wait3A_648, %dma_wait3A_652] : memref<20x128xi32, #tpu.memory_space<vmem>> -> memref<1x128xi32, #tpu.memory_space<vmem>>
    %dma_wait3A_654 = tpu.memref_squeeze %dma_wait3A_653 : memref<1x128xi32, #tpu.memory_space<vmem>> -> memref<128xi32, #tpu.memory_space<vmem>>
    %dma_wait3A_655 = arith.constant 0 : i32
    %dma_wait3A_656 = arith.constant 0 : i32
    %dma_wait3A_657 = tpu.memref_slice %arg4[%dma_wait3A_655, %dma_wait3A_656] : memref<100000x16xf32, #tpu.memory_space<hbm>> -> memref<100000x16xf32, #tpu.memory_space<hbm>>
    tpu.wait_indirect_dma semaphore(%arg9 : memref<!tpu.dma_semaphore, #tpu.memory_space<semaphore_mem>>) src(%dma_wait3A_657 : memref<100000x16xf32, #tpu.memory_space<hbm>>) dst(%dma_wait3A_651 : memref<128x16xf32, #tpu.memory_space<vmem>>)
    %dma_wait3A_658 = arith.constant 5 : i32
    %dma_wait3A_659 = arith.constant 640 : i32
    %dma_wait3A_660 = arith.constant 0 : i32
    %dma_wait3A_661 = tpu.memref_slice %arg8[%dma_wait3A_659, %dma_wait3A_660] : memref<2560x16xf32, #tpu.memory_space<vmem>> -> memref<128x16xf32, #tpu.memory_space<vmem>>
    %dma_wait3A_662 = arith.constant 0 : i32
    %dma_wait3A_663 = tpu.memref_slice %arg7[%dma_wait3A_658, %dma_wait3A_662] : memref<20x128xi32, #tpu.memory_space<vmem>> -> memref<1x128xi32, #tpu.memory_space<vmem>>
    %dma_wait3A_664 = tpu.memref_squeeze %dma_wait3A_663 : memref<1x128xi32, #tpu.memory_space<vmem>> -> memref<128xi32, #tpu.memory_space<vmem>>
    %dma_wait3A_665 = arith.constant 0 : i32
    %dma_wait3A_666 = arith.constant 0 : i32
    %dma_wait3A_667 = tpu.memref_slice %arg4[%dma_wait3A_665, %dma_wait3A_666] : memref<100000x16xf32, #tpu.memory_space<hbm>> -> memref<100000x16xf32, #tpu.memory_space<hbm>>
    tpu.wait_indirect_dma semaphore(%arg9 : memref<!tpu.dma_semaphore, #tpu.memory_space<semaphore_mem>>) src(%dma_wait3A_667 : memref<100000x16xf32, #tpu.memory_space<hbm>>) dst(%dma_wait3A_661 : memref<128x16xf32, #tpu.memory_space<vmem>>)
    %dma_wait3A_668 = arith.constant 6 : i32
    %dma_wait3A_669 = arith.constant 768 : i32
    %dma_wait3A_670 = arith.constant 0 : i32
    %dma_wait3A_671 = tpu.memref_slice %arg8[%dma_wait3A_669, %dma_wait3A_670] : memref<2560x16xf32, #tpu.memory_space<vmem>> -> memref<128x16xf32, #tpu.memory_space<vmem>>
    %dma_wait3A_672 = arith.constant 0 : i32
    %dma_wait3A_673 = tpu.memref_slice %arg7[%dma_wait3A_668, %dma_wait3A_672] : memref<20x128xi32, #tpu.memory_space<vmem>> -> memref<1x128xi32, #tpu.memory_space<vmem>>
    %dma_wait3A_674 = tpu.memref_squeeze %dma_wait3A_673 : memref<1x128xi32, #tpu.memory_space<vmem>> -> memref<128xi32, #tpu.memory_space<vmem>>
    %dma_wait3A_675 = arith.constant 0 : i32
    %dma_wait3A_676 = arith.constant 0 : i32
    %dma_wait3A_677 = tpu.memref_slice %arg4[%dma_wait3A_675, %dma_wait3A_676] : memref<100000x16xf32, #tpu.memory_space<hbm>> -> memref<100000x16xf32, #tpu.memory_space<hbm>>
    tpu.wait_indirect_dma semaphore(%arg9 : memref<!tpu.dma_semaphore, #tpu.memory_space<semaphore_mem>>) src(%dma_wait3A_677 : memref<100000x16xf32, #tpu.memory_space<hbm>>) dst(%dma_wait3A_671 : memref<128x16xf32, #tpu.memory_space<vmem>>)
    %dma_wait3A_678 = arith.constant 7 : i32
    %dma_wait3A_679 = arith.constant 896 : i32
    %dma_wait3A_680 = arith.constant 0 : i32
    %dma_wait3A_681 = tpu.memref_slice %arg8[%dma_wait3A_679, %dma_wait3A_680] : memref<2560x16xf32, #tpu.memory_space<vmem>> -> memref<128x16xf32, #tpu.memory_space<vmem>>
    %dma_wait3A_682 = arith.constant 0 : i32
    %dma_wait3A_683 = tpu.memref_slice %arg7[%dma_wait3A_678, %dma_wait3A_682] : memref<20x128xi32, #tpu.memory_space<vmem>> -> memref<1x128xi32, #tpu.memory_space<vmem>>
    %dma_wait3A_684 = tpu.memref_squeeze %dma_wait3A_683 : memref<1x128xi32, #tpu.memory_space<vmem>> -> memref<128xi32, #tpu.memory_space<vmem>>
    %dma_wait3A_685 = arith.constant 0 : i32
    %dma_wait3A_686 = arith.constant 0 : i32
    %dma_wait3A_687 = tpu.memref_slice %arg4[%dma_wait3A_685, %dma_wait3A_686] : memref<100000x16xf32, #tpu.memory_space<hbm>> -> memref<100000x16xf32, #tpu.memory_space<hbm>>
    tpu.wait_indirect_dma semaphore(%arg9 : memref<!tpu.dma_semaphore, #tpu.memory_space<semaphore_mem>>) src(%dma_wait3A_687 : memref<100000x16xf32, #tpu.memory_space<hbm>>) dst(%dma_wait3A_681 : memref<128x16xf32, #tpu.memory_space<vmem>>)
    %dma_wait3A_688 = arith.constant 8 : i32
    %dma_wait3A_689 = arith.constant 1024 : i32
    %dma_wait3A_690 = arith.constant 0 : i32
    %dma_wait3A_691 = tpu.memref_slice %arg8[%dma_wait3A_689, %dma_wait3A_690] : memref<2560x16xf32, #tpu.memory_space<vmem>> -> memref<128x16xf32, #tpu.memory_space<vmem>>
    %dma_wait3A_692 = arith.constant 0 : i32
    %dma_wait3A_693 = tpu.memref_slice %arg7[%dma_wait3A_688, %dma_wait3A_692] : memref<20x128xi32, #tpu.memory_space<vmem>> -> memref<1x128xi32, #tpu.memory_space<vmem>>
    %dma_wait3A_694 = tpu.memref_squeeze %dma_wait3A_693 : memref<1x128xi32, #tpu.memory_space<vmem>> -> memref<128xi32, #tpu.memory_space<vmem>>
    %dma_wait3A_695 = arith.constant 0 : i32
    %dma_wait3A_696 = arith.constant 0 : i32
    %dma_wait3A_697 = tpu.memref_slice %arg4[%dma_wait3A_695, %dma_wait3A_696] : memref<100000x16xf32, #tpu.memory_space<hbm>> -> memref<100000x16xf32, #tpu.memory_space<hbm>>
    tpu.wait_indirect_dma semaphore(%arg9 : memref<!tpu.dma_semaphore, #tpu.memory_space<semaphore_mem>>) src(%dma_wait3A_697 : memref<100000x16xf32, #tpu.memory_space<hbm>>) dst(%dma_wait3A_691 : memref<128x16xf32, #tpu.memory_space<vmem>>)
    %dma_wait3A_698 = arith.constant 9 : i32
    %dma_wait3A_699 = arith.constant 1152 : i32
    %dma_wait3A_700 = arith.constant 0 : i32
    %dma_wait3A_701 = tpu.memref_slice %arg8[%dma_wait3A_699, %dma_wait3A_700] : memref<2560x16xf32, #tpu.memory_space<vmem>> -> memref<128x16xf32, #tpu.memory_space<vmem>>
    %dma_wait3A_702 = arith.constant 0 : i32
    %dma_wait3A_703 = tpu.memref_slice %arg7[%dma_wait3A_698, %dma_wait3A_702] : memref<20x128xi32, #tpu.memory_space<vmem>> -> memref<1x128xi32, #tpu.memory_space<vmem>>
    %dma_wait3A_704 = tpu.memref_squeeze %dma_wait3A_703 : memref<1x128xi32, #tpu.memory_space<vmem>> -> memref<128xi32, #tpu.memory_space<vmem>>
    %dma_wait3A_705 = arith.constant 0 : i32
    %dma_wait3A_706 = arith.constant 0 : i32
    %dma_wait3A_707 = tpu.memref_slice %arg4[%dma_wait3A_705, %dma_wait3A_706] : memref<100000x16xf32, #tpu.memory_space<hbm>> -> memref<100000x16xf32, #tpu.memory_space<hbm>>
    tpu.wait_indirect_dma semaphore(%arg9 : memref<!tpu.dma_semaphore, #tpu.memory_space<semaphore_mem>>) src(%dma_wait3A_707 : memref<100000x16xf32, #tpu.memory_space<hbm>>) dst(%dma_wait3A_701 : memref<128x16xf32, #tpu.memory_space<vmem>>)
    %dma_wait3A_708 = arith.constant 10 : i32
    %dma_wait3A_709 = arith.constant 1280 : i32
    %dma_wait3A_710 = arith.constant 0 : i32
    %dma_wait3A_711 = tpu.memref_slice %arg8[%dma_wait3A_709, %dma_wait3A_710] : memref<2560x16xf32, #tpu.memory_space<vmem>> -> memref<128x16xf32, #tpu.memory_space<vmem>>
    %dma_wait3A_712 = arith.constant 0 : i32
    %dma_wait3A_713 = tpu.memref_slice %arg7[%dma_wait3A_708, %dma_wait3A_712] : memref<20x128xi32, #tpu.memory_space<vmem>> -> memref<1x128xi32, #tpu.memory_space<vmem>>
    %dma_wait3A_714 = tpu.memref_squeeze %dma_wait3A_713 : memref<1x128xi32, #tpu.memory_space<vmem>> -> memref<128xi32, #tpu.memory_space<vmem>>
    %dma_wait3A_715 = arith.constant 0 : i32
    %dma_wait3A_716 = arith.constant 0 : i32
    %dma_wait3A_717 = tpu.memref_slice %arg4[%dma_wait3A_715, %dma_wait3A_716] : memref<100000x16xf32, #tpu.memory_space<hbm>> -> memref<100000x16xf32, #tpu.memory_space<hbm>>
    tpu.wait_indirect_dma semaphore(%arg9 : memref<!tpu.dma_semaphore, #tpu.memory_space<semaphore_mem>>) src(%dma_wait3A_717 : memref<100000x16xf32, #tpu.memory_space<hbm>>) dst(%dma_wait3A_711 : memref<128x16xf32, #tpu.memory_space<vmem>>)
    %dma_wait3A_718 = arith.constant 11 : i32
    %dma_wait3A_719 = arith.constant 1408 : i32
    %dma_wait3A_720 = arith.constant 0 : i32
    %dma_wait3A_721 = tpu.memref_slice %arg8[%dma_wait3A_719, %dma_wait3A_720] : memref<2560x16xf32, #tpu.memory_space<vmem>> -> memref<128x16xf32, #tpu.memory_space<vmem>>
    %dma_wait3A_722 = arith.constant 0 : i32
    %dma_wait3A_723 = tpu.memref_slice %arg7[%dma_wait3A_718, %dma_wait3A_722] : memref<20x128xi32, #tpu.memory_space<vmem>> -> memref<1x128xi32, #tpu.memory_space<vmem>>
    %dma_wait3A_724 = tpu.memref_squeeze %dma_wait3A_723 : memref<1x128xi32, #tpu.memory_space<vmem>> -> memref<128xi32, #tpu.memory_space<vmem>>
    %dma_wait3A_725 = arith.constant 0 : i32
    %dma_wait3A_726 = arith.constant 0 : i32
    %dma_wait3A_727 = tpu.memref_slice %arg4[%dma_wait3A_725, %dma_wait3A_726] : memref<100000x16xf32, #tpu.memory_space<hbm>> -> memref<100000x16xf32, #tpu.memory_space<hbm>>
    tpu.wait_indirect_dma semaphore(%arg9 : memref<!tpu.dma_semaphore, #tpu.memory_space<semaphore_mem>>) src(%dma_wait3A_727 : memref<100000x16xf32, #tpu.memory_space<hbm>>) dst(%dma_wait3A_721 : memref<128x16xf32, #tpu.memory_space<vmem>>)
    %dma_wait3A_728 = arith.constant 12 : i32
    %dma_wait3A_729 = arith.constant 1536 : i32
    %dma_wait3A_730 = arith.constant 0 : i32
    %dma_wait3A_731 = tpu.memref_slice %arg8[%dma_wait3A_729, %dma_wait3A_730] : memref<2560x16xf32, #tpu.memory_space<vmem>> -> memref<128x16xf32, #tpu.memory_space<vmem>>
    %dma_wait3A_732 = arith.constant 0 : i32
    %dma_wait3A_733 = tpu.memref_slice %arg7[%dma_wait3A_728, %dma_wait3A_732] : memref<20x128xi32, #tpu.memory_space<vmem>> -> memref<1x128xi32, #tpu.memory_space<vmem>>
    %dma_wait3A_734 = tpu.memref_squeeze %dma_wait3A_733 : memref<1x128xi32, #tpu.memory_space<vmem>> -> memref<128xi32, #tpu.memory_space<vmem>>
    %dma_wait3A_735 = arith.constant 0 : i32
    %dma_wait3A_736 = arith.constant 0 : i32
    %dma_wait3A_737 = tpu.memref_slice %arg4[%dma_wait3A_735, %dma_wait3A_736] : memref<100000x16xf32, #tpu.memory_space<hbm>> -> memref<100000x16xf32, #tpu.memory_space<hbm>>
    tpu.wait_indirect_dma semaphore(%arg9 : memref<!tpu.dma_semaphore, #tpu.memory_space<semaphore_mem>>) src(%dma_wait3A_737 : memref<100000x16xf32, #tpu.memory_space<hbm>>) dst(%dma_wait3A_731 : memref<128x16xf32, #tpu.memory_space<vmem>>)
    %dma_wait3A_738 = arith.constant 13 : i32
    %dma_wait3A_739 = arith.constant 1664 : i32
    %dma_wait3A_740 = arith.constant 0 : i32
    %dma_wait3A_741 = tpu.memref_slice %arg8[%dma_wait3A_739, %dma_wait3A_740] : memref<2560x16xf32, #tpu.memory_space<vmem>> -> memref<128x16xf32, #tpu.memory_space<vmem>>
    %dma_wait3A_742 = arith.constant 0 : i32
    %dma_wait3A_743 = tpu.memref_slice %arg7[%dma_wait3A_738, %dma_wait3A_742] : memref<20x128xi32, #tpu.memory_space<vmem>> -> memref<1x128xi32, #tpu.memory_space<vmem>>
    %dma_wait3A_744 = tpu.memref_squeeze %dma_wait3A_743 : memref<1x128xi32, #tpu.memory_space<vmem>> -> memref<128xi32, #tpu.memory_space<vmem>>
    %dma_wait3A_745 = arith.constant 0 : i32
    %dma_wait3A_746 = arith.constant 0 : i32
    %dma_wait3A_747 = tpu.memref_slice %arg4[%dma_wait3A_745, %dma_wait3A_746] : memref<100000x16xf32, #tpu.memory_space<hbm>> -> memref<100000x16xf32, #tpu.memory_space<hbm>>
    tpu.wait_indirect_dma semaphore(%arg9 : memref<!tpu.dma_semaphore, #tpu.memory_space<semaphore_mem>>) src(%dma_wait3A_747 : memref<100000x16xf32, #tpu.memory_space<hbm>>) dst(%dma_wait3A_741 : memref<128x16xf32, #tpu.memory_space<vmem>>)
    %dma_wait3A_748 = arith.constant 14 : i32
    %dma_wait3A_749 = arith.constant 1792 : i32
    %dma_wait3A_750 = arith.constant 0 : i32
    %dma_wait3A_751 = tpu.memref_slice %arg8[%dma_wait3A_749, %dma_wait3A_750] : memref<2560x16xf32, #tpu.memory_space<vmem>> -> memref<128x16xf32, #tpu.memory_space<vmem>>
    %dma_wait3A_752 = arith.constant 0 : i32
    %dma_wait3A_753 = tpu.memref_slice %arg7[%dma_wait3A_748, %dma_wait3A_752] : memref<20x128xi32, #tpu.memory_space<vmem>> -> memref<1x128xi32, #tpu.memory_space<vmem>>
    %dma_wait3A_754 = tpu.memref_squeeze %dma_wait3A_753 : memref<1x128xi32, #tpu.memory_space<vmem>> -> memref<128xi32, #tpu.memory_space<vmem>>
    %dma_wait3A_755 = arith.constant 0 : i32
    %dma_wait3A_756 = arith.constant 0 : i32
    %dma_wait3A_757 = tpu.memref_slice %arg4[%dma_wait3A_755, %dma_wait3A_756] : memref<100000x16xf32, #tpu.memory_space<hbm>> -> memref<100000x16xf32, #tpu.memory_space<hbm>>
    tpu.wait_indirect_dma semaphore(%arg9 : memref<!tpu.dma_semaphore, #tpu.memory_space<semaphore_mem>>) src(%dma_wait3A_757 : memref<100000x16xf32, #tpu.memory_space<hbm>>) dst(%dma_wait3A_751 : memref<128x16xf32, #tpu.memory_space<vmem>>)
    %dma_wait3A_758 = arith.constant 15 : i32
    %dma_wait3A_759 = arith.constant 1920 : i32
    %dma_wait3A_760 = arith.constant 0 : i32
    %dma_wait3A_761 = tpu.memref_slice %arg8[%dma_wait3A_759, %dma_wait3A_760] : memref<2560x16xf32, #tpu.memory_space<vmem>> -> memref<128x16xf32, #tpu.memory_space<vmem>>
    %dma_wait3A_762 = arith.constant 0 : i32
    %dma_wait3A_763 = tpu.memref_slice %arg7[%dma_wait3A_758, %dma_wait3A_762] : memref<20x128xi32, #tpu.memory_space<vmem>> -> memref<1x128xi32, #tpu.memory_space<vmem>>
    %dma_wait3A_764 = tpu.memref_squeeze %dma_wait3A_763 : memref<1x128xi32, #tpu.memory_space<vmem>> -> memref<128xi32, #tpu.memory_space<vmem>>
    %dma_wait3A_765 = arith.constant 0 : i32
    %dma_wait3A_766 = arith.constant 0 : i32
    %dma_wait3A_767 = tpu.memref_slice %arg4[%dma_wait3A_765, %dma_wait3A_766] : memref<100000x16xf32, #tpu.memory_space<hbm>> -> memref<100000x16xf32, #tpu.memory_space<hbm>>
    tpu.wait_indirect_dma semaphore(%arg9 : memref<!tpu.dma_semaphore, #tpu.memory_space<semaphore_mem>>) src(%dma_wait3A_767 : memref<100000x16xf32, #tpu.memory_space<hbm>>) dst(%dma_wait3A_761 : memref<128x16xf32, #tpu.memory_space<vmem>>)
    %dma_wait3A_768 = arith.constant 16 : i32
    %dma_wait3A_769 = arith.constant 2048 : i32
    %dma_wait3A_770 = arith.constant 0 : i32
    %dma_wait3A_771 = tpu.memref_slice %arg8[%dma_wait3A_769, %dma_wait3A_770] : memref<2560x16xf32, #tpu.memory_space<vmem>> -> memref<128x16xf32, #tpu.memory_space<vmem>>
    %dma_wait3A_772 = arith.constant 0 : i32
    %dma_wait3A_773 = tpu.memref_slice %arg7[%dma_wait3A_768, %dma_wait3A_772] : memref<20x128xi32, #tpu.memory_space<vmem>> -> memref<1x128xi32, #tpu.memory_space<vmem>>
    %dma_wait3A_774 = tpu.memref_squeeze %dma_wait3A_773 : memref<1x128xi32, #tpu.memory_space<vmem>> -> memref<128xi32, #tpu.memory_space<vmem>>
    %dma_wait3A_775 = arith.constant 0 : i32
    %dma_wait3A_776 = arith.constant 0 : i32
    %dma_wait3A_777 = tpu.memref_slice %arg4[%dma_wait3A_775, %dma_wait3A_776] : memref<100000x16xf32, #tpu.memory_space<hbm>> -> memref<100000x16xf32, #tpu.memory_space<hbm>>
    tpu.wait_indirect_dma semaphore(%arg9 : memref<!tpu.dma_semaphore, #tpu.memory_space<semaphore_mem>>) src(%dma_wait3A_777 : memref<100000x16xf32, #tpu.memory_space<hbm>>) dst(%dma_wait3A_771 : memref<128x16xf32, #tpu.memory_space<vmem>>)
    %dma_wait3A_778 = arith.constant 17 : i32
    %dma_wait3A_779 = arith.constant 2176 : i32
    %dma_wait3A_780 = arith.constant 0 : i32
    %dma_wait3A_781 = tpu.memref_slice %arg8[%dma_wait3A_779, %dma_wait3A_780] : memref<2560x16xf32, #tpu.memory_space<vmem>> -> memref<128x16xf32, #tpu.memory_space<vmem>>
    %dma_wait3A_782 = arith.constant 0 : i32
    %dma_wait3A_783 = tpu.memref_slice %arg7[%dma_wait3A_778, %dma_wait3A_782] : memref<20x128xi32, #tpu.memory_space<vmem>> -> memref<1x128xi32, #tpu.memory_space<vmem>>
    %dma_wait3A_784 = tpu.memref_squeeze %dma_wait3A_783 : memref<1x128xi32, #tpu.memory_space<vmem>> -> memref<128xi32, #tpu.memory_space<vmem>>
    %dma_wait3A_785 = arith.constant 0 : i32
    %dma_wait3A_786 = arith.constant 0 : i32
    %dma_wait3A_787 = tpu.memref_slice %arg4[%dma_wait3A_785, %dma_wait3A_786] : memref<100000x16xf32, #tpu.memory_space<hbm>> -> memref<100000x16xf32, #tpu.memory_space<hbm>>
    tpu.wait_indirect_dma semaphore(%arg9 : memref<!tpu.dma_semaphore, #tpu.memory_space<semaphore_mem>>) src(%dma_wait3A_787 : memref<100000x16xf32, #tpu.memory_space<hbm>>) dst(%dma_wait3A_781 : memref<128x16xf32, #tpu.memory_space<vmem>>)
    %dma_wait3A_788 = arith.constant 18 : i32
    %dma_wait3A_789 = arith.constant 2304 : i32
    %dma_wait3A_790 = arith.constant 0 : i32
    %dma_wait3A_791 = tpu.memref_slice %arg8[%dma_wait3A_789, %dma_wait3A_790] : memref<2560x16xf32, #tpu.memory_space<vmem>> -> memref<128x16xf32, #tpu.memory_space<vmem>>
    %dma_wait3A_792 = arith.constant 0 : i32
    %dma_wait3A_793 = tpu.memref_slice %arg7[%dma_wait3A_788, %dma_wait3A_792] : memref<20x128xi32, #tpu.memory_space<vmem>> -> memref<1x128xi32, #tpu.memory_space<vmem>>
    %dma_wait3A_794 = tpu.memref_squeeze %dma_wait3A_793 : memref<1x128xi32, #tpu.memory_space<vmem>> -> memref<128xi32, #tpu.memory_space<vmem>>
    %dma_wait3A_795 = arith.constant 0 : i32
    %dma_wait3A_796 = arith.constant 0 : i32
    %dma_wait3A_797 = tpu.memref_slice %arg4[%dma_wait3A_795, %dma_wait3A_796] : memref<100000x16xf32, #tpu.memory_space<hbm>> -> memref<100000x16xf32, #tpu.memory_space<hbm>>
    tpu.wait_indirect_dma semaphore(%arg9 : memref<!tpu.dma_semaphore, #tpu.memory_space<semaphore_mem>>) src(%dma_wait3A_797 : memref<100000x16xf32, #tpu.memory_space<hbm>>) dst(%dma_wait3A_791 : memref<128x16xf32, #tpu.memory_space<vmem>>)
    %dma_wait3A_798 = arith.constant 19 : i32
    %dma_wait3A_799 = arith.constant 2432 : i32
    %dma_wait3A_800 = arith.constant 0 : i32
    %dma_wait3A_801 = tpu.memref_slice %arg8[%dma_wait3A_799, %dma_wait3A_800] : memref<2560x16xf32, #tpu.memory_space<vmem>> -> memref<128x16xf32, #tpu.memory_space<vmem>>
    %dma_wait3A_802 = arith.constant 0 : i32
    %dma_wait3A_803 = tpu.memref_slice %arg7[%dma_wait3A_798, %dma_wait3A_802] : memref<20x128xi32, #tpu.memory_space<vmem>> -> memref<1x128xi32, #tpu.memory_space<vmem>>
    %dma_wait3A_804 = tpu.memref_squeeze %dma_wait3A_803 : memref<1x128xi32, #tpu.memory_space<vmem>> -> memref<128xi32, #tpu.memory_space<vmem>>
    %dma_wait3A_805 = arith.constant 0 : i32
    %dma_wait3A_806 = arith.constant 0 : i32
    %dma_wait3A_807 = tpu.memref_slice %arg4[%dma_wait3A_805, %dma_wait3A_806] : memref<100000x16xf32, #tpu.memory_space<hbm>> -> memref<100000x16xf32, #tpu.memory_space<hbm>>
    tpu.wait_indirect_dma semaphore(%arg9 : memref<!tpu.dma_semaphore, #tpu.memory_space<semaphore_mem>>) src(%dma_wait3A_807 : memref<100000x16xf32, #tpu.memory_space<hbm>>) dst(%dma_wait3A_801 : memref<128x16xf32, #tpu.memory_space<vmem>>)
    %scan3A_808 = arith.constant 0 : i32
    %scan3A_809 = arith.constant 0 : i32
    %scan3A_810 = arith.constant 128 : i32
    %scan3A_811 = arith.addi %scan3A_809, %scan3A_810 : i32
    %scan3A_812 = arith.constant 1 : i32
    scf.for %scan3A_814 = %scan3A_809 to %scan3A_811 step %scan3A_812  : i32 {
      %mul3A_815 = arith.constant 20 : i32
      %mul3A_816 = arith.muli %scan3A_814, %mul3A_815 : i32
      %get3A = arith.index_cast %mul3A_816 : i32 to index
      %get3A_817 = arith.constant 0 : index
      %get3A_818 = tpu.vector_load %arg8[%get3A, %get3A_817] {strides = array<i32>} : memref<2560x16xf32, #tpu.memory_space<vmem>>, vector<1x16xf32>,
      %get3A_819 = vector.shape_cast %get3A_818 : vector<1x16xf32> to vector<16xf32>
      %add3A_820 = arith.constant 1 : i32
      %add3A_821 = arith.addi %mul3A_816, %add3A_820 : i32
      %get3A_822 = arith.index_cast %add3A_821 : i32 to index
      %get3A_823 = arith.constant 0 : index
      %get3A_824 = tpu.vector_load %arg8[%get3A_822, %get3A_823] {strides = array<i32>} : memref<2560x16xf32, #tpu.memory_space<vmem>>, vector<1x16xf32>,
      %get3A_825 = vector.shape_cast %get3A_824 : vector<1x16xf32> to vector<16xf32>
      %add3A_826 = arith.addf %get3A_819, %get3A_825 : vector<16xf32>
      %add3A_827 = arith.constant 2 : i32
      %add3A_828 = arith.addi %mul3A_816, %add3A_827 : i32
      %get3A_829 = arith.index_cast %add3A_828 : i32 to index
      %get3A_830 = arith.constant 0 : index
      %get3A_831 = tpu.vector_load %arg8[%get3A_829, %get3A_830] {strides = array<i32>} : memref<2560x16xf32, #tpu.memory_space<vmem>>, vector<1x16xf32>,
      %get3A_832 = vector.shape_cast %get3A_831 : vector<1x16xf32> to vector<16xf32>
      %add3A_833 = arith.addf %add3A_826, %get3A_832 : vector<16xf32>
      %add3A_834 = arith.constant 3 : i32
      %add3A_835 = arith.addi %mul3A_816, %add3A_834 : i32
      %get3A_836 = arith.index_cast %add3A_835 : i32 to index
      %get3A_837 = arith.constant 0 : index
      %get3A_838 = tpu.vector_load %arg8[%get3A_836, %get3A_837] {strides = array<i32>} : memref<2560x16xf32, #tpu.memory_space<vmem>>, vector<1x16xf32>,
      %get3A_839 = vector.shape_cast %get3A_838 : vector<1x16xf32> to vector<16xf32>
      %add3A_840 = arith.addf %add3A_833, %get3A_839 : vector<16xf32>
      %add3A_841 = arith.constant 4 : i32
      %add3A_842 = arith.addi %mul3A_816, %add3A_841 : i32
      %get3A_843 = arith.index_cast %add3A_842 : i32 to index
      %get3A_844 = arith.constant 0 : index
      %get3A_845 = tpu.vector_load %arg8[%get3A_843, %get3A_844] {strides = array<i32>} : memref<2560x16xf32, #tpu.memory_space<vmem>>, vector<1x16xf32>,
      %get3A_846 = vector.shape_cast %get3A_845 : vector<1x16xf32> to vector<16xf32>
      %add3A_847 = arith.addf %add3A_840, %get3A_846 : vector<16xf32>
      %add3A_848 = arith.constant 5 : i32
      %add3A_849 = arith.addi %mul3A_816, %add3A_848 : i32
      %get3A_850 = arith.index_cast %add3A_849 : i32 to index
      %get3A_851 = arith.constant 0 : index
      %get3A_852 = tpu.vector_load %arg8[%get3A_850, %get3A_851] {strides = array<i32>} : memref<2560x16xf32, #tpu.memory_space<vmem>>, vector<1x16xf32>,
      %get3A_853 = vector.shape_cast %get3A_852 : vector<1x16xf32> to vector<16xf32>
      %add3A_854 = arith.addf %add3A_847, %get3A_853 : vector<16xf32>
      %add3A_855 = arith.constant 6 : i32
      %add3A_856 = arith.addi %mul3A_816, %add3A_855 : i32
      %get3A_857 = arith.index_cast %add3A_856 : i32 to index
      %get3A_858 = arith.constant 0 : index
      %get3A_859 = tpu.vector_load %arg8[%get3A_857, %get3A_858] {strides = array<i32>} : memref<2560x16xf32, #tpu.memory_space<vmem>>, vector<1x16xf32>,
      %get3A_860 = vector.shape_cast %get3A_859 : vector<1x16xf32> to vector<16xf32>
      %add3A_861 = arith.addf %add3A_854, %get3A_860 : vector<16xf32>
      %add3A_862 = arith.constant 7 : i32
      %add3A_863 = arith.addi %mul3A_816, %add3A_862 : i32
      %get3A_864 = arith.index_cast %add3A_863 : i32 to index
      %get3A_865 = arith.constant 0 : index
      %get3A_866 = tpu.vector_load %arg8[%get3A_864, %get3A_865] {strides = array<i32>} : memref<2560x16xf32, #tpu.memory_space<vmem>>, vector<1x16xf32>,
      %get3A_867 = vector.shape_cast %get3A_866 : vector<1x16xf32> to vector<16xf32>
      %add3A_868 = arith.addf %add3A_861, %get3A_867 : vector<16xf32>
      %add3A_869 = arith.constant 8 : i32
      %add3A_870 = arith.addi %mul3A_816, %add3A_869 : i32
      %get3A_871 = arith.index_cast %add3A_870 : i32 to index
      %get3A_872 = arith.constant 0 : index
      %get3A_873 = tpu.vector_load %arg8[%get3A_871, %get3A_872] {strides = array<i32>} : memref<2560x16xf32, #tpu.memory_space<vmem>>, vector<1x16xf32>,
      %get3A_874 = vector.shape_cast %get3A_873 : vector<1x16xf32> to vector<16xf32>
      %add3A_875 = arith.addf %add3A_868, %get3A_874 : vector<16xf32>
      %add3A_876 = arith.constant 9 : i32
      %add3A_877 = arith.addi %mul3A_816, %add3A_876 : i32
      %get3A_878 = arith.index_cast %add3A_877 : i32 to index
      %get3A_879 = arith.constant 0 : index
      %get3A_880 = tpu.vector_load %arg8[%get3A_878, %get3A_879] {strides = array<i32>} : memref<2560x16xf32, #tpu.memory_space<vmem>>, vector<1x16xf32>,
      %get3A_881 = vector.shape_cast %get3A_880 : vector<1x16xf32> to vector<16xf32>
      %add3A_882 = arith.addf %add3A_875, %get3A_881 : vector<16xf32>
      %add3A_883 = arith.constant 10 : i32
      %add3A_884 = arith.addi %mul3A_816, %add3A_883 : i32
      %get3A_885 = arith.index_cast %add3A_884 : i32 to index
      %get3A_886 = arith.constant 0 : index
      %get3A_887 = tpu.vector_load %arg8[%get3A_885, %get3A_886] {strides = array<i32>} : memref<2560x16xf32, #tpu.memory_space<vmem>>, vector<1x16xf32>,
      %get3A_888 = vector.shape_cast %get3A_887 : vector<1x16xf32> to vector<16xf32>
      %add3A_889 = arith.addf %add3A_882, %get3A_888 : vector<16xf32>
      %add3A_890 = arith.constant 11 : i32
      %add3A_891 = arith.addi %mul3A_816, %add3A_890 : i32
      %get3A_892 = arith.index_cast %add3A_891 : i32 to index
      %get3A_893 = arith.constant 0 : index
      %get3A_894 = tpu.vector_load %arg8[%get3A_892, %get3A_893] {strides = array<i32>} : memref<2560x16xf32, #tpu.memory_space<vmem>>, vector<1x16xf32>,
      %get3A_895 = vector.shape_cast %get3A_894 : vector<1x16xf32> to vector<16xf32>
      %add3A_896 = arith.addf %add3A_889, %get3A_895 : vector<16xf32>
      %add3A_897 = arith.constant 12 : i32
      %add3A_898 = arith.addi %mul3A_816, %add3A_897 : i32
      %get3A_899 = arith.index_cast %add3A_898 : i32 to index
      %get3A_900 = arith.constant 0 : index
      %get3A_901 = tpu.vector_load %arg8[%get3A_899, %get3A_900] {strides = array<i32>} : memref<2560x16xf32, #tpu.memory_space<vmem>>, vector<1x16xf32>,
      %get3A_902 = vector.shape_cast %get3A_901 : vector<1x16xf32> to vector<16xf32>
      %add3A_903 = arith.addf %add3A_896, %get3A_902 : vector<16xf32>
      %add3A_904 = arith.constant 13 : i32
      %add3A_905 = arith.addi %mul3A_816, %add3A_904 : i32
      %get3A_906 = arith.index_cast %add3A_905 : i32 to index
      %get3A_907 = arith.constant 0 : index
      %get3A_908 = tpu.vector_load %arg8[%get3A_906, %get3A_907] {strides = array<i32>} : memref<2560x16xf32, #tpu.memory_space<vmem>>, vector<1x16xf32>,
      %get3A_909 = vector.shape_cast %get3A_908 : vector<1x16xf32> to vector<16xf32>
      %add3A_910 = arith.addf %add3A_903, %get3A_909 : vector<16xf32>
      %add3A_911 = arith.constant 14 : i32
      %add3A_912 = arith.addi %mul3A_816, %add3A_911 : i32
      %get3A_913 = arith.index_cast %add3A_912 : i32 to index
      %get3A_914 = arith.constant 0 : index
      %get3A_915 = tpu.vector_load %arg8[%get3A_913, %get3A_914] {strides = array<i32>} : memref<2560x16xf32, #tpu.memory_space<vmem>>, vector<1x16xf32>,
      %get3A_916 = vector.shape_cast %get3A_915 : vector<1x16xf32> to vector<16xf32>
      %add3A_917 = arith.addf %add3A_910, %get3A_916 : vector<16xf32>
      %add3A_918 = arith.constant 15 : i32
      %add3A_919 = arith.addi %mul3A_816, %add3A_918 : i32
      %get3A_920 = arith.index_cast %add3A_919 : i32 to index
      %get3A_921 = arith.constant 0 : index
      %get3A_922 = tpu.vector_load %arg8[%get3A_920, %get3A_921] {strides = array<i32>} : memref<2560x16xf32, #tpu.memory_space<vmem>>, vector<1x16xf32>,
      %get3A_923 = vector.shape_cast %get3A_922 : vector<1x16xf32> to vector<16xf32>
      %add3A_924 = arith.addf %add3A_917, %get3A_923 : vector<16xf32>
      %add3A_925 = arith.constant 16 : i32
      %add3A_926 = arith.addi %mul3A_816, %add3A_925 : i32
      %get3A_927 = arith.index_cast %add3A_926 : i32 to index
      %get3A_928 = arith.constant 0 : index
      %get3A_929 = tpu.vector_load %arg8[%get3A_927, %get3A_928] {strides = array<i32>} : memref<2560x16xf32, #tpu.memory_space<vmem>>, vector<1x16xf32>,
      %get3A_930 = vector.shape_cast %get3A_929 : vector<1x16xf32> to vector<16xf32>
      %add3A_931 = arith.addf %add3A_924, %get3A_930 : vector<16xf32>
      %add3A_932 = arith.constant 17 : i32
      %add3A_933 = arith.addi %mul3A_816, %add3A_932 : i32
      %get3A_934 = arith.index_cast %add3A_933 : i32 to index
      %get3A_935 = arith.constant 0 : index
      %get3A_936 = tpu.vector_load %arg8[%get3A_934, %get3A_935] {strides = array<i32>} : memref<2560x16xf32, #tpu.memory_space<vmem>>, vector<1x16xf32>,
      %get3A_937 = vector.shape_cast %get3A_936 : vector<1x16xf32> to vector<16xf32>
      %add3A_938 = arith.addf %add3A_931, %get3A_937 : vector<16xf32>
      %add3A_939 = arith.constant 18 : i32
      %add3A_940 = arith.addi %mul3A_816, %add3A_939 : i32
      %get3A_941 = arith.index_cast %add3A_940 : i32 to index
      %get3A_942 = arith.constant 0 : index
      %get3A_943 = tpu.vector_load %arg8[%get3A_941, %get3A_942] {strides = array<i32>} : memref<2560x16xf32, #tpu.memory_space<vmem>>, vector<1x16xf32>,
      %get3A_944 = vector.shape_cast %get3A_943 : vector<1x16xf32> to vector<16xf32>
      %add3A_945 = arith.addf %add3A_938, %get3A_944 : vector<16xf32>
      %add3A_946 = arith.constant 19 : i32
      %add3A_947 = arith.addi %mul3A_816, %add3A_946 : i32
      %get3A_948 = arith.index_cast %add3A_947 : i32 to index
      %get3A_949 = arith.constant 0 : index
      %get3A_950 = tpu.vector_load %arg8[%get3A_948, %get3A_949] {strides = array<i32>} : memref<2560x16xf32, #tpu.memory_space<vmem>>, vector<1x16xf32>,
      %get3A_951 = vector.shape_cast %get3A_950 : vector<1x16xf32> to vector<16xf32>
      %add3A_952 = arith.addf %add3A_945, %get3A_951 : vector<16xf32>
      %mul3A_953 = arith.constant 5.000000e-02 : f32
      %mul3A_954 = vector.broadcast %mul3A_953 : f32 to vector<16xf32>
      %mul3A_955 = arith.mulf %add3A_952, %mul3A_954 : vector<16xf32>
      %swap3A = arith.index_cast %scan3A_814 : i32 to index
      %swap3A_956 = arith.constant 0 : index
      %swap3A_957 = tpu.vector_load %arg8[%swap3A, %swap3A_956] {strides = array<i32>} : memref<2560x16xf32, #tpu.memory_space<vmem>>, vector<1x16xf32>,
      %swap3A_958 = vector.shape_cast %swap3A_957 : vector<1x16xf32> to vector<16xf32>
      %swap3A_959 = vector.shape_cast %mul3A_955 : vector<16xf32> to vector<1x16xf32>
      tpu.vector_store %arg8[%swap3A, %swap3A_956], %swap3A_959 {strides = array<i32>} : memref<2560x16xf32, #tpu.memory_space<vmem>>, vector<1x16xf32>,
    }
    %scan3A_813 = arith.constant 128 : i32
    "tpu.region"() ({
      %run_scoped3A = tpu.sem_alloc : memref<!tpu.dma_semaphore, #tpu.memory_space<semaphore_mem>>
      %dma_start3A_814 = arith.constant 0 : i32
      %dma_start3A_815 = arith.constant 0 : i32
      %dma_start3A_816 = tpu.memref_slice %arg8[%dma_start3A_814, %dma_start3A_815] : memref<2560x16xf32, #tpu.memory_space<vmem>> -> memref<128x16xf32, #tpu.memory_space<vmem>>
      %dma_start3A_817 = arith.constant 0 : i32
      %dma_start3A_818 = tpu.memref_slice %arg6[%mul3A_407, %dma_start3A_817] : memref<4096x16xf32, #tpu.memory_space<hbm>> -> memref<128x16xf32, #tpu.memory_space<hbm>>
      %dma_start3A_819 = arith.constant 0 : i32
      %dma_start3A_820 = tpu.memref_slice %arg6[%mul3A_407, %dma_start3A_819] : memref<4096x16xf32, #tpu.memory_space<hbm>> -> memref<128x16xf32, #tpu.memory_space<hbm>>
      %dma_start3A_821 = arith.constant 0 : i32
      %dma_start3A_822 = arith.constant 0 : i32
      %dma_start3A_823 = tpu.memref_slice %arg8[%dma_start3A_821, %dma_start3A_822] : memref<2560x16xf32, #tpu.memory_space<vmem>> -> memref<128x16xf32, #tpu.memory_space<vmem>>
      tpu.enqueue_dma source(%dma_start3A_823 : memref<128x16xf32, #tpu.memory_space<vmem>>) target(%dma_start3A_820 : memref<128x16xf32, #tpu.memory_space<hbm>>) target_semaphore(%run_scoped3A : memref<!tpu.dma_semaphore, #tpu.memory_space<semaphore_mem>>)
      %dma_wait3A_824 = arith.constant 0 : i32
      %dma_wait3A_825 = arith.constant 0 : i32
      %dma_wait3A_826 = tpu.memref_slice %arg8[%dma_wait3A_824, %dma_wait3A_825] : memref<2560x16xf32, #tpu.memory_space<vmem>> -> memref<128x16xf32, #tpu.memory_space<vmem>>
      %dma_wait3A_827 = arith.constant 0 : i32
      %dma_wait3A_828 = tpu.memref_slice %arg6[%mul3A_407, %dma_wait3A_827] : memref<4096x16xf32, #tpu.memory_space<hbm>> -> memref<128x16xf32, #tpu.memory_space<hbm>>
      %dma_wait3A_829 = arith.constant 0 : i32
      %dma_wait3A_830 = tpu.memref_slice %arg6[%mul3A_407, %dma_wait3A_829] : memref<4096x16xf32, #tpu.memory_space<hbm>> -> memref<128x16xf32, #tpu.memory_space<hbm>>
      %dma_wait3A_831 = arith.constant 0 : i32
      %dma_wait3A_832 = arith.constant 0 : i32
      %dma_wait3A_833 = tpu.memref_slice %arg8[%dma_wait3A_831, %dma_wait3A_832] : memref<2560x16xf32, #tpu.memory_space<vmem>> -> memref<128x16xf32, #tpu.memory_space<vmem>>
      tpu.wait_dma2 semaphore(%run_scoped3A : memref<!tpu.dma_semaphore, #tpu.memory_space<semaphore_mem>>) src(%dma_wait3A_833 : memref<128x16xf32, #tpu.memory_space<vmem>>) dst(%dma_wait3A_830 : memref<128x16xf32, #tpu.memory_space<hbm>>)
      tpu.yield
    }) : () -> ()
    return
  }
}

#map = affine_map<(d0, d1) -> (0, 0, 0)>
#map1 = affine_map<(d0, d1) -> (0, 0)>
module attributes {stable_mosaic.version = 14 : i64} {
  func.func @table_kernel(%arg0: i32, %arg1: i32, %arg2: memref<32x20x128xi32, #tpu.memory_space<hbm>>, %arg3: memref<32x20x128xi32, #tpu.memory_space<hbm>>, %arg4: memref<1000000x32xf32, #tpu.memory_space<hbm>>, %arg5: memref<4096x32xf32, #tpu.memory_space<hbm>>, %arg6: memref<4096x32xf32, #tpu.memory_space<hbm>>, %arg7: memref<20x128xi32, #tpu.memory_space<vmem>>, %arg8: memref<2560x32xf32, #tpu.memory_space<vmem>>, %arg9: memref<!tpu.dma_semaphore, #tpu.memory_space<semaphore_mem>>) attributes {dimension_semantics = [#tpu.dimension_semantics<core_parallel>, #tpu.dimension_semantics<subcore_parallel>], iteration_bounds = array<i64: 2, 16>, scalar_prefetch = 0 : i64, scratch_operands = 3 : i64, tpu.core_type = #tpu.core_type<sc_vector_subcore>, window_params = [{transform_indices = #map}, {transform_indices = #map}, {transform_indices = #map1}, {transform_indices = #map1}, {transform_indices = #map1}]} {
    %mul3A = arith.constant 2 : i32
    %mul3A_0 = arith.muli %arg1, %mul3A : i32
    %add3A = arith.addi %mul3A_0, %arg0 : i32
    %mul3A_1 = arith.constant 128 : i32
    %mul3A_2 = arith.muli %add3A, %mul3A_1 : i32
    "tpu.region"() ({
      %run_scoped3A = tpu.sem_alloc : memref<!tpu.dma_semaphore, #tpu.memory_space<semaphore_mem>>
      %dma_start3A_814 = arith.constant 0 : i32
      %dma_start3A_815 = arith.constant 0 : i32
      %dma_start3A_816 = tpu.memref_slice %arg2[%add3A, %dma_start3A_814, %dma_start3A_815] : memref<32x20x128xi32, #tpu.memory_space<hbm>> -> memref<1x20x128xi32, #tpu.memory_space<hbm>>
      %dma_start3A_817 = tpu.memref_squeeze %dma_start3A_816 : memref<1x20x128xi32, #tpu.memory_space<hbm>> -> memref<20x128xi32, #tpu.memory_space<hbm>>
      %dma_start3A_818 = arith.constant 0 : i32
      %dma_start3A_819 = arith.constant 0 : i32
      %dma_start3A_820 = tpu.memref_slice %arg2[%add3A, %dma_start3A_818, %dma_start3A_819] : memref<32x20x128xi32, #tpu.memory_space<hbm>> -> memref<1x20x128xi32, #tpu.memory_space<hbm>>
      %dma_start3A_821 = tpu.memref_squeeze %dma_start3A_820 : memref<1x20x128xi32, #tpu.memory_space<hbm>> -> memref<20x128xi32, #tpu.memory_space<hbm>>
      tpu.enqueue_dma source(%dma_start3A_821 : memref<20x128xi32, #tpu.memory_space<hbm>>) target(%arg7 : memref<20x128xi32, #tpu.memory_space<vmem>>) target_semaphore(%run_scoped3A : memref<!tpu.dma_semaphore, #tpu.memory_space<semaphore_mem>>)
      %dma_wait3A_822 = arith.constant 0 : i32
      %dma_wait3A_823 = arith.constant 0 : i32
      %dma_wait3A_824 = tpu.memref_slice %arg2[%add3A, %dma_wait3A_822, %dma_wait3A_823] : memref<32x20x128xi32, #tpu.memory_space<hbm>> -> memref<1x20x128xi32, #tpu.memory_space<hbm>>
      %dma_wait3A_825 = tpu.memref_squeeze %dma_wait3A_824 : memref<1x20x128xi32, #tpu.memory_space<hbm>> -> memref<20x128xi32, #tpu.memory_space<hbm>>
      %dma_wait3A_826 = arith.constant 0 : i32
      %dma_wait3A_827 = arith.constant 0 : i32
      %dma_wait3A_828 = tpu.memref_slice %arg2[%add3A, %dma_wait3A_826, %dma_wait3A_827] : memref<32x20x128xi32, #tpu.memory_space<hbm>> -> memref<1x20x128xi32, #tpu.memory_space<hbm>>
      %dma_wait3A_829 = tpu.memref_squeeze %dma_wait3A_828 : memref<1x20x128xi32, #tpu.memory_space<hbm>> -> memref<20x128xi32, #tpu.memory_space<hbm>>
      tpu.wait_dma2 semaphore(%run_scoped3A : memref<!tpu.dma_semaphore, #tpu.memory_space<semaphore_mem>>) src(%dma_wait3A_829 : memref<20x128xi32, #tpu.memory_space<hbm>>) dst(%arg7 : memref<20x128xi32, #tpu.memory_space<vmem>>)
      tpu.yield
    }) : () -> ()
    %dma_start3A = arith.constant 0 : i32
    %dma_start3A_3 = arith.constant 0 : i32
    %dma_start3A_4 = arith.constant 0 : i32
    %dma_start3A_5 = tpu.memref_slice %arg8[%dma_start3A_3, %dma_start3A_4] : memref<2560x32xf32, #tpu.memory_space<vmem>> -> memref<128x32xf32, #tpu.memory_space<vmem>>
    %dma_start3A_6 = arith.constant 0 : i32
    %dma_start3A_7 = tpu.memref_slice %arg7[%dma_start3A, %dma_start3A_6] : memref<20x128xi32, #tpu.memory_space<vmem>> -> memref<1x128xi32, #tpu.memory_space<vmem>>
    %dma_start3A_8 = tpu.memref_squeeze %dma_start3A_7 : memref<1x128xi32, #tpu.memory_space<vmem>> -> memref<128xi32, #tpu.memory_space<vmem>>
    %dma_start3A_9 = arith.constant 0 : i32
    %dma_start3A_10 = arith.constant 0 : i32
    %dma_start3A_11 = tpu.memref_slice %arg4[%dma_start3A_9, %dma_start3A_10] : memref<1000000x32xf32, #tpu.memory_space<hbm>> -> memref<1000000x32xf32, #tpu.memory_space<hbm>>
    tpu.enqueue_indirect_dma source(%dma_start3A_11 : memref<1000000x32xf32, #tpu.memory_space<hbm>>) target(%dma_start3A_5 : memref<128x32xf32, #tpu.memory_space<vmem>>) offsets(%dma_start3A_8 : memref<128xi32, #tpu.memory_space<vmem>>) semaphore(%arg9 : memref<!tpu.dma_semaphore, #tpu.memory_space<semaphore_mem>>)
    %dma_start3A_12 = arith.constant 1 : i32
    %dma_start3A_13 = arith.constant 128 : i32
    %dma_start3A_14 = arith.constant 0 : i32
    %dma_start3A_15 = tpu.memref_slice %arg8[%dma_start3A_13, %dma_start3A_14] : memref<2560x32xf32, #tpu.memory_space<vmem>> -> memref<128x32xf32, #tpu.memory_space<vmem>>
    %dma_start3A_16 = arith.constant 0 : i32
    %dma_start3A_17 = tpu.memref_slice %arg7[%dma_start3A_12, %dma_start3A_16] : memref<20x128xi32, #tpu.memory_space<vmem>> -> memref<1x128xi32, #tpu.memory_space<vmem>>
    %dma_start3A_18 = tpu.memref_squeeze %dma_start3A_17 : memref<1x128xi32, #tpu.memory_space<vmem>> -> memref<128xi32, #tpu.memory_space<vmem>>
    %dma_start3A_19 = arith.constant 0 : i32
    %dma_start3A_20 = arith.constant 0 : i32
    %dma_start3A_21 = tpu.memref_slice %arg4[%dma_start3A_19, %dma_start3A_20] : memref<1000000x32xf32, #tpu.memory_space<hbm>> -> memref<1000000x32xf32, #tpu.memory_space<hbm>>
    tpu.enqueue_indirect_dma source(%dma_start3A_21 : memref<1000000x32xf32, #tpu.memory_space<hbm>>) target(%dma_start3A_15 : memref<128x32xf32, #tpu.memory_space<vmem>>) offsets(%dma_start3A_18 : memref<128xi32, #tpu.memory_space<vmem>>) semaphore(%arg9 : memref<!tpu.dma_semaphore, #tpu.memory_space<semaphore_mem>>)
    %dma_start3A_22 = arith.constant 2 : i32
    %dma_start3A_23 = arith.constant 256 : i32
    %dma_start3A_24 = arith.constant 0 : i32
    %dma_start3A_25 = tpu.memref_slice %arg8[%dma_start3A_23, %dma_start3A_24] : memref<2560x32xf32, #tpu.memory_space<vmem>> -> memref<128x32xf32, #tpu.memory_space<vmem>>
    %dma_start3A_26 = arith.constant 0 : i32
    %dma_start3A_27 = tpu.memref_slice %arg7[%dma_start3A_22, %dma_start3A_26] : memref<20x128xi32, #tpu.memory_space<vmem>> -> memref<1x128xi32, #tpu.memory_space<vmem>>
    %dma_start3A_28 = tpu.memref_squeeze %dma_start3A_27 : memref<1x128xi32, #tpu.memory_space<vmem>> -> memref<128xi32, #tpu.memory_space<vmem>>
    %dma_start3A_29 = arith.constant 0 : i32
    %dma_start3A_30 = arith.constant 0 : i32
    %dma_start3A_31 = tpu.memref_slice %arg4[%dma_start3A_29, %dma_start3A_30] : memref<1000000x32xf32, #tpu.memory_space<hbm>> -> memref<1000000x32xf32, #tpu.memory_space<hbm>>
    tpu.enqueue_indirect_dma source(%dma_start3A_31 : memref<1000000x32xf32, #tpu.memory_space<hbm>>) target(%dma_start3A_25 : memref<128x32xf32, #tpu.memory_space<vmem>>) offsets(%dma_start3A_28 : memref<128xi32, #tpu.memory_space<vmem>>) semaphore(%arg9 : memref<!tpu.dma_semaphore, #tpu.memory_space<semaphore_mem>>)
    %dma_start3A_32 = arith.constant 3 : i32
    %dma_start3A_33 = arith.constant 384 : i32
    %dma_start3A_34 = arith.constant 0 : i32
    %dma_start3A_35 = tpu.memref_slice %arg8[%dma_start3A_33, %dma_start3A_34] : memref<2560x32xf32, #tpu.memory_space<vmem>> -> memref<128x32xf32, #tpu.memory_space<vmem>>
    %dma_start3A_36 = arith.constant 0 : i32
    %dma_start3A_37 = tpu.memref_slice %arg7[%dma_start3A_32, %dma_start3A_36] : memref<20x128xi32, #tpu.memory_space<vmem>> -> memref<1x128xi32, #tpu.memory_space<vmem>>
    %dma_start3A_38 = tpu.memref_squeeze %dma_start3A_37 : memref<1x128xi32, #tpu.memory_space<vmem>> -> memref<128xi32, #tpu.memory_space<vmem>>
    %dma_start3A_39 = arith.constant 0 : i32
    %dma_start3A_40 = arith.constant 0 : i32
    %dma_start3A_41 = tpu.memref_slice %arg4[%dma_start3A_39, %dma_start3A_40] : memref<1000000x32xf32, #tpu.memory_space<hbm>> -> memref<1000000x32xf32, #tpu.memory_space<hbm>>
    tpu.enqueue_indirect_dma source(%dma_start3A_41 : memref<1000000x32xf32, #tpu.memory_space<hbm>>) target(%dma_start3A_35 : memref<128x32xf32, #tpu.memory_space<vmem>>) offsets(%dma_start3A_38 : memref<128xi32, #tpu.memory_space<vmem>>) semaphore(%arg9 : memref<!tpu.dma_semaphore, #tpu.memory_space<semaphore_mem>>)
    %dma_start3A_42 = arith.constant 4 : i32
    %dma_start3A_43 = arith.constant 512 : i32
    %dma_start3A_44 = arith.constant 0 : i32
    %dma_start3A_45 = tpu.memref_slice %arg8[%dma_start3A_43, %dma_start3A_44] : memref<2560x32xf32, #tpu.memory_space<vmem>> -> memref<128x32xf32, #tpu.memory_space<vmem>>
    %dma_start3A_46 = arith.constant 0 : i32
    %dma_start3A_47 = tpu.memref_slice %arg7[%dma_start3A_42, %dma_start3A_46] : memref<20x128xi32, #tpu.memory_space<vmem>> -> memref<1x128xi32, #tpu.memory_space<vmem>>
    %dma_start3A_48 = tpu.memref_squeeze %dma_start3A_47 : memref<1x128xi32, #tpu.memory_space<vmem>> -> memref<128xi32, #tpu.memory_space<vmem>>
    %dma_start3A_49 = arith.constant 0 : i32
    %dma_start3A_50 = arith.constant 0 : i32
    %dma_start3A_51 = tpu.memref_slice %arg4[%dma_start3A_49, %dma_start3A_50] : memref<1000000x32xf32, #tpu.memory_space<hbm>> -> memref<1000000x32xf32, #tpu.memory_space<hbm>>
    tpu.enqueue_indirect_dma source(%dma_start3A_51 : memref<1000000x32xf32, #tpu.memory_space<hbm>>) target(%dma_start3A_45 : memref<128x32xf32, #tpu.memory_space<vmem>>) offsets(%dma_start3A_48 : memref<128xi32, #tpu.memory_space<vmem>>) semaphore(%arg9 : memref<!tpu.dma_semaphore, #tpu.memory_space<semaphore_mem>>)
    %dma_start3A_52 = arith.constant 5 : i32
    %dma_start3A_53 = arith.constant 640 : i32
    %dma_start3A_54 = arith.constant 0 : i32
    %dma_start3A_55 = tpu.memref_slice %arg8[%dma_start3A_53, %dma_start3A_54] : memref<2560x32xf32, #tpu.memory_space<vmem>> -> memref<128x32xf32, #tpu.memory_space<vmem>>
    %dma_start3A_56 = arith.constant 0 : i32
    %dma_start3A_57 = tpu.memref_slice %arg7[%dma_start3A_52, %dma_start3A_56] : memref<20x128xi32, #tpu.memory_space<vmem>> -> memref<1x128xi32, #tpu.memory_space<vmem>>
    %dma_start3A_58 = tpu.memref_squeeze %dma_start3A_57 : memref<1x128xi32, #tpu.memory_space<vmem>> -> memref<128xi32, #tpu.memory_space<vmem>>
    %dma_start3A_59 = arith.constant 0 : i32
    %dma_start3A_60 = arith.constant 0 : i32
    %dma_start3A_61 = tpu.memref_slice %arg4[%dma_start3A_59, %dma_start3A_60] : memref<1000000x32xf32, #tpu.memory_space<hbm>> -> memref<1000000x32xf32, #tpu.memory_space<hbm>>
    tpu.enqueue_indirect_dma source(%dma_start3A_61 : memref<1000000x32xf32, #tpu.memory_space<hbm>>) target(%dma_start3A_55 : memref<128x32xf32, #tpu.memory_space<vmem>>) offsets(%dma_start3A_58 : memref<128xi32, #tpu.memory_space<vmem>>) semaphore(%arg9 : memref<!tpu.dma_semaphore, #tpu.memory_space<semaphore_mem>>)
    %dma_start3A_62 = arith.constant 6 : i32
    %dma_start3A_63 = arith.constant 768 : i32
    %dma_start3A_64 = arith.constant 0 : i32
    %dma_start3A_65 = tpu.memref_slice %arg8[%dma_start3A_63, %dma_start3A_64] : memref<2560x32xf32, #tpu.memory_space<vmem>> -> memref<128x32xf32, #tpu.memory_space<vmem>>
    %dma_start3A_66 = arith.constant 0 : i32
    %dma_start3A_67 = tpu.memref_slice %arg7[%dma_start3A_62, %dma_start3A_66] : memref<20x128xi32, #tpu.memory_space<vmem>> -> memref<1x128xi32, #tpu.memory_space<vmem>>
    %dma_start3A_68 = tpu.memref_squeeze %dma_start3A_67 : memref<1x128xi32, #tpu.memory_space<vmem>> -> memref<128xi32, #tpu.memory_space<vmem>>
    %dma_start3A_69 = arith.constant 0 : i32
    %dma_start3A_70 = arith.constant 0 : i32
    %dma_start3A_71 = tpu.memref_slice %arg4[%dma_start3A_69, %dma_start3A_70] : memref<1000000x32xf32, #tpu.memory_space<hbm>> -> memref<1000000x32xf32, #tpu.memory_space<hbm>>
    tpu.enqueue_indirect_dma source(%dma_start3A_71 : memref<1000000x32xf32, #tpu.memory_space<hbm>>) target(%dma_start3A_65 : memref<128x32xf32, #tpu.memory_space<vmem>>) offsets(%dma_start3A_68 : memref<128xi32, #tpu.memory_space<vmem>>) semaphore(%arg9 : memref<!tpu.dma_semaphore, #tpu.memory_space<semaphore_mem>>)
    %dma_start3A_72 = arith.constant 7 : i32
    %dma_start3A_73 = arith.constant 896 : i32
    %dma_start3A_74 = arith.constant 0 : i32
    %dma_start3A_75 = tpu.memref_slice %arg8[%dma_start3A_73, %dma_start3A_74] : memref<2560x32xf32, #tpu.memory_space<vmem>> -> memref<128x32xf32, #tpu.memory_space<vmem>>
    %dma_start3A_76 = arith.constant 0 : i32
    %dma_start3A_77 = tpu.memref_slice %arg7[%dma_start3A_72, %dma_start3A_76] : memref<20x128xi32, #tpu.memory_space<vmem>> -> memref<1x128xi32, #tpu.memory_space<vmem>>
    %dma_start3A_78 = tpu.memref_squeeze %dma_start3A_77 : memref<1x128xi32, #tpu.memory_space<vmem>> -> memref<128xi32, #tpu.memory_space<vmem>>
    %dma_start3A_79 = arith.constant 0 : i32
    %dma_start3A_80 = arith.constant 0 : i32
    %dma_start3A_81 = tpu.memref_slice %arg4[%dma_start3A_79, %dma_start3A_80] : memref<1000000x32xf32, #tpu.memory_space<hbm>> -> memref<1000000x32xf32, #tpu.memory_space<hbm>>
    tpu.enqueue_indirect_dma source(%dma_start3A_81 : memref<1000000x32xf32, #tpu.memory_space<hbm>>) target(%dma_start3A_75 : memref<128x32xf32, #tpu.memory_space<vmem>>) offsets(%dma_start3A_78 : memref<128xi32, #tpu.memory_space<vmem>>) semaphore(%arg9 : memref<!tpu.dma_semaphore, #tpu.memory_space<semaphore_mem>>)
    %dma_start3A_82 = arith.constant 8 : i32
    %dma_start3A_83 = arith.constant 1024 : i32
    %dma_start3A_84 = arith.constant 0 : i32
    %dma_start3A_85 = tpu.memref_slice %arg8[%dma_start3A_83, %dma_start3A_84] : memref<2560x32xf32, #tpu.memory_space<vmem>> -> memref<128x32xf32, #tpu.memory_space<vmem>>
    %dma_start3A_86 = arith.constant 0 : i32
    %dma_start3A_87 = tpu.memref_slice %arg7[%dma_start3A_82, %dma_start3A_86] : memref<20x128xi32, #tpu.memory_space<vmem>> -> memref<1x128xi32, #tpu.memory_space<vmem>>
    %dma_start3A_88 = tpu.memref_squeeze %dma_start3A_87 : memref<1x128xi32, #tpu.memory_space<vmem>> -> memref<128xi32, #tpu.memory_space<vmem>>
    %dma_start3A_89 = arith.constant 0 : i32
    %dma_start3A_90 = arith.constant 0 : i32
    %dma_start3A_91 = tpu.memref_slice %arg4[%dma_start3A_89, %dma_start3A_90] : memref<1000000x32xf32, #tpu.memory_space<hbm>> -> memref<1000000x32xf32, #tpu.memory_space<hbm>>
    tpu.enqueue_indirect_dma source(%dma_start3A_91 : memref<1000000x32xf32, #tpu.memory_space<hbm>>) target(%dma_start3A_85 : memref<128x32xf32, #tpu.memory_space<vmem>>) offsets(%dma_start3A_88 : memref<128xi32, #tpu.memory_space<vmem>>) semaphore(%arg9 : memref<!tpu.dma_semaphore, #tpu.memory_space<semaphore_mem>>)
    %dma_start3A_92 = arith.constant 9 : i32
    %dma_start3A_93 = arith.constant 1152 : i32
    %dma_start3A_94 = arith.constant 0 : i32
    %dma_start3A_95 = tpu.memref_slice %arg8[%dma_start3A_93, %dma_start3A_94] : memref<2560x32xf32, #tpu.memory_space<vmem>> -> memref<128x32xf32, #tpu.memory_space<vmem>>
    %dma_start3A_96 = arith.constant 0 : i32
    %dma_start3A_97 = tpu.memref_slice %arg7[%dma_start3A_92, %dma_start3A_96] : memref<20x128xi32, #tpu.memory_space<vmem>> -> memref<1x128xi32, #tpu.memory_space<vmem>>
    %dma_start3A_98 = tpu.memref_squeeze %dma_start3A_97 : memref<1x128xi32, #tpu.memory_space<vmem>> -> memref<128xi32, #tpu.memory_space<vmem>>
    %dma_start3A_99 = arith.constant 0 : i32
    %dma_start3A_100 = arith.constant 0 : i32
    %dma_start3A_101 = tpu.memref_slice %arg4[%dma_start3A_99, %dma_start3A_100] : memref<1000000x32xf32, #tpu.memory_space<hbm>> -> memref<1000000x32xf32, #tpu.memory_space<hbm>>
    tpu.enqueue_indirect_dma source(%dma_start3A_101 : memref<1000000x32xf32, #tpu.memory_space<hbm>>) target(%dma_start3A_95 : memref<128x32xf32, #tpu.memory_space<vmem>>) offsets(%dma_start3A_98 : memref<128xi32, #tpu.memory_space<vmem>>) semaphore(%arg9 : memref<!tpu.dma_semaphore, #tpu.memory_space<semaphore_mem>>)
    %dma_start3A_102 = arith.constant 10 : i32
    %dma_start3A_103 = arith.constant 1280 : i32
    %dma_start3A_104 = arith.constant 0 : i32
    %dma_start3A_105 = tpu.memref_slice %arg8[%dma_start3A_103, %dma_start3A_104] : memref<2560x32xf32, #tpu.memory_space<vmem>> -> memref<128x32xf32, #tpu.memory_space<vmem>>
    %dma_start3A_106 = arith.constant 0 : i32
    %dma_start3A_107 = tpu.memref_slice %arg7[%dma_start3A_102, %dma_start3A_106] : memref<20x128xi32, #tpu.memory_space<vmem>> -> memref<1x128xi32, #tpu.memory_space<vmem>>
    %dma_start3A_108 = tpu.memref_squeeze %dma_start3A_107 : memref<1x128xi32, #tpu.memory_space<vmem>> -> memref<128xi32, #tpu.memory_space<vmem>>
    %dma_start3A_109 = arith.constant 0 : i32
    %dma_start3A_110 = arith.constant 0 : i32
    %dma_start3A_111 = tpu.memref_slice %arg4[%dma_start3A_109, %dma_start3A_110] : memref<1000000x32xf32, #tpu.memory_space<hbm>> -> memref<1000000x32xf32, #tpu.memory_space<hbm>>
    tpu.enqueue_indirect_dma source(%dma_start3A_111 : memref<1000000x32xf32, #tpu.memory_space<hbm>>) target(%dma_start3A_105 : memref<128x32xf32, #tpu.memory_space<vmem>>) offsets(%dma_start3A_108 : memref<128xi32, #tpu.memory_space<vmem>>) semaphore(%arg9 : memref<!tpu.dma_semaphore, #tpu.memory_space<semaphore_mem>>)
    %dma_start3A_112 = arith.constant 11 : i32
    %dma_start3A_113 = arith.constant 1408 : i32
    %dma_start3A_114 = arith.constant 0 : i32
    %dma_start3A_115 = tpu.memref_slice %arg8[%dma_start3A_113, %dma_start3A_114] : memref<2560x32xf32, #tpu.memory_space<vmem>> -> memref<128x32xf32, #tpu.memory_space<vmem>>
    %dma_start3A_116 = arith.constant 0 : i32
    %dma_start3A_117 = tpu.memref_slice %arg7[%dma_start3A_112, %dma_start3A_116] : memref<20x128xi32, #tpu.memory_space<vmem>> -> memref<1x128xi32, #tpu.memory_space<vmem>>
    %dma_start3A_118 = tpu.memref_squeeze %dma_start3A_117 : memref<1x128xi32, #tpu.memory_space<vmem>> -> memref<128xi32, #tpu.memory_space<vmem>>
    %dma_start3A_119 = arith.constant 0 : i32
    %dma_start3A_120 = arith.constant 0 : i32
    %dma_start3A_121 = tpu.memref_slice %arg4[%dma_start3A_119, %dma_start3A_120] : memref<1000000x32xf32, #tpu.memory_space<hbm>> -> memref<1000000x32xf32, #tpu.memory_space<hbm>>
    tpu.enqueue_indirect_dma source(%dma_start3A_121 : memref<1000000x32xf32, #tpu.memory_space<hbm>>) target(%dma_start3A_115 : memref<128x32xf32, #tpu.memory_space<vmem>>) offsets(%dma_start3A_118 : memref<128xi32, #tpu.memory_space<vmem>>) semaphore(%arg9 : memref<!tpu.dma_semaphore, #tpu.memory_space<semaphore_mem>>)
    %dma_start3A_122 = arith.constant 12 : i32
    %dma_start3A_123 = arith.constant 1536 : i32
    %dma_start3A_124 = arith.constant 0 : i32
    %dma_start3A_125 = tpu.memref_slice %arg8[%dma_start3A_123, %dma_start3A_124] : memref<2560x32xf32, #tpu.memory_space<vmem>> -> memref<128x32xf32, #tpu.memory_space<vmem>>
    %dma_start3A_126 = arith.constant 0 : i32
    %dma_start3A_127 = tpu.memref_slice %arg7[%dma_start3A_122, %dma_start3A_126] : memref<20x128xi32, #tpu.memory_space<vmem>> -> memref<1x128xi32, #tpu.memory_space<vmem>>
    %dma_start3A_128 = tpu.memref_squeeze %dma_start3A_127 : memref<1x128xi32, #tpu.memory_space<vmem>> -> memref<128xi32, #tpu.memory_space<vmem>>
    %dma_start3A_129 = arith.constant 0 : i32
    %dma_start3A_130 = arith.constant 0 : i32
    %dma_start3A_131 = tpu.memref_slice %arg4[%dma_start3A_129, %dma_start3A_130] : memref<1000000x32xf32, #tpu.memory_space<hbm>> -> memref<1000000x32xf32, #tpu.memory_space<hbm>>
    tpu.enqueue_indirect_dma source(%dma_start3A_131 : memref<1000000x32xf32, #tpu.memory_space<hbm>>) target(%dma_start3A_125 : memref<128x32xf32, #tpu.memory_space<vmem>>) offsets(%dma_start3A_128 : memref<128xi32, #tpu.memory_space<vmem>>) semaphore(%arg9 : memref<!tpu.dma_semaphore, #tpu.memory_space<semaphore_mem>>)
    %dma_start3A_132 = arith.constant 13 : i32
    %dma_start3A_133 = arith.constant 1664 : i32
    %dma_start3A_134 = arith.constant 0 : i32
    %dma_start3A_135 = tpu.memref_slice %arg8[%dma_start3A_133, %dma_start3A_134] : memref<2560x32xf32, #tpu.memory_space<vmem>> -> memref<128x32xf32, #tpu.memory_space<vmem>>
    %dma_start3A_136 = arith.constant 0 : i32
    %dma_start3A_137 = tpu.memref_slice %arg7[%dma_start3A_132, %dma_start3A_136] : memref<20x128xi32, #tpu.memory_space<vmem>> -> memref<1x128xi32, #tpu.memory_space<vmem>>
    %dma_start3A_138 = tpu.memref_squeeze %dma_start3A_137 : memref<1x128xi32, #tpu.memory_space<vmem>> -> memref<128xi32, #tpu.memory_space<vmem>>
    %dma_start3A_139 = arith.constant 0 : i32
    %dma_start3A_140 = arith.constant 0 : i32
    %dma_start3A_141 = tpu.memref_slice %arg4[%dma_start3A_139, %dma_start3A_140] : memref<1000000x32xf32, #tpu.memory_space<hbm>> -> memref<1000000x32xf32, #tpu.memory_space<hbm>>
    tpu.enqueue_indirect_dma source(%dma_start3A_141 : memref<1000000x32xf32, #tpu.memory_space<hbm>>) target(%dma_start3A_135 : memref<128x32xf32, #tpu.memory_space<vmem>>) offsets(%dma_start3A_138 : memref<128xi32, #tpu.memory_space<vmem>>) semaphore(%arg9 : memref<!tpu.dma_semaphore, #tpu.memory_space<semaphore_mem>>)
    %dma_start3A_142 = arith.constant 14 : i32
    %dma_start3A_143 = arith.constant 1792 : i32
    %dma_start3A_144 = arith.constant 0 : i32
    %dma_start3A_145 = tpu.memref_slice %arg8[%dma_start3A_143, %dma_start3A_144] : memref<2560x32xf32, #tpu.memory_space<vmem>> -> memref<128x32xf32, #tpu.memory_space<vmem>>
    %dma_start3A_146 = arith.constant 0 : i32
    %dma_start3A_147 = tpu.memref_slice %arg7[%dma_start3A_142, %dma_start3A_146] : memref<20x128xi32, #tpu.memory_space<vmem>> -> memref<1x128xi32, #tpu.memory_space<vmem>>
    %dma_start3A_148 = tpu.memref_squeeze %dma_start3A_147 : memref<1x128xi32, #tpu.memory_space<vmem>> -> memref<128xi32, #tpu.memory_space<vmem>>
    %dma_start3A_149 = arith.constant 0 : i32
    %dma_start3A_150 = arith.constant 0 : i32
    %dma_start3A_151 = tpu.memref_slice %arg4[%dma_start3A_149, %dma_start3A_150] : memref<1000000x32xf32, #tpu.memory_space<hbm>> -> memref<1000000x32xf32, #tpu.memory_space<hbm>>
    tpu.enqueue_indirect_dma source(%dma_start3A_151 : memref<1000000x32xf32, #tpu.memory_space<hbm>>) target(%dma_start3A_145 : memref<128x32xf32, #tpu.memory_space<vmem>>) offsets(%dma_start3A_148 : memref<128xi32, #tpu.memory_space<vmem>>) semaphore(%arg9 : memref<!tpu.dma_semaphore, #tpu.memory_space<semaphore_mem>>)
    %dma_start3A_152 = arith.constant 15 : i32
    %dma_start3A_153 = arith.constant 1920 : i32
    %dma_start3A_154 = arith.constant 0 : i32
    %dma_start3A_155 = tpu.memref_slice %arg8[%dma_start3A_153, %dma_start3A_154] : memref<2560x32xf32, #tpu.memory_space<vmem>> -> memref<128x32xf32, #tpu.memory_space<vmem>>
    %dma_start3A_156 = arith.constant 0 : i32
    %dma_start3A_157 = tpu.memref_slice %arg7[%dma_start3A_152, %dma_start3A_156] : memref<20x128xi32, #tpu.memory_space<vmem>> -> memref<1x128xi32, #tpu.memory_space<vmem>>
    %dma_start3A_158 = tpu.memref_squeeze %dma_start3A_157 : memref<1x128xi32, #tpu.memory_space<vmem>> -> memref<128xi32, #tpu.memory_space<vmem>>
    %dma_start3A_159 = arith.constant 0 : i32
    %dma_start3A_160 = arith.constant 0 : i32
    %dma_start3A_161 = tpu.memref_slice %arg4[%dma_start3A_159, %dma_start3A_160] : memref<1000000x32xf32, #tpu.memory_space<hbm>> -> memref<1000000x32xf32, #tpu.memory_space<hbm>>
    tpu.enqueue_indirect_dma source(%dma_start3A_161 : memref<1000000x32xf32, #tpu.memory_space<hbm>>) target(%dma_start3A_155 : memref<128x32xf32, #tpu.memory_space<vmem>>) offsets(%dma_start3A_158 : memref<128xi32, #tpu.memory_space<vmem>>) semaphore(%arg9 : memref<!tpu.dma_semaphore, #tpu.memory_space<semaphore_mem>>)
    %dma_start3A_162 = arith.constant 16 : i32
    %dma_start3A_163 = arith.constant 2048 : i32
    %dma_start3A_164 = arith.constant 0 : i32
    %dma_start3A_165 = tpu.memref_slice %arg8[%dma_start3A_163, %dma_start3A_164] : memref<2560x32xf32, #tpu.memory_space<vmem>> -> memref<128x32xf32, #tpu.memory_space<vmem>>
    %dma_start3A_166 = arith.constant 0 : i32
    %dma_start3A_167 = tpu.memref_slice %arg7[%dma_start3A_162, %dma_start3A_166] : memref<20x128xi32, #tpu.memory_space<vmem>> -> memref<1x128xi32, #tpu.memory_space<vmem>>
    %dma_start3A_168 = tpu.memref_squeeze %dma_start3A_167 : memref<1x128xi32, #tpu.memory_space<vmem>> -> memref<128xi32, #tpu.memory_space<vmem>>
    %dma_start3A_169 = arith.constant 0 : i32
    %dma_start3A_170 = arith.constant 0 : i32
    %dma_start3A_171 = tpu.memref_slice %arg4[%dma_start3A_169, %dma_start3A_170] : memref<1000000x32xf32, #tpu.memory_space<hbm>> -> memref<1000000x32xf32, #tpu.memory_space<hbm>>
    tpu.enqueue_indirect_dma source(%dma_start3A_171 : memref<1000000x32xf32, #tpu.memory_space<hbm>>) target(%dma_start3A_165 : memref<128x32xf32, #tpu.memory_space<vmem>>) offsets(%dma_start3A_168 : memref<128xi32, #tpu.memory_space<vmem>>) semaphore(%arg9 : memref<!tpu.dma_semaphore, #tpu.memory_space<semaphore_mem>>)
    %dma_start3A_172 = arith.constant 17 : i32
    %dma_start3A_173 = arith.constant 2176 : i32
    %dma_start3A_174 = arith.constant 0 : i32
    %dma_start3A_175 = tpu.memref_slice %arg8[%dma_start3A_173, %dma_start3A_174] : memref<2560x32xf32, #tpu.memory_space<vmem>> -> memref<128x32xf32, #tpu.memory_space<vmem>>
    %dma_start3A_176 = arith.constant 0 : i32
    %dma_start3A_177 = tpu.memref_slice %arg7[%dma_start3A_172, %dma_start3A_176] : memref<20x128xi32, #tpu.memory_space<vmem>> -> memref<1x128xi32, #tpu.memory_space<vmem>>
    %dma_start3A_178 = tpu.memref_squeeze %dma_start3A_177 : memref<1x128xi32, #tpu.memory_space<vmem>> -> memref<128xi32, #tpu.memory_space<vmem>>
    %dma_start3A_179 = arith.constant 0 : i32
    %dma_start3A_180 = arith.constant 0 : i32
    %dma_start3A_181 = tpu.memref_slice %arg4[%dma_start3A_179, %dma_start3A_180] : memref<1000000x32xf32, #tpu.memory_space<hbm>> -> memref<1000000x32xf32, #tpu.memory_space<hbm>>
    tpu.enqueue_indirect_dma source(%dma_start3A_181 : memref<1000000x32xf32, #tpu.memory_space<hbm>>) target(%dma_start3A_175 : memref<128x32xf32, #tpu.memory_space<vmem>>) offsets(%dma_start3A_178 : memref<128xi32, #tpu.memory_space<vmem>>) semaphore(%arg9 : memref<!tpu.dma_semaphore, #tpu.memory_space<semaphore_mem>>)
    %dma_start3A_182 = arith.constant 18 : i32
    %dma_start3A_183 = arith.constant 2304 : i32
    %dma_start3A_184 = arith.constant 0 : i32
    %dma_start3A_185 = tpu.memref_slice %arg8[%dma_start3A_183, %dma_start3A_184] : memref<2560x32xf32, #tpu.memory_space<vmem>> -> memref<128x32xf32, #tpu.memory_space<vmem>>
    %dma_start3A_186 = arith.constant 0 : i32
    %dma_start3A_187 = tpu.memref_slice %arg7[%dma_start3A_182, %dma_start3A_186] : memref<20x128xi32, #tpu.memory_space<vmem>> -> memref<1x128xi32, #tpu.memory_space<vmem>>
    %dma_start3A_188 = tpu.memref_squeeze %dma_start3A_187 : memref<1x128xi32, #tpu.memory_space<vmem>> -> memref<128xi32, #tpu.memory_space<vmem>>
    %dma_start3A_189 = arith.constant 0 : i32
    %dma_start3A_190 = arith.constant 0 : i32
    %dma_start3A_191 = tpu.memref_slice %arg4[%dma_start3A_189, %dma_start3A_190] : memref<1000000x32xf32, #tpu.memory_space<hbm>> -> memref<1000000x32xf32, #tpu.memory_space<hbm>>
    tpu.enqueue_indirect_dma source(%dma_start3A_191 : memref<1000000x32xf32, #tpu.memory_space<hbm>>) target(%dma_start3A_185 : memref<128x32xf32, #tpu.memory_space<vmem>>) offsets(%dma_start3A_188 : memref<128xi32, #tpu.memory_space<vmem>>) semaphore(%arg9 : memref<!tpu.dma_semaphore, #tpu.memory_space<semaphore_mem>>)
    %dma_start3A_192 = arith.constant 19 : i32
    %dma_start3A_193 = arith.constant 2432 : i32
    %dma_start3A_194 = arith.constant 0 : i32
    %dma_start3A_195 = tpu.memref_slice %arg8[%dma_start3A_193, %dma_start3A_194] : memref<2560x32xf32, #tpu.memory_space<vmem>> -> memref<128x32xf32, #tpu.memory_space<vmem>>
    %dma_start3A_196 = arith.constant 0 : i32
    %dma_start3A_197 = tpu.memref_slice %arg7[%dma_start3A_192, %dma_start3A_196] : memref<20x128xi32, #tpu.memory_space<vmem>> -> memref<1x128xi32, #tpu.memory_space<vmem>>
    %dma_start3A_198 = tpu.memref_squeeze %dma_start3A_197 : memref<1x128xi32, #tpu.memory_space<vmem>> -> memref<128xi32, #tpu.memory_space<vmem>>
    %dma_start3A_199 = arith.constant 0 : i32
    %dma_start3A_200 = arith.constant 0 : i32
    %dma_start3A_201 = tpu.memref_slice %arg4[%dma_start3A_199, %dma_start3A_200] : memref<1000000x32xf32, #tpu.memory_space<hbm>> -> memref<1000000x32xf32, #tpu.memory_space<hbm>>
    tpu.enqueue_indirect_dma source(%dma_start3A_201 : memref<1000000x32xf32, #tpu.memory_space<hbm>>) target(%dma_start3A_195 : memref<128x32xf32, #tpu.memory_space<vmem>>) offsets(%dma_start3A_198 : memref<128xi32, #tpu.memory_space<vmem>>) semaphore(%arg9 : memref<!tpu.dma_semaphore, #tpu.memory_space<semaphore_mem>>)
    %dma_wait3A = arith.constant 0 : i32
    %dma_wait3A_202 = arith.constant 0 : i32
    %dma_wait3A_203 = arith.constant 0 : i32
    %dma_wait3A_204 = tpu.memref_slice %arg8[%dma_wait3A_202, %dma_wait3A_203] : memref<2560x32xf32, #tpu.memory_space<vmem>> -> memref<128x32xf32, #tpu.memory_space<vmem>>
    %dma_wait3A_205 = arith.constant 0 : i32
    %dma_wait3A_206 = tpu.memref_slice %arg7[%dma_wait3A, %dma_wait3A_205] : memref<20x128xi32, #tpu.memory_space<vmem>> -> memref<1x128xi32, #tpu.memory_space<vmem>>
    %dma_wait3A_207 = tpu.memref_squeeze %dma_wait3A_206 : memref<1x128xi32, #tpu.memory_space<vmem>> -> memref<128xi32, #tpu.memory_space<vmem>>
    %dma_wait3A_208 = arith.constant 0 : i32
    %dma_wait3A_209 = arith.constant 0 : i32
    %dma_wait3A_210 = tpu.memref_slice %arg4[%dma_wait3A_208, %dma_wait3A_209] : memref<1000000x32xf32, #tpu.memory_space<hbm>> -> memref<1000000x32xf32, #tpu.memory_space<hbm>>
    tpu.wait_indirect_dma semaphore(%arg9 : memref<!tpu.dma_semaphore, #tpu.memory_space<semaphore_mem>>) src(%dma_wait3A_210 : memref<1000000x32xf32, #tpu.memory_space<hbm>>) dst(%dma_wait3A_204 : memref<128x32xf32, #tpu.memory_space<vmem>>)
    %dma_wait3A_211 = arith.constant 1 : i32
    %dma_wait3A_212 = arith.constant 128 : i32
    %dma_wait3A_213 = arith.constant 0 : i32
    %dma_wait3A_214 = tpu.memref_slice %arg8[%dma_wait3A_212, %dma_wait3A_213] : memref<2560x32xf32, #tpu.memory_space<vmem>> -> memref<128x32xf32, #tpu.memory_space<vmem>>
    %dma_wait3A_215 = arith.constant 0 : i32
    %dma_wait3A_216 = tpu.memref_slice %arg7[%dma_wait3A_211, %dma_wait3A_215] : memref<20x128xi32, #tpu.memory_space<vmem>> -> memref<1x128xi32, #tpu.memory_space<vmem>>
    %dma_wait3A_217 = tpu.memref_squeeze %dma_wait3A_216 : memref<1x128xi32, #tpu.memory_space<vmem>> -> memref<128xi32, #tpu.memory_space<vmem>>
    %dma_wait3A_218 = arith.constant 0 : i32
    %dma_wait3A_219 = arith.constant 0 : i32
    %dma_wait3A_220 = tpu.memref_slice %arg4[%dma_wait3A_218, %dma_wait3A_219] : memref<1000000x32xf32, #tpu.memory_space<hbm>> -> memref<1000000x32xf32, #tpu.memory_space<hbm>>
    tpu.wait_indirect_dma semaphore(%arg9 : memref<!tpu.dma_semaphore, #tpu.memory_space<semaphore_mem>>) src(%dma_wait3A_220 : memref<1000000x32xf32, #tpu.memory_space<hbm>>) dst(%dma_wait3A_214 : memref<128x32xf32, #tpu.memory_space<vmem>>)
    %dma_wait3A_221 = arith.constant 2 : i32
    %dma_wait3A_222 = arith.constant 256 : i32
    %dma_wait3A_223 = arith.constant 0 : i32
    %dma_wait3A_224 = tpu.memref_slice %arg8[%dma_wait3A_222, %dma_wait3A_223] : memref<2560x32xf32, #tpu.memory_space<vmem>> -> memref<128x32xf32, #tpu.memory_space<vmem>>
    %dma_wait3A_225 = arith.constant 0 : i32
    %dma_wait3A_226 = tpu.memref_slice %arg7[%dma_wait3A_221, %dma_wait3A_225] : memref<20x128xi32, #tpu.memory_space<vmem>> -> memref<1x128xi32, #tpu.memory_space<vmem>>
    %dma_wait3A_227 = tpu.memref_squeeze %dma_wait3A_226 : memref<1x128xi32, #tpu.memory_space<vmem>> -> memref<128xi32, #tpu.memory_space<vmem>>
    %dma_wait3A_228 = arith.constant 0 : i32
    %dma_wait3A_229 = arith.constant 0 : i32
    %dma_wait3A_230 = tpu.memref_slice %arg4[%dma_wait3A_228, %dma_wait3A_229] : memref<1000000x32xf32, #tpu.memory_space<hbm>> -> memref<1000000x32xf32, #tpu.memory_space<hbm>>
    tpu.wait_indirect_dma semaphore(%arg9 : memref<!tpu.dma_semaphore, #tpu.memory_space<semaphore_mem>>) src(%dma_wait3A_230 : memref<1000000x32xf32, #tpu.memory_space<hbm>>) dst(%dma_wait3A_224 : memref<128x32xf32, #tpu.memory_space<vmem>>)
    %dma_wait3A_231 = arith.constant 3 : i32
    %dma_wait3A_232 = arith.constant 384 : i32
    %dma_wait3A_233 = arith.constant 0 : i32
    %dma_wait3A_234 = tpu.memref_slice %arg8[%dma_wait3A_232, %dma_wait3A_233] : memref<2560x32xf32, #tpu.memory_space<vmem>> -> memref<128x32xf32, #tpu.memory_space<vmem>>
    %dma_wait3A_235 = arith.constant 0 : i32
    %dma_wait3A_236 = tpu.memref_slice %arg7[%dma_wait3A_231, %dma_wait3A_235] : memref<20x128xi32, #tpu.memory_space<vmem>> -> memref<1x128xi32, #tpu.memory_space<vmem>>
    %dma_wait3A_237 = tpu.memref_squeeze %dma_wait3A_236 : memref<1x128xi32, #tpu.memory_space<vmem>> -> memref<128xi32, #tpu.memory_space<vmem>>
    %dma_wait3A_238 = arith.constant 0 : i32
    %dma_wait3A_239 = arith.constant 0 : i32
    %dma_wait3A_240 = tpu.memref_slice %arg4[%dma_wait3A_238, %dma_wait3A_239] : memref<1000000x32xf32, #tpu.memory_space<hbm>> -> memref<1000000x32xf32, #tpu.memory_space<hbm>>
    tpu.wait_indirect_dma semaphore(%arg9 : memref<!tpu.dma_semaphore, #tpu.memory_space<semaphore_mem>>) src(%dma_wait3A_240 : memref<1000000x32xf32, #tpu.memory_space<hbm>>) dst(%dma_wait3A_234 : memref<128x32xf32, #tpu.memory_space<vmem>>)
    %dma_wait3A_241 = arith.constant 4 : i32
    %dma_wait3A_242 = arith.constant 512 : i32
    %dma_wait3A_243 = arith.constant 0 : i32
    %dma_wait3A_244 = tpu.memref_slice %arg8[%dma_wait3A_242, %dma_wait3A_243] : memref<2560x32xf32, #tpu.memory_space<vmem>> -> memref<128x32xf32, #tpu.memory_space<vmem>>
    %dma_wait3A_245 = arith.constant 0 : i32
    %dma_wait3A_246 = tpu.memref_slice %arg7[%dma_wait3A_241, %dma_wait3A_245] : memref<20x128xi32, #tpu.memory_space<vmem>> -> memref<1x128xi32, #tpu.memory_space<vmem>>
    %dma_wait3A_247 = tpu.memref_squeeze %dma_wait3A_246 : memref<1x128xi32, #tpu.memory_space<vmem>> -> memref<128xi32, #tpu.memory_space<vmem>>
    %dma_wait3A_248 = arith.constant 0 : i32
    %dma_wait3A_249 = arith.constant 0 : i32
    %dma_wait3A_250 = tpu.memref_slice %arg4[%dma_wait3A_248, %dma_wait3A_249] : memref<1000000x32xf32, #tpu.memory_space<hbm>> -> memref<1000000x32xf32, #tpu.memory_space<hbm>>
    tpu.wait_indirect_dma semaphore(%arg9 : memref<!tpu.dma_semaphore, #tpu.memory_space<semaphore_mem>>) src(%dma_wait3A_250 : memref<1000000x32xf32, #tpu.memory_space<hbm>>) dst(%dma_wait3A_244 : memref<128x32xf32, #tpu.memory_space<vmem>>)
    %dma_wait3A_251 = arith.constant 5 : i32
    %dma_wait3A_252 = arith.constant 640 : i32
    %dma_wait3A_253 = arith.constant 0 : i32
    %dma_wait3A_254 = tpu.memref_slice %arg8[%dma_wait3A_252, %dma_wait3A_253] : memref<2560x32xf32, #tpu.memory_space<vmem>> -> memref<128x32xf32, #tpu.memory_space<vmem>>
    %dma_wait3A_255 = arith.constant 0 : i32
    %dma_wait3A_256 = tpu.memref_slice %arg7[%dma_wait3A_251, %dma_wait3A_255] : memref<20x128xi32, #tpu.memory_space<vmem>> -> memref<1x128xi32, #tpu.memory_space<vmem>>
    %dma_wait3A_257 = tpu.memref_squeeze %dma_wait3A_256 : memref<1x128xi32, #tpu.memory_space<vmem>> -> memref<128xi32, #tpu.memory_space<vmem>>
    %dma_wait3A_258 = arith.constant 0 : i32
    %dma_wait3A_259 = arith.constant 0 : i32
    %dma_wait3A_260 = tpu.memref_slice %arg4[%dma_wait3A_258, %dma_wait3A_259] : memref<1000000x32xf32, #tpu.memory_space<hbm>> -> memref<1000000x32xf32, #tpu.memory_space<hbm>>
    tpu.wait_indirect_dma semaphore(%arg9 : memref<!tpu.dma_semaphore, #tpu.memory_space<semaphore_mem>>) src(%dma_wait3A_260 : memref<1000000x32xf32, #tpu.memory_space<hbm>>) dst(%dma_wait3A_254 : memref<128x32xf32, #tpu.memory_space<vmem>>)
    %dma_wait3A_261 = arith.constant 6 : i32
    %dma_wait3A_262 = arith.constant 768 : i32
    %dma_wait3A_263 = arith.constant 0 : i32
    %dma_wait3A_264 = tpu.memref_slice %arg8[%dma_wait3A_262, %dma_wait3A_263] : memref<2560x32xf32, #tpu.memory_space<vmem>> -> memref<128x32xf32, #tpu.memory_space<vmem>>
    %dma_wait3A_265 = arith.constant 0 : i32
    %dma_wait3A_266 = tpu.memref_slice %arg7[%dma_wait3A_261, %dma_wait3A_265] : memref<20x128xi32, #tpu.memory_space<vmem>> -> memref<1x128xi32, #tpu.memory_space<vmem>>
    %dma_wait3A_267 = tpu.memref_squeeze %dma_wait3A_266 : memref<1x128xi32, #tpu.memory_space<vmem>> -> memref<128xi32, #tpu.memory_space<vmem>>
    %dma_wait3A_268 = arith.constant 0 : i32
    %dma_wait3A_269 = arith.constant 0 : i32
    %dma_wait3A_270 = tpu.memref_slice %arg4[%dma_wait3A_268, %dma_wait3A_269] : memref<1000000x32xf32, #tpu.memory_space<hbm>> -> memref<1000000x32xf32, #tpu.memory_space<hbm>>
    tpu.wait_indirect_dma semaphore(%arg9 : memref<!tpu.dma_semaphore, #tpu.memory_space<semaphore_mem>>) src(%dma_wait3A_270 : memref<1000000x32xf32, #tpu.memory_space<hbm>>) dst(%dma_wait3A_264 : memref<128x32xf32, #tpu.memory_space<vmem>>)
    %dma_wait3A_271 = arith.constant 7 : i32
    %dma_wait3A_272 = arith.constant 896 : i32
    %dma_wait3A_273 = arith.constant 0 : i32
    %dma_wait3A_274 = tpu.memref_slice %arg8[%dma_wait3A_272, %dma_wait3A_273] : memref<2560x32xf32, #tpu.memory_space<vmem>> -> memref<128x32xf32, #tpu.memory_space<vmem>>
    %dma_wait3A_275 = arith.constant 0 : i32
    %dma_wait3A_276 = tpu.memref_slice %arg7[%dma_wait3A_271, %dma_wait3A_275] : memref<20x128xi32, #tpu.memory_space<vmem>> -> memref<1x128xi32, #tpu.memory_space<vmem>>
    %dma_wait3A_277 = tpu.memref_squeeze %dma_wait3A_276 : memref<1x128xi32, #tpu.memory_space<vmem>> -> memref<128xi32, #tpu.memory_space<vmem>>
    %dma_wait3A_278 = arith.constant 0 : i32
    %dma_wait3A_279 = arith.constant 0 : i32
    %dma_wait3A_280 = tpu.memref_slice %arg4[%dma_wait3A_278, %dma_wait3A_279] : memref<1000000x32xf32, #tpu.memory_space<hbm>> -> memref<1000000x32xf32, #tpu.memory_space<hbm>>
    tpu.wait_indirect_dma semaphore(%arg9 : memref<!tpu.dma_semaphore, #tpu.memory_space<semaphore_mem>>) src(%dma_wait3A_280 : memref<1000000x32xf32, #tpu.memory_space<hbm>>) dst(%dma_wait3A_274 : memref<128x32xf32, #tpu.memory_space<vmem>>)
    %dma_wait3A_281 = arith.constant 8 : i32
    %dma_wait3A_282 = arith.constant 1024 : i32
    %dma_wait3A_283 = arith.constant 0 : i32
    %dma_wait3A_284 = tpu.memref_slice %arg8[%dma_wait3A_282, %dma_wait3A_283] : memref<2560x32xf32, #tpu.memory_space<vmem>> -> memref<128x32xf32, #tpu.memory_space<vmem>>
    %dma_wait3A_285 = arith.constant 0 : i32
    %dma_wait3A_286 = tpu.memref_slice %arg7[%dma_wait3A_281, %dma_wait3A_285] : memref<20x128xi32, #tpu.memory_space<vmem>> -> memref<1x128xi32, #tpu.memory_space<vmem>>
    %dma_wait3A_287 = tpu.memref_squeeze %dma_wait3A_286 : memref<1x128xi32, #tpu.memory_space<vmem>> -> memref<128xi32, #tpu.memory_space<vmem>>
    %dma_wait3A_288 = arith.constant 0 : i32
    %dma_wait3A_289 = arith.constant 0 : i32
    %dma_wait3A_290 = tpu.memref_slice %arg4[%dma_wait3A_288, %dma_wait3A_289] : memref<1000000x32xf32, #tpu.memory_space<hbm>> -> memref<1000000x32xf32, #tpu.memory_space<hbm>>
    tpu.wait_indirect_dma semaphore(%arg9 : memref<!tpu.dma_semaphore, #tpu.memory_space<semaphore_mem>>) src(%dma_wait3A_290 : memref<1000000x32xf32, #tpu.memory_space<hbm>>) dst(%dma_wait3A_284 : memref<128x32xf32, #tpu.memory_space<vmem>>)
    %dma_wait3A_291 = arith.constant 9 : i32
    %dma_wait3A_292 = arith.constant 1152 : i32
    %dma_wait3A_293 = arith.constant 0 : i32
    %dma_wait3A_294 = tpu.memref_slice %arg8[%dma_wait3A_292, %dma_wait3A_293] : memref<2560x32xf32, #tpu.memory_space<vmem>> -> memref<128x32xf32, #tpu.memory_space<vmem>>
    %dma_wait3A_295 = arith.constant 0 : i32
    %dma_wait3A_296 = tpu.memref_slice %arg7[%dma_wait3A_291, %dma_wait3A_295] : memref<20x128xi32, #tpu.memory_space<vmem>> -> memref<1x128xi32, #tpu.memory_space<vmem>>
    %dma_wait3A_297 = tpu.memref_squeeze %dma_wait3A_296 : memref<1x128xi32, #tpu.memory_space<vmem>> -> memref<128xi32, #tpu.memory_space<vmem>>
    %dma_wait3A_298 = arith.constant 0 : i32
    %dma_wait3A_299 = arith.constant 0 : i32
    %dma_wait3A_300 = tpu.memref_slice %arg4[%dma_wait3A_298, %dma_wait3A_299] : memref<1000000x32xf32, #tpu.memory_space<hbm>> -> memref<1000000x32xf32, #tpu.memory_space<hbm>>
    tpu.wait_indirect_dma semaphore(%arg9 : memref<!tpu.dma_semaphore, #tpu.memory_space<semaphore_mem>>) src(%dma_wait3A_300 : memref<1000000x32xf32, #tpu.memory_space<hbm>>) dst(%dma_wait3A_294 : memref<128x32xf32, #tpu.memory_space<vmem>>)
    %dma_wait3A_301 = arith.constant 10 : i32
    %dma_wait3A_302 = arith.constant 1280 : i32
    %dma_wait3A_303 = arith.constant 0 : i32
    %dma_wait3A_304 = tpu.memref_slice %arg8[%dma_wait3A_302, %dma_wait3A_303] : memref<2560x32xf32, #tpu.memory_space<vmem>> -> memref<128x32xf32, #tpu.memory_space<vmem>>
    %dma_wait3A_305 = arith.constant 0 : i32
    %dma_wait3A_306 = tpu.memref_slice %arg7[%dma_wait3A_301, %dma_wait3A_305] : memref<20x128xi32, #tpu.memory_space<vmem>> -> memref<1x128xi32, #tpu.memory_space<vmem>>
    %dma_wait3A_307 = tpu.memref_squeeze %dma_wait3A_306 : memref<1x128xi32, #tpu.memory_space<vmem>> -> memref<128xi32, #tpu.memory_space<vmem>>
    %dma_wait3A_308 = arith.constant 0 : i32
    %dma_wait3A_309 = arith.constant 0 : i32
    %dma_wait3A_310 = tpu.memref_slice %arg4[%dma_wait3A_308, %dma_wait3A_309] : memref<1000000x32xf32, #tpu.memory_space<hbm>> -> memref<1000000x32xf32, #tpu.memory_space<hbm>>
    tpu.wait_indirect_dma semaphore(%arg9 : memref<!tpu.dma_semaphore, #tpu.memory_space<semaphore_mem>>) src(%dma_wait3A_310 : memref<1000000x32xf32, #tpu.memory_space<hbm>>) dst(%dma_wait3A_304 : memref<128x32xf32, #tpu.memory_space<vmem>>)
    %dma_wait3A_311 = arith.constant 11 : i32
    %dma_wait3A_312 = arith.constant 1408 : i32
    %dma_wait3A_313 = arith.constant 0 : i32
    %dma_wait3A_314 = tpu.memref_slice %arg8[%dma_wait3A_312, %dma_wait3A_313] : memref<2560x32xf32, #tpu.memory_space<vmem>> -> memref<128x32xf32, #tpu.memory_space<vmem>>
    %dma_wait3A_315 = arith.constant 0 : i32
    %dma_wait3A_316 = tpu.memref_slice %arg7[%dma_wait3A_311, %dma_wait3A_315] : memref<20x128xi32, #tpu.memory_space<vmem>> -> memref<1x128xi32, #tpu.memory_space<vmem>>
    %dma_wait3A_317 = tpu.memref_squeeze %dma_wait3A_316 : memref<1x128xi32, #tpu.memory_space<vmem>> -> memref<128xi32, #tpu.memory_space<vmem>>
    %dma_wait3A_318 = arith.constant 0 : i32
    %dma_wait3A_319 = arith.constant 0 : i32
    %dma_wait3A_320 = tpu.memref_slice %arg4[%dma_wait3A_318, %dma_wait3A_319] : memref<1000000x32xf32, #tpu.memory_space<hbm>> -> memref<1000000x32xf32, #tpu.memory_space<hbm>>
    tpu.wait_indirect_dma semaphore(%arg9 : memref<!tpu.dma_semaphore, #tpu.memory_space<semaphore_mem>>) src(%dma_wait3A_320 : memref<1000000x32xf32, #tpu.memory_space<hbm>>) dst(%dma_wait3A_314 : memref<128x32xf32, #tpu.memory_space<vmem>>)
    %dma_wait3A_321 = arith.constant 12 : i32
    %dma_wait3A_322 = arith.constant 1536 : i32
    %dma_wait3A_323 = arith.constant 0 : i32
    %dma_wait3A_324 = tpu.memref_slice %arg8[%dma_wait3A_322, %dma_wait3A_323] : memref<2560x32xf32, #tpu.memory_space<vmem>> -> memref<128x32xf32, #tpu.memory_space<vmem>>
    %dma_wait3A_325 = arith.constant 0 : i32
    %dma_wait3A_326 = tpu.memref_slice %arg7[%dma_wait3A_321, %dma_wait3A_325] : memref<20x128xi32, #tpu.memory_space<vmem>> -> memref<1x128xi32, #tpu.memory_space<vmem>>
    %dma_wait3A_327 = tpu.memref_squeeze %dma_wait3A_326 : memref<1x128xi32, #tpu.memory_space<vmem>> -> memref<128xi32, #tpu.memory_space<vmem>>
    %dma_wait3A_328 = arith.constant 0 : i32
    %dma_wait3A_329 = arith.constant 0 : i32
    %dma_wait3A_330 = tpu.memref_slice %arg4[%dma_wait3A_328, %dma_wait3A_329] : memref<1000000x32xf32, #tpu.memory_space<hbm>> -> memref<1000000x32xf32, #tpu.memory_space<hbm>>
    tpu.wait_indirect_dma semaphore(%arg9 : memref<!tpu.dma_semaphore, #tpu.memory_space<semaphore_mem>>) src(%dma_wait3A_330 : memref<1000000x32xf32, #tpu.memory_space<hbm>>) dst(%dma_wait3A_324 : memref<128x32xf32, #tpu.memory_space<vmem>>)
    %dma_wait3A_331 = arith.constant 13 : i32
    %dma_wait3A_332 = arith.constant 1664 : i32
    %dma_wait3A_333 = arith.constant 0 : i32
    %dma_wait3A_334 = tpu.memref_slice %arg8[%dma_wait3A_332, %dma_wait3A_333] : memref<2560x32xf32, #tpu.memory_space<vmem>> -> memref<128x32xf32, #tpu.memory_space<vmem>>
    %dma_wait3A_335 = arith.constant 0 : i32
    %dma_wait3A_336 = tpu.memref_slice %arg7[%dma_wait3A_331, %dma_wait3A_335] : memref<20x128xi32, #tpu.memory_space<vmem>> -> memref<1x128xi32, #tpu.memory_space<vmem>>
    %dma_wait3A_337 = tpu.memref_squeeze %dma_wait3A_336 : memref<1x128xi32, #tpu.memory_space<vmem>> -> memref<128xi32, #tpu.memory_space<vmem>>
    %dma_wait3A_338 = arith.constant 0 : i32
    %dma_wait3A_339 = arith.constant 0 : i32
    %dma_wait3A_340 = tpu.memref_slice %arg4[%dma_wait3A_338, %dma_wait3A_339] : memref<1000000x32xf32, #tpu.memory_space<hbm>> -> memref<1000000x32xf32, #tpu.memory_space<hbm>>
    tpu.wait_indirect_dma semaphore(%arg9 : memref<!tpu.dma_semaphore, #tpu.memory_space<semaphore_mem>>) src(%dma_wait3A_340 : memref<1000000x32xf32, #tpu.memory_space<hbm>>) dst(%dma_wait3A_334 : memref<128x32xf32, #tpu.memory_space<vmem>>)
    %dma_wait3A_341 = arith.constant 14 : i32
    %dma_wait3A_342 = arith.constant 1792 : i32
    %dma_wait3A_343 = arith.constant 0 : i32
    %dma_wait3A_344 = tpu.memref_slice %arg8[%dma_wait3A_342, %dma_wait3A_343] : memref<2560x32xf32, #tpu.memory_space<vmem>> -> memref<128x32xf32, #tpu.memory_space<vmem>>
    %dma_wait3A_345 = arith.constant 0 : i32
    %dma_wait3A_346 = tpu.memref_slice %arg7[%dma_wait3A_341, %dma_wait3A_345] : memref<20x128xi32, #tpu.memory_space<vmem>> -> memref<1x128xi32, #tpu.memory_space<vmem>>
    %dma_wait3A_347 = tpu.memref_squeeze %dma_wait3A_346 : memref<1x128xi32, #tpu.memory_space<vmem>> -> memref<128xi32, #tpu.memory_space<vmem>>
    %dma_wait3A_348 = arith.constant 0 : i32
    %dma_wait3A_349 = arith.constant 0 : i32
    %dma_wait3A_350 = tpu.memref_slice %arg4[%dma_wait3A_348, %dma_wait3A_349] : memref<1000000x32xf32, #tpu.memory_space<hbm>> -> memref<1000000x32xf32, #tpu.memory_space<hbm>>
    tpu.wait_indirect_dma semaphore(%arg9 : memref<!tpu.dma_semaphore, #tpu.memory_space<semaphore_mem>>) src(%dma_wait3A_350 : memref<1000000x32xf32, #tpu.memory_space<hbm>>) dst(%dma_wait3A_344 : memref<128x32xf32, #tpu.memory_space<vmem>>)
    %dma_wait3A_351 = arith.constant 15 : i32
    %dma_wait3A_352 = arith.constant 1920 : i32
    %dma_wait3A_353 = arith.constant 0 : i32
    %dma_wait3A_354 = tpu.memref_slice %arg8[%dma_wait3A_352, %dma_wait3A_353] : memref<2560x32xf32, #tpu.memory_space<vmem>> -> memref<128x32xf32, #tpu.memory_space<vmem>>
    %dma_wait3A_355 = arith.constant 0 : i32
    %dma_wait3A_356 = tpu.memref_slice %arg7[%dma_wait3A_351, %dma_wait3A_355] : memref<20x128xi32, #tpu.memory_space<vmem>> -> memref<1x128xi32, #tpu.memory_space<vmem>>
    %dma_wait3A_357 = tpu.memref_squeeze %dma_wait3A_356 : memref<1x128xi32, #tpu.memory_space<vmem>> -> memref<128xi32, #tpu.memory_space<vmem>>
    %dma_wait3A_358 = arith.constant 0 : i32
    %dma_wait3A_359 = arith.constant 0 : i32
    %dma_wait3A_360 = tpu.memref_slice %arg4[%dma_wait3A_358, %dma_wait3A_359] : memref<1000000x32xf32, #tpu.memory_space<hbm>> -> memref<1000000x32xf32, #tpu.memory_space<hbm>>
    tpu.wait_indirect_dma semaphore(%arg9 : memref<!tpu.dma_semaphore, #tpu.memory_space<semaphore_mem>>) src(%dma_wait3A_360 : memref<1000000x32xf32, #tpu.memory_space<hbm>>) dst(%dma_wait3A_354 : memref<128x32xf32, #tpu.memory_space<vmem>>)
    %dma_wait3A_361 = arith.constant 16 : i32
    %dma_wait3A_362 = arith.constant 2048 : i32
    %dma_wait3A_363 = arith.constant 0 : i32
    %dma_wait3A_364 = tpu.memref_slice %arg8[%dma_wait3A_362, %dma_wait3A_363] : memref<2560x32xf32, #tpu.memory_space<vmem>> -> memref<128x32xf32, #tpu.memory_space<vmem>>
    %dma_wait3A_365 = arith.constant 0 : i32
    %dma_wait3A_366 = tpu.memref_slice %arg7[%dma_wait3A_361, %dma_wait3A_365] : memref<20x128xi32, #tpu.memory_space<vmem>> -> memref<1x128xi32, #tpu.memory_space<vmem>>
    %dma_wait3A_367 = tpu.memref_squeeze %dma_wait3A_366 : memref<1x128xi32, #tpu.memory_space<vmem>> -> memref<128xi32, #tpu.memory_space<vmem>>
    %dma_wait3A_368 = arith.constant 0 : i32
    %dma_wait3A_369 = arith.constant 0 : i32
    %dma_wait3A_370 = tpu.memref_slice %arg4[%dma_wait3A_368, %dma_wait3A_369] : memref<1000000x32xf32, #tpu.memory_space<hbm>> -> memref<1000000x32xf32, #tpu.memory_space<hbm>>
    tpu.wait_indirect_dma semaphore(%arg9 : memref<!tpu.dma_semaphore, #tpu.memory_space<semaphore_mem>>) src(%dma_wait3A_370 : memref<1000000x32xf32, #tpu.memory_space<hbm>>) dst(%dma_wait3A_364 : memref<128x32xf32, #tpu.memory_space<vmem>>)
    %dma_wait3A_371 = arith.constant 17 : i32
    %dma_wait3A_372 = arith.constant 2176 : i32
    %dma_wait3A_373 = arith.constant 0 : i32
    %dma_wait3A_374 = tpu.memref_slice %arg8[%dma_wait3A_372, %dma_wait3A_373] : memref<2560x32xf32, #tpu.memory_space<vmem>> -> memref<128x32xf32, #tpu.memory_space<vmem>>
    %dma_wait3A_375 = arith.constant 0 : i32
    %dma_wait3A_376 = tpu.memref_slice %arg7[%dma_wait3A_371, %dma_wait3A_375] : memref<20x128xi32, #tpu.memory_space<vmem>> -> memref<1x128xi32, #tpu.memory_space<vmem>>
    %dma_wait3A_377 = tpu.memref_squeeze %dma_wait3A_376 : memref<1x128xi32, #tpu.memory_space<vmem>> -> memref<128xi32, #tpu.memory_space<vmem>>
    %dma_wait3A_378 = arith.constant 0 : i32
    %dma_wait3A_379 = arith.constant 0 : i32
    %dma_wait3A_380 = tpu.memref_slice %arg4[%dma_wait3A_378, %dma_wait3A_379] : memref<1000000x32xf32, #tpu.memory_space<hbm>> -> memref<1000000x32xf32, #tpu.memory_space<hbm>>
    tpu.wait_indirect_dma semaphore(%arg9 : memref<!tpu.dma_semaphore, #tpu.memory_space<semaphore_mem>>) src(%dma_wait3A_380 : memref<1000000x32xf32, #tpu.memory_space<hbm>>) dst(%dma_wait3A_374 : memref<128x32xf32, #tpu.memory_space<vmem>>)
    %dma_wait3A_381 = arith.constant 18 : i32
    %dma_wait3A_382 = arith.constant 2304 : i32
    %dma_wait3A_383 = arith.constant 0 : i32
    %dma_wait3A_384 = tpu.memref_slice %arg8[%dma_wait3A_382, %dma_wait3A_383] : memref<2560x32xf32, #tpu.memory_space<vmem>> -> memref<128x32xf32, #tpu.memory_space<vmem>>
    %dma_wait3A_385 = arith.constant 0 : i32
    %dma_wait3A_386 = tpu.memref_slice %arg7[%dma_wait3A_381, %dma_wait3A_385] : memref<20x128xi32, #tpu.memory_space<vmem>> -> memref<1x128xi32, #tpu.memory_space<vmem>>
    %dma_wait3A_387 = tpu.memref_squeeze %dma_wait3A_386 : memref<1x128xi32, #tpu.memory_space<vmem>> -> memref<128xi32, #tpu.memory_space<vmem>>
    %dma_wait3A_388 = arith.constant 0 : i32
    %dma_wait3A_389 = arith.constant 0 : i32
    %dma_wait3A_390 = tpu.memref_slice %arg4[%dma_wait3A_388, %dma_wait3A_389] : memref<1000000x32xf32, #tpu.memory_space<hbm>> -> memref<1000000x32xf32, #tpu.memory_space<hbm>>
    tpu.wait_indirect_dma semaphore(%arg9 : memref<!tpu.dma_semaphore, #tpu.memory_space<semaphore_mem>>) src(%dma_wait3A_390 : memref<1000000x32xf32, #tpu.memory_space<hbm>>) dst(%dma_wait3A_384 : memref<128x32xf32, #tpu.memory_space<vmem>>)
    %dma_wait3A_391 = arith.constant 19 : i32
    %dma_wait3A_392 = arith.constant 2432 : i32
    %dma_wait3A_393 = arith.constant 0 : i32
    %dma_wait3A_394 = tpu.memref_slice %arg8[%dma_wait3A_392, %dma_wait3A_393] : memref<2560x32xf32, #tpu.memory_space<vmem>> -> memref<128x32xf32, #tpu.memory_space<vmem>>
    %dma_wait3A_395 = arith.constant 0 : i32
    %dma_wait3A_396 = tpu.memref_slice %arg7[%dma_wait3A_391, %dma_wait3A_395] : memref<20x128xi32, #tpu.memory_space<vmem>> -> memref<1x128xi32, #tpu.memory_space<vmem>>
    %dma_wait3A_397 = tpu.memref_squeeze %dma_wait3A_396 : memref<1x128xi32, #tpu.memory_space<vmem>> -> memref<128xi32, #tpu.memory_space<vmem>>
    %dma_wait3A_398 = arith.constant 0 : i32
    %dma_wait3A_399 = arith.constant 0 : i32
    %dma_wait3A_400 = tpu.memref_slice %arg4[%dma_wait3A_398, %dma_wait3A_399] : memref<1000000x32xf32, #tpu.memory_space<hbm>> -> memref<1000000x32xf32, #tpu.memory_space<hbm>>
    tpu.wait_indirect_dma semaphore(%arg9 : memref<!tpu.dma_semaphore, #tpu.memory_space<semaphore_mem>>) src(%dma_wait3A_400 : memref<1000000x32xf32, #tpu.memory_space<hbm>>) dst(%dma_wait3A_394 : memref<128x32xf32, #tpu.memory_space<vmem>>)
    %scan3A = arith.constant 0 : i32
    %scan3A_401 = arith.constant 0 : i32
    %scan3A_402 = arith.constant 128 : i32
    %scan3A_403 = arith.addi %scan3A_401, %scan3A_402 : i32
    %scan3A_404 = arith.constant 1 : i32
    scf.for %scan3A_814 = %scan3A_401 to %scan3A_403 step %scan3A_404  : i32 {
      %mul3A_815 = arith.constant 20 : i32
      %mul3A_816 = arith.muli %scan3A_814, %mul3A_815 : i32
      %get3A = arith.index_cast %mul3A_816 : i32 to index
      %get3A_817 = arith.constant 0 : index
      %get3A_818 = tpu.vector_load %arg8[%get3A, %get3A_817] {strides = array<i32>} : memref<2560x32xf32, #tpu.memory_space<vmem>>, vector<1x16xf32>,
      %get3A_819 = vector.shape_cast %get3A_818 : vector<1x16xf32> to vector<16xf32>
      %get3A_820 = arith.index_cast %mul3A_816 : i32 to index
      %get3A_821 = arith.constant 16 : index
      %get3A_822 = tpu.vector_load %arg8[%get3A_820, %get3A_821] {strides = array<i32>} : memref<2560x32xf32, #tpu.memory_space<vmem>>, vector<1x16xf32>,
      %get3A_823 = vector.shape_cast %get3A_822 : vector<1x16xf32> to vector<16xf32>
      %add3A_824 = arith.constant 1 : i32
      %add3A_825 = arith.addi %mul3A_816, %add3A_824 : i32
      %get3A_826 = arith.index_cast %add3A_825 : i32 to index
      %get3A_827 = arith.constant 0 : index
      %get3A_828 = tpu.vector_load %arg8[%get3A_826, %get3A_827] {strides = array<i32>} : memref<2560x32xf32, #tpu.memory_space<vmem>>, vector<1x16xf32>,
      %get3A_829 = vector.shape_cast %get3A_828 : vector<1x16xf32> to vector<16xf32>
      %add3A_830 = arith.addf %get3A_819, %get3A_829 : vector<16xf32>
      %add3A_831 = arith.constant 1 : i32
      %add3A_832 = arith.addi %mul3A_816, %add3A_831 : i32
      %get3A_833 = arith.index_cast %add3A_832 : i32 to index
      %get3A_834 = arith.constant 16 : index
      %get3A_835 = tpu.vector_load %arg8[%get3A_833, %get3A_834] {strides = array<i32>} : memref<2560x32xf32, #tpu.memory_space<vmem>>, vector<1x16xf32>,
      %get3A_836 = vector.shape_cast %get3A_835 : vector<1x16xf32> to vector<16xf32>
      %add3A_837 = arith.addf %get3A_823, %get3A_836 : vector<16xf32>
      %add3A_838 = arith.constant 2 : i32
      %add3A_839 = arith.addi %mul3A_816, %add3A_838 : i32
      %get3A_840 = arith.index_cast %add3A_839 : i32 to index
      %get3A_841 = arith.constant 0 : index
      %get3A_842 = tpu.vector_load %arg8[%get3A_840, %get3A_841] {strides = array<i32>} : memref<2560x32xf32, #tpu.memory_space<vmem>>, vector<1x16xf32>,
      %get3A_843 = vector.shape_cast %get3A_842 : vector<1x16xf32> to vector<16xf32>
      %add3A_844 = arith.addf %add3A_830, %get3A_843 : vector<16xf32>
      %add3A_845 = arith.constant 2 : i32
      %add3A_846 = arith.addi %mul3A_816, %add3A_845 : i32
      %get3A_847 = arith.index_cast %add3A_846 : i32 to index
      %get3A_848 = arith.constant 16 : index
      %get3A_849 = tpu.vector_load %arg8[%get3A_847, %get3A_848] {strides = array<i32>} : memref<2560x32xf32, #tpu.memory_space<vmem>>, vector<1x16xf32>,
      %get3A_850 = vector.shape_cast %get3A_849 : vector<1x16xf32> to vector<16xf32>
      %add3A_851 = arith.addf %add3A_837, %get3A_850 : vector<16xf32>
      %add3A_852 = arith.constant 3 : i32
      %add3A_853 = arith.addi %mul3A_816, %add3A_852 : i32
      %get3A_854 = arith.index_cast %add3A_853 : i32 to index
      %get3A_855 = arith.constant 0 : index
      %get3A_856 = tpu.vector_load %arg8[%get3A_854, %get3A_855] {strides = array<i32>} : memref<2560x32xf32, #tpu.memory_space<vmem>>, vector<1x16xf32>,
      %get3A_857 = vector.shape_cast %get3A_856 : vector<1x16xf32> to vector<16xf32>
      %add3A_858 = arith.addf %add3A_844, %get3A_857 : vector<16xf32>
      %add3A_859 = arith.constant 3 : i32
      %add3A_860 = arith.addi %mul3A_816, %add3A_859 : i32
      %get3A_861 = arith.index_cast %add3A_860 : i32 to index
      %get3A_862 = arith.constant 16 : index
      %get3A_863 = tpu.vector_load %arg8[%get3A_861, %get3A_862] {strides = array<i32>} : memref<2560x32xf32, #tpu.memory_space<vmem>>, vector<1x16xf32>,
      %get3A_864 = vector.shape_cast %get3A_863 : vector<1x16xf32> to vector<16xf32>
      %add3A_865 = arith.addf %add3A_851, %get3A_864 : vector<16xf32>
      %add3A_866 = arith.constant 4 : i32
      %add3A_867 = arith.addi %mul3A_816, %add3A_866 : i32
      %get3A_868 = arith.index_cast %add3A_867 : i32 to index
      %get3A_869 = arith.constant 0 : index
      %get3A_870 = tpu.vector_load %arg8[%get3A_868, %get3A_869] {strides = array<i32>} : memref<2560x32xf32, #tpu.memory_space<vmem>>, vector<1x16xf32>,
      %get3A_871 = vector.shape_cast %get3A_870 : vector<1x16xf32> to vector<16xf32>
      %add3A_872 = arith.addf %add3A_858, %get3A_871 : vector<16xf32>
      %add3A_873 = arith.constant 4 : i32
      %add3A_874 = arith.addi %mul3A_816, %add3A_873 : i32
      %get3A_875 = arith.index_cast %add3A_874 : i32 to index
      %get3A_876 = arith.constant 16 : index
      %get3A_877 = tpu.vector_load %arg8[%get3A_875, %get3A_876] {strides = array<i32>} : memref<2560x32xf32, #tpu.memory_space<vmem>>, vector<1x16xf32>,
      %get3A_878 = vector.shape_cast %get3A_877 : vector<1x16xf32> to vector<16xf32>
      %add3A_879 = arith.addf %add3A_865, %get3A_878 : vector<16xf32>
      %add3A_880 = arith.constant 5 : i32
      %add3A_881 = arith.addi %mul3A_816, %add3A_880 : i32
      %get3A_882 = arith.index_cast %add3A_881 : i32 to index
      %get3A_883 = arith.constant 0 : index
      %get3A_884 = tpu.vector_load %arg8[%get3A_882, %get3A_883] {strides = array<i32>} : memref<2560x32xf32, #tpu.memory_space<vmem>>, vector<1x16xf32>,
      %get3A_885 = vector.shape_cast %get3A_884 : vector<1x16xf32> to vector<16xf32>
      %add3A_886 = arith.addf %add3A_872, %get3A_885 : vector<16xf32>
      %add3A_887 = arith.constant 5 : i32
      %add3A_888 = arith.addi %mul3A_816, %add3A_887 : i32
      %get3A_889 = arith.index_cast %add3A_888 : i32 to index
      %get3A_890 = arith.constant 16 : index
      %get3A_891 = tpu.vector_load %arg8[%get3A_889, %get3A_890] {strides = array<i32>} : memref<2560x32xf32, #tpu.memory_space<vmem>>, vector<1x16xf32>,
      %get3A_892 = vector.shape_cast %get3A_891 : vector<1x16xf32> to vector<16xf32>
      %add3A_893 = arith.addf %add3A_879, %get3A_892 : vector<16xf32>
      %add3A_894 = arith.constant 6 : i32
      %add3A_895 = arith.addi %mul3A_816, %add3A_894 : i32
      %get3A_896 = arith.index_cast %add3A_895 : i32 to index
      %get3A_897 = arith.constant 0 : index
      %get3A_898 = tpu.vector_load %arg8[%get3A_896, %get3A_897] {strides = array<i32>} : memref<2560x32xf32, #tpu.memory_space<vmem>>, vector<1x16xf32>,
      %get3A_899 = vector.shape_cast %get3A_898 : vector<1x16xf32> to vector<16xf32>
      %add3A_900 = arith.addf %add3A_886, %get3A_899 : vector<16xf32>
      %add3A_901 = arith.constant 6 : i32
      %add3A_902 = arith.addi %mul3A_816, %add3A_901 : i32
      %get3A_903 = arith.index_cast %add3A_902 : i32 to index
      %get3A_904 = arith.constant 16 : index
      %get3A_905 = tpu.vector_load %arg8[%get3A_903, %get3A_904] {strides = array<i32>} : memref<2560x32xf32, #tpu.memory_space<vmem>>, vector<1x16xf32>,
      %get3A_906 = vector.shape_cast %get3A_905 : vector<1x16xf32> to vector<16xf32>
      %add3A_907 = arith.addf %add3A_893, %get3A_906 : vector<16xf32>
      %add3A_908 = arith.constant 7 : i32
      %add3A_909 = arith.addi %mul3A_816, %add3A_908 : i32
      %get3A_910 = arith.index_cast %add3A_909 : i32 to index
      %get3A_911 = arith.constant 0 : index
      %get3A_912 = tpu.vector_load %arg8[%get3A_910, %get3A_911] {strides = array<i32>} : memref<2560x32xf32, #tpu.memory_space<vmem>>, vector<1x16xf32>,
      %get3A_913 = vector.shape_cast %get3A_912 : vector<1x16xf32> to vector<16xf32>
      %add3A_914 = arith.addf %add3A_900, %get3A_913 : vector<16xf32>
      %add3A_915 = arith.constant 7 : i32
      %add3A_916 = arith.addi %mul3A_816, %add3A_915 : i32
      %get3A_917 = arith.index_cast %add3A_916 : i32 to index
      %get3A_918 = arith.constant 16 : index
      %get3A_919 = tpu.vector_load %arg8[%get3A_917, %get3A_918] {strides = array<i32>} : memref<2560x32xf32, #tpu.memory_space<vmem>>, vector<1x16xf32>,
      %get3A_920 = vector.shape_cast %get3A_919 : vector<1x16xf32> to vector<16xf32>
      %add3A_921 = arith.addf %add3A_907, %get3A_920 : vector<16xf32>
      %add3A_922 = arith.constant 8 : i32
      %add3A_923 = arith.addi %mul3A_816, %add3A_922 : i32
      %get3A_924 = arith.index_cast %add3A_923 : i32 to index
      %get3A_925 = arith.constant 0 : index
      %get3A_926 = tpu.vector_load %arg8[%get3A_924, %get3A_925] {strides = array<i32>} : memref<2560x32xf32, #tpu.memory_space<vmem>>, vector<1x16xf32>,
      %get3A_927 = vector.shape_cast %get3A_926 : vector<1x16xf32> to vector<16xf32>
      %add3A_928 = arith.addf %add3A_914, %get3A_927 : vector<16xf32>
      %add3A_929 = arith.constant 8 : i32
      %add3A_930 = arith.addi %mul3A_816, %add3A_929 : i32
      %get3A_931 = arith.index_cast %add3A_930 : i32 to index
      %get3A_932 = arith.constant 16 : index
      %get3A_933 = tpu.vector_load %arg8[%get3A_931, %get3A_932] {strides = array<i32>} : memref<2560x32xf32, #tpu.memory_space<vmem>>, vector<1x16xf32>,
      %get3A_934 = vector.shape_cast %get3A_933 : vector<1x16xf32> to vector<16xf32>
      %add3A_935 = arith.addf %add3A_921, %get3A_934 : vector<16xf32>
      %add3A_936 = arith.constant 9 : i32
      %add3A_937 = arith.addi %mul3A_816, %add3A_936 : i32
      %get3A_938 = arith.index_cast %add3A_937 : i32 to index
      %get3A_939 = arith.constant 0 : index
      %get3A_940 = tpu.vector_load %arg8[%get3A_938, %get3A_939] {strides = array<i32>} : memref<2560x32xf32, #tpu.memory_space<vmem>>, vector<1x16xf32>,
      %get3A_941 = vector.shape_cast %get3A_940 : vector<1x16xf32> to vector<16xf32>
      %add3A_942 = arith.addf %add3A_928, %get3A_941 : vector<16xf32>
      %add3A_943 = arith.constant 9 : i32
      %add3A_944 = arith.addi %mul3A_816, %add3A_943 : i32
      %get3A_945 = arith.index_cast %add3A_944 : i32 to index
      %get3A_946 = arith.constant 16 : index
      %get3A_947 = tpu.vector_load %arg8[%get3A_945, %get3A_946] {strides = array<i32>} : memref<2560x32xf32, #tpu.memory_space<vmem>>, vector<1x16xf32>,
      %get3A_948 = vector.shape_cast %get3A_947 : vector<1x16xf32> to vector<16xf32>
      %add3A_949 = arith.addf %add3A_935, %get3A_948 : vector<16xf32>
      %add3A_950 = arith.constant 10 : i32
      %add3A_951 = arith.addi %mul3A_816, %add3A_950 : i32
      %get3A_952 = arith.index_cast %add3A_951 : i32 to index
      %get3A_953 = arith.constant 0 : index
      %get3A_954 = tpu.vector_load %arg8[%get3A_952, %get3A_953] {strides = array<i32>} : memref<2560x32xf32, #tpu.memory_space<vmem>>, vector<1x16xf32>,
      %get3A_955 = vector.shape_cast %get3A_954 : vector<1x16xf32> to vector<16xf32>
      %add3A_956 = arith.addf %add3A_942, %get3A_955 : vector<16xf32>
      %add3A_957 = arith.constant 10 : i32
      %add3A_958 = arith.addi %mul3A_816, %add3A_957 : i32
      %get3A_959 = arith.index_cast %add3A_958 : i32 to index
      %get3A_960 = arith.constant 16 : index
      %get3A_961 = tpu.vector_load %arg8[%get3A_959, %get3A_960] {strides = array<i32>} : memref<2560x32xf32, #tpu.memory_space<vmem>>, vector<1x16xf32>,
      %get3A_962 = vector.shape_cast %get3A_961 : vector<1x16xf32> to vector<16xf32>
      %add3A_963 = arith.addf %add3A_949, %get3A_962 : vector<16xf32>
      %add3A_964 = arith.constant 11 : i32
      %add3A_965 = arith.addi %mul3A_816, %add3A_964 : i32
      %get3A_966 = arith.index_cast %add3A_965 : i32 to index
      %get3A_967 = arith.constant 0 : index
      %get3A_968 = tpu.vector_load %arg8[%get3A_966, %get3A_967] {strides = array<i32>} : memref<2560x32xf32, #tpu.memory_space<vmem>>, vector<1x16xf32>,
      %get3A_969 = vector.shape_cast %get3A_968 : vector<1x16xf32> to vector<16xf32>
      %add3A_970 = arith.addf %add3A_956, %get3A_969 : vector<16xf32>
      %add3A_971 = arith.constant 11 : i32
      %add3A_972 = arith.addi %mul3A_816, %add3A_971 : i32
      %get3A_973 = arith.index_cast %add3A_972 : i32 to index
      %get3A_974 = arith.constant 16 : index
      %get3A_975 = tpu.vector_load %arg8[%get3A_973, %get3A_974] {strides = array<i32>} : memref<2560x32xf32, #tpu.memory_space<vmem>>, vector<1x16xf32>,
      %get3A_976 = vector.shape_cast %get3A_975 : vector<1x16xf32> to vector<16xf32>
      %add3A_977 = arith.addf %add3A_963, %get3A_976 : vector<16xf32>
      %add3A_978 = arith.constant 12 : i32
      %add3A_979 = arith.addi %mul3A_816, %add3A_978 : i32
      %get3A_980 = arith.index_cast %add3A_979 : i32 to index
      %get3A_981 = arith.constant 0 : index
      %get3A_982 = tpu.vector_load %arg8[%get3A_980, %get3A_981] {strides = array<i32>} : memref<2560x32xf32, #tpu.memory_space<vmem>>, vector<1x16xf32>,
      %get3A_983 = vector.shape_cast %get3A_982 : vector<1x16xf32> to vector<16xf32>
      %add3A_984 = arith.addf %add3A_970, %get3A_983 : vector<16xf32>
      %add3A_985 = arith.constant 12 : i32
      %add3A_986 = arith.addi %mul3A_816, %add3A_985 : i32
      %get3A_987 = arith.index_cast %add3A_986 : i32 to index
      %get3A_988 = arith.constant 16 : index
      %get3A_989 = tpu.vector_load %arg8[%get3A_987, %get3A_988] {strides = array<i32>} : memref<2560x32xf32, #tpu.memory_space<vmem>>, vector<1x16xf32>,
      %get3A_990 = vector.shape_cast %get3A_989 : vector<1x16xf32> to vector<16xf32>
      %add3A_991 = arith.addf %add3A_977, %get3A_990 : vector<16xf32>
      %add3A_992 = arith.constant 13 : i32
      %add3A_993 = arith.addi %mul3A_816, %add3A_992 : i32
      %get3A_994 = arith.index_cast %add3A_993 : i32 to index
      %get3A_995 = arith.constant 0 : index
      %get3A_996 = tpu.vector_load %arg8[%get3A_994, %get3A_995] {strides = array<i32>} : memref<2560x32xf32, #tpu.memory_space<vmem>>, vector<1x16xf32>,
      %get3A_997 = vector.shape_cast %get3A_996 : vector<1x16xf32> to vector<16xf32>
      %add3A_998 = arith.addf %add3A_984, %get3A_997 : vector<16xf32>
      %add3A_999 = arith.constant 13 : i32
      %add3A_1000 = arith.addi %mul3A_816, %add3A_999 : i32
      %get3A_1001 = arith.index_cast %add3A_1000 : i32 to index
      %get3A_1002 = arith.constant 16 : index
      %get3A_1003 = tpu.vector_load %arg8[%get3A_1001, %get3A_1002] {strides = array<i32>} : memref<2560x32xf32, #tpu.memory_space<vmem>>, vector<1x16xf32>,
      %get3A_1004 = vector.shape_cast %get3A_1003 : vector<1x16xf32> to vector<16xf32>
      %add3A_1005 = arith.addf %add3A_991, %get3A_1004 : vector<16xf32>
      %add3A_1006 = arith.constant 14 : i32
      %add3A_1007 = arith.addi %mul3A_816, %add3A_1006 : i32
      %get3A_1008 = arith.index_cast %add3A_1007 : i32 to index
      %get3A_1009 = arith.constant 0 : index
      %get3A_1010 = tpu.vector_load %arg8[%get3A_1008, %get3A_1009] {strides = array<i32>} : memref<2560x32xf32, #tpu.memory_space<vmem>>, vector<1x16xf32>,
      %get3A_1011 = vector.shape_cast %get3A_1010 : vector<1x16xf32> to vector<16xf32>
      %add3A_1012 = arith.addf %add3A_998, %get3A_1011 : vector<16xf32>
      %add3A_1013 = arith.constant 14 : i32
      %add3A_1014 = arith.addi %mul3A_816, %add3A_1013 : i32
      %get3A_1015 = arith.index_cast %add3A_1014 : i32 to index
      %get3A_1016 = arith.constant 16 : index
      %get3A_1017 = tpu.vector_load %arg8[%get3A_1015, %get3A_1016] {strides = array<i32>} : memref<2560x32xf32, #tpu.memory_space<vmem>>, vector<1x16xf32>,
      %get3A_1018 = vector.shape_cast %get3A_1017 : vector<1x16xf32> to vector<16xf32>
      %add3A_1019 = arith.addf %add3A_1005, %get3A_1018 : vector<16xf32>
      %add3A_1020 = arith.constant 15 : i32
      %add3A_1021 = arith.addi %mul3A_816, %add3A_1020 : i32
      %get3A_1022 = arith.index_cast %add3A_1021 : i32 to index
      %get3A_1023 = arith.constant 0 : index
      %get3A_1024 = tpu.vector_load %arg8[%get3A_1022, %get3A_1023] {strides = array<i32>} : memref<2560x32xf32, #tpu.memory_space<vmem>>, vector<1x16xf32>,
      %get3A_1025 = vector.shape_cast %get3A_1024 : vector<1x16xf32> to vector<16xf32>
      %add3A_1026 = arith.addf %add3A_1012, %get3A_1025 : vector<16xf32>
      %add3A_1027 = arith.constant 15 : i32
      %add3A_1028 = arith.addi %mul3A_816, %add3A_1027 : i32
      %get3A_1029 = arith.index_cast %add3A_1028 : i32 to index
      %get3A_1030 = arith.constant 16 : index
      %get3A_1031 = tpu.vector_load %arg8[%get3A_1029, %get3A_1030] {strides = array<i32>} : memref<2560x32xf32, #tpu.memory_space<vmem>>, vector<1x16xf32>,
      %get3A_1032 = vector.shape_cast %get3A_1031 : vector<1x16xf32> to vector<16xf32>
      %add3A_1033 = arith.addf %add3A_1019, %get3A_1032 : vector<16xf32>
      %add3A_1034 = arith.constant 16 : i32
      %add3A_1035 = arith.addi %mul3A_816, %add3A_1034 : i32
      %get3A_1036 = arith.index_cast %add3A_1035 : i32 to index
      %get3A_1037 = arith.constant 0 : index
      %get3A_1038 = tpu.vector_load %arg8[%get3A_1036, %get3A_1037] {strides = array<i32>} : memref<2560x32xf32, #tpu.memory_space<vmem>>, vector<1x16xf32>,
      %get3A_1039 = vector.shape_cast %get3A_1038 : vector<1x16xf32> to vector<16xf32>
      %add3A_1040 = arith.addf %add3A_1026, %get3A_1039 : vector<16xf32>
      %add3A_1041 = arith.constant 16 : i32
      %add3A_1042 = arith.addi %mul3A_816, %add3A_1041 : i32
      %get3A_1043 = arith.index_cast %add3A_1042 : i32 to index
      %get3A_1044 = arith.constant 16 : index
      %get3A_1045 = tpu.vector_load %arg8[%get3A_1043, %get3A_1044] {strides = array<i32>} : memref<2560x32xf32, #tpu.memory_space<vmem>>, vector<1x16xf32>,
      %get3A_1046 = vector.shape_cast %get3A_1045 : vector<1x16xf32> to vector<16xf32>
      %add3A_1047 = arith.addf %add3A_1033, %get3A_1046 : vector<16xf32>
      %add3A_1048 = arith.constant 17 : i32
      %add3A_1049 = arith.addi %mul3A_816, %add3A_1048 : i32
      %get3A_1050 = arith.index_cast %add3A_1049 : i32 to index
      %get3A_1051 = arith.constant 0 : index
      %get3A_1052 = tpu.vector_load %arg8[%get3A_1050, %get3A_1051] {strides = array<i32>} : memref<2560x32xf32, #tpu.memory_space<vmem>>, vector<1x16xf32>,
      %get3A_1053 = vector.shape_cast %get3A_1052 : vector<1x16xf32> to vector<16xf32>
      %add3A_1054 = arith.addf %add3A_1040, %get3A_1053 : vector<16xf32>
      %add3A_1055 = arith.constant 17 : i32
      %add3A_1056 = arith.addi %mul3A_816, %add3A_1055 : i32
      %get3A_1057 = arith.index_cast %add3A_1056 : i32 to index
      %get3A_1058 = arith.constant 16 : index
      %get3A_1059 = tpu.vector_load %arg8[%get3A_1057, %get3A_1058] {strides = array<i32>} : memref<2560x32xf32, #tpu.memory_space<vmem>>, vector<1x16xf32>,
      %get3A_1060 = vector.shape_cast %get3A_1059 : vector<1x16xf32> to vector<16xf32>
      %add3A_1061 = arith.addf %add3A_1047, %get3A_1060 : vector<16xf32>
      %add3A_1062 = arith.constant 18 : i32
      %add3A_1063 = arith.addi %mul3A_816, %add3A_1062 : i32
      %get3A_1064 = arith.index_cast %add3A_1063 : i32 to index
      %get3A_1065 = arith.constant 0 : index
      %get3A_1066 = tpu.vector_load %arg8[%get3A_1064, %get3A_1065] {strides = array<i32>} : memref<2560x32xf32, #tpu.memory_space<vmem>>, vector<1x16xf32>,
      %get3A_1067 = vector.shape_cast %get3A_1066 : vector<1x16xf32> to vector<16xf32>
      %add3A_1068 = arith.addf %add3A_1054, %get3A_1067 : vector<16xf32>
      %add3A_1069 = arith.constant 18 : i32
      %add3A_1070 = arith.addi %mul3A_816, %add3A_1069 : i32
      %get3A_1071 = arith.index_cast %add3A_1070 : i32 to index
      %get3A_1072 = arith.constant 16 : index
      %get3A_1073 = tpu.vector_load %arg8[%get3A_1071, %get3A_1072] {strides = array<i32>} : memref<2560x32xf32, #tpu.memory_space<vmem>>, vector<1x16xf32>,
      %get3A_1074 = vector.shape_cast %get3A_1073 : vector<1x16xf32> to vector<16xf32>
      %add3A_1075 = arith.addf %add3A_1061, %get3A_1074 : vector<16xf32>
      %add3A_1076 = arith.constant 19 : i32
      %add3A_1077 = arith.addi %mul3A_816, %add3A_1076 : i32
      %get3A_1078 = arith.index_cast %add3A_1077 : i32 to index
      %get3A_1079 = arith.constant 0 : index
      %get3A_1080 = tpu.vector_load %arg8[%get3A_1078, %get3A_1079] {strides = array<i32>} : memref<2560x32xf32, #tpu.memory_space<vmem>>, vector<1x16xf32>,
      %get3A_1081 = vector.shape_cast %get3A_1080 : vector<1x16xf32> to vector<16xf32>
      %add3A_1082 = arith.addf %add3A_1068, %get3A_1081 : vector<16xf32>
      %add3A_1083 = arith.constant 19 : i32
      %add3A_1084 = arith.addi %mul3A_816, %add3A_1083 : i32
      %get3A_1085 = arith.index_cast %add3A_1084 : i32 to index
      %get3A_1086 = arith.constant 16 : index
      %get3A_1087 = tpu.vector_load %arg8[%get3A_1085, %get3A_1086] {strides = array<i32>} : memref<2560x32xf32, #tpu.memory_space<vmem>>, vector<1x16xf32>,
      %get3A_1088 = vector.shape_cast %get3A_1087 : vector<1x16xf32> to vector<16xf32>
      %add3A_1089 = arith.addf %add3A_1075, %get3A_1088 : vector<16xf32>
      %mul3A_1090 = arith.constant 5.000000e-02 : f32
      %mul3A_1091 = vector.broadcast %mul3A_1090 : f32 to vector<16xf32>
      %mul3A_1092 = arith.mulf %add3A_1082, %mul3A_1091 : vector<16xf32>
      %swap3A = arith.index_cast %scan3A_814 : i32 to index
      %swap3A_1093 = arith.constant 0 : index
      %swap3A_1094 = tpu.vector_load %arg8[%swap3A, %swap3A_1093] {strides = array<i32>} : memref<2560x32xf32, #tpu.memory_space<vmem>>, vector<1x16xf32>,
      %swap3A_1095 = vector.shape_cast %swap3A_1094 : vector<1x16xf32> to vector<16xf32>
      %swap3A_1096 = vector.shape_cast %mul3A_1092 : vector<16xf32> to vector<1x16xf32>
      tpu.vector_store %arg8[%swap3A, %swap3A_1093], %swap3A_1096 {strides = array<i32>} : memref<2560x32xf32, #tpu.memory_space<vmem>>, vector<1x16xf32>,
      %mul3A_1097 = arith.constant 5.000000e-02 : f32
      %mul3A_1098 = vector.broadcast %mul3A_1097 : f32 to vector<16xf32>
      %mul3A_1099 = arith.mulf %add3A_1089, %mul3A_1098 : vector<16xf32>
      %swap3A_1100 = arith.index_cast %scan3A_814 : i32 to index
      %swap3A_1101 = arith.constant 16 : index
      %swap3A_1102 = tpu.vector_load %arg8[%swap3A_1100, %swap3A_1101] {strides = array<i32>} : memref<2560x32xf32, #tpu.memory_space<vmem>>, vector<1x16xf32>,
      %swap3A_1103 = vector.shape_cast %swap3A_1102 : vector<1x16xf32> to vector<16xf32>
      %swap3A_1104 = vector.shape_cast %mul3A_1099 : vector<16xf32> to vector<1x16xf32>
      tpu.vector_store %arg8[%swap3A_1100, %swap3A_1101], %swap3A_1104 {strides = array<i32>} : memref<2560x32xf32, #tpu.memory_space<vmem>>, vector<1x16xf32>,
    }
    %scan3A_405 = arith.constant 128 : i32
    "tpu.region"() ({
      %run_scoped3A = tpu.sem_alloc : memref<!tpu.dma_semaphore, #tpu.memory_space<semaphore_mem>>
      %dma_start3A_814 = arith.constant 0 : i32
      %dma_start3A_815 = arith.constant 0 : i32
      %dma_start3A_816 = tpu.memref_slice %arg8[%dma_start3A_814, %dma_start3A_815] : memref<2560x32xf32, #tpu.memory_space<vmem>> -> memref<128x32xf32, #tpu.memory_space<vmem>>
      %dma_start3A_817 = arith.constant 0 : i32
      %dma_start3A_818 = tpu.memref_slice %arg5[%mul3A_2, %dma_start3A_817] : memref<4096x32xf32, #tpu.memory_space<hbm>> -> memref<128x32xf32, #tpu.memory_space<hbm>>
      %dma_start3A_819 = arith.constant 0 : i32
      %dma_start3A_820 = tpu.memref_slice %arg5[%mul3A_2, %dma_start3A_819] : memref<4096x32xf32, #tpu.memory_space<hbm>> -> memref<128x32xf32, #tpu.memory_space<hbm>>
      %dma_start3A_821 = arith.constant 0 : i32
      %dma_start3A_822 = arith.constant 0 : i32
      %dma_start3A_823 = tpu.memref_slice %arg8[%dma_start3A_821, %dma_start3A_822] : memref<2560x32xf32, #tpu.memory_space<vmem>> -> memref<128x32xf32, #tpu.memory_space<vmem>>
      tpu.enqueue_dma source(%dma_start3A_823 : memref<128x32xf32, #tpu.memory_space<vmem>>) target(%dma_start3A_820 : memref<128x32xf32, #tpu.memory_space<hbm>>) target_semaphore(%run_scoped3A : memref<!tpu.dma_semaphore, #tpu.memory_space<semaphore_mem>>)
      %dma_wait3A_824 = arith.constant 0 : i32
      %dma_wait3A_825 = arith.constant 0 : i32
      %dma_wait3A_826 = tpu.memref_slice %arg8[%dma_wait3A_824, %dma_wait3A_825] : memref<2560x32xf32, #tpu.memory_space<vmem>> -> memref<128x32xf32, #tpu.memory_space<vmem>>
      %dma_wait3A_827 = arith.constant 0 : i32
      %dma_wait3A_828 = tpu.memref_slice %arg5[%mul3A_2, %dma_wait3A_827] : memref<4096x32xf32, #tpu.memory_space<hbm>> -> memref<128x32xf32, #tpu.memory_space<hbm>>
      %dma_wait3A_829 = arith.constant 0 : i32
      %dma_wait3A_830 = tpu.memref_slice %arg5[%mul3A_2, %dma_wait3A_829] : memref<4096x32xf32, #tpu.memory_space<hbm>> -> memref<128x32xf32, #tpu.memory_space<hbm>>
      %dma_wait3A_831 = arith.constant 0 : i32
      %dma_wait3A_832 = arith.constant 0 : i32
      %dma_wait3A_833 = tpu.memref_slice %arg8[%dma_wait3A_831, %dma_wait3A_832] : memref<2560x32xf32, #tpu.memory_space<vmem>> -> memref<128x32xf32, #tpu.memory_space<vmem>>
      tpu.wait_dma2 semaphore(%run_scoped3A : memref<!tpu.dma_semaphore, #tpu.memory_space<semaphore_mem>>) src(%dma_wait3A_833 : memref<128x32xf32, #tpu.memory_space<vmem>>) dst(%dma_wait3A_830 : memref<128x32xf32, #tpu.memory_space<hbm>>)
      tpu.yield
    }) : () -> ()
    %mul3A_406 = arith.constant 128 : i32
    %mul3A_407 = arith.muli %add3A, %mul3A_406 : i32
    "tpu.region"() ({
      %run_scoped3A = tpu.sem_alloc : memref<!tpu.dma_semaphore, #tpu.memory_space<semaphore_mem>>
      %dma_start3A_814 = arith.constant 0 : i32
      %dma_start3A_815 = arith.constant 0 : i32
      %dma_start3A_816 = tpu.memref_slice %arg3[%add3A, %dma_start3A_814, %dma_start3A_815] : memref<32x20x128xi32, #tpu.memory_space<hbm>> -> memref<1x20x128xi32, #tpu.memory_space<hbm>>
      %dma_start3A_817 = tpu.memref_squeeze %dma_start3A_816 : memref<1x20x128xi32, #tpu.memory_space<hbm>> -> memref<20x128xi32, #tpu.memory_space<hbm>>
      %dma_start3A_818 = arith.constant 0 : i32
      %dma_start3A_819 = arith.constant 0 : i32
      %dma_start3A_820 = tpu.memref_slice %arg3[%add3A, %dma_start3A_818, %dma_start3A_819] : memref<32x20x128xi32, #tpu.memory_space<hbm>> -> memref<1x20x128xi32, #tpu.memory_space<hbm>>
      %dma_start3A_821 = tpu.memref_squeeze %dma_start3A_820 : memref<1x20x128xi32, #tpu.memory_space<hbm>> -> memref<20x128xi32, #tpu.memory_space<hbm>>
      tpu.enqueue_dma source(%dma_start3A_821 : memref<20x128xi32, #tpu.memory_space<hbm>>) target(%arg7 : memref<20x128xi32, #tpu.memory_space<vmem>>) target_semaphore(%run_scoped3A : memref<!tpu.dma_semaphore, #tpu.memory_space<semaphore_mem>>)
      %dma_wait3A_822 = arith.constant 0 : i32
      %dma_wait3A_823 = arith.constant 0 : i32
      %dma_wait3A_824 = tpu.memref_slice %arg3[%add3A, %dma_wait3A_822, %dma_wait3A_823] : memref<32x20x128xi32, #tpu.memory_space<hbm>> -> memref<1x20x128xi32, #tpu.memory_space<hbm>>
      %dma_wait3A_825 = tpu.memref_squeeze %dma_wait3A_824 : memref<1x20x128xi32, #tpu.memory_space<hbm>> -> memref<20x128xi32, #tpu.memory_space<hbm>>
      %dma_wait3A_826 = arith.constant 0 : i32
      %dma_wait3A_827 = arith.constant 0 : i32
      %dma_wait3A_828 = tpu.memref_slice %arg3[%add3A, %dma_wait3A_826, %dma_wait3A_827] : memref<32x20x128xi32, #tpu.memory_space<hbm>> -> memref<1x20x128xi32, #tpu.memory_space<hbm>>
      %dma_wait3A_829 = tpu.memref_squeeze %dma_wait3A_828 : memref<1x20x128xi32, #tpu.memory_space<hbm>> -> memref<20x128xi32, #tpu.memory_space<hbm>>
      tpu.wait_dma2 semaphore(%run_scoped3A : memref<!tpu.dma_semaphore, #tpu.memory_space<semaphore_mem>>) src(%dma_wait3A_829 : memref<20x128xi32, #tpu.memory_space<hbm>>) dst(%arg7 : memref<20x128xi32, #tpu.memory_space<vmem>>)
      tpu.yield
    }) : () -> ()
    %dma_start3A_408 = arith.constant 0 : i32
    %dma_start3A_409 = arith.constant 0 : i32
    %dma_start3A_410 = arith.constant 0 : i32
    %dma_start3A_411 = tpu.memref_slice %arg8[%dma_start3A_409, %dma_start3A_410] : memref<2560x32xf32, #tpu.memory_space<vmem>> -> memref<128x32xf32, #tpu.memory_space<vmem>>
    %dma_start3A_412 = arith.constant 0 : i32
    %dma_start3A_413 = tpu.memref_slice %arg7[%dma_start3A_408, %dma_start3A_412] : memref<20x128xi32, #tpu.memory_space<vmem>> -> memref<1x128xi32, #tpu.memory_space<vmem>>
    %dma_start3A_414 = tpu.memref_squeeze %dma_start3A_413 : memref<1x128xi32, #tpu.memory_space<vmem>> -> memref<128xi32, #tpu.memory_space<vmem>>
    %dma_start3A_415 = arith.constant 0 : i32
    %dma_start3A_416 = arith.constant 0 : i32
    %dma_start3A_417 = tpu.memref_slice %arg4[%dma_start3A_415, %dma_start3A_416] : memref<1000000x32xf32, #tpu.memory_space<hbm>> -> memref<1000000x32xf32, #tpu.memory_space<hbm>>
    tpu.enqueue_indirect_dma source(%dma_start3A_417 : memref<1000000x32xf32, #tpu.memory_space<hbm>>) target(%dma_start3A_411 : memref<128x32xf32, #tpu.memory_space<vmem>>) offsets(%dma_start3A_414 : memref<128xi32, #tpu.memory_space<vmem>>) semaphore(%arg9 : memref<!tpu.dma_semaphore, #tpu.memory_space<semaphore_mem>>)
    %dma_start3A_418 = arith.constant 1 : i32
    %dma_start3A_419 = arith.constant 128 : i32
    %dma_start3A_420 = arith.constant 0 : i32
    %dma_start3A_421 = tpu.memref_slice %arg8[%dma_start3A_419, %dma_start3A_420] : memref<2560x32xf32, #tpu.memory_space<vmem>> -> memref<128x32xf32, #tpu.memory_space<vmem>>
    %dma_start3A_422 = arith.constant 0 : i32
    %dma_start3A_423 = tpu.memref_slice %arg7[%dma_start3A_418, %dma_start3A_422] : memref<20x128xi32, #tpu.memory_space<vmem>> -> memref<1x128xi32, #tpu.memory_space<vmem>>
    %dma_start3A_424 = tpu.memref_squeeze %dma_start3A_423 : memref<1x128xi32, #tpu.memory_space<vmem>> -> memref<128xi32, #tpu.memory_space<vmem>>
    %dma_start3A_425 = arith.constant 0 : i32
    %dma_start3A_426 = arith.constant 0 : i32
    %dma_start3A_427 = tpu.memref_slice %arg4[%dma_start3A_425, %dma_start3A_426] : memref<1000000x32xf32, #tpu.memory_space<hbm>> -> memref<1000000x32xf32, #tpu.memory_space<hbm>>
    tpu.enqueue_indirect_dma source(%dma_start3A_427 : memref<1000000x32xf32, #tpu.memory_space<hbm>>) target(%dma_start3A_421 : memref<128x32xf32, #tpu.memory_space<vmem>>) offsets(%dma_start3A_424 : memref<128xi32, #tpu.memory_space<vmem>>) semaphore(%arg9 : memref<!tpu.dma_semaphore, #tpu.memory_space<semaphore_mem>>)
    %dma_start3A_428 = arith.constant 2 : i32
    %dma_start3A_429 = arith.constant 256 : i32
    %dma_start3A_430 = arith.constant 0 : i32
    %dma_start3A_431 = tpu.memref_slice %arg8[%dma_start3A_429, %dma_start3A_430] : memref<2560x32xf32, #tpu.memory_space<vmem>> -> memref<128x32xf32, #tpu.memory_space<vmem>>
    %dma_start3A_432 = arith.constant 0 : i32
    %dma_start3A_433 = tpu.memref_slice %arg7[%dma_start3A_428, %dma_start3A_432] : memref<20x128xi32, #tpu.memory_space<vmem>> -> memref<1x128xi32, #tpu.memory_space<vmem>>
    %dma_start3A_434 = tpu.memref_squeeze %dma_start3A_433 : memref<1x128xi32, #tpu.memory_space<vmem>> -> memref<128xi32, #tpu.memory_space<vmem>>
    %dma_start3A_435 = arith.constant 0 : i32
    %dma_start3A_436 = arith.constant 0 : i32
    %dma_start3A_437 = tpu.memref_slice %arg4[%dma_start3A_435, %dma_start3A_436] : memref<1000000x32xf32, #tpu.memory_space<hbm>> -> memref<1000000x32xf32, #tpu.memory_space<hbm>>
    tpu.enqueue_indirect_dma source(%dma_start3A_437 : memref<1000000x32xf32, #tpu.memory_space<hbm>>) target(%dma_start3A_431 : memref<128x32xf32, #tpu.memory_space<vmem>>) offsets(%dma_start3A_434 : memref<128xi32, #tpu.memory_space<vmem>>) semaphore(%arg9 : memref<!tpu.dma_semaphore, #tpu.memory_space<semaphore_mem>>)
    %dma_start3A_438 = arith.constant 3 : i32
    %dma_start3A_439 = arith.constant 384 : i32
    %dma_start3A_440 = arith.constant 0 : i32
    %dma_start3A_441 = tpu.memref_slice %arg8[%dma_start3A_439, %dma_start3A_440] : memref<2560x32xf32, #tpu.memory_space<vmem>> -> memref<128x32xf32, #tpu.memory_space<vmem>>
    %dma_start3A_442 = arith.constant 0 : i32
    %dma_start3A_443 = tpu.memref_slice %arg7[%dma_start3A_438, %dma_start3A_442] : memref<20x128xi32, #tpu.memory_space<vmem>> -> memref<1x128xi32, #tpu.memory_space<vmem>>
    %dma_start3A_444 = tpu.memref_squeeze %dma_start3A_443 : memref<1x128xi32, #tpu.memory_space<vmem>> -> memref<128xi32, #tpu.memory_space<vmem>>
    %dma_start3A_445 = arith.constant 0 : i32
    %dma_start3A_446 = arith.constant 0 : i32
    %dma_start3A_447 = tpu.memref_slice %arg4[%dma_start3A_445, %dma_start3A_446] : memref<1000000x32xf32, #tpu.memory_space<hbm>> -> memref<1000000x32xf32, #tpu.memory_space<hbm>>
    tpu.enqueue_indirect_dma source(%dma_start3A_447 : memref<1000000x32xf32, #tpu.memory_space<hbm>>) target(%dma_start3A_441 : memref<128x32xf32, #tpu.memory_space<vmem>>) offsets(%dma_start3A_444 : memref<128xi32, #tpu.memory_space<vmem>>) semaphore(%arg9 : memref<!tpu.dma_semaphore, #tpu.memory_space<semaphore_mem>>)
    %dma_start3A_448 = arith.constant 4 : i32
    %dma_start3A_449 = arith.constant 512 : i32
    %dma_start3A_450 = arith.constant 0 : i32
    %dma_start3A_451 = tpu.memref_slice %arg8[%dma_start3A_449, %dma_start3A_450] : memref<2560x32xf32, #tpu.memory_space<vmem>> -> memref<128x32xf32, #tpu.memory_space<vmem>>
    %dma_start3A_452 = arith.constant 0 : i32
    %dma_start3A_453 = tpu.memref_slice %arg7[%dma_start3A_448, %dma_start3A_452] : memref<20x128xi32, #tpu.memory_space<vmem>> -> memref<1x128xi32, #tpu.memory_space<vmem>>
    %dma_start3A_454 = tpu.memref_squeeze %dma_start3A_453 : memref<1x128xi32, #tpu.memory_space<vmem>> -> memref<128xi32, #tpu.memory_space<vmem>>
    %dma_start3A_455 = arith.constant 0 : i32
    %dma_start3A_456 = arith.constant 0 : i32
    %dma_start3A_457 = tpu.memref_slice %arg4[%dma_start3A_455, %dma_start3A_456] : memref<1000000x32xf32, #tpu.memory_space<hbm>> -> memref<1000000x32xf32, #tpu.memory_space<hbm>>
    tpu.enqueue_indirect_dma source(%dma_start3A_457 : memref<1000000x32xf32, #tpu.memory_space<hbm>>) target(%dma_start3A_451 : memref<128x32xf32, #tpu.memory_space<vmem>>) offsets(%dma_start3A_454 : memref<128xi32, #tpu.memory_space<vmem>>) semaphore(%arg9 : memref<!tpu.dma_semaphore, #tpu.memory_space<semaphore_mem>>)
    %dma_start3A_458 = arith.constant 5 : i32
    %dma_start3A_459 = arith.constant 640 : i32
    %dma_start3A_460 = arith.constant 0 : i32
    %dma_start3A_461 = tpu.memref_slice %arg8[%dma_start3A_459, %dma_start3A_460] : memref<2560x32xf32, #tpu.memory_space<vmem>> -> memref<128x32xf32, #tpu.memory_space<vmem>>
    %dma_start3A_462 = arith.constant 0 : i32
    %dma_start3A_463 = tpu.memref_slice %arg7[%dma_start3A_458, %dma_start3A_462] : memref<20x128xi32, #tpu.memory_space<vmem>> -> memref<1x128xi32, #tpu.memory_space<vmem>>
    %dma_start3A_464 = tpu.memref_squeeze %dma_start3A_463 : memref<1x128xi32, #tpu.memory_space<vmem>> -> memref<128xi32, #tpu.memory_space<vmem>>
    %dma_start3A_465 = arith.constant 0 : i32
    %dma_start3A_466 = arith.constant 0 : i32
    %dma_start3A_467 = tpu.memref_slice %arg4[%dma_start3A_465, %dma_start3A_466] : memref<1000000x32xf32, #tpu.memory_space<hbm>> -> memref<1000000x32xf32, #tpu.memory_space<hbm>>
    tpu.enqueue_indirect_dma source(%dma_start3A_467 : memref<1000000x32xf32, #tpu.memory_space<hbm>>) target(%dma_start3A_461 : memref<128x32xf32, #tpu.memory_space<vmem>>) offsets(%dma_start3A_464 : memref<128xi32, #tpu.memory_space<vmem>>) semaphore(%arg9 : memref<!tpu.dma_semaphore, #tpu.memory_space<semaphore_mem>>)
    %dma_start3A_468 = arith.constant 6 : i32
    %dma_start3A_469 = arith.constant 768 : i32
    %dma_start3A_470 = arith.constant 0 : i32
    %dma_start3A_471 = tpu.memref_slice %arg8[%dma_start3A_469, %dma_start3A_470] : memref<2560x32xf32, #tpu.memory_space<vmem>> -> memref<128x32xf32, #tpu.memory_space<vmem>>
    %dma_start3A_472 = arith.constant 0 : i32
    %dma_start3A_473 = tpu.memref_slice %arg7[%dma_start3A_468, %dma_start3A_472] : memref<20x128xi32, #tpu.memory_space<vmem>> -> memref<1x128xi32, #tpu.memory_space<vmem>>
    %dma_start3A_474 = tpu.memref_squeeze %dma_start3A_473 : memref<1x128xi32, #tpu.memory_space<vmem>> -> memref<128xi32, #tpu.memory_space<vmem>>
    %dma_start3A_475 = arith.constant 0 : i32
    %dma_start3A_476 = arith.constant 0 : i32
    %dma_start3A_477 = tpu.memref_slice %arg4[%dma_start3A_475, %dma_start3A_476] : memref<1000000x32xf32, #tpu.memory_space<hbm>> -> memref<1000000x32xf32, #tpu.memory_space<hbm>>
    tpu.enqueue_indirect_dma source(%dma_start3A_477 : memref<1000000x32xf32, #tpu.memory_space<hbm>>) target(%dma_start3A_471 : memref<128x32xf32, #tpu.memory_space<vmem>>) offsets(%dma_start3A_474 : memref<128xi32, #tpu.memory_space<vmem>>) semaphore(%arg9 : memref<!tpu.dma_semaphore, #tpu.memory_space<semaphore_mem>>)
    %dma_start3A_478 = arith.constant 7 : i32
    %dma_start3A_479 = arith.constant 896 : i32
    %dma_start3A_480 = arith.constant 0 : i32
    %dma_start3A_481 = tpu.memref_slice %arg8[%dma_start3A_479, %dma_start3A_480] : memref<2560x32xf32, #tpu.memory_space<vmem>> -> memref<128x32xf32, #tpu.memory_space<vmem>>
    %dma_start3A_482 = arith.constant 0 : i32
    %dma_start3A_483 = tpu.memref_slice %arg7[%dma_start3A_478, %dma_start3A_482] : memref<20x128xi32, #tpu.memory_space<vmem>> -> memref<1x128xi32, #tpu.memory_space<vmem>>
    %dma_start3A_484 = tpu.memref_squeeze %dma_start3A_483 : memref<1x128xi32, #tpu.memory_space<vmem>> -> memref<128xi32, #tpu.memory_space<vmem>>
    %dma_start3A_485 = arith.constant 0 : i32
    %dma_start3A_486 = arith.constant 0 : i32
    %dma_start3A_487 = tpu.memref_slice %arg4[%dma_start3A_485, %dma_start3A_486] : memref<1000000x32xf32, #tpu.memory_space<hbm>> -> memref<1000000x32xf32, #tpu.memory_space<hbm>>
    tpu.enqueue_indirect_dma source(%dma_start3A_487 : memref<1000000x32xf32, #tpu.memory_space<hbm>>) target(%dma_start3A_481 : memref<128x32xf32, #tpu.memory_space<vmem>>) offsets(%dma_start3A_484 : memref<128xi32, #tpu.memory_space<vmem>>) semaphore(%arg9 : memref<!tpu.dma_semaphore, #tpu.memory_space<semaphore_mem>>)
    %dma_start3A_488 = arith.constant 8 : i32
    %dma_start3A_489 = arith.constant 1024 : i32
    %dma_start3A_490 = arith.constant 0 : i32
    %dma_start3A_491 = tpu.memref_slice %arg8[%dma_start3A_489, %dma_start3A_490] : memref<2560x32xf32, #tpu.memory_space<vmem>> -> memref<128x32xf32, #tpu.memory_space<vmem>>
    %dma_start3A_492 = arith.constant 0 : i32
    %dma_start3A_493 = tpu.memref_slice %arg7[%dma_start3A_488, %dma_start3A_492] : memref<20x128xi32, #tpu.memory_space<vmem>> -> memref<1x128xi32, #tpu.memory_space<vmem>>
    %dma_start3A_494 = tpu.memref_squeeze %dma_start3A_493 : memref<1x128xi32, #tpu.memory_space<vmem>> -> memref<128xi32, #tpu.memory_space<vmem>>
    %dma_start3A_495 = arith.constant 0 : i32
    %dma_start3A_496 = arith.constant 0 : i32
    %dma_start3A_497 = tpu.memref_slice %arg4[%dma_start3A_495, %dma_start3A_496] : memref<1000000x32xf32, #tpu.memory_space<hbm>> -> memref<1000000x32xf32, #tpu.memory_space<hbm>>
    tpu.enqueue_indirect_dma source(%dma_start3A_497 : memref<1000000x32xf32, #tpu.memory_space<hbm>>) target(%dma_start3A_491 : memref<128x32xf32, #tpu.memory_space<vmem>>) offsets(%dma_start3A_494 : memref<128xi32, #tpu.memory_space<vmem>>) semaphore(%arg9 : memref<!tpu.dma_semaphore, #tpu.memory_space<semaphore_mem>>)
    %dma_start3A_498 = arith.constant 9 : i32
    %dma_start3A_499 = arith.constant 1152 : i32
    %dma_start3A_500 = arith.constant 0 : i32
    %dma_start3A_501 = tpu.memref_slice %arg8[%dma_start3A_499, %dma_start3A_500] : memref<2560x32xf32, #tpu.memory_space<vmem>> -> memref<128x32xf32, #tpu.memory_space<vmem>>
    %dma_start3A_502 = arith.constant 0 : i32
    %dma_start3A_503 = tpu.memref_slice %arg7[%dma_start3A_498, %dma_start3A_502] : memref<20x128xi32, #tpu.memory_space<vmem>> -> memref<1x128xi32, #tpu.memory_space<vmem>>
    %dma_start3A_504 = tpu.memref_squeeze %dma_start3A_503 : memref<1x128xi32, #tpu.memory_space<vmem>> -> memref<128xi32, #tpu.memory_space<vmem>>
    %dma_start3A_505 = arith.constant 0 : i32
    %dma_start3A_506 = arith.constant 0 : i32
    %dma_start3A_507 = tpu.memref_slice %arg4[%dma_start3A_505, %dma_start3A_506] : memref<1000000x32xf32, #tpu.memory_space<hbm>> -> memref<1000000x32xf32, #tpu.memory_space<hbm>>
    tpu.enqueue_indirect_dma source(%dma_start3A_507 : memref<1000000x32xf32, #tpu.memory_space<hbm>>) target(%dma_start3A_501 : memref<128x32xf32, #tpu.memory_space<vmem>>) offsets(%dma_start3A_504 : memref<128xi32, #tpu.memory_space<vmem>>) semaphore(%arg9 : memref<!tpu.dma_semaphore, #tpu.memory_space<semaphore_mem>>)
    %dma_start3A_508 = arith.constant 10 : i32
    %dma_start3A_509 = arith.constant 1280 : i32
    %dma_start3A_510 = arith.constant 0 : i32
    %dma_start3A_511 = tpu.memref_slice %arg8[%dma_start3A_509, %dma_start3A_510] : memref<2560x32xf32, #tpu.memory_space<vmem>> -> memref<128x32xf32, #tpu.memory_space<vmem>>
    %dma_start3A_512 = arith.constant 0 : i32
    %dma_start3A_513 = tpu.memref_slice %arg7[%dma_start3A_508, %dma_start3A_512] : memref<20x128xi32, #tpu.memory_space<vmem>> -> memref<1x128xi32, #tpu.memory_space<vmem>>
    %dma_start3A_514 = tpu.memref_squeeze %dma_start3A_513 : memref<1x128xi32, #tpu.memory_space<vmem>> -> memref<128xi32, #tpu.memory_space<vmem>>
    %dma_start3A_515 = arith.constant 0 : i32
    %dma_start3A_516 = arith.constant 0 : i32
    %dma_start3A_517 = tpu.memref_slice %arg4[%dma_start3A_515, %dma_start3A_516] : memref<1000000x32xf32, #tpu.memory_space<hbm>> -> memref<1000000x32xf32, #tpu.memory_space<hbm>>
    tpu.enqueue_indirect_dma source(%dma_start3A_517 : memref<1000000x32xf32, #tpu.memory_space<hbm>>) target(%dma_start3A_511 : memref<128x32xf32, #tpu.memory_space<vmem>>) offsets(%dma_start3A_514 : memref<128xi32, #tpu.memory_space<vmem>>) semaphore(%arg9 : memref<!tpu.dma_semaphore, #tpu.memory_space<semaphore_mem>>)
    %dma_start3A_518 = arith.constant 11 : i32
    %dma_start3A_519 = arith.constant 1408 : i32
    %dma_start3A_520 = arith.constant 0 : i32
    %dma_start3A_521 = tpu.memref_slice %arg8[%dma_start3A_519, %dma_start3A_520] : memref<2560x32xf32, #tpu.memory_space<vmem>> -> memref<128x32xf32, #tpu.memory_space<vmem>>
    %dma_start3A_522 = arith.constant 0 : i32
    %dma_start3A_523 = tpu.memref_slice %arg7[%dma_start3A_518, %dma_start3A_522] : memref<20x128xi32, #tpu.memory_space<vmem>> -> memref<1x128xi32, #tpu.memory_space<vmem>>
    %dma_start3A_524 = tpu.memref_squeeze %dma_start3A_523 : memref<1x128xi32, #tpu.memory_space<vmem>> -> memref<128xi32, #tpu.memory_space<vmem>>
    %dma_start3A_525 = arith.constant 0 : i32
    %dma_start3A_526 = arith.constant 0 : i32
    %dma_start3A_527 = tpu.memref_slice %arg4[%dma_start3A_525, %dma_start3A_526] : memref<1000000x32xf32, #tpu.memory_space<hbm>> -> memref<1000000x32xf32, #tpu.memory_space<hbm>>
    tpu.enqueue_indirect_dma source(%dma_start3A_527 : memref<1000000x32xf32, #tpu.memory_space<hbm>>) target(%dma_start3A_521 : memref<128x32xf32, #tpu.memory_space<vmem>>) offsets(%dma_start3A_524 : memref<128xi32, #tpu.memory_space<vmem>>) semaphore(%arg9 : memref<!tpu.dma_semaphore, #tpu.memory_space<semaphore_mem>>)
    %dma_start3A_528 = arith.constant 12 : i32
    %dma_start3A_529 = arith.constant 1536 : i32
    %dma_start3A_530 = arith.constant 0 : i32
    %dma_start3A_531 = tpu.memref_slice %arg8[%dma_start3A_529, %dma_start3A_530] : memref<2560x32xf32, #tpu.memory_space<vmem>> -> memref<128x32xf32, #tpu.memory_space<vmem>>
    %dma_start3A_532 = arith.constant 0 : i32
    %dma_start3A_533 = tpu.memref_slice %arg7[%dma_start3A_528, %dma_start3A_532] : memref<20x128xi32, #tpu.memory_space<vmem>> -> memref<1x128xi32, #tpu.memory_space<vmem>>
    %dma_start3A_534 = tpu.memref_squeeze %dma_start3A_533 : memref<1x128xi32, #tpu.memory_space<vmem>> -> memref<128xi32, #tpu.memory_space<vmem>>
    %dma_start3A_535 = arith.constant 0 : i32
    %dma_start3A_536 = arith.constant 0 : i32
    %dma_start3A_537 = tpu.memref_slice %arg4[%dma_start3A_535, %dma_start3A_536] : memref<1000000x32xf32, #tpu.memory_space<hbm>> -> memref<1000000x32xf32, #tpu.memory_space<hbm>>
    tpu.enqueue_indirect_dma source(%dma_start3A_537 : memref<1000000x32xf32, #tpu.memory_space<hbm>>) target(%dma_start3A_531 : memref<128x32xf32, #tpu.memory_space<vmem>>) offsets(%dma_start3A_534 : memref<128xi32, #tpu.memory_space<vmem>>) semaphore(%arg9 : memref<!tpu.dma_semaphore, #tpu.memory_space<semaphore_mem>>)
    %dma_start3A_538 = arith.constant 13 : i32
    %dma_start3A_539 = arith.constant 1664 : i32
    %dma_start3A_540 = arith.constant 0 : i32
    %dma_start3A_541 = tpu.memref_slice %arg8[%dma_start3A_539, %dma_start3A_540] : memref<2560x32xf32, #tpu.memory_space<vmem>> -> memref<128x32xf32, #tpu.memory_space<vmem>>
    %dma_start3A_542 = arith.constant 0 : i32
    %dma_start3A_543 = tpu.memref_slice %arg7[%dma_start3A_538, %dma_start3A_542] : memref<20x128xi32, #tpu.memory_space<vmem>> -> memref<1x128xi32, #tpu.memory_space<vmem>>
    %dma_start3A_544 = tpu.memref_squeeze %dma_start3A_543 : memref<1x128xi32, #tpu.memory_space<vmem>> -> memref<128xi32, #tpu.memory_space<vmem>>
    %dma_start3A_545 = arith.constant 0 : i32
    %dma_start3A_546 = arith.constant 0 : i32
    %dma_start3A_547 = tpu.memref_slice %arg4[%dma_start3A_545, %dma_start3A_546] : memref<1000000x32xf32, #tpu.memory_space<hbm>> -> memref<1000000x32xf32, #tpu.memory_space<hbm>>
    tpu.enqueue_indirect_dma source(%dma_start3A_547 : memref<1000000x32xf32, #tpu.memory_space<hbm>>) target(%dma_start3A_541 : memref<128x32xf32, #tpu.memory_space<vmem>>) offsets(%dma_start3A_544 : memref<128xi32, #tpu.memory_space<vmem>>) semaphore(%arg9 : memref<!tpu.dma_semaphore, #tpu.memory_space<semaphore_mem>>)
    %dma_start3A_548 = arith.constant 14 : i32
    %dma_start3A_549 = arith.constant 1792 : i32
    %dma_start3A_550 = arith.constant 0 : i32
    %dma_start3A_551 = tpu.memref_slice %arg8[%dma_start3A_549, %dma_start3A_550] : memref<2560x32xf32, #tpu.memory_space<vmem>> -> memref<128x32xf32, #tpu.memory_space<vmem>>
    %dma_start3A_552 = arith.constant 0 : i32
    %dma_start3A_553 = tpu.memref_slice %arg7[%dma_start3A_548, %dma_start3A_552] : memref<20x128xi32, #tpu.memory_space<vmem>> -> memref<1x128xi32, #tpu.memory_space<vmem>>
    %dma_start3A_554 = tpu.memref_squeeze %dma_start3A_553 : memref<1x128xi32, #tpu.memory_space<vmem>> -> memref<128xi32, #tpu.memory_space<vmem>>
    %dma_start3A_555 = arith.constant 0 : i32
    %dma_start3A_556 = arith.constant 0 : i32
    %dma_start3A_557 = tpu.memref_slice %arg4[%dma_start3A_555, %dma_start3A_556] : memref<1000000x32xf32, #tpu.memory_space<hbm>> -> memref<1000000x32xf32, #tpu.memory_space<hbm>>
    tpu.enqueue_indirect_dma source(%dma_start3A_557 : memref<1000000x32xf32, #tpu.memory_space<hbm>>) target(%dma_start3A_551 : memref<128x32xf32, #tpu.memory_space<vmem>>) offsets(%dma_start3A_554 : memref<128xi32, #tpu.memory_space<vmem>>) semaphore(%arg9 : memref<!tpu.dma_semaphore, #tpu.memory_space<semaphore_mem>>)
    %dma_start3A_558 = arith.constant 15 : i32
    %dma_start3A_559 = arith.constant 1920 : i32
    %dma_start3A_560 = arith.constant 0 : i32
    %dma_start3A_561 = tpu.memref_slice %arg8[%dma_start3A_559, %dma_start3A_560] : memref<2560x32xf32, #tpu.memory_space<vmem>> -> memref<128x32xf32, #tpu.memory_space<vmem>>
    %dma_start3A_562 = arith.constant 0 : i32
    %dma_start3A_563 = tpu.memref_slice %arg7[%dma_start3A_558, %dma_start3A_562] : memref<20x128xi32, #tpu.memory_space<vmem>> -> memref<1x128xi32, #tpu.memory_space<vmem>>
    %dma_start3A_564 = tpu.memref_squeeze %dma_start3A_563 : memref<1x128xi32, #tpu.memory_space<vmem>> -> memref<128xi32, #tpu.memory_space<vmem>>
    %dma_start3A_565 = arith.constant 0 : i32
    %dma_start3A_566 = arith.constant 0 : i32
    %dma_start3A_567 = tpu.memref_slice %arg4[%dma_start3A_565, %dma_start3A_566] : memref<1000000x32xf32, #tpu.memory_space<hbm>> -> memref<1000000x32xf32, #tpu.memory_space<hbm>>
    tpu.enqueue_indirect_dma source(%dma_start3A_567 : memref<1000000x32xf32, #tpu.memory_space<hbm>>) target(%dma_start3A_561 : memref<128x32xf32, #tpu.memory_space<vmem>>) offsets(%dma_start3A_564 : memref<128xi32, #tpu.memory_space<vmem>>) semaphore(%arg9 : memref<!tpu.dma_semaphore, #tpu.memory_space<semaphore_mem>>)
    %dma_start3A_568 = arith.constant 16 : i32
    %dma_start3A_569 = arith.constant 2048 : i32
    %dma_start3A_570 = arith.constant 0 : i32
    %dma_start3A_571 = tpu.memref_slice %arg8[%dma_start3A_569, %dma_start3A_570] : memref<2560x32xf32, #tpu.memory_space<vmem>> -> memref<128x32xf32, #tpu.memory_space<vmem>>
    %dma_start3A_572 = arith.constant 0 : i32
    %dma_start3A_573 = tpu.memref_slice %arg7[%dma_start3A_568, %dma_start3A_572] : memref<20x128xi32, #tpu.memory_space<vmem>> -> memref<1x128xi32, #tpu.memory_space<vmem>>
    %dma_start3A_574 = tpu.memref_squeeze %dma_start3A_573 : memref<1x128xi32, #tpu.memory_space<vmem>> -> memref<128xi32, #tpu.memory_space<vmem>>
    %dma_start3A_575 = arith.constant 0 : i32
    %dma_start3A_576 = arith.constant 0 : i32
    %dma_start3A_577 = tpu.memref_slice %arg4[%dma_start3A_575, %dma_start3A_576] : memref<1000000x32xf32, #tpu.memory_space<hbm>> -> memref<1000000x32xf32, #tpu.memory_space<hbm>>
    tpu.enqueue_indirect_dma source(%dma_start3A_577 : memref<1000000x32xf32, #tpu.memory_space<hbm>>) target(%dma_start3A_571 : memref<128x32xf32, #tpu.memory_space<vmem>>) offsets(%dma_start3A_574 : memref<128xi32, #tpu.memory_space<vmem>>) semaphore(%arg9 : memref<!tpu.dma_semaphore, #tpu.memory_space<semaphore_mem>>)
    %dma_start3A_578 = arith.constant 17 : i32
    %dma_start3A_579 = arith.constant 2176 : i32
    %dma_start3A_580 = arith.constant 0 : i32
    %dma_start3A_581 = tpu.memref_slice %arg8[%dma_start3A_579, %dma_start3A_580] : memref<2560x32xf32, #tpu.memory_space<vmem>> -> memref<128x32xf32, #tpu.memory_space<vmem>>
    %dma_start3A_582 = arith.constant 0 : i32
    %dma_start3A_583 = tpu.memref_slice %arg7[%dma_start3A_578, %dma_start3A_582] : memref<20x128xi32, #tpu.memory_space<vmem>> -> memref<1x128xi32, #tpu.memory_space<vmem>>
    %dma_start3A_584 = tpu.memref_squeeze %dma_start3A_583 : memref<1x128xi32, #tpu.memory_space<vmem>> -> memref<128xi32, #tpu.memory_space<vmem>>
    %dma_start3A_585 = arith.constant 0 : i32
    %dma_start3A_586 = arith.constant 0 : i32
    %dma_start3A_587 = tpu.memref_slice %arg4[%dma_start3A_585, %dma_start3A_586] : memref<1000000x32xf32, #tpu.memory_space<hbm>> -> memref<1000000x32xf32, #tpu.memory_space<hbm>>
    tpu.enqueue_indirect_dma source(%dma_start3A_587 : memref<1000000x32xf32, #tpu.memory_space<hbm>>) target(%dma_start3A_581 : memref<128x32xf32, #tpu.memory_space<vmem>>) offsets(%dma_start3A_584 : memref<128xi32, #tpu.memory_space<vmem>>) semaphore(%arg9 : memref<!tpu.dma_semaphore, #tpu.memory_space<semaphore_mem>>)
    %dma_start3A_588 = arith.constant 18 : i32
    %dma_start3A_589 = arith.constant 2304 : i32
    %dma_start3A_590 = arith.constant 0 : i32
    %dma_start3A_591 = tpu.memref_slice %arg8[%dma_start3A_589, %dma_start3A_590] : memref<2560x32xf32, #tpu.memory_space<vmem>> -> memref<128x32xf32, #tpu.memory_space<vmem>>
    %dma_start3A_592 = arith.constant 0 : i32
    %dma_start3A_593 = tpu.memref_slice %arg7[%dma_start3A_588, %dma_start3A_592] : memref<20x128xi32, #tpu.memory_space<vmem>> -> memref<1x128xi32, #tpu.memory_space<vmem>>
    %dma_start3A_594 = tpu.memref_squeeze %dma_start3A_593 : memref<1x128xi32, #tpu.memory_space<vmem>> -> memref<128xi32, #tpu.memory_space<vmem>>
    %dma_start3A_595 = arith.constant 0 : i32
    %dma_start3A_596 = arith.constant 0 : i32
    %dma_start3A_597 = tpu.memref_slice %arg4[%dma_start3A_595, %dma_start3A_596] : memref<1000000x32xf32, #tpu.memory_space<hbm>> -> memref<1000000x32xf32, #tpu.memory_space<hbm>>
    tpu.enqueue_indirect_dma source(%dma_start3A_597 : memref<1000000x32xf32, #tpu.memory_space<hbm>>) target(%dma_start3A_591 : memref<128x32xf32, #tpu.memory_space<vmem>>) offsets(%dma_start3A_594 : memref<128xi32, #tpu.memory_space<vmem>>) semaphore(%arg9 : memref<!tpu.dma_semaphore, #tpu.memory_space<semaphore_mem>>)
    %dma_start3A_598 = arith.constant 19 : i32
    %dma_start3A_599 = arith.constant 2432 : i32
    %dma_start3A_600 = arith.constant 0 : i32
    %dma_start3A_601 = tpu.memref_slice %arg8[%dma_start3A_599, %dma_start3A_600] : memref<2560x32xf32, #tpu.memory_space<vmem>> -> memref<128x32xf32, #tpu.memory_space<vmem>>
    %dma_start3A_602 = arith.constant 0 : i32
    %dma_start3A_603 = tpu.memref_slice %arg7[%dma_start3A_598, %dma_start3A_602] : memref<20x128xi32, #tpu.memory_space<vmem>> -> memref<1x128xi32, #tpu.memory_space<vmem>>
    %dma_start3A_604 = tpu.memref_squeeze %dma_start3A_603 : memref<1x128xi32, #tpu.memory_space<vmem>> -> memref<128xi32, #tpu.memory_space<vmem>>
    %dma_start3A_605 = arith.constant 0 : i32
    %dma_start3A_606 = arith.constant 0 : i32
    %dma_start3A_607 = tpu.memref_slice %arg4[%dma_start3A_605, %dma_start3A_606] : memref<1000000x32xf32, #tpu.memory_space<hbm>> -> memref<1000000x32xf32, #tpu.memory_space<hbm>>
    tpu.enqueue_indirect_dma source(%dma_start3A_607 : memref<1000000x32xf32, #tpu.memory_space<hbm>>) target(%dma_start3A_601 : memref<128x32xf32, #tpu.memory_space<vmem>>) offsets(%dma_start3A_604 : memref<128xi32, #tpu.memory_space<vmem>>) semaphore(%arg9 : memref<!tpu.dma_semaphore, #tpu.memory_space<semaphore_mem>>)
    %dma_wait3A_608 = arith.constant 0 : i32
    %dma_wait3A_609 = arith.constant 0 : i32
    %dma_wait3A_610 = arith.constant 0 : i32
    %dma_wait3A_611 = tpu.memref_slice %arg8[%dma_wait3A_609, %dma_wait3A_610] : memref<2560x32xf32, #tpu.memory_space<vmem>> -> memref<128x32xf32, #tpu.memory_space<vmem>>
    %dma_wait3A_612 = arith.constant 0 : i32
    %dma_wait3A_613 = tpu.memref_slice %arg7[%dma_wait3A_608, %dma_wait3A_612] : memref<20x128xi32, #tpu.memory_space<vmem>> -> memref<1x128xi32, #tpu.memory_space<vmem>>
    %dma_wait3A_614 = tpu.memref_squeeze %dma_wait3A_613 : memref<1x128xi32, #tpu.memory_space<vmem>> -> memref<128xi32, #tpu.memory_space<vmem>>
    %dma_wait3A_615 = arith.constant 0 : i32
    %dma_wait3A_616 = arith.constant 0 : i32
    %dma_wait3A_617 = tpu.memref_slice %arg4[%dma_wait3A_615, %dma_wait3A_616] : memref<1000000x32xf32, #tpu.memory_space<hbm>> -> memref<1000000x32xf32, #tpu.memory_space<hbm>>
    tpu.wait_indirect_dma semaphore(%arg9 : memref<!tpu.dma_semaphore, #tpu.memory_space<semaphore_mem>>) src(%dma_wait3A_617 : memref<1000000x32xf32, #tpu.memory_space<hbm>>) dst(%dma_wait3A_611 : memref<128x32xf32, #tpu.memory_space<vmem>>)
    %dma_wait3A_618 = arith.constant 1 : i32
    %dma_wait3A_619 = arith.constant 128 : i32
    %dma_wait3A_620 = arith.constant 0 : i32
    %dma_wait3A_621 = tpu.memref_slice %arg8[%dma_wait3A_619, %dma_wait3A_620] : memref<2560x32xf32, #tpu.memory_space<vmem>> -> memref<128x32xf32, #tpu.memory_space<vmem>>
    %dma_wait3A_622 = arith.constant 0 : i32
    %dma_wait3A_623 = tpu.memref_slice %arg7[%dma_wait3A_618, %dma_wait3A_622] : memref<20x128xi32, #tpu.memory_space<vmem>> -> memref<1x128xi32, #tpu.memory_space<vmem>>
    %dma_wait3A_624 = tpu.memref_squeeze %dma_wait3A_623 : memref<1x128xi32, #tpu.memory_space<vmem>> -> memref<128xi32, #tpu.memory_space<vmem>>
    %dma_wait3A_625 = arith.constant 0 : i32
    %dma_wait3A_626 = arith.constant 0 : i32
    %dma_wait3A_627 = tpu.memref_slice %arg4[%dma_wait3A_625, %dma_wait3A_626] : memref<1000000x32xf32, #tpu.memory_space<hbm>> -> memref<1000000x32xf32, #tpu.memory_space<hbm>>
    tpu.wait_indirect_dma semaphore(%arg9 : memref<!tpu.dma_semaphore, #tpu.memory_space<semaphore_mem>>) src(%dma_wait3A_627 : memref<1000000x32xf32, #tpu.memory_space<hbm>>) dst(%dma_wait3A_621 : memref<128x32xf32, #tpu.memory_space<vmem>>)
    %dma_wait3A_628 = arith.constant 2 : i32
    %dma_wait3A_629 = arith.constant 256 : i32
    %dma_wait3A_630 = arith.constant 0 : i32
    %dma_wait3A_631 = tpu.memref_slice %arg8[%dma_wait3A_629, %dma_wait3A_630] : memref<2560x32xf32, #tpu.memory_space<vmem>> -> memref<128x32xf32, #tpu.memory_space<vmem>>
    %dma_wait3A_632 = arith.constant 0 : i32
    %dma_wait3A_633 = tpu.memref_slice %arg7[%dma_wait3A_628, %dma_wait3A_632] : memref<20x128xi32, #tpu.memory_space<vmem>> -> memref<1x128xi32, #tpu.memory_space<vmem>>
    %dma_wait3A_634 = tpu.memref_squeeze %dma_wait3A_633 : memref<1x128xi32, #tpu.memory_space<vmem>> -> memref<128xi32, #tpu.memory_space<vmem>>
    %dma_wait3A_635 = arith.constant 0 : i32
    %dma_wait3A_636 = arith.constant 0 : i32
    %dma_wait3A_637 = tpu.memref_slice %arg4[%dma_wait3A_635, %dma_wait3A_636] : memref<1000000x32xf32, #tpu.memory_space<hbm>> -> memref<1000000x32xf32, #tpu.memory_space<hbm>>
    tpu.wait_indirect_dma semaphore(%arg9 : memref<!tpu.dma_semaphore, #tpu.memory_space<semaphore_mem>>) src(%dma_wait3A_637 : memref<1000000x32xf32, #tpu.memory_space<hbm>>) dst(%dma_wait3A_631 : memref<128x32xf32, #tpu.memory_space<vmem>>)
    %dma_wait3A_638 = arith.constant 3 : i32
    %dma_wait3A_639 = arith.constant 384 : i32
    %dma_wait3A_640 = arith.constant 0 : i32
    %dma_wait3A_641 = tpu.memref_slice %arg8[%dma_wait3A_639, %dma_wait3A_640] : memref<2560x32xf32, #tpu.memory_space<vmem>> -> memref<128x32xf32, #tpu.memory_space<vmem>>
    %dma_wait3A_642 = arith.constant 0 : i32
    %dma_wait3A_643 = tpu.memref_slice %arg7[%dma_wait3A_638, %dma_wait3A_642] : memref<20x128xi32, #tpu.memory_space<vmem>> -> memref<1x128xi32, #tpu.memory_space<vmem>>
    %dma_wait3A_644 = tpu.memref_squeeze %dma_wait3A_643 : memref<1x128xi32, #tpu.memory_space<vmem>> -> memref<128xi32, #tpu.memory_space<vmem>>
    %dma_wait3A_645 = arith.constant 0 : i32
    %dma_wait3A_646 = arith.constant 0 : i32
    %dma_wait3A_647 = tpu.memref_slice %arg4[%dma_wait3A_645, %dma_wait3A_646] : memref<1000000x32xf32, #tpu.memory_space<hbm>> -> memref<1000000x32xf32, #tpu.memory_space<hbm>>
    tpu.wait_indirect_dma semaphore(%arg9 : memref<!tpu.dma_semaphore, #tpu.memory_space<semaphore_mem>>) src(%dma_wait3A_647 : memref<1000000x32xf32, #tpu.memory_space<hbm>>) dst(%dma_wait3A_641 : memref<128x32xf32, #tpu.memory_space<vmem>>)
    %dma_wait3A_648 = arith.constant 4 : i32
    %dma_wait3A_649 = arith.constant 512 : i32
    %dma_wait3A_650 = arith.constant 0 : i32
    %dma_wait3A_651 = tpu.memref_slice %arg8[%dma_wait3A_649, %dma_wait3A_650] : memref<2560x32xf32, #tpu.memory_space<vmem>> -> memref<128x32xf32, #tpu.memory_space<vmem>>
    %dma_wait3A_652 = arith.constant 0 : i32
    %dma_wait3A_653 = tpu.memref_slice %arg7[%dma_wait3A_648, %dma_wait3A_652] : memref<20x128xi32, #tpu.memory_space<vmem>> -> memref<1x128xi32, #tpu.memory_space<vmem>>
    %dma_wait3A_654 = tpu.memref_squeeze %dma_wait3A_653 : memref<1x128xi32, #tpu.memory_space<vmem>> -> memref<128xi32, #tpu.memory_space<vmem>>
    %dma_wait3A_655 = arith.constant 0 : i32
    %dma_wait3A_656 = arith.constant 0 : i32
    %dma_wait3A_657 = tpu.memref_slice %arg4[%dma_wait3A_655, %dma_wait3A_656] : memref<1000000x32xf32, #tpu.memory_space<hbm>> -> memref<1000000x32xf32, #tpu.memory_space<hbm>>
    tpu.wait_indirect_dma semaphore(%arg9 : memref<!tpu.dma_semaphore, #tpu.memory_space<semaphore_mem>>) src(%dma_wait3A_657 : memref<1000000x32xf32, #tpu.memory_space<hbm>>) dst(%dma_wait3A_651 : memref<128x32xf32, #tpu.memory_space<vmem>>)
    %dma_wait3A_658 = arith.constant 5 : i32
    %dma_wait3A_659 = arith.constant 640 : i32
    %dma_wait3A_660 = arith.constant 0 : i32
    %dma_wait3A_661 = tpu.memref_slice %arg8[%dma_wait3A_659, %dma_wait3A_660] : memref<2560x32xf32, #tpu.memory_space<vmem>> -> memref<128x32xf32, #tpu.memory_space<vmem>>
    %dma_wait3A_662 = arith.constant 0 : i32
    %dma_wait3A_663 = tpu.memref_slice %arg7[%dma_wait3A_658, %dma_wait3A_662] : memref<20x128xi32, #tpu.memory_space<vmem>> -> memref<1x128xi32, #tpu.memory_space<vmem>>
    %dma_wait3A_664 = tpu.memref_squeeze %dma_wait3A_663 : memref<1x128xi32, #tpu.memory_space<vmem>> -> memref<128xi32, #tpu.memory_space<vmem>>
    %dma_wait3A_665 = arith.constant 0 : i32
    %dma_wait3A_666 = arith.constant 0 : i32
    %dma_wait3A_667 = tpu.memref_slice %arg4[%dma_wait3A_665, %dma_wait3A_666] : memref<1000000x32xf32, #tpu.memory_space<hbm>> -> memref<1000000x32xf32, #tpu.memory_space<hbm>>
    tpu.wait_indirect_dma semaphore(%arg9 : memref<!tpu.dma_semaphore, #tpu.memory_space<semaphore_mem>>) src(%dma_wait3A_667 : memref<1000000x32xf32, #tpu.memory_space<hbm>>) dst(%dma_wait3A_661 : memref<128x32xf32, #tpu.memory_space<vmem>>)
    %dma_wait3A_668 = arith.constant 6 : i32
    %dma_wait3A_669 = arith.constant 768 : i32
    %dma_wait3A_670 = arith.constant 0 : i32
    %dma_wait3A_671 = tpu.memref_slice %arg8[%dma_wait3A_669, %dma_wait3A_670] : memref<2560x32xf32, #tpu.memory_space<vmem>> -> memref<128x32xf32, #tpu.memory_space<vmem>>
    %dma_wait3A_672 = arith.constant 0 : i32
    %dma_wait3A_673 = tpu.memref_slice %arg7[%dma_wait3A_668, %dma_wait3A_672] : memref<20x128xi32, #tpu.memory_space<vmem>> -> memref<1x128xi32, #tpu.memory_space<vmem>>
    %dma_wait3A_674 = tpu.memref_squeeze %dma_wait3A_673 : memref<1x128xi32, #tpu.memory_space<vmem>> -> memref<128xi32, #tpu.memory_space<vmem>>
    %dma_wait3A_675 = arith.constant 0 : i32
    %dma_wait3A_676 = arith.constant 0 : i32
    %dma_wait3A_677 = tpu.memref_slice %arg4[%dma_wait3A_675, %dma_wait3A_676] : memref<1000000x32xf32, #tpu.memory_space<hbm>> -> memref<1000000x32xf32, #tpu.memory_space<hbm>>
    tpu.wait_indirect_dma semaphore(%arg9 : memref<!tpu.dma_semaphore, #tpu.memory_space<semaphore_mem>>) src(%dma_wait3A_677 : memref<1000000x32xf32, #tpu.memory_space<hbm>>) dst(%dma_wait3A_671 : memref<128x32xf32, #tpu.memory_space<vmem>>)
    %dma_wait3A_678 = arith.constant 7 : i32
    %dma_wait3A_679 = arith.constant 896 : i32
    %dma_wait3A_680 = arith.constant 0 : i32
    %dma_wait3A_681 = tpu.memref_slice %arg8[%dma_wait3A_679, %dma_wait3A_680] : memref<2560x32xf32, #tpu.memory_space<vmem>> -> memref<128x32xf32, #tpu.memory_space<vmem>>
    %dma_wait3A_682 = arith.constant 0 : i32
    %dma_wait3A_683 = tpu.memref_slice %arg7[%dma_wait3A_678, %dma_wait3A_682] : memref<20x128xi32, #tpu.memory_space<vmem>> -> memref<1x128xi32, #tpu.memory_space<vmem>>
    %dma_wait3A_684 = tpu.memref_squeeze %dma_wait3A_683 : memref<1x128xi32, #tpu.memory_space<vmem>> -> memref<128xi32, #tpu.memory_space<vmem>>
    %dma_wait3A_685 = arith.constant 0 : i32
    %dma_wait3A_686 = arith.constant 0 : i32
    %dma_wait3A_687 = tpu.memref_slice %arg4[%dma_wait3A_685, %dma_wait3A_686] : memref<1000000x32xf32, #tpu.memory_space<hbm>> -> memref<1000000x32xf32, #tpu.memory_space<hbm>>
    tpu.wait_indirect_dma semaphore(%arg9 : memref<!tpu.dma_semaphore, #tpu.memory_space<semaphore_mem>>) src(%dma_wait3A_687 : memref<1000000x32xf32, #tpu.memory_space<hbm>>) dst(%dma_wait3A_681 : memref<128x32xf32, #tpu.memory_space<vmem>>)
    %dma_wait3A_688 = arith.constant 8 : i32
    %dma_wait3A_689 = arith.constant 1024 : i32
    %dma_wait3A_690 = arith.constant 0 : i32
    %dma_wait3A_691 = tpu.memref_slice %arg8[%dma_wait3A_689, %dma_wait3A_690] : memref<2560x32xf32, #tpu.memory_space<vmem>> -> memref<128x32xf32, #tpu.memory_space<vmem>>
    %dma_wait3A_692 = arith.constant 0 : i32
    %dma_wait3A_693 = tpu.memref_slice %arg7[%dma_wait3A_688, %dma_wait3A_692] : memref<20x128xi32, #tpu.memory_space<vmem>> -> memref<1x128xi32, #tpu.memory_space<vmem>>
    %dma_wait3A_694 = tpu.memref_squeeze %dma_wait3A_693 : memref<1x128xi32, #tpu.memory_space<vmem>> -> memref<128xi32, #tpu.memory_space<vmem>>
    %dma_wait3A_695 = arith.constant 0 : i32
    %dma_wait3A_696 = arith.constant 0 : i32
    %dma_wait3A_697 = tpu.memref_slice %arg4[%dma_wait3A_695, %dma_wait3A_696] : memref<1000000x32xf32, #tpu.memory_space<hbm>> -> memref<1000000x32xf32, #tpu.memory_space<hbm>>
    tpu.wait_indirect_dma semaphore(%arg9 : memref<!tpu.dma_semaphore, #tpu.memory_space<semaphore_mem>>) src(%dma_wait3A_697 : memref<1000000x32xf32, #tpu.memory_space<hbm>>) dst(%dma_wait3A_691 : memref<128x32xf32, #tpu.memory_space<vmem>>)
    %dma_wait3A_698 = arith.constant 9 : i32
    %dma_wait3A_699 = arith.constant 1152 : i32
    %dma_wait3A_700 = arith.constant 0 : i32
    %dma_wait3A_701 = tpu.memref_slice %arg8[%dma_wait3A_699, %dma_wait3A_700] : memref<2560x32xf32, #tpu.memory_space<vmem>> -> memref<128x32xf32, #tpu.memory_space<vmem>>
    %dma_wait3A_702 = arith.constant 0 : i32
    %dma_wait3A_703 = tpu.memref_slice %arg7[%dma_wait3A_698, %dma_wait3A_702] : memref<20x128xi32, #tpu.memory_space<vmem>> -> memref<1x128xi32, #tpu.memory_space<vmem>>
    %dma_wait3A_704 = tpu.memref_squeeze %dma_wait3A_703 : memref<1x128xi32, #tpu.memory_space<vmem>> -> memref<128xi32, #tpu.memory_space<vmem>>
    %dma_wait3A_705 = arith.constant 0 : i32
    %dma_wait3A_706 = arith.constant 0 : i32
    %dma_wait3A_707 = tpu.memref_slice %arg4[%dma_wait3A_705, %dma_wait3A_706] : memref<1000000x32xf32, #tpu.memory_space<hbm>> -> memref<1000000x32xf32, #tpu.memory_space<hbm>>
    tpu.wait_indirect_dma semaphore(%arg9 : memref<!tpu.dma_semaphore, #tpu.memory_space<semaphore_mem>>) src(%dma_wait3A_707 : memref<1000000x32xf32, #tpu.memory_space<hbm>>) dst(%dma_wait3A_701 : memref<128x32xf32, #tpu.memory_space<vmem>>)
    %dma_wait3A_708 = arith.constant 10 : i32
    %dma_wait3A_709 = arith.constant 1280 : i32
    %dma_wait3A_710 = arith.constant 0 : i32
    %dma_wait3A_711 = tpu.memref_slice %arg8[%dma_wait3A_709, %dma_wait3A_710] : memref<2560x32xf32, #tpu.memory_space<vmem>> -> memref<128x32xf32, #tpu.memory_space<vmem>>
    %dma_wait3A_712 = arith.constant 0 : i32
    %dma_wait3A_713 = tpu.memref_slice %arg7[%dma_wait3A_708, %dma_wait3A_712] : memref<20x128xi32, #tpu.memory_space<vmem>> -> memref<1x128xi32, #tpu.memory_space<vmem>>
    %dma_wait3A_714 = tpu.memref_squeeze %dma_wait3A_713 : memref<1x128xi32, #tpu.memory_space<vmem>> -> memref<128xi32, #tpu.memory_space<vmem>>
    %dma_wait3A_715 = arith.constant 0 : i32
    %dma_wait3A_716 = arith.constant 0 : i32
    %dma_wait3A_717 = tpu.memref_slice %arg4[%dma_wait3A_715, %dma_wait3A_716] : memref<1000000x32xf32, #tpu.memory_space<hbm>> -> memref<1000000x32xf32, #tpu.memory_space<hbm>>
    tpu.wait_indirect_dma semaphore(%arg9 : memref<!tpu.dma_semaphore, #tpu.memory_space<semaphore_mem>>) src(%dma_wait3A_717 : memref<1000000x32xf32, #tpu.memory_space<hbm>>) dst(%dma_wait3A_711 : memref<128x32xf32, #tpu.memory_space<vmem>>)
    %dma_wait3A_718 = arith.constant 11 : i32
    %dma_wait3A_719 = arith.constant 1408 : i32
    %dma_wait3A_720 = arith.constant 0 : i32
    %dma_wait3A_721 = tpu.memref_slice %arg8[%dma_wait3A_719, %dma_wait3A_720] : memref<2560x32xf32, #tpu.memory_space<vmem>> -> memref<128x32xf32, #tpu.memory_space<vmem>>
    %dma_wait3A_722 = arith.constant 0 : i32
    %dma_wait3A_723 = tpu.memref_slice %arg7[%dma_wait3A_718, %dma_wait3A_722] : memref<20x128xi32, #tpu.memory_space<vmem>> -> memref<1x128xi32, #tpu.memory_space<vmem>>
    %dma_wait3A_724 = tpu.memref_squeeze %dma_wait3A_723 : memref<1x128xi32, #tpu.memory_space<vmem>> -> memref<128xi32, #tpu.memory_space<vmem>>
    %dma_wait3A_725 = arith.constant 0 : i32
    %dma_wait3A_726 = arith.constant 0 : i32
    %dma_wait3A_727 = tpu.memref_slice %arg4[%dma_wait3A_725, %dma_wait3A_726] : memref<1000000x32xf32, #tpu.memory_space<hbm>> -> memref<1000000x32xf32, #tpu.memory_space<hbm>>
    tpu.wait_indirect_dma semaphore(%arg9 : memref<!tpu.dma_semaphore, #tpu.memory_space<semaphore_mem>>) src(%dma_wait3A_727 : memref<1000000x32xf32, #tpu.memory_space<hbm>>) dst(%dma_wait3A_721 : memref<128x32xf32, #tpu.memory_space<vmem>>)
    %dma_wait3A_728 = arith.constant 12 : i32
    %dma_wait3A_729 = arith.constant 1536 : i32
    %dma_wait3A_730 = arith.constant 0 : i32
    %dma_wait3A_731 = tpu.memref_slice %arg8[%dma_wait3A_729, %dma_wait3A_730] : memref<2560x32xf32, #tpu.memory_space<vmem>> -> memref<128x32xf32, #tpu.memory_space<vmem>>
    %dma_wait3A_732 = arith.constant 0 : i32
    %dma_wait3A_733 = tpu.memref_slice %arg7[%dma_wait3A_728, %dma_wait3A_732] : memref<20x128xi32, #tpu.memory_space<vmem>> -> memref<1x128xi32, #tpu.memory_space<vmem>>
    %dma_wait3A_734 = tpu.memref_squeeze %dma_wait3A_733 : memref<1x128xi32, #tpu.memory_space<vmem>> -> memref<128xi32, #tpu.memory_space<vmem>>
    %dma_wait3A_735 = arith.constant 0 : i32
    %dma_wait3A_736 = arith.constant 0 : i32
    %dma_wait3A_737 = tpu.memref_slice %arg4[%dma_wait3A_735, %dma_wait3A_736] : memref<1000000x32xf32, #tpu.memory_space<hbm>> -> memref<1000000x32xf32, #tpu.memory_space<hbm>>
    tpu.wait_indirect_dma semaphore(%arg9 : memref<!tpu.dma_semaphore, #tpu.memory_space<semaphore_mem>>) src(%dma_wait3A_737 : memref<1000000x32xf32, #tpu.memory_space<hbm>>) dst(%dma_wait3A_731 : memref<128x32xf32, #tpu.memory_space<vmem>>)
    %dma_wait3A_738 = arith.constant 13 : i32
    %dma_wait3A_739 = arith.constant 1664 : i32
    %dma_wait3A_740 = arith.constant 0 : i32
    %dma_wait3A_741 = tpu.memref_slice %arg8[%dma_wait3A_739, %dma_wait3A_740] : memref<2560x32xf32, #tpu.memory_space<vmem>> -> memref<128x32xf32, #tpu.memory_space<vmem>>
    %dma_wait3A_742 = arith.constant 0 : i32
    %dma_wait3A_743 = tpu.memref_slice %arg7[%dma_wait3A_738, %dma_wait3A_742] : memref<20x128xi32, #tpu.memory_space<vmem>> -> memref<1x128xi32, #tpu.memory_space<vmem>>
    %dma_wait3A_744 = tpu.memref_squeeze %dma_wait3A_743 : memref<1x128xi32, #tpu.memory_space<vmem>> -> memref<128xi32, #tpu.memory_space<vmem>>
    %dma_wait3A_745 = arith.constant 0 : i32
    %dma_wait3A_746 = arith.constant 0 : i32
    %dma_wait3A_747 = tpu.memref_slice %arg4[%dma_wait3A_745, %dma_wait3A_746] : memref<1000000x32xf32, #tpu.memory_space<hbm>> -> memref<1000000x32xf32, #tpu.memory_space<hbm>>
    tpu.wait_indirect_dma semaphore(%arg9 : memref<!tpu.dma_semaphore, #tpu.memory_space<semaphore_mem>>) src(%dma_wait3A_747 : memref<1000000x32xf32, #tpu.memory_space<hbm>>) dst(%dma_wait3A_741 : memref<128x32xf32, #tpu.memory_space<vmem>>)
    %dma_wait3A_748 = arith.constant 14 : i32
    %dma_wait3A_749 = arith.constant 1792 : i32
    %dma_wait3A_750 = arith.constant 0 : i32
    %dma_wait3A_751 = tpu.memref_slice %arg8[%dma_wait3A_749, %dma_wait3A_750] : memref<2560x32xf32, #tpu.memory_space<vmem>> -> memref<128x32xf32, #tpu.memory_space<vmem>>
    %dma_wait3A_752 = arith.constant 0 : i32
    %dma_wait3A_753 = tpu.memref_slice %arg7[%dma_wait3A_748, %dma_wait3A_752] : memref<20x128xi32, #tpu.memory_space<vmem>> -> memref<1x128xi32, #tpu.memory_space<vmem>>
    %dma_wait3A_754 = tpu.memref_squeeze %dma_wait3A_753 : memref<1x128xi32, #tpu.memory_space<vmem>> -> memref<128xi32, #tpu.memory_space<vmem>>
    %dma_wait3A_755 = arith.constant 0 : i32
    %dma_wait3A_756 = arith.constant 0 : i32
    %dma_wait3A_757 = tpu.memref_slice %arg4[%dma_wait3A_755, %dma_wait3A_756] : memref<1000000x32xf32, #tpu.memory_space<hbm>> -> memref<1000000x32xf32, #tpu.memory_space<hbm>>
    tpu.wait_indirect_dma semaphore(%arg9 : memref<!tpu.dma_semaphore, #tpu.memory_space<semaphore_mem>>) src(%dma_wait3A_757 : memref<1000000x32xf32, #tpu.memory_space<hbm>>) dst(%dma_wait3A_751 : memref<128x32xf32, #tpu.memory_space<vmem>>)
    %dma_wait3A_758 = arith.constant 15 : i32
    %dma_wait3A_759 = arith.constant 1920 : i32
    %dma_wait3A_760 = arith.constant 0 : i32
    %dma_wait3A_761 = tpu.memref_slice %arg8[%dma_wait3A_759, %dma_wait3A_760] : memref<2560x32xf32, #tpu.memory_space<vmem>> -> memref<128x32xf32, #tpu.memory_space<vmem>>
    %dma_wait3A_762 = arith.constant 0 : i32
    %dma_wait3A_763 = tpu.memref_slice %arg7[%dma_wait3A_758, %dma_wait3A_762] : memref<20x128xi32, #tpu.memory_space<vmem>> -> memref<1x128xi32, #tpu.memory_space<vmem>>
    %dma_wait3A_764 = tpu.memref_squeeze %dma_wait3A_763 : memref<1x128xi32, #tpu.memory_space<vmem>> -> memref<128xi32, #tpu.memory_space<vmem>>
    %dma_wait3A_765 = arith.constant 0 : i32
    %dma_wait3A_766 = arith.constant 0 : i32
    %dma_wait3A_767 = tpu.memref_slice %arg4[%dma_wait3A_765, %dma_wait3A_766] : memref<1000000x32xf32, #tpu.memory_space<hbm>> -> memref<1000000x32xf32, #tpu.memory_space<hbm>>
    tpu.wait_indirect_dma semaphore(%arg9 : memref<!tpu.dma_semaphore, #tpu.memory_space<semaphore_mem>>) src(%dma_wait3A_767 : memref<1000000x32xf32, #tpu.memory_space<hbm>>) dst(%dma_wait3A_761 : memref<128x32xf32, #tpu.memory_space<vmem>>)
    %dma_wait3A_768 = arith.constant 16 : i32
    %dma_wait3A_769 = arith.constant 2048 : i32
    %dma_wait3A_770 = arith.constant 0 : i32
    %dma_wait3A_771 = tpu.memref_slice %arg8[%dma_wait3A_769, %dma_wait3A_770] : memref<2560x32xf32, #tpu.memory_space<vmem>> -> memref<128x32xf32, #tpu.memory_space<vmem>>
    %dma_wait3A_772 = arith.constant 0 : i32
    %dma_wait3A_773 = tpu.memref_slice %arg7[%dma_wait3A_768, %dma_wait3A_772] : memref<20x128xi32, #tpu.memory_space<vmem>> -> memref<1x128xi32, #tpu.memory_space<vmem>>
    %dma_wait3A_774 = tpu.memref_squeeze %dma_wait3A_773 : memref<1x128xi32, #tpu.memory_space<vmem>> -> memref<128xi32, #tpu.memory_space<vmem>>
    %dma_wait3A_775 = arith.constant 0 : i32
    %dma_wait3A_776 = arith.constant 0 : i32
    %dma_wait3A_777 = tpu.memref_slice %arg4[%dma_wait3A_775, %dma_wait3A_776] : memref<1000000x32xf32, #tpu.memory_space<hbm>> -> memref<1000000x32xf32, #tpu.memory_space<hbm>>
    tpu.wait_indirect_dma semaphore(%arg9 : memref<!tpu.dma_semaphore, #tpu.memory_space<semaphore_mem>>) src(%dma_wait3A_777 : memref<1000000x32xf32, #tpu.memory_space<hbm>>) dst(%dma_wait3A_771 : memref<128x32xf32, #tpu.memory_space<vmem>>)
    %dma_wait3A_778 = arith.constant 17 : i32
    %dma_wait3A_779 = arith.constant 2176 : i32
    %dma_wait3A_780 = arith.constant 0 : i32
    %dma_wait3A_781 = tpu.memref_slice %arg8[%dma_wait3A_779, %dma_wait3A_780] : memref<2560x32xf32, #tpu.memory_space<vmem>> -> memref<128x32xf32, #tpu.memory_space<vmem>>
    %dma_wait3A_782 = arith.constant 0 : i32
    %dma_wait3A_783 = tpu.memref_slice %arg7[%dma_wait3A_778, %dma_wait3A_782] : memref<20x128xi32, #tpu.memory_space<vmem>> -> memref<1x128xi32, #tpu.memory_space<vmem>>
    %dma_wait3A_784 = tpu.memref_squeeze %dma_wait3A_783 : memref<1x128xi32, #tpu.memory_space<vmem>> -> memref<128xi32, #tpu.memory_space<vmem>>
    %dma_wait3A_785 = arith.constant 0 : i32
    %dma_wait3A_786 = arith.constant 0 : i32
    %dma_wait3A_787 = tpu.memref_slice %arg4[%dma_wait3A_785, %dma_wait3A_786] : memref<1000000x32xf32, #tpu.memory_space<hbm>> -> memref<1000000x32xf32, #tpu.memory_space<hbm>>
    tpu.wait_indirect_dma semaphore(%arg9 : memref<!tpu.dma_semaphore, #tpu.memory_space<semaphore_mem>>) src(%dma_wait3A_787 : memref<1000000x32xf32, #tpu.memory_space<hbm>>) dst(%dma_wait3A_781 : memref<128x32xf32, #tpu.memory_space<vmem>>)
    %dma_wait3A_788 = arith.constant 18 : i32
    %dma_wait3A_789 = arith.constant 2304 : i32
    %dma_wait3A_790 = arith.constant 0 : i32
    %dma_wait3A_791 = tpu.memref_slice %arg8[%dma_wait3A_789, %dma_wait3A_790] : memref<2560x32xf32, #tpu.memory_space<vmem>> -> memref<128x32xf32, #tpu.memory_space<vmem>>
    %dma_wait3A_792 = arith.constant 0 : i32
    %dma_wait3A_793 = tpu.memref_slice %arg7[%dma_wait3A_788, %dma_wait3A_792] : memref<20x128xi32, #tpu.memory_space<vmem>> -> memref<1x128xi32, #tpu.memory_space<vmem>>
    %dma_wait3A_794 = tpu.memref_squeeze %dma_wait3A_793 : memref<1x128xi32, #tpu.memory_space<vmem>> -> memref<128xi32, #tpu.memory_space<vmem>>
    %dma_wait3A_795 = arith.constant 0 : i32
    %dma_wait3A_796 = arith.constant 0 : i32
    %dma_wait3A_797 = tpu.memref_slice %arg4[%dma_wait3A_795, %dma_wait3A_796] : memref<1000000x32xf32, #tpu.memory_space<hbm>> -> memref<1000000x32xf32, #tpu.memory_space<hbm>>
    tpu.wait_indirect_dma semaphore(%arg9 : memref<!tpu.dma_semaphore, #tpu.memory_space<semaphore_mem>>) src(%dma_wait3A_797 : memref<1000000x32xf32, #tpu.memory_space<hbm>>) dst(%dma_wait3A_791 : memref<128x32xf32, #tpu.memory_space<vmem>>)
    %dma_wait3A_798 = arith.constant 19 : i32
    %dma_wait3A_799 = arith.constant 2432 : i32
    %dma_wait3A_800 = arith.constant 0 : i32
    %dma_wait3A_801 = tpu.memref_slice %arg8[%dma_wait3A_799, %dma_wait3A_800] : memref<2560x32xf32, #tpu.memory_space<vmem>> -> memref<128x32xf32, #tpu.memory_space<vmem>>
    %dma_wait3A_802 = arith.constant 0 : i32
    %dma_wait3A_803 = tpu.memref_slice %arg7[%dma_wait3A_798, %dma_wait3A_802] : memref<20x128xi32, #tpu.memory_space<vmem>> -> memref<1x128xi32, #tpu.memory_space<vmem>>
    %dma_wait3A_804 = tpu.memref_squeeze %dma_wait3A_803 : memref<1x128xi32, #tpu.memory_space<vmem>> -> memref<128xi32, #tpu.memory_space<vmem>>
    %dma_wait3A_805 = arith.constant 0 : i32
    %dma_wait3A_806 = arith.constant 0 : i32
    %dma_wait3A_807 = tpu.memref_slice %arg4[%dma_wait3A_805, %dma_wait3A_806] : memref<1000000x32xf32, #tpu.memory_space<hbm>> -> memref<1000000x32xf32, #tpu.memory_space<hbm>>
    tpu.wait_indirect_dma semaphore(%arg9 : memref<!tpu.dma_semaphore, #tpu.memory_space<semaphore_mem>>) src(%dma_wait3A_807 : memref<1000000x32xf32, #tpu.memory_space<hbm>>) dst(%dma_wait3A_801 : memref<128x32xf32, #tpu.memory_space<vmem>>)
    %scan3A_808 = arith.constant 0 : i32
    %scan3A_809 = arith.constant 0 : i32
    %scan3A_810 = arith.constant 128 : i32
    %scan3A_811 = arith.addi %scan3A_809, %scan3A_810 : i32
    %scan3A_812 = arith.constant 1 : i32
    scf.for %scan3A_814 = %scan3A_809 to %scan3A_811 step %scan3A_812  : i32 {
      %mul3A_815 = arith.constant 20 : i32
      %mul3A_816 = arith.muli %scan3A_814, %mul3A_815 : i32
      %get3A = arith.index_cast %mul3A_816 : i32 to index
      %get3A_817 = arith.constant 0 : index
      %get3A_818 = tpu.vector_load %arg8[%get3A, %get3A_817] {strides = array<i32>} : memref<2560x32xf32, #tpu.memory_space<vmem>>, vector<1x16xf32>,
      %get3A_819 = vector.shape_cast %get3A_818 : vector<1x16xf32> to vector<16xf32>
      %get3A_820 = arith.index_cast %mul3A_816 : i32 to index
      %get3A_821 = arith.constant 16 : index
      %get3A_822 = tpu.vector_load %arg8[%get3A_820, %get3A_821] {strides = array<i32>} : memref<2560x32xf32, #tpu.memory_space<vmem>>, vector<1x16xf32>,
      %get3A_823 = vector.shape_cast %get3A_822 : vector<1x16xf32> to vector<16xf32>
      %add3A_824 = arith.constant 1 : i32
      %add3A_825 = arith.addi %mul3A_816, %add3A_824 : i32
      %get3A_826 = arith.index_cast %add3A_825 : i32 to index
      %get3A_827 = arith.constant 0 : index
      %get3A_828 = tpu.vector_load %arg8[%get3A_826, %get3A_827] {strides = array<i32>} : memref<2560x32xf32, #tpu.memory_space<vmem>>, vector<1x16xf32>,
      %get3A_829 = vector.shape_cast %get3A_828 : vector<1x16xf32> to vector<16xf32>
      %add3A_830 = arith.addf %get3A_819, %get3A_829 : vector<16xf32>
      %add3A_831 = arith.constant 1 : i32
      %add3A_832 = arith.addi %mul3A_816, %add3A_831 : i32
      %get3A_833 = arith.index_cast %add3A_832 : i32 to index
      %get3A_834 = arith.constant 16 : index
      %get3A_835 = tpu.vector_load %arg8[%get3A_833, %get3A_834] {strides = array<i32>} : memref<2560x32xf32, #tpu.memory_space<vmem>>, vector<1x16xf32>,
      %get3A_836 = vector.shape_cast %get3A_835 : vector<1x16xf32> to vector<16xf32>
      %add3A_837 = arith.addf %get3A_823, %get3A_836 : vector<16xf32>
      %add3A_838 = arith.constant 2 : i32
      %add3A_839 = arith.addi %mul3A_816, %add3A_838 : i32
      %get3A_840 = arith.index_cast %add3A_839 : i32 to index
      %get3A_841 = arith.constant 0 : index
      %get3A_842 = tpu.vector_load %arg8[%get3A_840, %get3A_841] {strides = array<i32>} : memref<2560x32xf32, #tpu.memory_space<vmem>>, vector<1x16xf32>,
      %get3A_843 = vector.shape_cast %get3A_842 : vector<1x16xf32> to vector<16xf32>
      %add3A_844 = arith.addf %add3A_830, %get3A_843 : vector<16xf32>
      %add3A_845 = arith.constant 2 : i32
      %add3A_846 = arith.addi %mul3A_816, %add3A_845 : i32
      %get3A_847 = arith.index_cast %add3A_846 : i32 to index
      %get3A_848 = arith.constant 16 : index
      %get3A_849 = tpu.vector_load %arg8[%get3A_847, %get3A_848] {strides = array<i32>} : memref<2560x32xf32, #tpu.memory_space<vmem>>, vector<1x16xf32>,
      %get3A_850 = vector.shape_cast %get3A_849 : vector<1x16xf32> to vector<16xf32>
      %add3A_851 = arith.addf %add3A_837, %get3A_850 : vector<16xf32>
      %add3A_852 = arith.constant 3 : i32
      %add3A_853 = arith.addi %mul3A_816, %add3A_852 : i32
      %get3A_854 = arith.index_cast %add3A_853 : i32 to index
      %get3A_855 = arith.constant 0 : index
      %get3A_856 = tpu.vector_load %arg8[%get3A_854, %get3A_855] {strides = array<i32>} : memref<2560x32xf32, #tpu.memory_space<vmem>>, vector<1x16xf32>,
      %get3A_857 = vector.shape_cast %get3A_856 : vector<1x16xf32> to vector<16xf32>
      %add3A_858 = arith.addf %add3A_844, %get3A_857 : vector<16xf32>
      %add3A_859 = arith.constant 3 : i32
      %add3A_860 = arith.addi %mul3A_816, %add3A_859 : i32
      %get3A_861 = arith.index_cast %add3A_860 : i32 to index
      %get3A_862 = arith.constant 16 : index
      %get3A_863 = tpu.vector_load %arg8[%get3A_861, %get3A_862] {strides = array<i32>} : memref<2560x32xf32, #tpu.memory_space<vmem>>, vector<1x16xf32>,
      %get3A_864 = vector.shape_cast %get3A_863 : vector<1x16xf32> to vector<16xf32>
      %add3A_865 = arith.addf %add3A_851, %get3A_864 : vector<16xf32>
      %add3A_866 = arith.constant 4 : i32
      %add3A_867 = arith.addi %mul3A_816, %add3A_866 : i32
      %get3A_868 = arith.index_cast %add3A_867 : i32 to index
      %get3A_869 = arith.constant 0 : index
      %get3A_870 = tpu.vector_load %arg8[%get3A_868, %get3A_869] {strides = array<i32>} : memref<2560x32xf32, #tpu.memory_space<vmem>>, vector<1x16xf32>,
      %get3A_871 = vector.shape_cast %get3A_870 : vector<1x16xf32> to vector<16xf32>
      %add3A_872 = arith.addf %add3A_858, %get3A_871 : vector<16xf32>
      %add3A_873 = arith.constant 4 : i32
      %add3A_874 = arith.addi %mul3A_816, %add3A_873 : i32
      %get3A_875 = arith.index_cast %add3A_874 : i32 to index
      %get3A_876 = arith.constant 16 : index
      %get3A_877 = tpu.vector_load %arg8[%get3A_875, %get3A_876] {strides = array<i32>} : memref<2560x32xf32, #tpu.memory_space<vmem>>, vector<1x16xf32>,
      %get3A_878 = vector.shape_cast %get3A_877 : vector<1x16xf32> to vector<16xf32>
      %add3A_879 = arith.addf %add3A_865, %get3A_878 : vector<16xf32>
      %add3A_880 = arith.constant 5 : i32
      %add3A_881 = arith.addi %mul3A_816, %add3A_880 : i32
      %get3A_882 = arith.index_cast %add3A_881 : i32 to index
      %get3A_883 = arith.constant 0 : index
      %get3A_884 = tpu.vector_load %arg8[%get3A_882, %get3A_883] {strides = array<i32>} : memref<2560x32xf32, #tpu.memory_space<vmem>>, vector<1x16xf32>,
      %get3A_885 = vector.shape_cast %get3A_884 : vector<1x16xf32> to vector<16xf32>
      %add3A_886 = arith.addf %add3A_872, %get3A_885 : vector<16xf32>
      %add3A_887 = arith.constant 5 : i32
      %add3A_888 = arith.addi %mul3A_816, %add3A_887 : i32
      %get3A_889 = arith.index_cast %add3A_888 : i32 to index
      %get3A_890 = arith.constant 16 : index
      %get3A_891 = tpu.vector_load %arg8[%get3A_889, %get3A_890] {strides = array<i32>} : memref<2560x32xf32, #tpu.memory_space<vmem>>, vector<1x16xf32>,
      %get3A_892 = vector.shape_cast %get3A_891 : vector<1x16xf32> to vector<16xf32>
      %add3A_893 = arith.addf %add3A_879, %get3A_892 : vector<16xf32>
      %add3A_894 = arith.constant 6 : i32
      %add3A_895 = arith.addi %mul3A_816, %add3A_894 : i32
      %get3A_896 = arith.index_cast %add3A_895 : i32 to index
      %get3A_897 = arith.constant 0 : index
      %get3A_898 = tpu.vector_load %arg8[%get3A_896, %get3A_897] {strides = array<i32>} : memref<2560x32xf32, #tpu.memory_space<vmem>>, vector<1x16xf32>,
      %get3A_899 = vector.shape_cast %get3A_898 : vector<1x16xf32> to vector<16xf32>
      %add3A_900 = arith.addf %add3A_886, %get3A_899 : vector<16xf32>
      %add3A_901 = arith.constant 6 : i32
      %add3A_902 = arith.addi %mul3A_816, %add3A_901 : i32
      %get3A_903 = arith.index_cast %add3A_902 : i32 to index
      %get3A_904 = arith.constant 16 : index
      %get3A_905 = tpu.vector_load %arg8[%get3A_903, %get3A_904] {strides = array<i32>} : memref<2560x32xf32, #tpu.memory_space<vmem>>, vector<1x16xf32>,
      %get3A_906 = vector.shape_cast %get3A_905 : vector<1x16xf32> to vector<16xf32>
      %add3A_907 = arith.addf %add3A_893, %get3A_906 : vector<16xf32>
      %add3A_908 = arith.constant 7 : i32
      %add3A_909 = arith.addi %mul3A_816, %add3A_908 : i32
      %get3A_910 = arith.index_cast %add3A_909 : i32 to index
      %get3A_911 = arith.constant 0 : index
      %get3A_912 = tpu.vector_load %arg8[%get3A_910, %get3A_911] {strides = array<i32>} : memref<2560x32xf32, #tpu.memory_space<vmem>>, vector<1x16xf32>,
      %get3A_913 = vector.shape_cast %get3A_912 : vector<1x16xf32> to vector<16xf32>
      %add3A_914 = arith.addf %add3A_900, %get3A_913 : vector<16xf32>
      %add3A_915 = arith.constant 7 : i32
      %add3A_916 = arith.addi %mul3A_816, %add3A_915 : i32
      %get3A_917 = arith.index_cast %add3A_916 : i32 to index
      %get3A_918 = arith.constant 16 : index
      %get3A_919 = tpu.vector_load %arg8[%get3A_917, %get3A_918] {strides = array<i32>} : memref<2560x32xf32, #tpu.memory_space<vmem>>, vector<1x16xf32>,
      %get3A_920 = vector.shape_cast %get3A_919 : vector<1x16xf32> to vector<16xf32>
      %add3A_921 = arith.addf %add3A_907, %get3A_920 : vector<16xf32>
      %add3A_922 = arith.constant 8 : i32
      %add3A_923 = arith.addi %mul3A_816, %add3A_922 : i32
      %get3A_924 = arith.index_cast %add3A_923 : i32 to index
      %get3A_925 = arith.constant 0 : index
      %get3A_926 = tpu.vector_load %arg8[%get3A_924, %get3A_925] {strides = array<i32>} : memref<2560x32xf32, #tpu.memory_space<vmem>>, vector<1x16xf32>,
      %get3A_927 = vector.shape_cast %get3A_926 : vector<1x16xf32> to vector<16xf32>
      %add3A_928 = arith.addf %add3A_914, %get3A_927 : vector<16xf32>
      %add3A_929 = arith.constant 8 : i32
      %add3A_930 = arith.addi %mul3A_816, %add3A_929 : i32
      %get3A_931 = arith.index_cast %add3A_930 : i32 to index
      %get3A_932 = arith.constant 16 : index
      %get3A_933 = tpu.vector_load %arg8[%get3A_931, %get3A_932] {strides = array<i32>} : memref<2560x32xf32, #tpu.memory_space<vmem>>, vector<1x16xf32>,
      %get3A_934 = vector.shape_cast %get3A_933 : vector<1x16xf32> to vector<16xf32>
      %add3A_935 = arith.addf %add3A_921, %get3A_934 : vector<16xf32>
      %add3A_936 = arith.constant 9 : i32
      %add3A_937 = arith.addi %mul3A_816, %add3A_936 : i32
      %get3A_938 = arith.index_cast %add3A_937 : i32 to index
      %get3A_939 = arith.constant 0 : index
      %get3A_940 = tpu.vector_load %arg8[%get3A_938, %get3A_939] {strides = array<i32>} : memref<2560x32xf32, #tpu.memory_space<vmem>>, vector<1x16xf32>,
      %get3A_941 = vector.shape_cast %get3A_940 : vector<1x16xf32> to vector<16xf32>
      %add3A_942 = arith.addf %add3A_928, %get3A_941 : vector<16xf32>
      %add3A_943 = arith.constant 9 : i32
      %add3A_944 = arith.addi %mul3A_816, %add3A_943 : i32
      %get3A_945 = arith.index_cast %add3A_944 : i32 to index
      %get3A_946 = arith.constant 16 : index
      %get3A_947 = tpu.vector_load %arg8[%get3A_945, %get3A_946] {strides = array<i32>} : memref<2560x32xf32, #tpu.memory_space<vmem>>, vector<1x16xf32>,
      %get3A_948 = vector.shape_cast %get3A_947 : vector<1x16xf32> to vector<16xf32>
      %add3A_949 = arith.addf %add3A_935, %get3A_948 : vector<16xf32>
      %add3A_950 = arith.constant 10 : i32
      %add3A_951 = arith.addi %mul3A_816, %add3A_950 : i32
      %get3A_952 = arith.index_cast %add3A_951 : i32 to index
      %get3A_953 = arith.constant 0 : index
      %get3A_954 = tpu.vector_load %arg8[%get3A_952, %get3A_953] {strides = array<i32>} : memref<2560x32xf32, #tpu.memory_space<vmem>>, vector<1x16xf32>,
      %get3A_955 = vector.shape_cast %get3A_954 : vector<1x16xf32> to vector<16xf32>
      %add3A_956 = arith.addf %add3A_942, %get3A_955 : vector<16xf32>
      %add3A_957 = arith.constant 10 : i32
      %add3A_958 = arith.addi %mul3A_816, %add3A_957 : i32
      %get3A_959 = arith.index_cast %add3A_958 : i32 to index
      %get3A_960 = arith.constant 16 : index
      %get3A_961 = tpu.vector_load %arg8[%get3A_959, %get3A_960] {strides = array<i32>} : memref<2560x32xf32, #tpu.memory_space<vmem>>, vector<1x16xf32>,
      %get3A_962 = vector.shape_cast %get3A_961 : vector<1x16xf32> to vector<16xf32>
      %add3A_963 = arith.addf %add3A_949, %get3A_962 : vector<16xf32>
      %add3A_964 = arith.constant 11 : i32
      %add3A_965 = arith.addi %mul3A_816, %add3A_964 : i32
      %get3A_966 = arith.index_cast %add3A_965 : i32 to index
      %get3A_967 = arith.constant 0 : index
      %get3A_968 = tpu.vector_load %arg8[%get3A_966, %get3A_967] {strides = array<i32>} : memref<2560x32xf32, #tpu.memory_space<vmem>>, vector<1x16xf32>,
      %get3A_969 = vector.shape_cast %get3A_968 : vector<1x16xf32> to vector<16xf32>
      %add3A_970 = arith.addf %add3A_956, %get3A_969 : vector<16xf32>
      %add3A_971 = arith.constant 11 : i32
      %add3A_972 = arith.addi %mul3A_816, %add3A_971 : i32
      %get3A_973 = arith.index_cast %add3A_972 : i32 to index
      %get3A_974 = arith.constant 16 : index
      %get3A_975 = tpu.vector_load %arg8[%get3A_973, %get3A_974] {strides = array<i32>} : memref<2560x32xf32, #tpu.memory_space<vmem>>, vector<1x16xf32>,
      %get3A_976 = vector.shape_cast %get3A_975 : vector<1x16xf32> to vector<16xf32>
      %add3A_977 = arith.addf %add3A_963, %get3A_976 : vector<16xf32>
      %add3A_978 = arith.constant 12 : i32
      %add3A_979 = arith.addi %mul3A_816, %add3A_978 : i32
      %get3A_980 = arith.index_cast %add3A_979 : i32 to index
      %get3A_981 = arith.constant 0 : index
      %get3A_982 = tpu.vector_load %arg8[%get3A_980, %get3A_981] {strides = array<i32>} : memref<2560x32xf32, #tpu.memory_space<vmem>>, vector<1x16xf32>,
      %get3A_983 = vector.shape_cast %get3A_982 : vector<1x16xf32> to vector<16xf32>
      %add3A_984 = arith.addf %add3A_970, %get3A_983 : vector<16xf32>
      %add3A_985 = arith.constant 12 : i32
      %add3A_986 = arith.addi %mul3A_816, %add3A_985 : i32
      %get3A_987 = arith.index_cast %add3A_986 : i32 to index
      %get3A_988 = arith.constant 16 : index
      %get3A_989 = tpu.vector_load %arg8[%get3A_987, %get3A_988] {strides = array<i32>} : memref<2560x32xf32, #tpu.memory_space<vmem>>, vector<1x16xf32>,
      %get3A_990 = vector.shape_cast %get3A_989 : vector<1x16xf32> to vector<16xf32>
      %add3A_991 = arith.addf %add3A_977, %get3A_990 : vector<16xf32>
      %add3A_992 = arith.constant 13 : i32
      %add3A_993 = arith.addi %mul3A_816, %add3A_992 : i32
      %get3A_994 = arith.index_cast %add3A_993 : i32 to index
      %get3A_995 = arith.constant 0 : index
      %get3A_996 = tpu.vector_load %arg8[%get3A_994, %get3A_995] {strides = array<i32>} : memref<2560x32xf32, #tpu.memory_space<vmem>>, vector<1x16xf32>,
      %get3A_997 = vector.shape_cast %get3A_996 : vector<1x16xf32> to vector<16xf32>
      %add3A_998 = arith.addf %add3A_984, %get3A_997 : vector<16xf32>
      %add3A_999 = arith.constant 13 : i32
      %add3A_1000 = arith.addi %mul3A_816, %add3A_999 : i32
      %get3A_1001 = arith.index_cast %add3A_1000 : i32 to index
      %get3A_1002 = arith.constant 16 : index
      %get3A_1003 = tpu.vector_load %arg8[%get3A_1001, %get3A_1002] {strides = array<i32>} : memref<2560x32xf32, #tpu.memory_space<vmem>>, vector<1x16xf32>,
      %get3A_1004 = vector.shape_cast %get3A_1003 : vector<1x16xf32> to vector<16xf32>
      %add3A_1005 = arith.addf %add3A_991, %get3A_1004 : vector<16xf32>
      %add3A_1006 = arith.constant 14 : i32
      %add3A_1007 = arith.addi %mul3A_816, %add3A_1006 : i32
      %get3A_1008 = arith.index_cast %add3A_1007 : i32 to index
      %get3A_1009 = arith.constant 0 : index
      %get3A_1010 = tpu.vector_load %arg8[%get3A_1008, %get3A_1009] {strides = array<i32>} : memref<2560x32xf32, #tpu.memory_space<vmem>>, vector<1x16xf32>,
      %get3A_1011 = vector.shape_cast %get3A_1010 : vector<1x16xf32> to vector<16xf32>
      %add3A_1012 = arith.addf %add3A_998, %get3A_1011 : vector<16xf32>
      %add3A_1013 = arith.constant 14 : i32
      %add3A_1014 = arith.addi %mul3A_816, %add3A_1013 : i32
      %get3A_1015 = arith.index_cast %add3A_1014 : i32 to index
      %get3A_1016 = arith.constant 16 : index
      %get3A_1017 = tpu.vector_load %arg8[%get3A_1015, %get3A_1016] {strides = array<i32>} : memref<2560x32xf32, #tpu.memory_space<vmem>>, vector<1x16xf32>,
      %get3A_1018 = vector.shape_cast %get3A_1017 : vector<1x16xf32> to vector<16xf32>
      %add3A_1019 = arith.addf %add3A_1005, %get3A_1018 : vector<16xf32>
      %add3A_1020 = arith.constant 15 : i32
      %add3A_1021 = arith.addi %mul3A_816, %add3A_1020 : i32
      %get3A_1022 = arith.index_cast %add3A_1021 : i32 to index
      %get3A_1023 = arith.constant 0 : index
      %get3A_1024 = tpu.vector_load %arg8[%get3A_1022, %get3A_1023] {strides = array<i32>} : memref<2560x32xf32, #tpu.memory_space<vmem>>, vector<1x16xf32>,
      %get3A_1025 = vector.shape_cast %get3A_1024 : vector<1x16xf32> to vector<16xf32>
      %add3A_1026 = arith.addf %add3A_1012, %get3A_1025 : vector<16xf32>
      %add3A_1027 = arith.constant 15 : i32
      %add3A_1028 = arith.addi %mul3A_816, %add3A_1027 : i32
      %get3A_1029 = arith.index_cast %add3A_1028 : i32 to index
      %get3A_1030 = arith.constant 16 : index
      %get3A_1031 = tpu.vector_load %arg8[%get3A_1029, %get3A_1030] {strides = array<i32>} : memref<2560x32xf32, #tpu.memory_space<vmem>>, vector<1x16xf32>,
      %get3A_1032 = vector.shape_cast %get3A_1031 : vector<1x16xf32> to vector<16xf32>
      %add3A_1033 = arith.addf %add3A_1019, %get3A_1032 : vector<16xf32>
      %add3A_1034 = arith.constant 16 : i32
      %add3A_1035 = arith.addi %mul3A_816, %add3A_1034 : i32
      %get3A_1036 = arith.index_cast %add3A_1035 : i32 to index
      %get3A_1037 = arith.constant 0 : index
      %get3A_1038 = tpu.vector_load %arg8[%get3A_1036, %get3A_1037] {strides = array<i32>} : memref<2560x32xf32, #tpu.memory_space<vmem>>, vector<1x16xf32>,
      %get3A_1039 = vector.shape_cast %get3A_1038 : vector<1x16xf32> to vector<16xf32>
      %add3A_1040 = arith.addf %add3A_1026, %get3A_1039 : vector<16xf32>
      %add3A_1041 = arith.constant 16 : i32
      %add3A_1042 = arith.addi %mul3A_816, %add3A_1041 : i32
      %get3A_1043 = arith.index_cast %add3A_1042 : i32 to index
      %get3A_1044 = arith.constant 16 : index
      %get3A_1045 = tpu.vector_load %arg8[%get3A_1043, %get3A_1044] {strides = array<i32>} : memref<2560x32xf32, #tpu.memory_space<vmem>>, vector<1x16xf32>,
      %get3A_1046 = vector.shape_cast %get3A_1045 : vector<1x16xf32> to vector<16xf32>
      %add3A_1047 = arith.addf %add3A_1033, %get3A_1046 : vector<16xf32>
      %add3A_1048 = arith.constant 17 : i32
      %add3A_1049 = arith.addi %mul3A_816, %add3A_1048 : i32
      %get3A_1050 = arith.index_cast %add3A_1049 : i32 to index
      %get3A_1051 = arith.constant 0 : index
      %get3A_1052 = tpu.vector_load %arg8[%get3A_1050, %get3A_1051] {strides = array<i32>} : memref<2560x32xf32, #tpu.memory_space<vmem>>, vector<1x16xf32>,
      %get3A_1053 = vector.shape_cast %get3A_1052 : vector<1x16xf32> to vector<16xf32>
      %add3A_1054 = arith.addf %add3A_1040, %get3A_1053 : vector<16xf32>
      %add3A_1055 = arith.constant 17 : i32
      %add3A_1056 = arith.addi %mul3A_816, %add3A_1055 : i32
      %get3A_1057 = arith.index_cast %add3A_1056 : i32 to index
      %get3A_1058 = arith.constant 16 : index
      %get3A_1059 = tpu.vector_load %arg8[%get3A_1057, %get3A_1058] {strides = array<i32>} : memref<2560x32xf32, #tpu.memory_space<vmem>>, vector<1x16xf32>,
      %get3A_1060 = vector.shape_cast %get3A_1059 : vector<1x16xf32> to vector<16xf32>
      %add3A_1061 = arith.addf %add3A_1047, %get3A_1060 : vector<16xf32>
      %add3A_1062 = arith.constant 18 : i32
      %add3A_1063 = arith.addi %mul3A_816, %add3A_1062 : i32
      %get3A_1064 = arith.index_cast %add3A_1063 : i32 to index
      %get3A_1065 = arith.constant 0 : index
      %get3A_1066 = tpu.vector_load %arg8[%get3A_1064, %get3A_1065] {strides = array<i32>} : memref<2560x32xf32, #tpu.memory_space<vmem>>, vector<1x16xf32>,
      %get3A_1067 = vector.shape_cast %get3A_1066 : vector<1x16xf32> to vector<16xf32>
      %add3A_1068 = arith.addf %add3A_1054, %get3A_1067 : vector<16xf32>
      %add3A_1069 = arith.constant 18 : i32
      %add3A_1070 = arith.addi %mul3A_816, %add3A_1069 : i32
      %get3A_1071 = arith.index_cast %add3A_1070 : i32 to index
      %get3A_1072 = arith.constant 16 : index
      %get3A_1073 = tpu.vector_load %arg8[%get3A_1071, %get3A_1072] {strides = array<i32>} : memref<2560x32xf32, #tpu.memory_space<vmem>>, vector<1x16xf32>,
      %get3A_1074 = vector.shape_cast %get3A_1073 : vector<1x16xf32> to vector<16xf32>
      %add3A_1075 = arith.addf %add3A_1061, %get3A_1074 : vector<16xf32>
      %add3A_1076 = arith.constant 19 : i32
      %add3A_1077 = arith.addi %mul3A_816, %add3A_1076 : i32
      %get3A_1078 = arith.index_cast %add3A_1077 : i32 to index
      %get3A_1079 = arith.constant 0 : index
      %get3A_1080 = tpu.vector_load %arg8[%get3A_1078, %get3A_1079] {strides = array<i32>} : memref<2560x32xf32, #tpu.memory_space<vmem>>, vector<1x16xf32>,
      %get3A_1081 = vector.shape_cast %get3A_1080 : vector<1x16xf32> to vector<16xf32>
      %add3A_1082 = arith.addf %add3A_1068, %get3A_1081 : vector<16xf32>
      %add3A_1083 = arith.constant 19 : i32
      %add3A_1084 = arith.addi %mul3A_816, %add3A_1083 : i32
      %get3A_1085 = arith.index_cast %add3A_1084 : i32 to index
      %get3A_1086 = arith.constant 16 : index
      %get3A_1087 = tpu.vector_load %arg8[%get3A_1085, %get3A_1086] {strides = array<i32>} : memref<2560x32xf32, #tpu.memory_space<vmem>>, vector<1x16xf32>,
      %get3A_1088 = vector.shape_cast %get3A_1087 : vector<1x16xf32> to vector<16xf32>
      %add3A_1089 = arith.addf %add3A_1075, %get3A_1088 : vector<16xf32>
      %mul3A_1090 = arith.constant 5.000000e-02 : f32
      %mul3A_1091 = vector.broadcast %mul3A_1090 : f32 to vector<16xf32>
      %mul3A_1092 = arith.mulf %add3A_1082, %mul3A_1091 : vector<16xf32>
      %swap3A = arith.index_cast %scan3A_814 : i32 to index
      %swap3A_1093 = arith.constant 0 : index
      %swap3A_1094 = tpu.vector_load %arg8[%swap3A, %swap3A_1093] {strides = array<i32>} : memref<2560x32xf32, #tpu.memory_space<vmem>>, vector<1x16xf32>,
      %swap3A_1095 = vector.shape_cast %swap3A_1094 : vector<1x16xf32> to vector<16xf32>
      %swap3A_1096 = vector.shape_cast %mul3A_1092 : vector<16xf32> to vector<1x16xf32>
      tpu.vector_store %arg8[%swap3A, %swap3A_1093], %swap3A_1096 {strides = array<i32>} : memref<2560x32xf32, #tpu.memory_space<vmem>>, vector<1x16xf32>,
      %mul3A_1097 = arith.constant 5.000000e-02 : f32
      %mul3A_1098 = vector.broadcast %mul3A_1097 : f32 to vector<16xf32>
      %mul3A_1099 = arith.mulf %add3A_1089, %mul3A_1098 : vector<16xf32>
      %swap3A_1100 = arith.index_cast %scan3A_814 : i32 to index
      %swap3A_1101 = arith.constant 16 : index
      %swap3A_1102 = tpu.vector_load %arg8[%swap3A_1100, %swap3A_1101] {strides = array<i32>} : memref<2560x32xf32, #tpu.memory_space<vmem>>, vector<1x16xf32>,
      %swap3A_1103 = vector.shape_cast %swap3A_1102 : vector<1x16xf32> to vector<16xf32>
      %swap3A_1104 = vector.shape_cast %mul3A_1099 : vector<16xf32> to vector<1x16xf32>
      tpu.vector_store %arg8[%swap3A_1100, %swap3A_1101], %swap3A_1104 {strides = array<i32>} : memref<2560x32xf32, #tpu.memory_space<vmem>>, vector<1x16xf32>,
    }
    %scan3A_813 = arith.constant 128 : i32
    "tpu.region"() ({
      %run_scoped3A = tpu.sem_alloc : memref<!tpu.dma_semaphore, #tpu.memory_space<semaphore_mem>>
      %dma_start3A_814 = arith.constant 0 : i32
      %dma_start3A_815 = arith.constant 0 : i32
      %dma_start3A_816 = tpu.memref_slice %arg8[%dma_start3A_814, %dma_start3A_815] : memref<2560x32xf32, #tpu.memory_space<vmem>> -> memref<128x32xf32, #tpu.memory_space<vmem>>
      %dma_start3A_817 = arith.constant 0 : i32
      %dma_start3A_818 = tpu.memref_slice %arg6[%mul3A_407, %dma_start3A_817] : memref<4096x32xf32, #tpu.memory_space<hbm>> -> memref<128x32xf32, #tpu.memory_space<hbm>>
      %dma_start3A_819 = arith.constant 0 : i32
      %dma_start3A_820 = tpu.memref_slice %arg6[%mul3A_407, %dma_start3A_819] : memref<4096x32xf32, #tpu.memory_space<hbm>> -> memref<128x32xf32, #tpu.memory_space<hbm>>
      %dma_start3A_821 = arith.constant 0 : i32
      %dma_start3A_822 = arith.constant 0 : i32
      %dma_start3A_823 = tpu.memref_slice %arg8[%dma_start3A_821, %dma_start3A_822] : memref<2560x32xf32, #tpu.memory_space<vmem>> -> memref<128x32xf32, #tpu.memory_space<vmem>>
      tpu.enqueue_dma source(%dma_start3A_823 : memref<128x32xf32, #tpu.memory_space<vmem>>) target(%dma_start3A_820 : memref<128x32xf32, #tpu.memory_space<hbm>>) target_semaphore(%run_scoped3A : memref<!tpu.dma_semaphore, #tpu.memory_space<semaphore_mem>>)
      %dma_wait3A_824 = arith.constant 0 : i32
      %dma_wait3A_825 = arith.constant 0 : i32
      %dma_wait3A_826 = tpu.memref_slice %arg8[%dma_wait3A_824, %dma_wait3A_825] : memref<2560x32xf32, #tpu.memory_space<vmem>> -> memref<128x32xf32, #tpu.memory_space<vmem>>
      %dma_wait3A_827 = arith.constant 0 : i32
      %dma_wait3A_828 = tpu.memref_slice %arg6[%mul3A_407, %dma_wait3A_827] : memref<4096x32xf32, #tpu.memory_space<hbm>> -> memref<128x32xf32, #tpu.memory_space<hbm>>
      %dma_wait3A_829 = arith.constant 0 : i32
      %dma_wait3A_830 = tpu.memref_slice %arg6[%mul3A_407, %dma_wait3A_829] : memref<4096x32xf32, #tpu.memory_space<hbm>> -> memref<128x32xf32, #tpu.memory_space<hbm>>
      %dma_wait3A_831 = arith.constant 0 : i32
      %dma_wait3A_832 = arith.constant 0 : i32
      %dma_wait3A_833 = tpu.memref_slice %arg8[%dma_wait3A_831, %dma_wait3A_832] : memref<2560x32xf32, #tpu.memory_space<vmem>> -> memref<128x32xf32, #tpu.memory_space<vmem>>
      tpu.wait_dma2 semaphore(%run_scoped3A : memref<!tpu.dma_semaphore, #tpu.memory_space<semaphore_mem>>) src(%dma_wait3A_833 : memref<128x32xf32, #tpu.memory_space<vmem>>) dst(%dma_wait3A_830 : memref<128x32xf32, #tpu.memory_space<hbm>>)
      tpu.yield
    }) : () -> ()
    return
  }
}

</mosaic_0001>

<sc_bundles>
// kernel: kernel.4.cloned.1.call-start
scs
__scs_entry_jumppad:
0x0: {  	(pc) =	sbr.rel $0x88, $3  }
0x1: {  	(tag) =	ssettag $0x0;
	lr =	simm.s32 $0x1  }
0x2: {  	[smem:$0x3F9B] =	sst lr;
	_ =	strace $0xD0000000  }
0x3: {  	_ = 	snop  }
0x4: {  	_ = 	snop  }
0x5: {  	_ = 	snop  }
0x6: {  	_ = 	snop  }
0x7: {  	_ = 	snop  }
__scs_overlays_trampoline_lowered:
0x8: {  	[smem:$0x3FAA] =	sst s0  }
0x9: {  	[smem:$0x3FAB] =	sst s1  }
0xa: {  	[smem:$0x3FAC] =	sst s2  }
0xb: {  	[smem:$0x3FAD] =	sst s3  }
0xc: {  	[smem:$0x3FAE] =	sst s4  }
0xd: {  	[smem:$0x3FAF] =	sst s5  }
0xe: {  	[smem:$0x3FB0] =	sst s6  }
0xf: {  	[smem:$0x3FB1] =	sst s7  }
0x10: {  	[smem:$0x3FB2] =	sst s8  }
0x11: {  	[smem:$0x3FB3] =	sst s9;
	s0 =	simm.s32 @!p0 $0x0  }
0x12: {  	s1 =	sld [smem:$0x3F99];
	s0 =	simm.s32 @p0 $0x1  }
0x13: {  	[smem:$0x3FB4] =	sst s0;
	s0 =	simm.s32 @!p1 $0x0  }
0x14: {  	s2 =	sld [smem:$0x3F98];
	s0 =	simm.s32 @p1 $0x1  }
0x15: {  	[smem:$0x3FB5] =	sst s0;
	s0 =	simm.s32 @!p2 $0x0  }
0x16: {  	s3 =	sld [smem:$0x3FDB];
	s0 =	simm.s32 @p2 $0x1  }
0x17: {  	s4 =	simm.s32 $0x1BF5;
	[smem:$0x3FB7] =	sst s0  }
0x18: {  	s0 =	sld [smem:$0x3F9A];
	_ =	swait.ge [sflag:s4], $0x0  }
0x19: {  	s7 =	sld [smem:$0x3F9B]  }
0x1a: {  	s8 =	sadd.s32 $0xFFFFE003, lr  }
0x1b: {  	s9 =	sadd.s32 $0xFFFFFEF7, lr;
	s5 =	simm.s32 $0xFFFFFFFF;
	p2 =	slt.u32 s8, $0xFFFFF086  }
0x1c: {  	p1 =	slt.u32 s9, $0xF7A;
	s5 =	simm.s32 @!p2 $0x0  }
0x1d: {  	s5 =	simm.s32 @p1 $0x1;
	p0 =	seq.s32 s7, s2  }
0x1e: {  	s7 =	smul.u32 @!p0 $0xF7A, s2;
	p2 =	seq.s32 @!p0 s5, $0x0  }
0x1f: {  	s9 =	smul.u32 $0xF7A, s1;
	s8 =	simm.s32 @!p0 $0x1BF5;
	p2 =	por !p2, p0  }
0x20: {  	[sflag:s8] =	ssyncset.s32 @!p0 $0xFFFFF086;
	s6 =	sadd.s32 @!p0 s3, s7;
	s7 =	simm.s32 @!p0 $0x108  }
0x21: {  	s3 =	sadd.s32 s3, s9;
	s6 =	sadd.s32 @!p0 $0x88, s6;
	s7 =	simm.s32 @p2 $0x1082  }
0x22: {  	[simem:s7], [sflag:s8] =	dma.local @!p0 [hbm:s6], $0xF7A  }
0x23: {  	s9 =	sor.u32 $0xD0000000, s2;
	s6 =	simm.s32 $0x108;
	_ =	swait.ge @!p0 [sflag:s8], $0x0  }
0x24: {  	s3 =	sadd.s32 $0x88, s3;
	s6 =	simm.s32 @!p1 $0x1082;
	[sflag:s4] =	ssyncset.s32 $0xFFFFF086  }
0x25: {  	[simem:s6], [sflag:s4] =	dma.local [hbm:s3], $0xF7A  }
0x26: {  	[smem:$0x3F9B] =	sst s1;
	(tag) =	ssettag s2;
	_ =	strace s9  }
0x27: {  	s1 =	sld [smem:$0x3FAB]  }
0x28: {  	s2 =	sld [smem:$0x3FAC]  }
0x29: {  	s4 =	sld [smem:$0x3FAE]  }
0x2a: {  	p0 =	seq.s32 s5, $0x0;
	s5 =	sld [smem:$0x3FAF]  }
0x2b: {  	s6 =	sld [smem:$0x3FB0]  }
0x2c: {  	s7 =	sld [smem:$0x3FB1]  }
0x2d: {  	s3 =	simm.s32 $0x108;
	s8 =	sld [smem:$0x3FB2]  }
0x2e: {  	s3 =	simm.s32 @!p0 $0x1082;
	s9 =	sld [smem:$0x3FB3]  }
0x2f: {  	lr =	sadd.s32 s0, s3;
	s0 =	sld [smem:$0x3FAA]  }
0x30: {  	s3 =	sld [smem:$0x3FAD]  }
0x31: {  	[smem:$0x3FB6] =	sst s10  }
0x32: {  	s10 =	sld [smem:$0x3FB4];
	_ =	sdelay $0x3  }
0x33: {  	p0 =	seq.s32 s10, $0x1;
	s10 =	sld [smem:$0x3FB6];
	_ =	sdelay $0x3  }
0x34: {  	[smem:$0x3FB6] =	sst s10  }
0x35: {  	s10 =	sld [smem:$0x3FB5];
	_ =	sdelay $0x3  }
0x36: {  	p1 =	seq.s32 s10, $0x1;
	s10 =	sld [smem:$0x3FB6];
	_ =	sdelay $0x3  }
0x37: {  	[smem:$0x3FB6] =	sst s10  }
0x38: {  	s10 =	sld [smem:$0x3FB7]  }
0x39: {  	_ = 	snop;
	(pc) =	sbr.ind lr, $3  }
0x3a: {  	_ = 	snop  }
0x3b: {  	_ = 	snop  }
0x3c: {  	p2 =	seq.s32 s10, $0x1;
	s10 =	sld [smem:$0x3FB6]  }
0x3d: {  	_ =	shalt  }
0x3e: {  	_ =	shalt  }
0x3f: {  	_ =	shalt  }
0x40: {  	_ =	shalt  }
0x41: {  	_ =	shalt  }
0x42: {  	_ =	shalt  }
0x43: {  	_ =	shalt  }
0x44: {  	_ =	shalt  }
0x45: {  	_ =	shalt  }
0x46: {  	_ =	shalt  }
0x47: {  	_ =	shalt  }
0x48: {  	_ =	shalt  }
0x49: {  	_ =	shalt  }
0x4a: {  	_ =	shalt  }
0x4b: {  	_ =	shalt  }
0x4c: {  	_ =	shalt  }
0x4d: {  	_ =	shalt  }
0x4e: {  	_ =	shalt  }
0x4f: {  	_ =	shalt  }
0x50: {  	_ =	shalt  }
0x51: {  	_ =	shalt  }
0x52: {  	_ =	shalt  }
0x53: {  	_ =	shalt  }
0x54: {  	_ =	shalt  }
0x55: {  	_ =	shalt  }
0x56: {  	_ =	shalt  }
0x57: {  	_ =	shalt  }
0x58: {  	_ =	shalt  }
0x59: {  	_ =	shalt  }
0x5a: {  	_ =	shalt  }
0x5b: {  	_ =	shalt  }
0x5c: {  	_ =	shalt  }
0x5d: {  	_ =	shalt  }
0x5e: {  	_ =	shalt  }
0x5f: {  	_ =	shalt  }
0x60: {  	_ =	shalt  }
0x61: {  	_ =	shalt  }
0x62: {  	_ =	shalt  }
0x63: {  	_ =	shalt  }
0x64: {  	_ =	shalt  }
0x65: {  	_ =	shalt  }
0x66: {  	_ =	shalt  }
0x67: {  	_ =	shalt  }
0x68: {  	_ =	shalt  }
0x69: {  	_ =	shalt  }
0x6a: {  	_ =	shalt  }
0x6b: {  	_ =	shalt  }
0x6c: {  	_ =	shalt  }
0x6d: {  	_ =	shalt  }
0x6e: {  	_ =	shalt  }
0x6f: {  	_ =	shalt  }
0x70: {  	_ =	shalt  }
0x71: {  	_ =	shalt  }
0x72: {  	_ =	shalt  }
0x73: {  	_ =	shalt  }
0x74: {  	_ =	shalt  }
0x75: {  	_ =	shalt  }
0x76: {  	_ =	shalt  }
0x77: {  	_ =	shalt  }
0x78: {  	_ =	shalt  }
0x79: {  	_ =	shalt  }
0x7a: {  	_ =	shalt  }
0x7b: {  	_ =	shalt  }
0x7c: {  	_ =	shalt  }
0x7d: {  	_ =	shalt  }
0x7e: {  	_ =	shalt  }
0x7f: {  	_ =	shalt  }
0x80: {  	_ =	shalt  }
0x81: {  	_ =	shalt  }
0x82: {  	_ =	shalt  }
0x83: {  	_ =	shalt  }
0x84: {  	_ =	shalt  }
0x85: {  	_ =	shalt  }
0x86: {  	_ =	shalt  }
0x87: {  	_ =	shalt  }
.Lfunc_end0:
.L_simem_size_0:
called_computation_lowered:
.L_overlay_start_0:
0x88: {  	s2 =	sld [smem:$0x3FD9]  }
0x89: {  	s3 =	sld [smem:$0x3FFE];
	_ =	sdelay $0x1  }
0x8a: {  	s1 =	srdreg.scid  }
0x8b: {  	s0 =	sand.u32 $0x1, s1  }
0x8c: {  	s15 =	sshll.u32 s0, $0xA;
	s2 =	sadd.s32 s3, s2  }
0x8d: {  	s2 =	sadd.s32 s2, s15  }
0x8e: {  	[smem:$0x3FC2] =	sst s2  }
0x8f: {  	_ = 	snop  }
0x90: {  	s4 =	sld [smem:$0x3FD0];
	_ =	sdelay $0x1  }
0x91: {  	s2 =	sld [smem:$0x3FC7]  }
0x92: {  	s5 =	simm.s32 $0xB;
	s6 =	simm.s32 $0x10;
	s16 =	sld [smem:$0x3FC6]  }
0x93: {  	[smem:s6], [sflag:s5] =	dma.local [hbm:s4], $0x1  }
0x94: {  	_ =	swait.eq [sflag:s5], $0x1  }
0x95: {  	[sflag:s5] =	ssyncset.done $0x0  }
0x96: {  	[sflag:s5] =	ssyncadd.s32 $0xFFFFFFFF  }
0x97: {  	s17 =	sld [smem:$0x13];
	(tm) =	ssettm $0x1  }
0x98: {  	s18 =	sld [smem:$0x3FFB];
	_ =	sdelay $0x3  }
0x99: {  	_ =	strace s18  }
0x9a: {  	s4 =	sld [smem:$0x3FFC];
	_ =	sdelay $0x3  }
0x9b: {  	_ =	strace s4  }
0x9c: {  	s4 =	sld [smem:$0x3FFD];
	_ =	sdelay $0x3  }
0x9d: {  	_ =	strace s4  }
0x9e: {  	_ =	strace $0x8FFFFFFF  }
0x9f: {  	s19 =	sld [smem:$0x3FDB];
	_ =	sdelay $0x1  }
0xa0: {  	s20 =	simm.s32 $_scs_section_size  }
0xa1: {  	s7 =	simm.s32 $_size__tile_overlayer_lowered;
	s8 =	simm.s32 $_tile_overlayer_lowered  }
0xa2: {  	s9 =	simm.s32 $0x1BFF;
	s21 =	sshll.u32 s8, $0x1;
	s6 =	sadd.s32 s20, s19  }
0xa3: {  	s22 =	simm.s32 $0x0;
	s7 =	sshll.u32 s7, $0x1;
	s8 =	sadd.s32 s21, s6  }
0xa4: {  	[timem:s22], [sflag:s9] =	dma.local [hbm:s8], s7  }
0xa5: {  	_ =	swait.ge [sflag:s9], s7  }
0xa6: {  	s7 =	ssub.s32 $0x0, s7;
	[sflag:s9] =	ssyncset.done $0x0  }
0xa7: {  	[sflag:s9] =	ssyncadd.s32 s7;
	_ =	sdelay $0x1  }
0xa8: {  	s23 =	simm.s32 $0x1B8B  }
0xa9: {  	_ =	swait.ge [sflag:s23], $0x1  }
0xaa: {  	[sflag:s23] =	ssyncset.done $0x0  }
0xab: {  	[sflag:s23] =	ssyncadd.s32 $0xFFFFFFFF  }
0xac: {  	s7 =	sld [smem:$0x0]  }
0xad: {  	s8 =	sand.u32 $0xFFFFFFFE, s1  }
0xae: {  	p0 =	sne.s32 s1, s8  }
0xaf: {  	s8 =	sshll.u32 @p0 s8, $0xE  }
0xb0: {  	s8 =	sadd.s32 @p0 $0x11B8D, s8;
	s9 =	sshll.u32 @p0 s7, $0x11  }
0xb1: {  	s8 =	sor.u32 @p0 s9, s8  }
0xb2: {  	[sflag:s8] =	ssyncadd.remote.s32 @p0 $0x1;
	_ =	sdelay $0x1  }
0xb3: {  	s8 =	simm.s32 @p0 $0x1B8D  }
0xb4: {  	_ =	swait.eq @p0 [sflag:s8], $0x1  }
0xb5: {  	[sflag:s8] =	ssyncadd.s32 @p0 $0xFFFFFFFF  }
0xb6: {  	s9 =	sshll.u32 @!p0 s1, $0xE  }
0xb7: {  	s9 =	sor.u32 @!p0 $0x4000, s9;
	s8 =	simm.s32 @!p0 $0x1B8D  }
0xb8: {  	s7 =	sshll.u32 @!p0 s7, $0x11;
	s9 =	sadd.s32 @!p0 $0x11B8D, s9;
	_ =	swait.eq @!p0 [sflag:s8], $0x1  }
0xb9: {  	s7 =	sor.u32 @!p0 s7, s9;
	[sflag:s8] =	ssyncadd.s32 @!p0 $0xFFFFFFFF  }
0xba: {  	s25 =	simm.s32 $0x1B8E;
	s24 =	sld [smem:$0x3FFE];
	[sflag:s7] =	ssyncadd.remote.s32 @!p0 $0x1  }
0xbb: {  	s26 =	simm.s32 $execute0_lowered;
	[smem:$0x3FD2] =	sst s25  }
0xbc: {  	s8 =	sshll.u32 s26, $0x1;
	_ =	strace $0x80000049;
	[dreg:$0x1] =	wrdreg $0xFFFFFFFF  }
0xbd: {  	s28 =	simm.s32 $_size_execute0_lowered;
	s6 =	sadd.s32 s6, s8;
	[dreg:$0x0] =	wrdreg $0x0  }
0xbe: {  	s8 =	sshll.u32 s28, $0x1;
	[dreg:$0x2] =	wrdreg s6  }
0xbf: {  	[dreg:$0x3] =	wrdreg s8  }
0xc0: {  	[dreg:$0x4] =	wrdreg $0xC0  }
0xc1: {  	_ =	task [dreg:s22], $0x5FFFF  }
0xc2: {  	[dreg:$0x1] =	wrdreg $0xFFFFFFFF  }
0xc3: {  	[dreg:$0x0] =	wrdreg $0x60  }
0xc4: {  	[dreg:$0x2] =	wrdreg s2  }
0xc5: {  	[dreg:$0x3] =	wrdreg s16  }
0xc6: {  	[dreg:$0x4] =	wrdreg s24  }
0xc7: {  	[dreg:$0x5] =	wrdreg s17  }
0xc8: {  	[dreg:$0x6] =	wrdreg $0x9  }
0xc9: {  	_ =	task.clear_ibuf [dreg:s22], $0x7FFFF;
	_ =	strace $0x90000049  }
0xca: {  	s29 =	simm.s32 $0x9;
	_ =	strace $0x8000004B  }
0xcb: {  	_ =	swait.ge [sflag:s29], $0x1  }
0xcc: {  	[sflag:s29] =	ssyncadd.s32 $0xFFFFFFFF  }
0xcd: {  	_ =	strace $0x9000004B  }
0xce: {  	_ =	sfence  }
0xcf: {  	s30 =	sld [smem:$0x0];
	_ =	sdelay $0x2  }
0xd0: {  	s31 =	sshll.u32 s1, $0xD;
	s1 =	sshrl.u32 s1, $0x2  }
0xd1: {  	s3 =	sand.u32 $0x4000, s31;
	s1 =	sadd.s32 s1, s30  }
0xd2: {  	s0 =	sor.u32 s3, s0;
	s1 =	sshll.u32 s1, $0x11  }
0xd3: {  	s0 =	sor.u32 s1, s0  }
0xd4: {  	s0 =	sadd.s32 $0x8F2B, s0  }
0xd5: {  	[sflag:s0] =	ssyncadd.remote.s32 $0x1  }
0xd6: {  	_ =	sfence.sel $0xFFFF  }
0xd7: {  	[dreg:$0x0] =	wrdreg $0xFFFFFFFF;
	(pc) =	sbr.abs _section_cstart, $3  }
0xd8: {  	[dreg:$0x1] =	wrdreg $0xFFFFFFFF  }
0xd9: {  	_ =	task.clear_ibuf [dreg:s22], $0x2FFFF;
	_ =	strace $0x9FFFFFFF  }
0xda: {  	(tm) =	ssettm $0x7FFFFFFF  }
0xdb: {  	_ =	shalt  }
tec
execute0_lowered:
.L_overlay_start_1:
0x0: {  	(tag) =	ssettag $0x1  }
0x1: {  	s0 =	rddreg [dreg:$0x0]  }
0x2: {  	s1 =	rddreg [dreg:$0x1]  }
0x3: {  	s4 =	rddreg [dreg:$0x2]  }
0x4: {  	s5 =	rddreg [dreg:$0x3];
	s2 =	simm.s32 $0x0;
	s3 =	srdreg.scid  }
0x5: {  	s6 =	stileid.u32;
	s10 =	simm.s32 $0x80;
	s11 =	simm.s32 $0xA00  }
0x6: {  	s30 =	simm.s32 $0x500;
	s31 =	simm.s32 $0x5A00;
	s12 =	simm.s32 $0x600  }
0x7: {  	s13 =	simm.s32 $0x680;
	s14 =	simm.s32 $0x700;
	s15 =	simm.s32 $0x780  }
0x8: {  	s16 =	simm.s32 $0x800;
	s17 =	simm.s32 $0x880;
	s18 =	simm.s32 $0x9200  }
0x9: {  	s19 =	simm.s32 $0x900;
	s20 =	simm.s32 $0x9A00;
	s21 =	simm.s32 $0x980  }
0xa: {  	s22 =	simm.s32 $0xA200;
	s23 =	simm.s32 $0x1;
	s24 =	simm.s32 $0x0  }
0xb: {  	[smem:$0x7FF] =	sst s2;
	s3 =	sand.u32 $0x1, s3;
	s6 =	sshll.u32 s6, $0x1  }
0xc: {  	_ =	strace $0x8000004A;
	s6 =	sor.u32 s3, s6;
	s8 =	ssub.s32 $0x2, s3  }
0xd: {  	s3 =	sadd.s32 $0x18BC00, s4;
	s7 =	sshll.u32 s6, $0x8;
	s9 =	sshrl.u32 s8, $0x1  }
0xe: {  	s6 =	smul.u32 $0x140, s6;
	s4 =	sadd.s32 s7, s4;
	s8 =	ssub.s32 s8, s9  }
0xf: {  	s25 =	sadd.s32 s5, s7;
	s9 =	simm.s32 $0x2;
	s5 =	simm.s32 $0x7200  }
0x10: {  	s7 =	simm.s32 $0x8200;
	s0 =	sadd.s32 s0, s6;
	[dreg:$0x6] =	wrdreg s25  }
0x11: {  	s26 =	sadd.s32 s1, s6;
	s28 =	sadd.s32 $0x5200, s4;
	[dreg:$0x5] =	wrdreg s0  }
0x12: {  	s29 =	smax.u32 s8, $0x1;
	s1 =	simm.s32 $0x6200;
	[dreg:$0x7] =	wrdreg s26  }
0x13: {  	s4 =	simm.s32 $0x6A00;
	s6 =	simm.s32 $0x7A00;
	[dreg:$0x8] =	wrdreg s28  }
0x14: {  	s8 =	simm.s32 $0x8A00;
	[dreg:$0x9] =	wrdreg s29;
	s0 =	simm.s32 $0x580  }
.LBB2_1:
0x15: {  	s25 =	rddreg [dreg:$0x5]  }
0x16: {  	[tilespmem:s2], [sflag:$0x2] =	stream.linear.gather [hbm4b:s25+s2], $0xA00, $0x38;
	[tilespmem:$0xAA00] =	vst v63  }
0x17: {  	_ =	swait.ge [sflag:s9], $0xA00  }
0x18: {  	[sflag:s9] =	ssyncset.done $0x0  }
0x19: {  	[sflag:s9] =	ssyncadd.s32 $0xFFFFF600  }
0x1a: {  	[tilespmem:s11], [sflag:$0x1] =	stream.indirect.gather [hbm4b:s3+s10], $0x10, s2, s10, $0xb8;
	[tilespmem:$0xAA00] =	vst v63  }
0x1b: {  	s26 =	simm.s32 $0x1200  }
0x1c: {  	[tilespmem:s26], [sflag:$0x1] =	stream.indirect.gather [hbm4b:s3+s10], $0x10, s10, s10, $0xb8;
	[tilespmem:$0xAA00] =	vst v63  }
0x1d: {  	s29 =	simm.s32 $0x100;
	s26 =	simm.s32 $0x1A00  }
0x1e: {  	[tilespmem:s26], [sflag:$0x1] =	stream.indirect.gather [hbm4b:s3+s10], $0x10, s29, s10, $0xb8;
	[tilespmem:$0xAA00] =	vst v63  }
0x1f: {  	s26 =	simm.s32 $0x180;
	s29 =	simm.s32 $0x2200  }
0x20: {  	[tilespmem:s29], [sflag:$0x1] =	stream.indirect.gather [hbm4b:s3+s10], $0x10, s26, s10, $0xb8;
	[tilespmem:$0xAA00] =	vst v63  }
0x21: {  	s26 =	simm.s32 $0x200;
	s29 =	simm.s32 $0x2A00  }
0x22: {  	[tilespmem:s29], [sflag:$0x1] =	stream.indirect.gather [hbm4b:s3+s10], $0x10, s26, s10, $0xb8;
	[tilespmem:$0xAA00] =	vst v63  }
0x23: {  	s26 =	simm.s32 $0x280;
	s29 =	simm.s32 $0x3200  }
0x24: {  	[tilespmem:s29], [sflag:$0x1] =	stream.indirect.gather [hbm4b:s3+s10], $0x10, s26, s10, $0xb8;
	[tilespmem:$0xAA00] =	vst v63  }
0x25: {  	s26 =	simm.s32 $0x300;
	s29 =	simm.s32 $0x3A00  }
0x26: {  	[tilespmem:s29], [sflag:$0x1] =	stream.indirect.gather [hbm4b:s3+s10], $0x10, s26, s10, $0xb8;
	[tilespmem:$0xAA00] =	vst v63  }
0x27: {  	s26 =	simm.s32 $0x380;
	s29 =	simm.s32 $0x4200  }
0x28: {  	[tilespmem:s29], [sflag:$0x1] =	stream.indirect.gather [hbm4b:s3+s10], $0x10, s26, s10, $0xb8;
	[tilespmem:$0xAA00] =	vst v63  }
0x29: {  	s26 =	simm.s32 $0x400;
	s29 =	simm.s32 $0x4A00  }
0x2a: {  	[tilespmem:s29], [sflag:$0x1] =	stream.indirect.gather [hbm4b:s3+s10], $0x10, s26, s10, $0xb8;
	[tilespmem:$0xAA00] =	vst v63  }
0x2b: {  	s26 =	simm.s32 $0x480;
	s29 =	simm.s32 $0x5200  }
0x2c: {  	[tilespmem:s29], [sflag:$0x1] =	stream.indirect.gather [hbm4b:s3+s10], $0x10, s26, s10, $0xb8;
	[tilespmem:$0xAA00] =	vst v63  }
0x2d: {  	_ = 	snop  }
0x2e: {  	[tilespmem:s31], [sflag:$0x1] =	stream.indirect.gather [hbm4b:s3+s10], $0x10, s30, s10, $0xb8;
	[tilespmem:$0xAA00] =	vst v63  }
0x2f: {  	_ = 	snop  }
0x30: {  	[tilespmem:s1], [sflag:$0x1] =	stream.indirect.gather [hbm4b:s3+s10], $0x10, s0, s10, $0xb8;
	[tilespmem:$0xAA00] =	vst v63  }
0x31: {  	_ = 	snop  }
0x32: {  	[tilespmem:s4], [sflag:$0x1] =	stream.indirect.gather [hbm4b:s3+s10], $0x10, s12, s10, $0xb8;
	[tilespmem:$0xAA00] =	vst v63  }
0x33: {  	_ = 	snop  }
0x34: {  	[tilespmem:s5], [sflag:$0x1] =	stream.indirect.gather [hbm4b:s3+s10], $0x10, s13, s10, $0xb8;
	[tilespmem:$0xAA00] =	vst v63  }
0x35: {  	_ = 	snop  }
0x36: {  	[tilespmem:s6], [sflag:$0x1] =	stream.indirect.gather [hbm4b:s3+s10], $0x10, s14, s10, $0xb8;
	[tilespmem:$0xAA00] =	vst v63  }
0x37: {  	_ = 	snop  }
0x38: {  	[tilespmem:s7], [sflag:$0x1] =	stream.indirect.gather [hbm4b:s3+s10], $0x10, s15, s10, $0xb8;
	[tilespmem:$0xAA00] =	vst v63  }
0x39: {  	_ = 	snop  }
0x3a: {  	[tilespmem:s8], [sflag:$0x1] =	stream.indirect.gather [hbm4b:s3+s10], $0x10, s16, s10, $0xb8;
	[tilespmem:$0xAA00] =	vst v63  }
0x3b: {  	_ = 	snop  }
0x3c: {  	[tilespmem:s18], [sflag:$0x1] =	stream.indirect.gather [hbm4b:s3+s10], $0x10, s17, s10, $0xb8;
	[tilespmem:$0xAA00] =	vst v63  }
0x3d: {  	_ = 	snop  }
0x3e: {  	[tilespmem:s20], [sflag:$0x1] =	stream.indirect.gather [hbm4b:s3+s10], $0x10, s19, s10, $0xb8;
	[tilespmem:$0xAA00] =	vst v63  }
0x3f: {  	_ = 	snop  }
0x40: {  	[tilespmem:s22], [sflag:$0x1] =	stream.indirect.gather [hbm4b:s3+s10], $0x10, s21, s10, $0xb8;
	[tilespmem:$0xAA00] =	vst v63  }
0x41: {  	_ =	swait.ge [sflag:s23], $0x800  }
0x42: {  	[sflag:s23] =	ssyncset.done $0x0  }
0x43: {  	[sflag:s23] =	ssyncadd.s32 $0xFFFFF800  }
0x44: {  	_ =	swait.ge [sflag:s23], $0x800  }
0x45: {  	[sflag:s23] =	ssyncset.done $0x0  }
0x46: {  	[sflag:s23] =	ssyncadd.s32 $0xFFFFF800  }
0x47: {  	_ =	swait.ge [sflag:s23], $0x800  }
0x48: {  	[sflag:s23] =	ssyncset.done $0x0  }
0x49: {  	[sflag:s23] =	ssyncadd.s32 $0xFFFFF800  }
0x4a: {  	_ =	swait.ge [sflag:s23], $0x800  }
0x4b: {  	[sflag:s23] =	ssyncset.done $0x0  }
0x4c: {  	[sflag:s23] =	ssyncadd.s32 $0xFFFFF800  }
0x4d: {  	_ =	swait.ge [sflag:s23], $0x800  }
0x4e: {  	[sflag:s23] =	ssyncset.done $0x0  }
0x4f: {  	[sflag:s23] =	ssyncadd.s32 $0xFFFFF800  }
0x50: {  	_ =	swait.ge [sflag:s23], $0x800  }
0x51: {  	[sflag:s23] =	ssyncset.done $0x0  }
0x52: {  	[sflag:s23] =	ssyncadd.s32 $0xFFFFF800  }
0x53: {  	_ =	swait.ge [sflag:s23], $0x800  }
0x54: {  	[sflag:s23] =	ssyncset.done $0x0  }
0x55: {  	[sflag:s23] =	ssyncadd.s32 $0xFFFFF800  }
0x56: {  	_ =	swait.ge [sflag:s23], $0x800  }
0x57: {  	[sflag:s23] =	ssyncset.done $0x0  }
0x58: {  	[sflag:s23] =	ssyncadd.s32 $0xFFFFF800  }
0x59: {  	_ =	swait.ge [sflag:s23], $0x800  }
0x5a: {  	[sflag:s23] =	ssyncset.done $0x0  }
0x5b: {  	[sflag:s23] =	ssyncadd.s32 $0xFFFFF800  }
0x5c: {  	_ =	swait.ge [sflag:s23], $0x800  }
0x5d: {  	[sflag:s23] =	ssyncset.done $0x0  }
0x5e: {  	[sflag:s23] =	ssyncadd.s32 $0xFFFFF800  }
0x5f: {  	_ =	swait.ge [sflag:s23], $0x800  }
0x60: {  	[sflag:s23] =	ssyncset.done $0x0  }
0x61: {  	[sflag:s23] =	ssyncadd.s32 $0xFFFFF800  }
0x62: {  	_ =	swait.ge [sflag:s23], $0x800  }
0x63: {  	[sflag:s23] =	ssyncset.done $0x0  }
0x64: {  	[sflag:s23] =	ssyncadd.s32 $0xFFFFF800  }
0x65: {  	_ =	swait.ge [sflag:s23], $0x800  }
0x66: {  	[sflag:s23] =	ssyncset.done $0x0  }
0x67: {  	[sflag:s23] =	ssyncadd.s32 $0xFFFFF800  }
0x68: {  	_ =	swait.ge [sflag:s23], $0x800  }
0x69: {  	[sflag:s23] =	ssyncset.done $0x0  }
0x6a: {  	[sflag:s23] =	ssyncadd.s32 $0xFFFFF800  }
0x6b: {  	_ =	swait.ge [sflag:s23], $0x800  }
0x6c: {  	[sflag:s23] =	ssyncset.done $0x0  }
0x6d: {  	[sflag:s23] =	ssyncadd.s32 $0xFFFFF800  }
0x6e: {  	_ =	swait.ge [sflag:s23], $0x800  }
0x6f: {  	[sflag:s23] =	ssyncset.done $0x0  }
0x70: {  	[sflag:s23] =	ssyncadd.s32 $0xFFFFF800  }
0x71: {  	_ =	swait.ge [sflag:s23], $0x800  }
0x72: {  	[sflag:s23] =	ssyncset.done $0x0  }
0x73: {  	[sflag:s23] =	ssyncadd.s32 $0xFFFFF800  }
0x74: {  	_ =	swait.ge [sflag:s23], $0x800  }
0x75: {  	[sflag:s23] =	ssyncset.done $0x0  }
0x76: {  	[sflag:s23] =	ssyncadd.s32 $0xFFFFF800  }
0x77: {  	_ =	swait.ge [sflag:s23], $0x800  }
0x78: {  	[sflag:s23] =	ssyncset.done $0x0  }
0x79: {  	[sflag:s23] =	ssyncadd.s32 $0xFFFFF800  }
0x7a: {  	_ =	swait.ge [sflag:s23], $0x800  }
0x7b: {  	[sflag:s23] =	ssyncset.done $0x0  }
0x7c: {  	s26 =	simm.s32 $0xAA0;
	[sflag:s23] =	ssyncadd.s32 $0xFFFFF800  }
0x7d: {  	v0 =	vld [tilespmem:s26+$0xFFFFFF70]  }
0x7e: {  	s28 =	simm.s32 $0x40;
	s25 =	simm.s32 $0x0;
	v1 =	vld [tilespmem:s26+$0xFFFFFF60]  }
.LBB2_2:
0x7f: {  	p0 =	sne.s32 s28, $0x1FC0  }
0x80: {  	v2 =	vld [tilespmem:s26+$0xFFFFFF80];
	_ =	sdelay $0x1  }
0x81: {  	v3 =	vld [tilespmem:s26+$0xFFFFFF90]  }
0x82: {  	v0 =	vadd.f32 v0, v1  }
0x83: {  	v1 =	vld [tilespmem:s26+$0xFFFFFFA0]  }
0x84: {  	v0 =	vadd.f32 v2, v0  }
0x85: {  	v2 =	vld [tilespmem:s26+$0xFFFFFFB0]  }
0x86: {  	v0 =	vadd.f32 v3, v0  }
0x87: {  	v3 =	vld [tilespmem:s26+$0xFFFFFFC0]  }
0x88: {  	v0 =	vadd.f32 v1, v0  }
0x89: {  	v1 =	vld [tilespmem:s26+$0xFFFFFFD0]  }
0x8a: {  	v0 =	vadd.f32 v2, v0  }
0x8b: {  	v2 =	vld [tilespmem:s26+$0xFFFFFFE0]  }
0x8c: {  	v0 =	vadd.f32 v3, v0  }
0x8d: {  	v3 =	vld [tilespmem:s26+$0xFFFFFFF0]  }
0x8e: {  	v0 =	vadd.f32 v1, v0  }
0x8f: {  	v1 =	vld [tilespmem:s26+$0x0]  }
0x90: {  	v0 =	vadd.f32 v2, v0  }
0x91: {  	v2 =	vld [tilespmem:s26+$0x10]  }
0x92: {  	v0 =	vadd.f32 v3, v0  }
0x93: {  	v3 =	vld [tilespmem:s26+$0x20]  }
0x94: {  	v0 =	vadd.f32 v1, v0  }
0x95: {  	v1 =	vld [tilespmem:s26+$0x30]  }
0x96: {  	v0 =	vadd.f32 v2, v0  }
0x97: {  	v2 =	vld [tilespmem:s26+$0x40]  }
0x98: {  	v0 =	vadd.f32 v3, v0  }
0x99: {  	v3 =	vld [tilespmem:s26+$0x50]  }
0x9a: {  	v0 =	vadd.f32 v1, v0  }
0x9b: {  	v1 =	vld [tilespmem:s26+$0x60]  }
0x9c: {  	v0 =	vadd.f32 v2, v0  }
0x9d: {  	v2 =	vld [tilespmem:s26+$0x70]  }
0x9e: {  	v0 =	vadd.f32 v3, v0  }
0x9f: {  	v3 =	vld [tilespmem:s26+$0x80]  }
0xa0: {  	v0 =	vadd.f32 v1, v0  }
0xa1: {  	v1 =	vld [tilespmem:s26+$0x90]  }
0xa2: {  	v0 =	vadd.f32 v2, v0;
	_ =	sdelay $0x1  }
0xa3: {  	v0 =	vadd.f32 v3, v0;
	_ =	sdelay $0x1  }
0xa4: {  	v0 =	vadd.f32 v1, v0;
	_ =	sdelay $0x1  }
.Ltmp0:
0xa5: {  	v0 =	vmul.f32 $5.000000070e-02, v0;
	(pc) =	sbr.rel @p0 .LBB2_2-.Ltmp0, $4  }
0xa6: {  	s29 =	sshra.s32 s25, $0x2;
	s25 =	smov.u32 s28  }
0xa7: {  	s26 =	sadd.s32 $0x140, s26;
	[tilespmem:s29+$0xA00] =	vst v0  }
0xa8: {  	v0 =	vld [tilespmem:s26+$0xFFFFFF70]  }
0xa9: {  	s28 =	sadd.s32 $0x40, s28;
	v1 =	vld [tilespmem:s26+$0xFFFFFF60]  }
0xaa: {  	_ = 	snop  }
0xab: {  	v2 =	vld [tilespmem:s26+$0xFFFFFF80];
	_ =	sdelay $0x1  }
0xac: {  	v3 =	vld [tilespmem:s26+$0xFFFFFF90]  }
0xad: {  	v0 =	vadd.f32 v0, v1  }
0xae: {  	v1 =	vld [tilespmem:s26+$0xFFFFFFA0]  }
0xaf: {  	v0 =	vadd.f32 v2, v0  }
0xb0: {  	v2 =	vld [tilespmem:s26+$0xFFFFFFB0]  }
0xb1: {  	v0 =	vadd.f32 v3, v0  }
0xb2: {  	v3 =	vld [tilespmem:s26+$0xFFFFFFC0]  }
0xb3: {  	v0 =	vadd.f32 v1, v0  }
0xb4: {  	v1 =	vld [tilespmem:s26+$0xFFFFFFD0]  }
0xb5: {  	v0 =	vadd.f32 v2, v0  }
0xb6: {  	v2 =	vld [tilespmem:s26+$0xFFFFFFE0]  }
0xb7: {  	v0 =	vadd.f32 v3, v0  }
0xb8: {  	v3 =	vld [tilespmem:s26+$0xFFFFFFF0]  }
0xb9: {  	v0 =	vadd.f32 v1, v0  }
0xba: {  	v1 =	vld [tilespmem:s26+$0x0]  }
0xbb: {  	v0 =	vadd.f32 v2, v0  }
0xbc: {  	v2 =	vld [tilespmem:s26+$0x10]  }
0xbd: {  	v0 =	vadd.f32 v3, v0  }
0xbe: {  	v3 =	vld [tilespmem:s26+$0x20]  }
0xbf: {  	v0 =	vadd.f32 v1, v0  }
0xc0: {  	v1 =	vld [tilespmem:s26+$0x30]  }
0xc1: {  	v0 =	vadd.f32 v2, v0  }
0xc2: {  	v2 =	vld [tilespmem:s26+$0x40]  }
0xc3: {  	v0 =	vadd.f32 v3, v0  }
0xc4: {  	v3 =	vld [tilespmem:s26+$0x50]  }
0xc5: {  	v0 =	vadd.f32 v1, v0  }
0xc6: {  	v1 =	vld [tilespmem:s26+$0x60]  }
0xc7: {  	v0 =	vadd.f32 v2, v0  }
0xc8: {  	v2 =	vld [tilespmem:s26+$0x70]  }
0xc9: {  	v0 =	vadd.f32 v3, v0  }
0xca: {  	v3 =	vld [tilespmem:s26+$0x80]  }
0xcb: {  	v0 =	vadd.f32 v1, v0  }
0xcc: {  	v1 =	vld [tilespmem:s26+$0x90]  }
0xcd: {  	v0 =	vadd.f32 v2, v0;
	_ =	sdelay $0x1  }
0xce: {  	v0 =	vadd.f32 v3, v0;
	_ =	sdelay $0x1  }
0xcf: {  	v0 =	vadd.f32 v1, v0;
	_ =	sdelay $0x1  }
0xd0: {  	v0 =	vmul.f32 $5.000000070e-02, v0  }
0xd1: {  	s25 =	sshra.s32 s25, $0x2  }
0xd2: {  	s29 =	rddreg [dreg:$0x6];
	[tilespmem:s25+$0xA00] =	vst v0;
	s25 =	simm.s32 $0x0  }
0xd3: {  	[hbm4b:s29+s25] =	stream.linear.scatter [tilespmem:s11], [sflag:$0x2], $0x800, $0x38;
	[tilespmem:$0xAA00] =	vst v63  }
0xd4: {  	_ =	swait.ge [sflag:s9], $0x800  }
0xd5: {  	[sflag:s9] =	ssyncset.done $0x0  }
0xd6: {  	s29 =	rddreg [dreg:$0x7];
	[sflag:s9] =	ssyncadd.s32 $0xFFFFF800  }
0xd7: {  	[tilespmem:s25], [sflag:$0x2] =	stream.linear.gather [hbm4b:s29+s25], $0xA00, $0x38;
	[tilespmem:$0xAA00] =	vst v63  }
0xd8: {  	_ =	swait.ge [sflag:s9], $0xA00  }
0xd9: {  	[sflag:s9] =	ssyncset.done $0x0  }
0xda: {  	[sflag:s9] =	ssyncadd.s32 $0xFFFFF600  }
0xdb: {  	[tilespmem:s11], [sflag:$0x1] =	stream.indirect.gather [hbm4b:s3+s10], $0x10, s25, s10, $0xb8;
	[tilespmem:$0xAA00] =	vst v63  }
0xdc: {  	s29 =	simm.s32 $0x1200  }
0xdd: {  	[tilespmem:s29], [sflag:$0x1] =	stream.indirect.gather [hbm4b:s3+s10], $0x10, s10, s10, $0xb8;
	[tilespmem:$0xAA00] =	vst v63  }
0xde: {  	s28 =	simm.s32 $0x1A00;
	s29 =	simm.s32 $0x100  }
0xdf: {  	[tilespmem:s28], [sflag:$0x1] =	stream.indirect.gather [hbm4b:s3+s10], $0x10, s29, s10, $0xb8;
	[tilespmem:$0xAA00] =	vst v63  }
0xe0: {  	s29 =	simm.s32 $0x180;
	s28 =	simm.s32 $0x2200  }
0xe1: {  	[tilespmem:s28], [sflag:$0x1] =	stream.indirect.gather [hbm4b:s3+s10], $0x10, s29, s10, $0xb8;
	[tilespmem:$0xAA00] =	vst v63  }
0xe2: {  	s29 =	simm.s32 $0x200;
	s28 =	simm.s32 $0x2A00  }
0xe3: {  	[tilespmem:s28], [sflag:$0x1] =	stream.indirect.gather [hbm4b:s3+s10], $0x10, s29, s10, $0xb8;
	[tilespmem:$0xAA00] =	vst v63  }
0xe4: {  	s29 =	simm.s32 $0x280;
	s28 =	simm.s32 $0x3200  }
0xe5: {  	[tilespmem:s28], [sflag:$0x1] =	stream.indirect.gather [hbm4b:s3+s10], $0x10, s29, s10, $0xb8;
	[tilespmem:$0xAA00] =	vst v63  }
0xe6: {  	s29 =	simm.s32 $0x300;
	s28 =	simm.s32 $0x3A00  }
0xe7: {  	[tilespmem:s28], [sflag:$0x1] =	stream.indirect.gather [hbm4b:s3+s10], $0x10, s29, s10, $0xb8;
	[tilespmem:$0xAA00] =	vst v63  }
0xe8: {  	s29 =	simm.s32 $0x380;
	s28 =	simm.s32 $0x4200  }
0xe9: {  	[tilespmem:s28], [sflag:$0x1] =	stream.indirect.gather [hbm4b:s3+s10], $0x10, s29, s10, $0xb8;
	[tilespmem:$0xAA00] =	vst v63  }
0xea: {  	s29 =	simm.s32 $0x400;
	s28 =	simm.s32 $0x4A00  }
0xeb: {  	[tilespmem:s28], [sflag:$0x1] =	stream.indirect.gather [hbm4b:s3+s10], $0x10, s29, s10, $0xb8;
	[tilespmem:$0xAA00] =	vst v63  }
0xec: {  	s29 =	simm.s32 $0x480;
	s28 =	simm.s32 $0x5200  }
0xed: {  	[tilespmem:s28], [sflag:$0x1] =	stream.indirect.gather [hbm4b:s3+s10], $0x10, s29, s10, $0xb8;
	[tilespmem:$0xAA00] =	vst v63  }
0xee: {  	_ = 	snop  }
0xef: {  	[tilespmem:s31], [sflag:$0x1] =	stream.indirect.gather [hbm4b:s3+s10], $0x10, s30, s10, $0xb8;
	[tilespmem:$0xAA00] =	vst v63  }
0xf0: {  	_ = 	snop  }
0xf1: {  	[tilespmem:s1], [sflag:$0x1] =	stream.indirect.gather [hbm4b:s3+s10], $0x10, s0, s10, $0xb8;
	[tilespmem:$0xAA00] =	vst v63  }
0xf2: {  	_ = 	snop  }
0xf3: {  	[tilespmem:s4], [sflag:$0x1] =	stream.indirect.gather [hbm4b:s3+s10], $0x10, s12, s10, $0xb8;
	[tilespmem:$0xAA00] =	vst v63  }
0xf4: {  	_ = 	snop  }
0xf5: {  	[tilespmem:s5], [sflag:$0x1] =	stream.indirect.gather [hbm4b:s3+s10], $0x10, s13, s10, $0xb8;
	[tilespmem:$0xAA00] =	vst v63  }
0xf6: {  	_ = 	snop  }
0xf7: {  	[tilespmem:s6], [sflag:$0x1] =	stream.indirect.gather [hbm4b:s3+s10], $0x10, s14, s10, $0xb8;
	[tilespmem:$0xAA00] =	vst v63  }
0xf8: {  	_ = 	snop  }
0xf9: {  	[tilespmem:s7], [sflag:$0x1] =	stream.indirect.gather [hbm4b:s3+s10], $0x10, s15, s10, $0xb8;
	[tilespmem:$0xAA00] =	vst v63  }
0xfa: {  	_ = 	snop  }
0xfb: {  	[tilespmem:s8], [sflag:$0x1] =	stream.indirect.gather [hbm4b:s3+s10], $0x10, s16, s10, $0xb8;
	[tilespmem:$0xAA00] =	vst v63  }
0xfc: {  	_ = 	snop  }
0xfd: {  	[tilespmem:s18], [sflag:$0x1] =	stream.indirect.gather [hbm4b:s3+s10], $0x10, s17, s10, $0xb8;
	[tilespmem:$0xAA00] =	vst v63  }
0xfe: {  	_ = 	snop  }
0xff: {  	[tilespmem:s20], [sflag:$0x1] =	stream.indirect.gather [hbm4b:s3+s10], $0x10, s19, s10, $0xb8;
	[tilespmem:$0xAA00] =	vst v63  }
0x100: {  	_ = 	snop  }
0x101: {  	[tilespmem:s22], [sflag:$0x1] =	stream.indirect.gather [hbm4b:s3+s10], $0x10, s21, s10, $0xb8;
	[tilespmem:$0xAA00] =	vst v63  }
0x102: {  	_ =	swait.ge [sflag:s23], $0x800  }
0x103: {  	[sflag:s23] =	ssyncset.done $0x0  }
0x104: {  	[sflag:s23] =	ssyncadd.s32 $0xFFFFF800  }
0x105: {  	_ =	swait.ge [sflag:s23], $0x800  }
0x106: {  	[sflag:s23] =	ssyncset.done $0x0  }
0x107: {  	[sflag:s23] =	ssyncadd.s32 $0xFFFFF800  }
0x108: {  	_ =	swait.ge [sflag:s23], $0x800  }
0x109: {  	[sflag:s23] =	ssyncset.done $0x0  }
0x10a: {  	[sflag:s23] =	ssyncadd.s32 $0xFFFFF800  }
0x10b: {  	_ =	swait.ge [sflag:s23], $0x800  }
0x10c: {  	[sflag:s23] =	ssyncset.done $0x0  }
0x10d: {  	[sflag:s23] =	ssyncadd.s32 $0xFFFFF800  }
0x10e: {  	_ =	swait.ge [sflag:s23], $0x800  }
0x10f: {  	[sflag:s23] =	ssyncset.done $0x0  }
0x110: {  	[sflag:s23] =	ssyncadd.s32 $0xFFFFF800  }
0x111: {  	_ =	swait.ge [sflag:s23], $0x800  }
0x112: {  	[sflag:s23] =	ssyncset.done $0x0  }
0x113: {  	[sflag:s23] =	ssyncadd.s32 $0xFFFFF800  }
0x114: {  	_ =	swait.ge [sflag:s23], $0x800  }
0x115: {  	[sflag:s23] =	ssyncset.done $0x0  }
0x116: {  	[sflag:s23] =	ssyncadd.s32 $0xFFFFF800  }
0x117: {  	_ =	swait.ge [sflag:s23], $0x800  }
0x118: {  	[sflag:s23] =	ssyncset.done $0x0  }
0x119: {  	[sflag:s23] =	ssyncadd.s32 $0xFFFFF800  }
0x11a: {  	_ =	swait.ge [sflag:s23], $0x800  }
0x11b: {  	[sflag:s23] =	ssyncset.done $0x0  }
0x11c: {  	[sflag:s23] =	ssyncadd.s32 $0xFFFFF800  }
0x11d: {  	_ =	swait.ge [sflag:s23], $0x800  }
0x11e: {  	[sflag:s23] =	ssyncset.done $0x0  }
0x11f: {  	[sflag:s23] =	ssyncadd.s32 $0xFFFFF800  }
0x120: {  	_ =	swait.ge [sflag:s23], $0x800  }
0x121: {  	[sflag:s23] =	ssyncset.done $0x0  }
0x122: {  	[sflag:s23] =	ssyncadd.s32 $0xFFFFF800  }
0x123: {  	_ =	swait.ge [sflag:s23], $0x800  }
0x124: {  	[sflag:s23] =	ssyncset.done $0x0  }
0x125: {  	[sflag:s23] =	ssyncadd.s32 $0xFFFFF800  }
0x126: {  	_ =	swait.ge [sflag:s23], $0x800  }
0x127: {  	[sflag:s23] =	ssyncset.done $0x0  }
0x128: {  	[sflag:s23] =	ssyncadd.s32 $0xFFFFF800  }
0x129: {  	_ =	swait.ge [sflag:s23], $0x800  }
0x12a: {  	[sflag:s23] =	ssyncset.done $0x0  }
0x12b: {  	[sflag:s23] =	ssyncadd.s32 $0xFFFFF800  }
0x12c: {  	_ =	swait.ge [sflag:s23], $0x800  }
0x12d: {  	[sflag:s23] =	ssyncset.done $0x0  }
0x12e: {  	[sflag:s23] =	ssyncadd.s32 $0xFFFFF800  }
0x12f: {  	_ =	swait.ge [sflag:s23], $0x800  }
0x130: {  	[sflag:s23] =	ssyncset.done $0x0  }
0x131: {  	[sflag:s23] =	ssyncadd.s32 $0xFFFFF800  }
0x132: {  	_ =	swait.ge [sflag:s23], $0x800  }
0x133: {  	[sflag:s23] =	ssyncset.done $0x0  }
0x134: {  	[sflag:s23] =	ssyncadd.s32 $0xFFFFF800  }
0x135: {  	_ =	swait.ge [sflag:s23], $0x800  }
0x136: {  	[sflag:s23] =	ssyncset.done $0x0  }
0x137: {  	[sflag:s23] =	ssyncadd.s32 $0xFFFFF800  }
0x138: {  	_ =	swait.ge [sflag:s23], $0x800  }
0x139: {  	[sflag:s23] =	ssyncset.done $0x0  }
0x13a: {  	[sflag:s23] =	ssyncadd.s32 $0xFFFFF800  }
0x13b: {  	_ =	swait.ge [sflag:s23], $0x800  }
0x13c: {  	[sflag:s23] =	ssyncset.done $0x0  }
0x13d: {  	s26 =	simm.s32 $0xAA0;
	[sflag:s23] =	ssyncadd.s32 $0xFFFFF800  }
0x13e: {  	v0 =	vld [tilespmem:s26+$0xFFFFFF70]  }
0x13f: {  	s28 =	simm.s32 $0x40;
	v1 =	vld [tilespmem:s26+$0xFFFFFF60]  }
.LBB2_4:
0x140: {  	p0 =	sne.s32 s28, $0x1FC0  }
0x141: {  	v2 =	vld [tilespmem:s26+$0xFFFFFF80];
	_ =	sdelay $0x1  }
0x142: {  	v3 =	vld [tilespmem:s26+$0xFFFFFF90]  }
0x143: {  	v0 =	vadd.f32 v0, v1  }
0x144: {  	v1 =	vld [tilespmem:s26+$0xFFFFFFA0]  }
0x145: {  	v0 =	vadd.f32 v2, v0  }
0x146: {  	v2 =	vld [tilespmem:s26+$0xFFFFFFB0]  }
0x147: {  	v0 =	vadd.f32 v3, v0  }
0x148: {  	v3 =	vld [tilespmem:s26+$0xFFFFFFC0]  }
0x149: {  	v0 =	vadd.f32 v1, v0  }
0x14a: {  	v1 =	vld [tilespmem:s26+$0xFFFFFFD0]  }
0x14b: {  	v0 =	vadd.f32 v2, v0  }
0x14c: {  	v2 =	vld [tilespmem:s26+$0xFFFFFFE0]  }
0x14d: {  	v0 =	vadd.f32 v3, v0  }
0x14e: {  	v3 =	vld [tilespmem:s26+$0xFFFFFFF0]  }
0x14f: {  	v0 =	vadd.f32 v1, v0  }
0x150: {  	v1 =	vld [tilespmem:s26+$0x0]  }
0x151: {  	v0 =	vadd.f32 v2, v0  }
0x152: {  	v2 =	vld [tilespmem:s26+$0x10]  }
0x153: {  	v0 =	vadd.f32 v3, v0  }
0x154: {  	v3 =	vld [tilespmem:s26+$0x20]  }
0x155: {  	v0 =	vadd.f32 v1, v0  }
0x156: {  	v1 =	vld [tilespmem:s26+$0x30]  }
0x157: {  	v0 =	vadd.f32 v2, v0  }
0x158: {  	v2 =	vld [tilespmem:s26+$0x40]  }
0x159: {  	v0 =	vadd.f32 v3, v0  }
0x15a: {  	v3 =	vld [tilespmem:s26+$0x50]  }
0x15b: {  	v0 =	vadd.f32 v1, v0  }
0x15c: {  	v1 =	vld [tilespmem:s26+$0x60]  }
0x15d: {  	v0 =	vadd.f32 v2, v0  }
0x15e: {  	v2 =	vld [tilespmem:s26+$0x70]  }
0x15f: {  	v0 =	vadd.f32 v3, v0  }
0x160: {  	v3 =	vld [tilespmem:s26+$0x80]  }
0x161: {  	v0 =	vadd.f32 v1, v0  }
0x162: {  	v1 =	vld [tilespmem:s26+$0x90]  }
0x163: {  	v0 =	vadd.f32 v2, v0;
	_ =	sdelay $0x1  }
0x164: {  	v0 =	vadd.f32 v3, v0;
	_ =	sdelay $0x1  }
0x165: {  	v0 =	vadd.f32 v1, v0;
	_ =	sdelay $0x1  }
.Ltmp1:
0x166: {  	v0 =	vmul.f32 $5.000000070e-02, v0;
	(pc) =	sbr.rel @p0 .LBB2_4-.Ltmp1, $4  }
0x167: {  	s29 =	sshra.s32 s25, $0x2;
	s25 =	smov.u32 s28  }
0x168: {  	s26 =	sadd.s32 $0x140, s26;
	[tilespmem:s29+$0xA00] =	vst v0  }
0x169: {  	v0 =	vld [tilespmem:s26+$0xFFFFFF70]  }
0x16a: {  	s28 =	sadd.s32 $0x40, s28;
	v1 =	vld [tilespmem:s26+$0xFFFFFF60]  }
0x16b: {  	_ = 	snop  }
0x16c: {  	v2 =	vld [tilespmem:s26+$0xFFFFFF80];
	_ =	sdelay $0x1  }
0x16d: {  	v3 =	vld [tilespmem:s26+$0xFFFFFF90]  }
0x16e: {  	v0 =	vadd.f32 v0, v1  }
0x16f: {  	v48 =	vld [tilespmem:s26+$0xFFFFFFA0]  }
0x170: {  	v0 =	vadd.f32 v2, v0  }
0x171: {  	v49 =	vld [tilespmem:s26+$0xFFFFFFB0]  }
0x172: {  	v0 =	vadd.f32 v3, v0  }
0x173: {  	v50 =	vld [tilespmem:s26+$0xFFFFFFC0]  }
0x174: {  	v0 =	vadd.f32 v48, v0  }
0x175: {  	v51 =	vld [tilespmem:s26+$0xFFFFFFD0]  }
0x176: {  	v0 =	vadd.f32 v49, v0  }
0x177: {  	v52 =	vld [tilespmem:s26+$0xFFFFFFE0]  }
0x178: {  	v0 =	vadd.f32 v50, v0  }
0x179: {  	v53 =	vld [tilespmem:s26+$0xFFFFFFF0]  }
0x17a: {  	v0 =	vadd.f32 v51, v0  }
0x17b: {  	v54 =	vld [tilespmem:s26+$0x0]  }
0x17c: {  	v0 =	vadd.f32 v52, v0  }
0x17d: {  	v55 =	vld [tilespmem:s26+$0x10]  }
0x17e: {  	v0 =	vadd.f32 v53, v0  }
0x17f: {  	v56 =	vld [tilespmem:s26+$0x20]  }
0x180: {  	v0 =	vadd.f32 v54, v0  }
0x181: {  	v57 =	vld [tilespmem:s26+$0x30]  }
0x182: {  	v0 =	vadd.f32 v55, v0  }
0x183: {  	v58 =	vld [tilespmem:s26+$0x40]  }
0x184: {  	v0 =	vadd.f32 v56, v0  }
0x185: {  	v59 =	vld [tilespmem:s26+$0x50]  }
0x186: {  	v0 =	vadd.f32 v57, v0  }
0x187: {  	v60 =	vld [tilespmem:s26+$0x60]  }
0x188: {  	v0 =	vadd.f32 v58, v0  }
0x189: {  	v61 =	vld [tilespmem:s26+$0x70]  }
0x18a: {  	v0 =	vadd.f32 v59, v0  }
0x18b: {  	v62 =	vld [tilespmem:s26+$0x80]  }
0x18c: {  	v0 =	vadd.f32 v60, v0  }
0x18d: {  	v63 =	vld [tilespmem:s26+$0x90]  }
0x18e: {  	v0 =	vadd.f32 v61, v0;
	_ =	sdelay $0x1  }
0x18f: {  	v0 =	vadd.f32 v62, v0;
	_ =	sdelay $0x1  }
0x190: {  	v0 =	vadd.f32 v63, v0;
	_ =	sdelay $0x1  }
0x191: {  	v0 =	vmul.f32 $5.000000070e-02, v0  }
0x192: {  	s25 =	sshra.s32 s25, $0x2  }
0x193: {  	s28 =	rddreg [dreg:$0x8];
	[tilespmem:s25+$0xA00] =	vst v0  }
0x194: {  	[hbm4b:s28+s2] =	stream.linear.scatter [tilespmem:s11], [sflag:$0x2], $0x800, $0x38;
	[tilespmem:$0xAA00] =	vst v63  }
0x195: {  	_ =	swait.ge [sflag:s9], $0x800  }
0x196: {  	s24 =	sadd.s32 $0x1, s24;
	s29 =	rddreg [dreg:$0x9]  }
0x197: {  	p0 =	sne.s32 s24, s29  }
.Ltmp2:
0x198: {  	_ = 	snop;
	(pc) =	sbr.rel @p0 .LBB2_1-.Ltmp2, $3  }
0x199: {  	_ =	sdelay $0x1  }
0x19a: {  	[sflag:s9] =	ssyncset.done $0x0  }
0x19b: {  	[sflag:s9] =	ssyncadd.s32 $0xFFFFF800  }
0x19c: {  	_ =	sfence.sel $0x180000  }
0x19d: {  	[bflag:$0x0] =	sbarrier.arrive $0xFFFF  }
0x19e: {  	_ =	strace $0x9000004A  }
0x19f: {  	s0 =	stileid.u32;
	[bflag:$0x2] =	sbarrier.arrive $0xFFFF  }
0x1a0: {  	p0 =	sne.s32 s0, $0x0;
	s0 =	rddreg [dreg:$0x4]  }
0x1a1: {  	s0 =	sadd.s32 @!p0 $0x100000, s0  }
0x1a2: {  	[sflag:s0] =	ssyncadd.tile.s32 @!p0 $0x1;
	_ =	shalt  }
.Lfunc_end2:
_tile_overlayer_lowered:
.L_overlay_start_2:
0x1a3: {  	(tag) =	ssettag $0x2  }
0x1a4: {  	s0 =	rddreg [dreg:$0x0];
	s2 =	stileid.u32  }
0x1a5: {  	s1 =	rddreg [dreg:$0x1];
	p0 =	sne.s32 s2, $0x0  }
0x1a6: {  	s3 =	rddreg [dreg:$0x2];
	[bflag:$0x3] =	sbarrier.arrive $0xFFFF;
	s2 =	simm.s32 @!p0 $0x1C02  }
0x1a7: {  	[timem:s3], [sflag:s2] =	dma.local @!p0 [hbm:s0], s1  }
0x1a8: {  	s0 =	simm.s32 @!p0 $0x2  }
0x1a9: {  	_ =	swait.ge @!p0 [sflag:s0], s1  }
0x1aa: {  	s1 =	ssub.s32 @!p0 $0x0, s1;
	[sflag:s0] =	ssyncset.done @!p0 $0x0  }
0x1ab: {  	[sflag:s0] =	ssyncadd.s32 @!p0 s1  }
0x1ac: {  	[bflag:$0x3] =	sbarrier.arrive $0xFFFF  }
0x1ad: {  	_ =	shalt  }

// kernel: kernel.7.cloned.1.call-start
scs
__scs_entry_jumppad:
0x0: {  	(pc) =	sbr.rel $0x88, $3  }
0x1: {  	(tag) =	ssettag $0x0;
	lr =	simm.s32 $0x1  }
0x2: {  	[smem:$0x3F9B] =	sst lr;
	_ =	strace $0xD0000000  }
0x3: {  	_ = 	snop  }
0x4: {  	_ = 	snop  }
0x5: {  	_ = 	snop  }
0x6: {  	_ = 	snop  }
0x7: {  	_ = 	snop  }
__scs_overlays_trampoline_lowered:
0x8: {  	[smem:$0x3FAA] =	sst s0  }
0x9: {  	[smem:$0x3FAB] =	sst s1  }
0xa: {  	[smem:$0x3FAC] =	sst s2  }
0xb: {  	[smem:$0x3FAD] =	sst s3  }
0xc: {  	[smem:$0x3FAE] =	sst s4  }
0xd: {  	[smem:$0x3FAF] =	sst s5  }
0xe: {  	[smem:$0x3FB0] =	sst s6  }
0xf: {  	[smem:$0x3FB1] =	sst s7  }
0x10: {  	[smem:$0x3FB2] =	sst s8  }
0x11: {  	[smem:$0x3FB3] =	sst s9;
	s0 =	simm.s32 @!p0 $0x0  }
0x12: {  	s1 =	sld [smem:$0x3F99];
	s0 =	simm.s32 @p0 $0x1  }
0x13: {  	[smem:$0x3FB4] =	sst s0;
	s0 =	simm.s32 @!p1 $0x0  }
0x14: {  	s2 =	sld [smem:$0x3F98];
	s0 =	simm.s32 @p1 $0x1  }
0x15: {  	[smem:$0x3FB5] =	sst s0;
	s0 =	simm.s32 @!p2 $0x0  }
0x16: {  	s3 =	sld [smem:$0x3FDB];
	s0 =	simm.s32 @p2 $0x1  }
0x17: {  	s4 =	simm.s32 $0x1BF5;
	[smem:$0x3FB7] =	sst s0  }
0x18: {  	s0 =	sld [smem:$0x3F9A];
	_ =	swait.ge [sflag:s4], $0x0  }
0x19: {  	s7 =	sld [smem:$0x3F9B]  }
0x1a: {  	s8 =	sadd.s32 $0xFFFFE003, lr  }
0x1b: {  	s9 =	sadd.s32 $0xFFFFFEF7, lr;
	s5 =	simm.s32 $0xFFFFFFFF;
	p2 =	slt.u32 s8, $0xFFFFF086  }
0x1c: {  	p1 =	slt.u32 s9, $0xF7A;
	s5 =	simm.s32 @!p2 $0x0  }
0x1d: {  	s5 =	simm.s32 @p1 $0x1;
	p0 =	seq.s32 s7, s2  }
0x1e: {  	s7 =	smul.u32 @!p0 $0xF7A, s2;
	p2 =	seq.s32 @!p0 s5, $0x0  }
0x1f: {  	s9 =	smul.u32 $0xF7A, s1;
	s8 =	simm.s32 @!p0 $0x1BF5;
	p2 =	por !p2, p0  }
0x20: {  	[sflag:s8] =	ssyncset.s32 @!p0 $0xFFFFF086;
	s6 =	sadd.s32 @!p0 s3, s7;
	s7 =	simm.s32 @!p0 $0x108  }
0x21: {  	s3 =	sadd.s32 s3, s9;
	s6 =	sadd.s32 @!p0 $0x88, s6;
	s7 =	simm.s32 @p2 $0x1082  }
0x22: {  	[simem:s7], [sflag:s8] =	dma.local @!p0 [hbm:s6], $0xF7A  }
0x23: {  	s9 =	sor.u32 $0xD0000000, s2;
	s6 =	simm.s32 $0x108;
	_ =	swait.ge @!p0 [sflag:s8], $0x0  }
0x24: {  	s3 =	sadd.s32 $0x88, s3;
	s6 =	simm.s32 @!p1 $0x1082;
	[sflag:s4] =	ssyncset.s32 $0xFFFFF086  }
0x25: {  	[simem:s6], [sflag:s4] =	dma.local [hbm:s3], $0xF7A  }
0x26: {  	[smem:$0x3F9B] =	sst s1;
	(tag) =	ssettag s2;
	_ =	strace s9  }
0x27: {  	s1 =	sld [smem:$0x3FAB]  }
0x28: {  	s2 =	sld [smem:$0x3FAC]  }
0x29: {  	s4 =	sld [smem:$0x3FAE]  }
0x2a: {  	p0 =	seq.s32 s5, $0x0;
	s5 =	sld [smem:$0x3FAF]  }
0x2b: {  	s6 =	sld [smem:$0x3FB0]  }
0x2c: {  	s7 =	sld [smem:$0x3FB1]  }
0x2d: {  	s3 =	simm.s32 $0x108;
	s8 =	sld [smem:$0x3FB2]  }
0x2e: {  	s3 =	simm.s32 @!p0 $0x1082;
	s9 =	sld [smem:$0x3FB3]  }
0x2f: {  	lr =	sadd.s32 s0, s3;
	s0 =	sld [smem:$0x3FAA]  }
0x30: {  	s3 =	sld [smem:$0x3FAD]  }
0x31: {  	[smem:$0x3FB6] =	sst s10  }
0x32: {  	s10 =	sld [smem:$0x3FB4];
	_ =	sdelay $0x3  }
0x33: {  	p0 =	seq.s32 s10, $0x1;
	s10 =	sld [smem:$0x3FB6];
	_ =	sdelay $0x3  }
0x34: {  	[smem:$0x3FB6] =	sst s10  }
0x35: {  	s10 =	sld [smem:$0x3FB5];
	_ =	sdelay $0x3  }
0x36: {  	p1 =	seq.s32 s10, $0x1;
	s10 =	sld [smem:$0x3FB6];
	_ =	sdelay $0x3  }
0x37: {  	[smem:$0x3FB6] =	sst s10  }
0x38: {  	s10 =	sld [smem:$0x3FB7]  }
0x39: {  	_ = 	snop;
	(pc) =	sbr.ind lr, $3  }
0x3a: {  	_ = 	snop  }
0x3b: {  	_ = 	snop  }
0x3c: {  	p2 =	seq.s32 s10, $0x1;
	s10 =	sld [smem:$0x3FB6]  }
0x3d: {  	_ =	shalt  }
0x3e: {  	_ =	shalt  }
0x3f: {  	_ =	shalt  }
0x40: {  	_ =	shalt  }
0x41: {  	_ =	shalt  }
0x42: {  	_ =	shalt  }
0x43: {  	_ =	shalt  }
0x44: {  	_ =	shalt  }
0x45: {  	_ =	shalt  }
0x46: {  	_ =	shalt  }
0x47: {  	_ =	shalt  }
0x48: {  	_ =	shalt  }
0x49: {  	_ =	shalt  }
0x4a: {  	_ =	shalt  }
0x4b: {  	_ =	shalt  }
0x4c: {  	_ =	shalt  }
0x4d: {  	_ =	shalt  }
0x4e: {  	_ =	shalt  }
0x4f: {  	_ =	shalt  }
0x50: {  	_ =	shalt  }
0x51: {  	_ =	shalt  }
0x52: {  	_ =	shalt  }
0x53: {  	_ =	shalt  }
0x54: {  	_ =	shalt  }
0x55: {  	_ =	shalt  }
0x56: {  	_ =	shalt  }
0x57: {  	_ =	shalt  }
0x58: {  	_ =	shalt  }
0x59: {  	_ =	shalt  }
0x5a: {  	_ =	shalt  }
0x5b: {  	_ =	shalt  }
0x5c: {  	_ =	shalt  }
0x5d: {  	_ =	shalt  }
0x5e: {  	_ =	shalt  }
0x5f: {  	_ =	shalt  }
0x60: {  	_ =	shalt  }
0x61: {  	_ =	shalt  }
0x62: {  	_ =	shalt  }
0x63: {  	_ =	shalt  }
0x64: {  	_ =	shalt  }
0x65: {  	_ =	shalt  }
0x66: {  	_ =	shalt  }
0x67: {  	_ =	shalt  }
0x68: {  	_ =	shalt  }
0x69: {  	_ =	shalt  }
0x6a: {  	_ =	shalt  }
0x6b: {  	_ =	shalt  }
0x6c: {  	_ =	shalt  }
0x6d: {  	_ =	shalt  }
0x6e: {  	_ =	shalt  }
0x6f: {  	_ =	shalt  }
0x70: {  	_ =	shalt  }
0x71: {  	_ =	shalt  }
0x72: {  	_ =	shalt  }
0x73: {  	_ =	shalt  }
0x74: {  	_ =	shalt  }
0x75: {  	_ =	shalt  }
0x76: {  	_ =	shalt  }
0x77: {  	_ =	shalt  }
0x78: {  	_ =	shalt  }
0x79: {  	_ =	shalt  }
0x7a: {  	_ =	shalt  }
0x7b: {  	_ =	shalt  }
0x7c: {  	_ =	shalt  }
0x7d: {  	_ =	shalt  }
0x7e: {  	_ =	shalt  }
0x7f: {  	_ =	shalt  }
0x80: {  	_ =	shalt  }
0x81: {  	_ =	shalt  }
0x82: {  	_ =	shalt  }
0x83: {  	_ =	shalt  }
0x84: {  	_ =	shalt  }
0x85: {  	_ =	shalt  }
0x86: {  	_ =	shalt  }
0x87: {  	_ =	shalt  }
.Lfunc_end0:
.L_simem_size_0:
called_computation.1_lowered:
.L_overlay_start_0:
0x88: {  	s2 =	sld [smem:$0x3FD9]  }
0x89: {  	s3 =	sld [smem:$0x3FFE];
	_ =	sdelay $0x1  }
0x8a: {  	s1 =	srdreg.scid  }
0x8b: {  	s0 =	sand.u32 $0x1, s1  }
0x8c: {  	s14 =	sshll.u32 s0, $0xA;
	s2 =	sadd.s32 s3, s2  }
0x8d: {  	s2 =	sadd.s32 s2, s14  }
0x8e: {  	[smem:$0x3FC2] =	sst s2  }
0x8f: {  	_ = 	snop  }
0x90: {  	s2 =	sld [smem:$0x3FD0];
	_ =	sdelay $0x1  }
0x91: {  	s15 =	sld [smem:$0x3FC9]  }
0x92: {  	s5 =	simm.s32 $0xB;
	s6 =	simm.s32 $0x10;
	s4 =	sld [smem:$0x3FC8]  }
0x93: {  	[smem:s6], [sflag:s5] =	dma.local [hbm:s2], $0x1  }
0x94: {  	_ =	swait.eq [sflag:s5], $0x1  }
0x95: {  	[sflag:s5] =	ssyncset.done $0x0  }
0x96: {  	[sflag:s5] =	ssyncadd.s32 $0xFFFFFFFF  }
0x97: {  	s16 =	sld [smem:$0x11];
	(tm) =	ssettm $0x1  }
0x98: {  	s17 =	sld [smem:$0x3FFB];
	_ =	sdelay $0x3  }
0x99: {  	_ =	strace s17  }
0x9a: {  	s5 =	sld [smem:$0x3FFC];
	_ =	sdelay $0x3  }
0x9b: {  	_ =	strace s5  }
0x9c: {  	s5 =	sld [smem:$0x3FFD];
	_ =	sdelay $0x3  }
0x9d: {  	_ =	strace s5  }
0x9e: {  	_ =	strace $0x8FFFFFFF  }
0x9f: {  	s18 =	sld [smem:$0x3FDB];
	_ =	sdelay $0x1  }
0xa0: {  	s19 =	simm.s32 $_scs_section_size  }
0xa1: {  	s7 =	simm.s32 $_size__tile_overlayer_lowered;
	s8 =	simm.s32 $_tile_overlayer_lowered  }
0xa2: {  	s22 =	simm.s32 $0x1BFF;
	s21 =	sshll.u32 s8, $0x1;
	s5 =	sadd.s32 s19, s18  }
0xa3: {  	s9 =	simm.s32 $0x0;
	s20 =	sshll.u32 s7, $0x1;
	s7 =	sadd.s32 s21, s5  }
0xa4: {  	[timem:s9], [sflag:s22] =	dma.local [hbm:s7], s20  }
0xa5: {  	_ =	swait.ge [sflag:s22], s20  }
0xa6: {  	s6 =	ssub.s32 $0x0, s20;
	[sflag:s22] =	ssyncset.done $0x0  }
0xa7: {  	[sflag:s22] =	ssyncadd.s32 s6;
	_ =	sdelay $0x1  }
0xa8: {  	s23 =	simm.s32 $0x1B8B  }
0xa9: {  	_ =	swait.ge [sflag:s23], $0x1  }
0xaa: {  	[sflag:s23] =	ssyncset.done $0x0  }
0xab: {  	s25 =	simm.s32 $0x1B8E;
	s24 =	sld [smem:$0x3FFE];
	[sflag:s23] =	ssyncadd.s32 $0xFFFFFFFF  }
0xac: {  	s26 =	simm.s32 $execute0_lowered;
	[smem:$0x3FD2] =	sst s25  }
0xad: {  	s7 =	sshll.u32 s26, $0x1;
	_ =	strace $0x80000046;
	[dreg:$0x1] =	wrdreg $0xFFFFFFFF  }
0xae: {  	s28 =	simm.s32 $_size_execute0_lowered;
	s5 =	sadd.s32 s5, s7;
	[dreg:$0x0] =	wrdreg $0x0  }
0xaf: {  	s7 =	sshll.u32 s28, $0x1;
	[dreg:$0x2] =	wrdreg s5  }
0xb0: {  	[dreg:$0x3] =	wrdreg s7  }
0xb1: {  	[dreg:$0x4] =	wrdreg $0xC0  }
0xb2: {  	_ =	task [dreg:s9], $0x5FFFF  }
0xb3: {  	[dreg:$0x1] =	wrdreg $0xFFFFFFFF  }
0xb4: {  	[dreg:$0x0] =	wrdreg $0x60  }
0xb5: {  	[dreg:$0x2] =	wrdreg s15  }
0xb6: {  	[dreg:$0x3] =	wrdreg s4  }
0xb7: {  	[dreg:$0x4] =	wrdreg s24  }
0xb8: {  	[dreg:$0x5] =	wrdreg s16  }
0xb9: {  	[dreg:$0x6] =	wrdreg $0xA  }
0xba: {  	_ =	task.clear_ibuf [dreg:s9], $0x7FFFF;
	_ =	strace $0x90000046  }
0xbb: {  	s29 =	simm.s32 $0xA;
	_ =	strace $0x80000048  }
0xbc: {  	_ =	swait.ge [sflag:s29], $0x1  }
0xbd: {  	[sflag:s29] =	ssyncadd.s32 $0xFFFFFFFF  }
0xbe: {  	_ =	strace $0x90000048  }
0xbf: {  	_ =	sfence  }
0xc0: {  	s30 =	sld [smem:$0x0];
	_ =	sdelay $0x2  }
0xc1: {  	s31 =	sshll.u32 s1, $0xD;
	s1 =	sshrl.u32 s1, $0x2  }
0xc2: {  	s3 =	sand.u32 $0x4000, s31;
	s1 =	sadd.s32 s1, s30  }
0xc3: {  	s0 =	sor.u32 s3, s0;
	s1 =	sshll.u32 s1, $0x11  }
0xc4: {  	s0 =	sor.u32 s1, s0  }
0xc5: {  	s0 =	sadd.s32 $0x8F2B, s0  }
0xc6: {  	[sflag:s0] =	ssyncadd.remote.s32 $0x1  }
0xc7: {  	_ =	sfence.sel $0xFFFF  }
0xc8: {  	[dreg:$0x0] =	wrdreg $0xFFFFFFFF;
	(pc) =	sbr.abs _section_cstart, $3  }
0xc9: {  	[dreg:$0x1] =	wrdreg $0xFFFFFFFF  }
0xca: {  	_ =	task.clear_ibuf [dreg:s9], $0x2FFFF;
	_ =	strace $0x9FFFFFFF  }
0xcb: {  	(tm) =	ssettm $0x7FFFFFFF  }
tec
execute0_lowered:
.L_overlay_start_1:
0x0: {  	(tag) =	ssettag $0x1  }
0x1: {  	s0 =	rddreg [dreg:$0x0]  }
0x2: {  	s1 =	rddreg [dreg:$0x1]  }
0x3: {  	s4 =	rddreg [dreg:$0x2]  }
0x4: {  	s5 =	rddreg [dreg:$0x3]  }
0x5: {  	s2 =	simm.s32 $0x0;
	s3 =	srdreg.scid;
	s6 =	stileid.u32  }
0x6: {  	s10 =	simm.s32 $0x80;
	s11 =	simm.s32 $0xA00;
	s29 =	simm.s32 $0x9A00  }
0x7: {  	s30 =	simm.s32 $0x500;
	s31 =	simm.s32 $0xAA00;
	s12 =	simm.s32 $0x600  }
0x8: {  	s13 =	simm.s32 $0xCA00;
	s14 =	simm.s32 $0x680;
	s15 =	simm.s32 $0x700  }
0x9: {  	s16 =	simm.s32 $0x780;
	s17 =	simm.s32 $0x800;
	s18 =	simm.s32 $0x880  }
0xa: {  	s19 =	simm.s32 $0x900;
	s20 =	simm.s32 $0x12A00;
	s21 =	simm.s32 $0x980  }
0xb: {  	s22 =	simm.s32 $0x13A00;
	s23 =	simm.s32 $0x1;
	[smem:$0x7FF] =	sst s2  }
0xc: {  	s3 =	sand.u32 $0x1, s3;
	s6 =	sshll.u32 s6, $0x1;
	_ =	strace $0x80000047  }
0xd: {  	s6 =	sor.u32 s3, s6;
	s8 =	ssub.s32 $0x2, s3;
	s3 =	sadd.s32 $0xF43600, s4  }
0xe: {  	s7 =	sshll.u32 s6, $0x9;
	s6 =	smul.u32 $0x140, s6;
	s9 =	sshrl.u32 s8, $0x1  }
0xf: {  	s4 =	sadd.s32 s7, s4;
	s8 =	ssub.s32 s8, s9;
	s24 =	sadd.s32 s5, s7  }
0x10: {  	s9 =	simm.s32 $0x2;
	s5 =	simm.s32 $0xEA00;
	s7 =	simm.s32 $0x10A00  }
0x11: {  	s0 =	sadd.s32 s0, s6;
	[dreg:$0x6] =	wrdreg s24;
	s25 =	sadd.s32 s1, s6  }
0x12: {  	s26 =	sadd.s32 $0x1200, s4;
	s28 =	smax.u32 s8, $0x1;
	[dreg:$0x5] =	wrdreg s0  }
0x13: {  	s1 =	simm.s32 $0xBA00;
	s4 =	simm.s32 $0xDA00;
	[dreg:$0x7] =	wrdreg s25  }
0x14: {  	s6 =	simm.s32 $0xFA00;
	s8 =	simm.s32 $0x11A00;
	[dreg:$0x8] =	wrdreg s26  }
0x15: {  	s24 =	simm.s32 $0x0;
	[dreg:$0x9] =	wrdreg s28;
	s0 =	simm.s32 $0x580  }
.LBB2_1:
0x16: {  	s25 =	rddreg [dreg:$0x5]  }
0x17: {  	[tilespmem:s2], [sflag:$0x2] =	stream.linear.gather [hbm4b:s25+s2], $0xA00, $0x38;
	[tilespmem:$0x14A00] =	vst v63  }
0x18: {  	_ =	swait.ge [sflag:s9], $0xA00  }
0x19: {  	[sflag:s9] =	ssyncset.done $0x0  }
0x1a: {  	[sflag:s9] =	ssyncadd.s32 $0xFFFFF600  }
0x1b: {  	[tilespmem:s11], [sflag:$0x1] =	stream.indirect.gather [hbm4b:s3+s10], $0x20, s2, s10, $0xb8;
	[tilespmem:$0x14A00] =	vst v63  }
0x1c: {  	s26 =	simm.s32 $0x1A00  }
0x1d: {  	[tilespmem:s26], [sflag:$0x1] =	stream.indirect.gather [hbm4b:s3+s10], $0x20, s10, s10, $0xb8;
	[tilespmem:$0x14A00] =	vst v63  }
0x1e: {  	s25 =	simm.s32 $0x100;
	s26 =	simm.s32 $0x2A00  }
0x1f: {  	[tilespmem:s26], [sflag:$0x1] =	stream.indirect.gather [hbm4b:s3+s10], $0x20, s25, s10, $0xb8;
	[tilespmem:$0x14A00] =	vst v63  }
0x20: {  	s25 =	simm.s32 $0x180;
	s26 =	simm.s32 $0x3A00  }
0x21: {  	[tilespmem:s26], [sflag:$0x1] =	stream.indirect.gather [hbm4b:s3+s10], $0x20, s25, s10, $0xb8;
	[tilespmem:$0x14A00] =	vst v63  }
0x22: {  	s25 =	simm.s32 $0x200;
	s26 =	simm.s32 $0x4A00  }
0x23: {  	[tilespmem:s26], [sflag:$0x1] =	stream.indirect.gather [hbm4b:s3+s10], $0x20, s25, s10, $0xb8;
	[tilespmem:$0x14A00] =	vst v63  }
0x24: {  	s25 =	simm.s32 $0x280;
	s26 =	simm.s32 $0x5A00  }
0x25: {  	[tilespmem:s26], [sflag:$0x1] =	stream.indirect.gather [hbm4b:s3+s10], $0x20, s25, s10, $0xb8;
	[tilespmem:$0x14A00] =	vst v63  }
0x26: {  	s25 =	simm.s32 $0x300;
	s26 =	simm.s32 $0x6A00  }
0x27: {  	[tilespmem:s26], [sflag:$0x1] =	stream.indirect.gather [hbm4b:s3+s10], $0x20, s25, s10, $0xb8;
	[tilespmem:$0x14A00] =	vst v63  }
0x28: {  	s25 =	simm.s32 $0x380;
	s26 =	simm.s32 $0x7A00  }
0x29: {  	[tilespmem:s26], [sflag:$0x1] =	stream.indirect.gather [hbm4b:s3+s10], $0x20, s25, s10, $0xb8;
	[tilespmem:$0x14A00] =	vst v63  }
0x2a: {  	s25 =	simm.s32 $0x400;
	s26 =	simm.s32 $0x8A00  }
0x2b: {  	[tilespmem:s26], [sflag:$0x1] =	stream.indirect.gather [hbm4b:s3+s10], $0x20, s25, s10, $0xb8;
	[tilespmem:$0x14A00] =	vst v63  }
0x2c: {  	s26 =	simm.s32 $0x480  }
0x2d: {  	[tilespmem:s29], [sflag:$0x1] =	stream.indirect.gather [hbm4b:s3+s10], $0x20, s26, s10, $0xb8;
	[tilespmem:$0x14A00] =	vst v63  }
0x2e: {  	_ = 	snop  }
0x2f: {  	[tilespmem:s31], [sflag:$0x1] =	stream.indirect.gather [hbm4b:s3+s10], $0x20, s30, s10, $0xb8;
	[tilespmem:$0x14A00] =	vst v63  }
0x30: {  	_ = 	snop  }
0x31: {  	[tilespmem:s1], [sflag:$0x1] =	stream.indirect.gather [hbm4b:s3+s10], $0x20, s0, s10, $0xb8;
	[tilespmem:$0x14A00] =	vst v63  }
0x32: {  	_ = 	snop  }
0x33: {  	[tilespmem:s13], [sflag:$0x1] =	stream.indirect.gather [hbm4b:s3+s10], $0x20, s12, s10, $0xb8;
	[tilespmem:$0x14A00] =	vst v63  }
0x34: {  	_ = 	snop  }
0x35: {  	[tilespmem:s4], [sflag:$0x1] =	stream.indirect.gather [hbm4b:s3+s10], $0x20, s14, s10, $0xb8;
	[tilespmem:$0x14A00] =	vst v63  }
0x36: {  	_ = 	snop  }
0x37: {  	[tilespmem:s5], [sflag:$0x1] =	stream.indirect.gather [hbm4b:s3+s10], $0x20, s15, s10, $0xb8;
	[tilespmem:$0x14A00] =	vst v63  }
0x38: {  	_ = 	snop  }
0x39: {  	[tilespmem:s6], [sflag:$0x1] =	stream.indirect.gather [hbm4b:s3+s10], $0x20, s16, s10, $0xb8;
	[tilespmem:$0x14A00] =	vst v63  }
0x3a: {  	_ = 	snop  }
0x3b: {  	[tilespmem:s7], [sflag:$0x1] =	stream.indirect.gather [hbm4b:s3+s10], $0x20, s17, s10, $0xb8;
	[tilespmem:$0x14A00] =	vst v63  }
0x3c: {  	_ = 	snop  }
0x3d: {  	[tilespmem:s8], [sflag:$0x1] =	stream.indirect.gather [hbm4b:s3+s10], $0x20, s18, s10, $0xb8;
	[tilespmem:$0x14A00] =	vst v63  }
0x3e: {  	_ = 	snop  }
0x3f: {  	[tilespmem:s20], [sflag:$0x1] =	stream.indirect.gather [hbm4b:s3+s10], $0x20, s19, s10, $0xb8;
	[tilespmem:$0x14A00] =	vst v63  }
0x40: {  	_ = 	snop  }
0x41: {  	[tilespmem:s22], [sflag:$0x1] =	stream.indirect.gather [hbm4b:s3+s10], $0x20, s21, s10, $0xb8;
	[tilespmem:$0x14A00] =	vst v63  }
0x42: {  	_ =	swait.ge [sflag:s23], $0x1000  }
0x43: {  	[sflag:s23] =	ssyncset.done $0x0  }
0x44: {  	[sflag:s23] =	ssyncadd.s32 $0xFFFFF000  }
0x45: {  	_ =	swait.ge [sflag:s23], $0x1000  }
0x46: {  	[sflag:s23] =	ssyncset.done $0x0  }
0x47: {  	[sflag:s23] =	ssyncadd.s32 $0xFFFFF000  }
0x48: {  	_ =	swait.ge [sflag:s23], $0x1000  }
0x49: {  	[sflag:s23] =	ssyncset.done $0x0  }
0x4a: {  	[sflag:s23] =	ssyncadd.s32 $0xFFFFF000  }
0x4b: {  	_ =	swait.ge [sflag:s23], $0x1000  }
0x4c: {  	[sflag:s23] =	ssyncset.done $0x0  }
0x4d: {  	[sflag:s23] =	ssyncadd.s32 $0xFFFFF000  }
0x4e: {  	_ =	swait.ge [sflag:s23], $0x1000  }
0x4f: {  	[sflag:s23] =	ssyncset.done $0x0  }
0x50: {  	[sflag:s23] =	ssyncadd.s32 $0xFFFFF000  }
0x51: {  	_ =	swait.ge [sflag:s23], $0x1000  }
0x52: {  	[sflag:s23] =	ssyncset.done $0x0  }
0x53: {  	[sflag:s23] =	ssyncadd.s32 $0xFFFFF000  }
0x54: {  	_ =	swait.ge [sflag:s23], $0x1000  }
0x55: {  	[sflag:s23] =	ssyncset.done $0x0  }
0x56: {  	[sflag:s23] =	ssyncadd.s32 $0xFFFFF000  }
0x57: {  	_ =	swait.ge [sflag:s23], $0x1000  }
0x58: {  	[sflag:s23] =	ssyncset.done $0x0  }
0x59: {  	[sflag:s23] =	ssyncadd.s32 $0xFFFFF000  }
0x5a: {  	_ =	swait.ge [sflag:s23], $0x1000  }
0x5b: {  	[sflag:s23] =	ssyncset.done $0x0  }
0x5c: {  	[sflag:s23] =	ssyncadd.s32 $0xFFFFF000  }
0x5d: {  	_ =	swait.ge [sflag:s23], $0x1000  }
0x5e: {  	[sflag:s23] =	ssyncset.done $0x0  }
0x5f: {  	[sflag:s23] =	ssyncadd.s32 $0xFFFFF000  }
0x60: {  	_ =	swait.ge [sflag:s23], $0x1000  }
0x61: {  	[sflag:s23] =	ssyncset.done $0x0  }
0x62: {  	[sflag:s23] =	ssyncadd.s32 $0xFFFFF000  }
0x63: {  	_ =	swait.ge [sflag:s23], $0x1000  }
0x64: {  	[sflag:s23] =	ssyncset.done $0x0  }
0x65: {  	[sflag:s23] =	ssyncadd.s32 $0xFFFFF000  }
0x66: {  	_ =	swait.ge [sflag:s23], $0x1000  }
0x67: {  	[sflag:s23] =	ssyncset.done $0x0  }
0x68: {  	[sflag:s23] =	ssyncadd.s32 $0xFFFFF000  }
0x69: {  	_ =	swait.ge [sflag:s23], $0x1000  }
0x6a: {  	[sflag:s23] =	ssyncset.done $0x0  }
0x6b: {  	[sflag:s23] =	ssyncadd.s32 $0xFFFFF000  }
0x6c: {  	_ =	swait.ge [sflag:s23], $0x1000  }
0x6d: {  	[sflag:s23] =	ssyncset.done $0x0  }
0x6e: {  	[sflag:s23] =	ssyncadd.s32 $0xFFFFF000  }
0x6f: {  	_ =	swait.ge [sflag:s23], $0x1000  }
0x70: {  	[sflag:s23] =	ssyncset.done $0x0  }
0x71: {  	[sflag:s23] =	ssyncadd.s32 $0xFFFFF000  }
0x72: {  	_ =	swait.ge [sflag:s23], $0x1000  }
0x73: {  	[sflag:s23] =	ssyncset.done $0x0  }
0x74: {  	[sflag:s23] =	ssyncadd.s32 $0xFFFFF000  }
0x75: {  	_ =	swait.ge [sflag:s23], $0x1000  }
0x76: {  	[sflag:s23] =	ssyncset.done $0x0  }
0x77: {  	[sflag:s23] =	ssyncadd.s32 $0xFFFFF000  }
0x78: {  	_ =	swait.ge [sflag:s23], $0x1000  }
0x79: {  	[sflag:s23] =	ssyncset.done $0x0  }
0x7a: {  	[sflag:s23] =	ssyncadd.s32 $0xFFFFF000  }
0x7b: {  	_ =	swait.ge [sflag:s23], $0x1000  }
0x7c: {  	[sflag:s23] =	ssyncset.done $0x0  }
0x7d: {  	s25 =	simm.s32 $0xB40;
	[sflag:s23] =	ssyncadd.s32 $0xFFFFF000  }
0x7e: {  	v0 =	vld [tilespmem:s25+$0xFFFFFEF0]  }
0x7f: {  	v1 =	vld [tilespmem:s25+$0xFFFFFEC0]  }
0x80: {  	v2 =	vld [tilespmem:s25+$0xFFFFFEE0]  }
0x81: {  	v3 =	vld [tilespmem:s25+$0xFFFFFED0]  }
0x82: {  	v4 =	vld [tilespmem:s25+$0xFFFFFF00]  }
0x83: {  	v5 =	vld [tilespmem:s25+$0xFFFFFF10]  }
0x84: {  	v6 =	vld [tilespmem:s25+$0xFFFFFF20]  }
0x85: {  	v7 =	vld [tilespmem:s25+$0xFFFFFF40];
	v1 =	vadd.f32 v2, v1  }
0x86: {  	v2 =	vld [tilespmem:s25+$0xFFFFFF30]  }
0x87: {  	v44 =	vld [tilespmem:s25+$0xFFFFFF60];
	v0 =	vadd.f32 v0, v3;
	v1 =	vadd.f32 v4, v1  }
0x88: {  	v3 =	vld [tilespmem:s25+$0xFFFFFF50]  }
0x89: {  	v45 =	vld [tilespmem:s25+$0xFFFFFF70];
	v0 =	vadd.f32 v5, v0;
	v1 =	vadd.f32 v6, v1  }
0x8a: {  	v46 =	vld [tilespmem:s25+$0xFFFFFF80]  }
0x8b: {  	v47 =	vld [tilespmem:s25+$0xFFFFFFA0];
	v0 =	vadd.f32 v2, v0;
	v1 =	vadd.f32 v7, v1  }
0x8c: {  	v2 =	vld [tilespmem:s25+$0xFFFFFF90]  }
0x8d: {  	v48 =	vld [tilespmem:s25+$0xFFFFFFC0];
	v0 =	vadd.f32 v3, v0;
	v1 =	vadd.f32 v44, v1  }
0x8e: {  	v3 =	vld [tilespmem:s25+$0xFFFFFFB0]  }
0x8f: {  	v49 =	vld [tilespmem:s25+$0xFFFFFFD0];
	v0 =	vadd.f32 v45, v0;
	v1 =	vadd.f32 v46, v1  }
0x90: {  	v50 =	vld [tilespmem:s25+$0xFFFFFFE0]  }
0x91: {  	v51 =	vld [tilespmem:s25+$0x0];
	v0 =	vadd.f32 v2, v0;
	v1 =	vadd.f32 v47, v1  }
0x92: {  	v2 =	vld [tilespmem:s25+$0xFFFFFFF0]  }
0x93: {  	v52 =	vld [tilespmem:s25+$0x20];
	v0 =	vadd.f32 v3, v0;
	v1 =	vadd.f32 v48, v1  }
0x94: {  	v3 =	vld [tilespmem:s25+$0x10]  }
0x95: {  	v53 =	vld [tilespmem:s25+$0x30];
	v0 =	vadd.f32 v49, v0;
	v1 =	vadd.f32 v50, v1  }
0x96: {  	v54 =	vld [tilespmem:s25+$0x40]  }
0x97: {  	v55 =	vld [tilespmem:s25+$0x60];
	v0 =	vadd.f32 v2, v0;
	v1 =	vadd.f32 v51, v1  }
0x98: {  	v2 =	vld [tilespmem:s25+$0x50]  }
0x99: {  	v56 =	vld [tilespmem:s25+$0x80];
	v0 =	vadd.f32 v3, v0;
	v1 =	vadd.f32 v52, v1  }
0x9a: {  	v3 =	vld [tilespmem:s25+$0x70]  }
0x9b: {  	v57 =	vld [tilespmem:s25+$0x90];
	v0 =	vadd.f32 v53, v0;
	v1 =	vadd.f32 v54, v1  }
0x9c: {  	v58 =	vld [tilespmem:s25+$0xA0]  }
0x9d: {  	v59 =	vld [tilespmem:s25+$0xC0];
	v0 =	vadd.f32 v2, v0;
	v1 =	vadd.f32 v55, v1  }
0x9e: {  	v2 =	vld [tilespmem:s25+$0xB0]  }
0x9f: {  	v60 =	vld [tilespmem:s25+$0xE0];
	v0 =	vadd.f32 v3, v0;
	v1 =	vadd.f32 v56, v1  }
0xa0: {  	v3 =	vld [tilespmem:s25+$0xD0]  }
0xa1: {  	v61 =	vld [tilespmem:s25+$0xF0];
	v0 =	vadd.f32 v57, v0;
	v1 =	vadd.f32 v58, v1  }
0xa2: {  	v62 =	vld [tilespmem:s25+$0x100]  }
0xa3: {  	v63 =	vld [tilespmem:s25+$0x120];
	v0 =	vadd.f32 v2, v0;
	v1 =	vadd.f32 v59, v1  }
0xa4: {  	v2 =	vld [tilespmem:s25+$0x110]  }
0xa5: {  	v0 =	vadd.f32 v3, v0;
	v1 =	vadd.f32 v60, v1  }
0xa6: {  	v3 =	vld [tilespmem:s25+$0x130]  }
0xa7: {  	v0 =	vadd.f32 v61, v0;
	v1 =	vadd.f32 v62, v1;
	_ =	sdelay $0x1  }
0xa8: {  	v0 =	vadd.f32 v2, v0;
	v1 =	vadd.f32 v63, v1;
	_ =	sdelay $0x1  }
0xa9: {  	v0 =	vadd.f32 v3, v0;
	v1 =	vmul.f32 $5.000000070e-02, v1  }
0xaa: {  	s28 =	simm.s32 $0x0  }
0xab: {  	s26 =	simm.s32 $0x80;
	v0 =	vmul.f32 $5.000000070e-02, v0;
	[tilespmem:s28+$0xA00] =	vst v1  }
.LBB2_2:
0xac: {  	p0 =	sne.s32 s26, $0x3F80  }
0xad: {  	[tilespmem:s28+$0xA10] =	vst v0;
	s25 =	sadd.s32 $0x280, s25;
	s28 =	smov.u32 s26;
	s26 =	sadd.s32 $0x80, s26  }
0xae: {  	v0 =	vld [tilespmem:s25+$0xFFFFFEF0]  }
0xaf: {  	v1 =	vld [tilespmem:s25+$0xFFFFFEC0]  }
0xb0: {  	v2 =	vld [tilespmem:s25+$0xFFFFFEE0]  }
0xb1: {  	v3 =	vld [tilespmem:s25+$0xFFFFFED0]  }
0xb2: {  	v4 =	vld [tilespmem:s25+$0xFFFFFF00]  }
0xb3: {  	v5 =	vld [tilespmem:s25+$0xFFFFFF10]  }
0xb4: {  	v6 =	vld [tilespmem:s25+$0xFFFFFF20]  }
0xb5: {  	v1 =	vadd.f32 v2, v1;
	v2 =	vld [tilespmem:s25+$0xFFFFFF30]  }
0xb6: {  	v0 =	vadd.f32 v0, v3;
	v3 =	vld [tilespmem:s25+$0xFFFFFF40]  }
0xb7: {  	v1 =	vadd.f32 v4, v1;
	v4 =	vld [tilespmem:s25+$0xFFFFFF50]  }
0xb8: {  	v0 =	vadd.f32 v5, v0;
	v5 =	vld [tilespmem:s25+$0xFFFFFF60]  }
0xb9: {  	v1 =	vadd.f32 v6, v1;
	v6 =	vld [tilespmem:s25+$0xFFFFFF70]  }
0xba: {  	v0 =	vadd.f32 v2, v0;
	v2 =	vld [tilespmem:s25+$0xFFFFFF80]  }
0xbb: {  	v1 =	vadd.f32 v3, v1;
	v3 =	vld [tilespmem:s25+$0xFFFFFF90]  }
0xbc: {  	v0 =	vadd.f32 v4, v0;
	v4 =	vld [tilespmem:s25+$0xFFFFFFA0]  }
0xbd: {  	v1 =	vadd.f32 v5, v1;
	v5 =	vld [tilespmem:s25+$0xFFFFFFB0]  }
0xbe: {  	v0 =	vadd.f32 v6, v0;
	v6 =	vld [tilespmem:s25+$0xFFFFFFC0]  }
0xbf: {  	v1 =	vadd.f32 v2, v1;
	v2 =	vld [tilespmem:s25+$0xFFFFFFD0]  }
0xc0: {  	v0 =	vadd.f32 v3, v0;
	v3 =	vld [tilespmem:s25+$0xFFFFFFE0]  }
0xc1: {  	v1 =	vadd.f32 v4, v1;
	v4 =	vld [tilespmem:s25+$0xFFFFFFF0]  }
0xc2: {  	v0 =	vadd.f32 v5, v0;
	v5 =	vld [tilespmem:s25+$0x0]  }
0xc3: {  	v1 =	vadd.f32 v6, v1;
	v6 =	vld [tilespmem:s25+$0x10]  }
0xc4: {  	v0 =	vadd.f32 v2, v0;
	v2 =	vld [tilespmem:s25+$0x20]  }
0xc5: {  	v1 =	vadd.f32 v3, v1;
	v3 =	vld [tilespmem:s25+$0x30]  }
0xc6: {  	v0 =	vadd.f32 v4, v0;
	v4 =	vld [tilespmem:s25+$0x40]  }
0xc7: {  	v1 =	vadd.f32 v5, v1;
	v5 =	vld [tilespmem:s25+$0x50]  }
0xc8: {  	v0 =	vadd.f32 v6, v0;
	v6 =	vld [tilespmem:s25+$0x60]  }
0xc9: {  	v1 =	vadd.f32 v2, v1;
	v2 =	vld [tilespmem:s25+$0x70]  }
0xca: {  	v0 =	vadd.f32 v3, v0;
	v3 =	vld [tilespmem:s25+$0x80]  }
0xcb: {  	v1 =	vadd.f32 v4, v1;
	v4 =	vld [tilespmem:s25+$0x90]  }
0xcc: {  	v0 =	vadd.f32 v5, v0;
	v5 =	vld [tilespmem:s25+$0xA0]  }
0xcd: {  	v1 =	vadd.f32 v6, v1;
	v6 =	vld [tilespmem:s25+$0xB0]  }
0xce: {  	v0 =	vadd.f32 v2, v0;
	v2 =	vld [tilespmem:s25+$0xC0]  }
0xcf: {  	v1 =	vadd.f32 v3, v1;
	v3 =	vld [tilespmem:s25+$0xD0]  }
0xd0: {  	v0 =	vadd.f32 v4, v0;
	v4 =	vld [tilespmem:s25+$0xE0]  }
0xd1: {  	v1 =	vadd.f32 v5, v1;
	v5 =	vld [tilespmem:s25+$0xF0]  }
0xd2: {  	v0 =	vadd.f32 v6, v0;
	v6 =	vld [tilespmem:s25+$0x100]  }
0xd3: {  	v1 =	vadd.f32 v2, v1;
	v2 =	vld [tilespmem:s25+$0x110]  }
0xd4: {  	v0 =	vadd.f32 v3, v0;
	v3 =	vld [tilespmem:s25+$0x120]  }
0xd5: {  	v1 =	vadd.f32 v4, v1;
	v4 =	vld [tilespmem:s25+$0x130]  }
0xd6: {  	v0 =	vadd.f32 v5, v0  }
0xd7: {  	v1 =	vadd.f32 v6, v1  }
0xd8: {  	v0 =	vadd.f32 v2, v0  }
.Ltmp0:
0xd9: {  	v1 =	vadd.f32 v3, v1;
	(pc) =	sbr.rel @p0 .LBB2_2-.Ltmp0, $4  }
0xda: {  	v0 =	vadd.f32 v4, v0  }
0xdb: {  	v1 =	vmul.f32 $5.000000070e-02, v1  }
0xdc: {  	s28 =	sshra.s32 s28, $0x2;
	v0 =	vmul.f32 $5.000000070e-02, v0  }
0xdd: {  	[tilespmem:s28+$0xA00] =	vst v1  }
0xde: {  	[tilespmem:s28+$0xA10] =	vst v0;
	s25 =	simm.s32 $0x0;
	s26 =	rddreg [dreg:$0x6]  }
0xdf: {  	[hbm4b:s26+s25] =	stream.linear.scatter [tilespmem:s11], [sflag:$0x2], $0x1000, $0x38;
	[tilespmem:$0x14A00] =	vst v63  }
0xe0: {  	_ =	swait.ge [sflag:s9], $0x1000  }
0xe1: {  	[sflag:s9] =	ssyncset.done $0x0  }
0xe2: {  	s26 =	rddreg [dreg:$0x7];
	[sflag:s9] =	ssyncadd.s32 $0xFFFFF000  }
0xe3: {  	[tilespmem:s25], [sflag:$0x2] =	stream.linear.gather [hbm4b:s26+s25], $0xA00, $0x38;
	[tilespmem:$0x14A00] =	vst v63  }
0xe4: {  	_ =	swait.ge [sflag:s9], $0xA00  }
0xe5: {  	[sflag:s9] =	ssyncset.done $0x0  }
0xe6: {  	[sflag:s9] =	ssyncadd.s32 $0xFFFFF600  }
0xe7: {  	[tilespmem:s11], [sflag:$0x1] =	stream.indirect.gather [hbm4b:s3+s10], $0x20, s25, s10, $0xb8;
	[tilespmem:$0x14A00] =	vst v63  }
0xe8: {  	s26 =	simm.s32 $0x1A00  }
0xe9: {  	[tilespmem:s26], [sflag:$0x1] =	stream.indirect.gather [hbm4b:s3+s10], $0x20, s10, s10, $0xb8;
	[tilespmem:$0x14A00] =	vst v63  }
0xea: {  	s25 =	simm.s32 $0x100;
	s26 =	simm.s32 $0x2A00  }
0xeb: {  	[tilespmem:s26], [sflag:$0x1] =	stream.indirect.gather [hbm4b:s3+s10], $0x20, s25, s10, $0xb8;
	[tilespmem:$0x14A00] =	vst v63  }
0xec: {  	s25 =	simm.s32 $0x180;
	s26 =	simm.s32 $0x3A00  }
0xed: {  	[tilespmem:s26], [sflag:$0x1] =	stream.indirect.gather [hbm4b:s3+s10], $0x20, s25, s10, $0xb8;
	[tilespmem:$0x14A00] =	vst v63  }
0xee: {  	s25 =	simm.s32 $0x200;
	s26 =	simm.s32 $0x4A00  }
0xef: {  	[tilespmem:s26], [sflag:$0x1] =	stream.indirect.gather [hbm4b:s3+s10], $0x20, s25, s10, $0xb8;
	[tilespmem:$0x14A00] =	vst v63  }
0xf0: {  	s25 =	simm.s32 $0x280;
	s26 =	simm.s32 $0x5A00  }
0xf1: {  	[tilespmem:s26], [sflag:$0x1] =	stream.indirect.gather [hbm4b:s3+s10], $0x20, s25, s10, $0xb8;
	[tilespmem:$0x14A00] =	vst v63  }
0xf2: {  	s25 =	simm.s32 $0x300;
	s26 =	simm.s32 $0x6A00  }
0xf3: {  	[tilespmem:s26], [sflag:$0x1] =	stream.indirect.gather [hbm4b:s3+s10], $0x20, s25, s10, $0xb8;
	[tilespmem:$0x14A00] =	vst v63  }
0xf4: {  	s25 =	simm.s32 $0x380;
	s26 =	simm.s32 $0x7A00  }
0xf5: {  	[tilespmem:s26], [sflag:$0x1] =	stream.indirect.gather [hbm4b:s3+s10], $0x20, s25, s10, $0xb8;
	[tilespmem:$0x14A00] =	vst v63  }
0xf6: {  	s25 =	simm.s32 $0x400;
	s26 =	simm.s32 $0x8A00  }
0xf7: {  	[tilespmem:s26], [sflag:$0x1] =	stream.indirect.gather [hbm4b:s3+s10], $0x20, s25, s10, $0xb8;
	[tilespmem:$0x14A00] =	vst v63  }
0xf8: {  	s26 =	simm.s32 $0x480  }
0xf9: {  	[tilespmem:s29], [sflag:$0x1] =	stream.indirect.gather [hbm4b:s3+s10], $0x20, s26, s10, $0xb8;
	[tilespmem:$0x14A00] =	vst v63  }
0xfa: {  	_ = 	snop  }
0xfb: {  	[tilespmem:s31], [sflag:$0x1] =	stream.indirect.gather [hbm4b:s3+s10], $0x20, s30, s10, $0xb8;
	[tilespmem:$0x14A00] =	vst v63  }
0xfc: {  	_ = 	snop  }
0xfd: {  	[tilespmem:s1], [sflag:$0x1] =	stream.indirect.gather [hbm4b:s3+s10], $0x20, s0, s10, $0xb8;
	[tilespmem:$0x14A00] =	vst v63  }
0xfe: {  	_ = 	snop  }
0xff: {  	[tilespmem:s13], [sflag:$0x1] =	stream.indirect.gather [hbm4b:s3+s10], $0x20, s12, s10, $0xb8;
	[tilespmem:$0x14A00] =	vst v63  }
0x100: {  	_ = 	snop  }
0x101: {  	[tilespmem:s4], [sflag:$0x1] =	stream.indirect.gather [hbm4b:s3+s10], $0x20, s14, s10, $0xb8;
	[tilespmem:$0x14A00] =	vst v63  }
0x102: {  	_ = 	snop  }
0x103: {  	[tilespmem:s5], [sflag:$0x1] =	stream.indirect.gather [hbm4b:s3+s10], $0x20, s15, s10, $0xb8;
	[tilespmem:$0x14A00] =	vst v63  }
0x104: {  	_ = 	snop  }
0x105: {  	[tilespmem:s6], [sflag:$0x1] =	stream.indirect.gather [hbm4b:s3+s10], $0x20, s16, s10, $0xb8;
	[tilespmem:$0x14A00] =	vst v63  }
0x106: {  	_ = 	snop  }
0x107: {  	[tilespmem:s7], [sflag:$0x1] =	stream.indirect.gather [hbm4b:s3+s10], $0x20, s17, s10, $0xb8;
	[tilespmem:$0x14A00] =	vst v63  }
0x108: {  	_ = 	snop  }
0x109: {  	[tilespmem:s8], [sflag:$0x1] =	stream.indirect.gather [hbm4b:s3+s10], $0x20, s18, s10, $0xb8;
	[tilespmem:$0x14A00] =	vst v63  }
0x10a: {  	_ = 	snop  }
0x10b: {  	[tilespmem:s20], [sflag:$0x1] =	stream.indirect.gather [hbm4b:s3+s10], $0x20, s19, s10, $0xb8;
	[tilespmem:$0x14A00] =	vst v63  }
0x10c: {  	_ = 	snop  }
0x10d: {  	[tilespmem:s22], [sflag:$0x1] =	stream.indirect.gather [hbm4b:s3+s10], $0x20, s21, s10, $0xb8;
	[tilespmem:$0x14A00] =	vst v63  }
0x10e: {  	_ =	swait.ge [sflag:s23], $0x1000  }
0x10f: {  	[sflag:s23] =	ssyncset.done $0x0  }
0x110: {  	[sflag:s23] =	ssyncadd.s32 $0xFFFFF000  }
0x111: {  	_ =	swait.ge [sflag:s23], $0x1000  }
0x112: {  	[sflag:s23] =	ssyncset.done $0x0  }
0x113: {  	[sflag:s23] =	ssyncadd.s32 $0xFFFFF000  }
0x114: {  	_ =	swait.ge [sflag:s23], $0x1000  }
0x115: {  	[sflag:s23] =	ssyncset.done $0x0  }
0x116: {  	[sflag:s23] =	ssyncadd.s32 $0xFFFFF000  }
0x117: {  	_ =	swait.ge [sflag:s23], $0x1000  }
0x118: {  	[sflag:s23] =	ssyncset.done $0x0  }
0x119: {  	[sflag:s23] =	ssyncadd.s32 $0xFFFFF000  }
0x11a: {  	_ =	swait.ge [sflag:s23], $0x1000  }
0x11b: {  	[sflag:s23] =	ssyncset.done $0x0  }
0x11c: {  	[sflag:s23] =	ssyncadd.s32 $0xFFFFF000  }
0x11d: {  	_ =	swait.ge [sflag:s23], $0x1000  }
0x11e: {  	[sflag:s23] =	ssyncset.done $0x0  }
0x11f: {  	[sflag:s23] =	ssyncadd.s32 $0xFFFFF000  }
0x120: {  	_ =	swait.ge [sflag:s23], $0x1000  }
0x121: {  	[sflag:s23] =	ssyncset.done $0x0  }
0x122: {  	[sflag:s23] =	ssyncadd.s32 $0xFFFFF000  }
0x123: {  	_ =	swait.ge [sflag:s23], $0x1000  }
0x124: {  	[sflag:s23] =	ssyncset.done $0x0  }
0x125: {  	[sflag:s23] =	ssyncadd.s32 $0xFFFFF000  }
0x126: {  	_ =	swait.ge [sflag:s23], $0x1000  }
0x127: {  	[sflag:s23] =	ssyncset.done $0x0  }
0x128: {  	[sflag:s23] =	ssyncadd.s32 $0xFFFFF000  }
0x129: {  	_ =	swait.ge [sflag:s23], $0x1000  }
0x12a: {  	[sflag:s23] =	ssyncset.done $0x0  }
0x12b: {  	[sflag:s23] =	ssyncadd.s32 $0xFFFFF000  }
0x12c: {  	_ =	swait.ge [sflag:s23], $0x1000  }
0x12d: {  	[sflag:s23] =	ssyncset.done $0x0  }
0x12e: {  	[sflag:s23] =	ssyncadd.s32 $0xFFFFF000  }
0x12f: {  	_ =	swait.ge [sflag:s23], $0x1000  }
0x130: {  	[sflag:s23] =	ssyncset.done $0x0  }
0x131: {  	[sflag:s23] =	ssyncadd.s32 $0xFFFFF000  }
0x132: {  	_ =	swait.ge [sflag:s23], $0x1000  }
0x133: {  	[sflag:s23] =	ssyncset.done $0x0  }
0x134: {  	[sflag:s23] =	ssyncadd.s32 $0xFFFFF000  }
0x135: {  	_ =	swait.ge [sflag:s23], $0x1000  }
0x136: {  	[sflag:s23] =	ssyncset.done $0x0  }
0x137: {  	[sflag:s23] =	ssyncadd.s32 $0xFFFFF000  }
0x138: {  	_ =	swait.ge [sflag:s23], $0x1000  }
0x139: {  	[sflag:s23] =	ssyncset.done $0x0  }
0x13a: {  	[sflag:s23] =	ssyncadd.s32 $0xFFFFF000  }
0x13b: {  	_ =	swait.ge [sflag:s23], $0x1000  }
0x13c: {  	[sflag:s23] =	ssyncset.done $0x0  }
0x13d: {  	[sflag:s23] =	ssyncadd.s32 $0xFFFFF000  }
0x13e: {  	_ =	swait.ge [sflag:s23], $0x1000  }
0x13f: {  	[sflag:s23] =	ssyncset.done $0x0  }
0x140: {  	[sflag:s23] =	ssyncadd.s32 $0xFFFFF000  }
0x141: {  	_ =	swait.ge [sflag:s23], $0x1000  }
0x142: {  	[sflag:s23] =	ssyncset.done $0x0  }
0x143: {  	[sflag:s23] =	ssyncadd.s32 $0xFFFFF000  }
0x144: {  	_ =	swait.ge [sflag:s23], $0x1000  }
0x145: {  	[sflag:s23] =	ssyncset.done $0x0  }
0x146: {  	[sflag:s23] =	ssyncadd.s32 $0xFFFFF000  }
0x147: {  	_ =	swait.ge [sflag:s23], $0x1000  }
0x148: {  	[sflag:s23] =	ssyncset.done $0x0  }
0x149: {  	s25 =	simm.s32 $0xB40;
	[sflag:s23] =	ssyncadd.s32 $0xFFFFF000  }
0x14a: {  	v0 =	vld [tilespmem:s25+$0xFFFFFEF0]  }
0x14b: {  	v1 =	vld [tilespmem:s25+$0xFFFFFEC0]  }
0x14c: {  	v2 =	vld [tilespmem:s25+$0xFFFFFEE0]  }
0x14d: {  	v3 =	vld [tilespmem:s25+$0xFFFFFED0]  }
0x14e: {  	v4 =	vld [tilespmem:s25+$0xFFFFFF00]  }
0x14f: {  	v5 =	vld [tilespmem:s25+$0xFFFFFF10]  }
0x150: {  	v6 =	vld [tilespmem:s25+$0xFFFFFF20]  }
0x151: {  	v7 =	vld [tilespmem:s25+$0xFFFFFF40];
	v1 =	vadd.f32 v2, v1  }
0x152: {  	v2 =	vld [tilespmem:s25+$0xFFFFFF30]  }
0x153: {  	v44 =	vld [tilespmem:s25+$0xFFFFFF60];
	v0 =	vadd.f32 v0, v3;
	v1 =	vadd.f32 v4, v1  }
0x154: {  	v3 =	vld [tilespmem:s25+$0xFFFFFF50]  }
0x155: {  	v45 =	vld [tilespmem:s25+$0xFFFFFF70];
	v0 =	vadd.f32 v5, v0;
	v1 =	vadd.f32 v6, v1  }
0x156: {  	v46 =	vld [tilespmem:s25+$0xFFFFFF80]  }
0x157: {  	v47 =	vld [tilespmem:s25+$0xFFFFFFA0];
	v0 =	vadd.f32 v2, v0;
	v1 =	vadd.f32 v7, v1  }
0x158: {  	v2 =	vld [tilespmem:s25+$0xFFFFFF90]  }
0x159: {  	v48 =	vld [tilespmem:s25+$0xFFFFFFC0];
	v0 =	vadd.f32 v3, v0;
	v1 =	vadd.f32 v44, v1  }
0x15a: {  	v3 =	vld [tilespmem:s25+$0xFFFFFFB0]  }
0x15b: {  	v49 =	vld [tilespmem:s25+$0xFFFFFFD0];
	v0 =	vadd.f32 v45, v0;
	v1 =	vadd.f32 v46, v1  }
0x15c: {  	v50 =	vld [tilespmem:s25+$0xFFFFFFE0]  }
0x15d: {  	v51 =	vld [tilespmem:s25+$0x0];
	v0 =	vadd.f32 v2, v0;
	v1 =	vadd.f32 v47, v1  }
0x15e: {  	v2 =	vld [tilespmem:s25+$0xFFFFFFF0]  }
0x15f: {  	v52 =	vld [tilespmem:s25+$0x20];
	v0 =	vadd.f32 v3, v0;
	v1 =	vadd.f32 v48, v1  }
0x160: {  	v3 =	vld [tilespmem:s25+$0x10]  }
0x161: {  	v53 =	vld [tilespmem:s25+$0x30];
	v0 =	vadd.f32 v49, v0;
	v1 =	vadd.f32 v50, v1  }
0x162: {  	v54 =	vld [tilespmem:s25+$0x40]  }
0x163: {  	v55 =	vld [tilespmem:s25+$0x60];
	v0 =	vadd.f32 v2, v0;
	v1 =	vadd.f32 v51, v1  }
0x164: {  	v2 =	vld [tilespmem:s25+$0x50]  }
0x165: {  	v56 =	vld [tilespmem:s25+$0x80];
	v0 =	vadd.f32 v3, v0;
	v1 =	vadd.f32 v52, v1  }
0x166: {  	v3 =	vld [tilespmem:s25+$0x70]  }
0x167: {  	v57 =	vld [tilespmem:s25+$0x90];
	v0 =	vadd.f32 v53, v0;
	v1 =	vadd.f32 v54, v1  }
0x168: {  	v58 =	vld [tilespmem:s25+$0xA0]  }
0x169: {  	v59 =	vld [tilespmem:s25+$0xC0];
	v0 =	vadd.f32 v2, v0;
	v1 =	vadd.f32 v55, v1  }
0x16a: {  	v2 =	vld [tilespmem:s25+$0xB0]  }
0x16b: {  	v60 =	vld [tilespmem:s25+$0xE0];
	v0 =	vadd.f32 v3, v0;
	v1 =	vadd.f32 v56, v1  }
0x16c: {  	v3 =	vld [tilespmem:s25+$0xD0]  }
0x16d: {  	v61 =	vld [tilespmem:s25+$0xF0];
	v0 =	vadd.f32 v57, v0;
	v1 =	vadd.f32 v58, v1  }
0x16e: {  	v62 =	vld [tilespmem:s25+$0x100]  }
0x16f: {  	v63 =	vld [tilespmem:s25+$0x120];
	v0 =	vadd.f32 v2, v0;
	v1 =	vadd.f32 v59, v1  }
0x170: {  	v2 =	vld [tilespmem:s25+$0x110]  }
0x171: {  	v0 =	vadd.f32 v3, v0;
	v1 =	vadd.f32 v60, v1  }
0x172: {  	v3 =	vld [tilespmem:s25+$0x130]  }
0x173: {  	v0 =	vadd.f32 v61, v0;
	v1 =	vadd.f32 v62, v1;
	_ =	sdelay $0x1  }
0x174: {  	v0 =	vadd.f32 v2, v0;
	v1 =	vadd.f32 v63, v1;
	_ =	sdelay $0x1  }
0x175: {  	v0 =	vadd.f32 v3, v0;
	v1 =	vmul.f32 $5.000000070e-02, v1  }
0x176: {  	s28 =	simm.s32 $0x0  }
0x177: {  	s26 =	simm.s32 $0x80;
	v0 =	vmul.f32 $5.000000070e-02, v0;
	[tilespmem:s28+$0xA00] =	vst v1  }
.LBB2_4:
0x178: {  	p0 =	sne.s32 s26, $0x3F80  }
0x179: {  	[tilespmem:s28+$0xA10] =	vst v0;
	s25 =	sadd.s32 $0x280, s25;
	s28 =	smov.u32 s26;
	s26 =	sadd.s32 $0x80, s26  }
0x17a: {  	v0 =	vld [tilespmem:s25+$0xFFFFFEF0]  }
0x17b: {  	v1 =	vld [tilespmem:s25+$0xFFFFFEC0]  }
0x17c: {  	v2 =	vld [tilespmem:s25+$0xFFFFFEE0]  }
0x17d: {  	v3 =	vld [tilespmem:s25+$0xFFFFFED0]  }
0x17e: {  	v4 =	vld [tilespmem:s25+$0xFFFFFF00]  }
0x17f: {  	v5 =	vld [tilespmem:s25+$0xFFFFFF10]  }
0x180: {  	v6 =	vld [tilespmem:s25+$0xFFFFFF20]  }
0x181: {  	v1 =	vadd.f32 v2, v1;
	v2 =	vld [tilespmem:s25+$0xFFFFFF30]  }
0x182: {  	v0 =	vadd.f32 v0, v3;
	v3 =	vld [tilespmem:s25+$0xFFFFFF40]  }
0x183: {  	v1 =	vadd.f32 v4, v1;
	v4 =	vld [tilespmem:s25+$0xFFFFFF50]  }
0x184: {  	v0 =	vadd.f32 v5, v0;
	v5 =	vld [tilespmem:s25+$0xFFFFFF60]  }
0x185: {  	v1 =	vadd.f32 v6, v1;
	v6 =	vld [tilespmem:s25+$0xFFFFFF70]  }
0x186: {  	v0 =	vadd.f32 v2, v0;
	v2 =	vld [tilespmem:s25+$0xFFFFFF80]  }
0x187: {  	v1 =	vadd.f32 v3, v1;
	v3 =	vld [tilespmem:s25+$0xFFFFFF90]  }
0x188: {  	v0 =	vadd.f32 v4, v0;
	v4 =	vld [tilespmem:s25+$0xFFFFFFA0]  }
0x189: {  	v1 =	vadd.f32 v5, v1;
	v5 =	vld [tilespmem:s25+$0xFFFFFFB0]  }
0x18a: {  	v0 =	vadd.f32 v6, v0;
	v6 =	vld [tilespmem:s25+$0xFFFFFFC0]  }
0x18b: {  	v1 =	vadd.f32 v2, v1;
	v2 =	vld [tilespmem:s25+$0xFFFFFFD0]  }
0x18c: {  	v0 =	vadd.f32 v3, v0;
	v3 =	vld [tilespmem:s25+$0xFFFFFFE0]  }
0x18d: {  	v1 =	vadd.f32 v4, v1;
	v4 =	vld [tilespmem:s25+$0xFFFFFFF0]  }
0x18e: {  	v0 =	vadd.f32 v5, v0;
	v5 =	vld [tilespmem:s25+$0x0]  }
0x18f: {  	v1 =	vadd.f32 v6, v1;
	v6 =	vld [tilespmem:s25+$0x10]  }
0x190: {  	v0 =	vadd.f32 v2, v0;
	v2 =	vld [tilespmem:s25+$0x20]  }
0x191: {  	v1 =	vadd.f32 v3, v1;
	v3 =	vld [tilespmem:s25+$0x30]  }
0x192: {  	v0 =	vadd.f32 v4, v0;
	v4 =	vld [tilespmem:s25+$0x40]  }
0x193: {  	v1 =	vadd.f32 v5, v1;
	v5 =	vld [tilespmem:s25+$0x50]  }
0x194: {  	v0 =	vadd.f32 v6, v0;
	v6 =	vld [tilespmem:s25+$0x60]  }
0x195: {  	v1 =	vadd.f32 v2, v1;
	v2 =	vld [tilespmem:s25+$0x70]  }
0x196: {  	v0 =	vadd.f32 v3, v0;
	v3 =	vld [tilespmem:s25+$0x80]  }
0x197: {  	v1 =	vadd.f32 v4, v1;
	v4 =	vld [tilespmem:s25+$0x90]  }
0x198: {  	v0 =	vadd.f32 v5, v0;
	v5 =	vld [tilespmem:s25+$0xA0]  }
0x199: {  	v1 =	vadd.f32 v6, v1;
	v6 =	vld [tilespmem:s25+$0xB0]  }
0x19a: {  	v0 =	vadd.f32 v2, v0;
	v2 =	vld [tilespmem:s25+$0xC0]  }
0x19b: {  	v1 =	vadd.f32 v3, v1;
	v3 =	vld [tilespmem:s25+$0xD0]  }
0x19c: {  	v0 =	vadd.f32 v4, v0;
	v4 =	vld [tilespmem:s25+$0xE0]  }
0x19d: {  	v1 =	vadd.f32 v5, v1;
	v5 =	vld [tilespmem:s25+$0xF0]  }
0x19e: {  	v0 =	vadd.f32 v6, v0;
	v6 =	vld [tilespmem:s25+$0x100]  }
0x19f: {  	v1 =	vadd.f32 v2, v1;
	v2 =	vld [tilespmem:s25+$0x110]  }
0x1a0: {  	v0 =	vadd.f32 v3, v0;
	v3 =	vld [tilespmem:s25+$0x120]  }
0x1a1: {  	v1 =	vadd.f32 v4, v1;
	v4 =	vld [tilespmem:s25+$0x130]  }
0x1a2: {  	v0 =	vadd.f32 v5, v0  }
0x1a3: {  	v1 =	vadd.f32 v6, v1  }
0x1a4: {  	v0 =	vadd.f32 v2, v0  }
.Ltmp1:
0x1a5: {  	v1 =	vadd.f32 v3, v1;
	(pc) =	sbr.rel @p0 .LBB2_4-.Ltmp1, $4  }
0x1a6: {  	v0 =	vadd.f32 v4, v0  }
0x1a7: {  	v1 =	vmul.f32 $5.000000070e-02, v1  }
0x1a8: {  	s28 =	sshra.s32 s28, $0x2;
	v0 =	vmul.f32 $5.000000070e-02, v0  }
0x1a9: {  	[tilespmem:s28+$0xA00] =	vst v1  }
0x1aa: {  	[tilespmem:s28+$0xA10] =	vst v0;
	s25 =	rddreg [dreg:$0x8]  }
0x1ab: {  	[hbm4b:s25+s2] =	stream.linear.scatter [tilespmem:s11], [sflag:$0x2], $0x1000, $0x38;
	[tilespmem:$0x14A00] =	vst v63  }
0x1ac: {  	_ =	swait.ge [sflag:s9], $0x1000  }
0x1ad: {  	s24 =	sadd.s32 $0x1, s24;
	s28 =	rddreg [dreg:$0x9]  }
0x1ae: {  	p0 =	sne.s32 s24, s28  }
.Ltmp2:
0x1af: {  	_ = 	snop;
	(pc) =	sbr.rel @p0 .LBB2_1-.Ltmp2, $3  }
0x1b0: {  	_ =	sdelay $0x1  }
0x1b1: {  	[sflag:s9] =	ssyncset.done $0x0  }
0x1b2: {  	[sflag:s9] =	ssyncadd.s32 $0xFFFFF000  }
0x1b3: {  	_ =	sfence.sel $0x180000  }
0x1b4: {  	[bflag:$0x0] =	sbarrier.arrive $0xFFFF  }
0x1b5: {  	_ =	strace $0x90000047  }
0x1b6: {  	s0 =	stileid.u32;
	[bflag:$0x2] =	sbarrier.arrive $0xFFFF  }
0x1b7: {  	p0 =	sne.s32 s0, $0x0;
	s0 =	rddreg [dreg:$0x4]  }
0x1b8: {  	s0 =	sadd.s32 @!p0 $0x100000, s0  }
0x1b9: {  	[sflag:s0] =	ssyncadd.tile.s32 @!p0 $0x1;
	_ =	shalt  }
.Lfunc_end2:
_tile_overlayer_lowered:
.L_overlay_start_2:
0x1ba: {  	(tag) =	ssettag $0x2  }
0x1bb: {  	s0 =	rddreg [dreg:$0x0];
	s2 =	stileid.u32  }
0x1bc: {  	s1 =	rddreg [dreg:$0x1];
	p0 =	sne.s32 s2, $0x0  }
0x1bd: {  	s3 =	rddreg [dreg:$0x2];
	[bflag:$0x3] =	sbarrier.arrive $0xFFFF;
	s2 =	simm.s32 @!p0 $0x1C02  }
0x1be: {  	[timem:s3], [sflag:s2] =	dma.local @!p0 [hbm:s0], s1  }
0x1bf: {  	s0 =	simm.s32 @!p0 $0x2  }
0x1c0: {  	_ =	swait.ge @!p0 [sflag:s0], s1  }
0x1c1: {  	s1 =	ssub.s32 @!p0 $0x0, s1;
	[sflag:s0] =	ssyncset.done @!p0 $0x0  }
0x1c2: {  	[sflag:s0] =	ssyncadd.s32 @!p0 s1  }
0x1c3: {  	[bflag:$0x3] =	sbarrier.arrive $0xFFFF  }
0x1c4: {  	_ =	shalt  }

</sc_bundles>
